<compile_context>
chip_gen: v7x
topology: tpu7x:2x2x1
jax: 0.10.2.dev20260603
libtpu: 0.0.44.dev20260713+nightly
codegen_flags: <defaults>
</compile_context>

<pallas_src>
import functools

import jax
import jax.numpy as jnp
from jax import lax
from jax.experimental import pallas as pl
from jax.experimental.pallas import tpu as pltpu
from jax.experimental.pallas import tpu_sc as plsc

N = 50000
N_PAD = 50048
E = 1600000
F_IN = 128
H = 16
C = 16
EPS = 1e-12

NW = 32
SUB = 128
SUBS_PER_SUPER = 40
SUPERS = 10
EDGES_PER_W = SUB * SUBS_PER_SUPER * SUPERS
E_PAD = EDGES_PER_W * NW
ROWS_PER_TILE = N_PAD // 16
ZCHUNKS = N_PAD // SUB



GRID = 8
BR = N_PAD // GRID


def _prep1_body(x_ref, w1_ref, b1_ref, combo_ref, g_ref):
    h = jnp.dot(x_ref[...], w1_ref[...], preferred_element_type=jnp.float32)
    h = jnp.maximum(h + b1_ref[...], 0.0)
    rows = pl.program_id(0) * BR + lax.broadcasted_iota(jnp.int32, (BR, 1), 0)
    h = jnp.where(rows < N, h, 0.0)
    nrm = jnp.sqrt(jnp.sum(h * h, axis=1, keepdims=True))
    hn = h / jnp.maximum(nrm, EPS)
    combo_ref[...] = jnp.concatenate([hn, h], axis=1)
    g_ref[...] = hn


def _mid_body(p_ref, beta_ref, combo_ref, g_ref):
    p = p_ref[0] + p_ref[1]
    den = jnp.maximum(p[:, 16:17], EPS)
    h = p[:, 0:16] / den
    rows = pl.program_id(0) * BR + lax.broadcasted_iota(jnp.int32, (BR, 1), 0)
    h = jnp.where(rows < N, h, 0.0)
    nrm = jnp.sqrt(jnp.sum(h * h, axis=1, keepdims=True))
    hn = h / jnp.maximum(nrm, EPS)
    sb = jnp.sqrt(beta_ref[0, 0])
    hnb = hn * sb
    combo_ref[...] = jnp.concatenate([hnb, h], axis=1)
    g_ref[...] = hnb


OBR = 5000


def _out_body(p_ref, w2_ref, b2_ref, out_ref):
    p = p_ref[0] + p_ref[1]
    den = jnp.maximum(p[:, 16:17], EPS)
    h = p[:, 0:16] / den
    logits = jnp.dot(h, w2_ref[...], preferred_element_type=jnp.float32)
    logits = logits + b2_ref[...]
    m = jnp.max(logits, axis=1, keepdims=True)
    lse = jnp.log(jnp.sum(jnp.exp(logits - m), axis=1, keepdims=True)) + m
    out_ref[...] = logits - lse


EBLK = 65536
EROWS = E // SUB
EROWS_PAD = E_PAD // SUB


def _edges_body(e_ref, s_ref, d_ref):
    ev = e_ref[...]
    s = ev[0].reshape(EBLK // SUB, SUB)
    d = ev[1].reshape(EBLK // SUB, SUB)
    rows = pl.program_id(0) * (EBLK // SUB) + lax.broadcasted_iota(
        jnp.int32, (EBLK // SUB, SUB), 0)
    lanes = lax.broadcasted_iota(jnp.int32, (EBLK // SUB, SUB), 1)
    pad = N + (rows * SUB + lanes) % (N_PAD - N)
    real = rows < EROWS
    s_ref[...] = jnp.where(real, s, pad)
    d_ref[...] = jnp.where(real, d, pad)


def _edges(edge_index):
    nblk = EROWS_PAD * SUB // EBLK
    return pl.pallas_call(
        _edges_body,
        grid=(nblk,),
        in_specs=[pl.BlockSpec((2, EBLK), lambda i: (0, i))],
        out_specs=[pl.BlockSpec((EBLK // SUB, SUB), lambda i: (i, 0)),
                   pl.BlockSpec((EBLK // SUB, SUB), lambda i: (i, 0))],
        out_shape=[jax.ShapeDtypeStruct((EROWS_PAD, SUB), jnp.int32),
                   jax.ShapeDtypeStruct((EROWS_PAD, SUB), jnp.int32)],
    )(edge_index)


def _full(shape):
    return pl.BlockSpec(shape, lambda i: tuple(0 for _ in shape))


def _prep1(xp, W1, b1):
    return pl.pallas_call(
        _prep1_body,
        grid=(GRID,),
        in_specs=[
            pl.BlockSpec((BR, F_IN), lambda i: (i, 0)),
            _full((F_IN, H)),
            _full((1, H)),
        ],
        out_specs=[pl.BlockSpec((BR, 32), lambda i: (i, 0)),
                   pl.BlockSpec((BR, H), lambda i: (i, 0))],
        out_shape=[jax.ShapeDtypeStruct((N_PAD, 32), jnp.float32),
                   jax.ShapeDtypeStruct((N_PAD, H), jnp.float32)],
    )(xp, W1, b1)


def _mid(partials, beta2):
    return pl.pallas_call(
        _mid_body,
        grid=(GRID,),
        in_specs=[
            pl.BlockSpec((2, BR, 32), lambda i: (0, i, 0)),
            _full((1, 1)),
        ],
        out_specs=[pl.BlockSpec((BR, 32), lambda i: (i, 0)),
                   pl.BlockSpec((BR, H), lambda i: (i, 0))],
        out_shape=[jax.ShapeDtypeStruct((N_PAD, 32), jnp.float32),
                   jax.ShapeDtypeStruct((N_PAD, H), jnp.float32)],
    )(partials, beta2)


def _out(partials, W2, b2):
    return pl.pallas_call(
        _out_body,
        grid=(N // OBR,),
        in_specs=[
            pl.BlockSpec((2, OBR, 32), lambda i: (0, i, 0)),
            _full((H, C)),
            _full((1, C)),
        ],
        out_specs=pl.BlockSpec((OBR, C), lambda i: (i, 0)),
        out_shape=jax.ShapeDtypeStruct((N, C), jnp.float32),
    )(partials, W2, b2)



_MESH = plsc.VectorSubcoreMesh(core_axis_name="c", subcore_axis_name="s")

SUBS_TOTAL = EDGES_PER_W // SUB
RPS = 10
SUPERS2 = SUBS_TOTAL // RPS


@functools.partial(
    pl.kernel,
    out_type=jax.ShapeDtypeStruct((2, N_PAD, 32), jnp.float32),
    mesh=_MESH,
    scratch_types=[
        pltpu.VMEM((2, RPS, SUB), jnp.int32),
        pltpu.VMEM((2, RPS, SUB), jnp.int32),
        pltpu.VMEM((2, SUB, 32), jnp.float32),
        pltpu.VMEM((2, SUB, H), jnp.float32),
        pltpu.VMEM((2, SUB, 32), jnp.float32),
        pltpu.VMEM_SHARED((N_PAD, 32), jnp.float32),
        pltpu.SemaphoreType.DMA,
        pltpu.SemaphoreType.DMA,
        pltpu.SemaphoreType.DMA,
        pltpu.SemaphoreType.DMA,
        pltpu.SemaphoreType.DMA,
        pltpu.SemaphoreType.DMA,
    ],
    compiler_params=pltpu.CompilerParams(
        needs_layout_passes=False, use_tc_tiling_on_sc=False),
)
def _agnn_pass(combo_hbm, g_hbm, src_hbm, dst_hbm, out_hbm,
               src_v, dst_v, rows_s, rows_d, upd_v, acc_sh,
               isem0, isem1, gsem0, gsem1, ssem0, ssem1):
    c = lax.axis_index("c")
    s = lax.axis_index("s")
    wid = s * 2 + c
    isems = [isem0, isem1]
    gsems = [gsem0, gsem1]
    ssems = [ssem0, ssem1]

    z16 = jnp.zeros((16,), jnp.float32)

    @pl.loop(0, SUB)
    def _zfill(i):
        upd_v[0, i, 0:16] = z16
        upd_v[0, i, 16:32] = z16

    nz = jnp.where(s < (ZCHUNKS % 16), ZCHUNKS // 16 + 1, ZCHUNKS // 16)

    @pl.loop(0, nz)
    def _zero(i):
        k = s + i * 16
        pltpu.sync_copy(upd_v.at[0], acc_sh.at[pl.ds(k * SUB, SUB)])

    rbase = wid * SUBS_TOTAL
    pltpu.async_copy(src_hbm.at[pl.ds(rbase, RPS)], src_v.at[0], isem0)
    pltpu.async_copy(dst_hbm.at[pl.ds(rbase, RPS)], dst_v.at[0], isem0)
    plsc.subcore_barrier()

    def _super_body(sp, q):
        sq = src_v.at[q]
        dq = dst_v.at[q]
        pltpu.make_async_copy(
            src_hbm.at[pl.ds(rbase, RPS)], sq, isems[q]).wait()
        pltpu.make_async_copy(
            dst_hbm.at[pl.ds(rbase, RPS)], dq, isems[q]).wait()

        pltpu.async_copy(combo_hbm.at[sq.at[0]], rows_s.at[0], gsem0)
        pltpu.async_copy(g_hbm.at[dq.at[0]], rows_d.at[0], gsem0)

        @pl.loop(0, RPS, step=2)
        def _pipe(r0):
            for par in range(2):
                r = r0 + par
                cur, nxt = par, 1 - par
                rs = rows_s.at[cur]
                rd = rows_d.at[cur]
                up = upd_v.at[cur]

                def _prefetch():
                    pltpu.async_copy(
                        combo_hbm.at[sq.at[r + 1]], rows_s.at[nxt], gsems[nxt])
                    pltpu.async_copy(
                        g_hbm.at[dq.at[r + 1]], rows_d.at[nxt], gsems[nxt])

                if par == 0:
                    _prefetch()

                    @pl.when(jnp.logical_and(r0 == 2, sp < SUPERS2 - 1))
                    def _nexti():
                        roff = rbase + (sp + 1) * RPS
                        pltpu.async_copy(
                            src_hbm.at[pl.ds(roff, RPS)], src_v.at[1 - q],
                            isems[1 - q])
                        pltpu.async_copy(
                            dst_hbm.at[pl.ds(roff, RPS)], dst_v.at[1 - q],
                            isems[1 - q])
                else:
                    pl.when(r0 < RPS - 2)(_prefetch)

                pltpu.make_async_copy(
                    combo_hbm.at[sq.at[r]], rs, gsems[cur]).wait()
                pltpu.make_async_copy(
                    g_hbm.at[dq.at[r]], rd, gsems[cur]).wait()

                j = sp * RPS + r

                @pl.when(j >= 2)
                def _drain():
                    pltpu.make_async_copy(
                        up, acc_sh.at[dq.at[0]], ssems[cur]).wait()

                @plsc.parallel_loop(0, SUB, unroll=16)
                def _edge(e):
                    cs = rs[e, 0:16]
                    cd = rd[e, 0:16]
                    hs = rs[e, 16:32]
                    t = jnp.sum(cs * cd)
                    w = jnp.exp(jnp.broadcast_to(t, (16,)))
                    up[e, 0:16] = w * hs
                    up[e, 16:32] = w

                pltpu.async_copy(up, acc_sh.at[dq.at[r]], ssems[cur], add=True)

    @pl.loop(0, SUPERS2, step=2)
    def _super(sp0):
        _super_body(sp0, 0)
        _super_body(sp0 + 1, 1)

    pltpu.make_async_copy(upd_v.at[0], acc_sh.at[dst_v.at[0, 0]], ssem0).wait()
    pltpu.make_async_copy(upd_v.at[1], acc_sh.at[dst_v.at[0, 0]], ssem1).wait()

    plsc.subcore_barrier()
    pltpu.sync_copy(
        acc_sh.at[pl.ds(s * ROWS_PER_TILE, ROWS_PER_TILE)],
        out_hbm.at[c, pl.ds(s * ROWS_PER_TILE, ROWS_PER_TILE)],
    )



@jax.jit
def _run(x, edge_index, W1, b1, beta2, W2, b2):
    srcp, dstp = _edges(edge_index.astype(jnp.int32))

    xp = jnp.pad(x, ((0, N_PAD - N), (0, 0)))
    combo1, g1 = _prep1(xp, W1, b1.reshape(1, H))
    p1 = _agnn_pass(combo1, g1, srcp, dstp)
    combo2, g2 = _mid(p1, beta2.reshape(1, 1))
    p2 = _agnn_pass(combo2, g2, srcp, dstp)
    return _out(p2, W2, b2.reshape(1, C))


def kernel(x, edge_index, W1, b1, beta2, W2, b2):
    return _run(x, edge_index, W1, b1, beta2, W2, b2)

# --- scband reference (transcript-rebuilt; emitter-appended) ---
"""Pipeline reference for scband-net-29721173688337 (READ-ONLY COPY).

The authoritative reference and input builder live on the scoring server;
editing this copy changes nothing except your own understanding.
"""

import jax, jax.numpy as jnp
import numpy as np

N = 50000
E = 1600000
F_IN = 128
H = 16
C = 16
EPS = 1e-12


def _agnn(x, src, dst, beta):
    # F.normalize(x, p=2, dim=-1)
    norm = jnp.sqrt(jnp.sum(x * x, axis=1, keepdims=True))
    xn = x / jnp.maximum(norm, EPS)
    cos = jnp.sum(xn[src] * xn[dst], axis=1)
    score = beta * cos
    # softmax over incoming edges of each dst node
    m = jax.ops.segment_max(score, dst, num_segments=N)
    m = jnp.where(jnp.isfinite(m), m, 0.0)
    e = jnp.exp(score - m[dst])
    denom = jax.ops.segment_sum(e, dst, num_segments=N)
    alpha = e / jnp.maximum(denom[dst], EPS)
    return jax.ops.segment_sum(alpha[:, None] * x[src], dst, num_segments=N)


def setup_inputs(seed: int = 0):
    key = jax.random.key(seed)
    ks = jax.random.split(key, 8)
    x = jax.random.normal(ks[0], (N, F_IN), dtype=jnp.float32)
    edge_index = jax.random.randint(ks[1], (2, E), 0, N).astype(jnp.int64)
    W1 = jax.random.normal(ks[2], (F_IN, H), dtype=jnp.float32) * 0.05
    b1 = jnp.zeros((H,), dtype=jnp.float32)
    beta2 = jnp.ones((), dtype=jnp.float32)  # AGNNConv learnable beta, init 1.0
    W2 = jax.random.normal(ks[3], (H, C), dtype=jnp.float32) * 0.05
    b2 = jnp.zeros((C,), dtype=jnp.float32)
    return {"x": x, "edge_index": edge_index, "W1": W1, "b1": b1,
            "beta2": beta2, "W2": W2, "b2": b2}


def reference(x, edge_index, W1, b1, beta2, W2, b2):
    # eval mode: dropout is identity
    src = edge_index[0]
    dst = edge_index[1]
    h = jax.nn.relu(x @ W1 + b1)
    h = _agnn(h, src, dst, jnp.float32(1.0))  # prop1: beta fixed (requires_grad=False)
    h = _agnn(h, src, dst, beta2)             # prop2: beta learnable
    logits = h @ W2 + b2
    return jax.nn.log_softmax(logits, axis=1)

if __name__ == "__main__":
    import jax
    _d = setup_inputs()
    print(jax.jit(kernel)(*tuple(_d.values())))

</pallas_src>

<mosaic_0001>
#map = affine_map<(d0, d1) -> (0, 0)>
#map1 = affine_map<(d0, d1) -> (0, 0, 0)>
module attributes {stable_mosaic.version = 14 : i64} {
  func.func @_agnn_pass(%arg0: i32, %arg1: i32, %arg2: memref<50048x32xf32, #tpu.memory_space<hbm>>, %arg3: memref<50048x16xf32, #tpu.memory_space<hbm>>, %arg4: memref<12800x128xi32, #tpu.memory_space<hbm>>, %arg5: memref<12800x128xi32, #tpu.memory_space<hbm>>, %arg6: memref<2x50048x32xf32, #tpu.memory_space<hbm>>, %arg7: memref<2x10x128xi32, #tpu.memory_space<vmem>>, %arg8: memref<2x10x128xi32, #tpu.memory_space<vmem>>, %arg9: memref<2x128x32xf32, #tpu.memory_space<vmem>>, %arg10: memref<2x128x16xf32, #tpu.memory_space<vmem>>, %arg11: memref<2x128x32xf32, #tpu.memory_space<vmem>>, %arg12: memref<50048x32xf32, #tpu.memory_space<vmem_shared>>, %arg13: memref<!tpu.dma_semaphore, #tpu.memory_space<semaphore_mem>>, %arg14: memref<!tpu.dma_semaphore, #tpu.memory_space<semaphore_mem>>, %arg15: memref<!tpu.dma_semaphore, #tpu.memory_space<semaphore_mem>>, %arg16: memref<!tpu.dma_semaphore, #tpu.memory_space<semaphore_mem>>, %arg17: memref<!tpu.dma_semaphore, #tpu.memory_space<semaphore_mem>>, %arg18: memref<!tpu.dma_semaphore, #tpu.memory_space<semaphore_mem>>) attributes {dimension_semantics = [#tpu.dimension_semantics<core_parallel>, #tpu.dimension_semantics<subcore_parallel>], iteration_bounds = array<i64: 2, 16>, scalar_prefetch = 0 : i64, scratch_operands = 12 : i64, tpu.core_type = #tpu.core_type<sc_vector_subcore>, window_params = [{transform_indices = #map}, {transform_indices = #map}, {transform_indices = #map}, {transform_indices = #map}, {transform_indices = #map1}]} {
    %mul3A = arith.constant 2 : i32
    %mul3A_0 = arith.muli %arg1, %mul3A : i32
    %add3A = arith.addi %mul3A_0, %arg0 : i32
    %broadcast_in_dim3A = arith.constant 0.000000e+00 : f32
    %broadcast_in_dim3A_1 = vector.broadcast %broadcast_in_dim3A : f32 to vector<16xf32>
    %scan3A = arith.constant 0 : i32
    %scan3A_2 = arith.constant 128 : i32
    %scan3A_3 = arith.addi %scan3A, %scan3A_2 : i32
    %scan3A_4 = arith.constant 1 : i32
    scf.for %scan3A_86 = %scan3A to %scan3A_3 step %scan3A_4  : i32 {
      %mul3A_87 = arith.constant 1 : i32
      %mul3A_88 = arith.muli %scan3A_86, %mul3A_87 : i32
      %add3A_89 = arith.constant 0 : i32
      %add3A_90 = arith.addi %add3A_89, %mul3A_88 : i32
      %swap3A = arith.constant 0 : i32
      %swap3A_91 = arith.index_cast %swap3A : i32 to index
      %swap3A_92 = arith.index_cast %add3A_90 : i32 to index
      %swap3A_93 = arith.constant 0 : index
      %swap3A_94 = tpu.vector_load %arg11[%swap3A_91, %swap3A_92, %swap3A_93] {strides = array<i32>} : memref<2x128x32xf32, #tpu.memory_space<vmem>>, vector<16xf32>,
      tpu.vector_store %arg11[%swap3A_91, %swap3A_92, %swap3A_93], %broadcast_in_dim3A_1 {strides = array<i32>} : memref<2x128x32xf32, #tpu.memory_space<vmem>>, vector<16xf32>,
      %swap3A_95 = arith.constant 0 : i32
      %swap3A_96 = arith.index_cast %swap3A_95 : i32 to index
      %swap3A_97 = arith.index_cast %add3A_90 : i32 to index
      %swap3A_98 = arith.constant 16 : index
      %swap3A_99 = tpu.vector_load %arg11[%swap3A_96, %swap3A_97, %swap3A_98] {strides = array<i32>} : memref<2x128x32xf32, #tpu.memory_space<vmem>>, vector<16xf32>,
      tpu.vector_store %arg11[%swap3A_96, %swap3A_97, %swap3A_98], %broadcast_in_dim3A_1 {strides = array<i32>} : memref<2x128x32xf32, #tpu.memory_space<vmem>>, vector<16xf32>,
    }
    %scan3A_5 = arith.constant 128 : i32
    %lt3A = arith.constant 7 : i32
    %lt3A_6 = arith.cmpi slt, %arg1, %lt3A : i32
    %jit3A = arith.constant 25 : i32
    %jit3A_7 = arith.constant 24 : i32
    %select_n3A = arith.select %lt3A_6, %jit3A, %jit3A_7 : i32
    %sub3A = arith.constant 0 : i32
    %sub3A_8 = arith.subi %select_n3A, %sub3A : i32
    %sub3A_9 = arith.constant 1 : i32
    %sub3A_10 = arith.constant 1 : i32
    %sub3A_11 = arith.subi %sub3A_9, %sub3A_10 : i32
    %add3A_12 = arith.addi %sub3A_8, %sub3A_11 : i32
    %div3A = arith.constant 1 : i32
    %div3A_13 = arith.divsi %add3A_12, %div3A : i32
    %while3A = arith.constant 1 : i32
    %while3A_14 = arith.constant 0 : i32
    %while3A_15 = arith.constant 0 : i32
    %while3A_16 = arith.subi %div3A_13, %while3A_15 : i32
    %while3A_17 = arith.addi %while3A_15, %while3A_16 : i32
    %while3A_18 = arith.constant 1 : i32
    %while3A_19 = arith.divsi %while3A_16, %while3A_18 : i32
    %while3A_20 = arith.muli %while3A_19, %while3A_18 : i32
    %while3A_21 = arith.addi %while3A_15, %while3A_20 : i32
    %while3A_22 = arith.constant 1 : i32
    scf.for %while3A_86 = %while3A_15 to %while3A_21 step %while3A_22  : i32 {
      %mul3A_87 = arith.muli %while3A_86, %while3A : i32
      %add3A_88 = arith.addi %while3A_14, %mul3A_87 : i32
      %mul3A_89 = arith.constant 16 : i32
      %mul3A_90 = arith.muli %add3A_88, %mul3A_89 : i32
      %add3A_91 = arith.addi %arg1, %mul3A_90 : i32
      %mul3A_92 = arith.constant 128 : i32
      %mul3A_93 = arith.muli %add3A_91, %mul3A_92 : i32
      %run_scoped3A = arith.constant 0 : i32
      "tpu.region"() ({
        %run_scoped3A_94 = tpu.sem_alloc : memref<!tpu.dma_semaphore, #tpu.memory_space<semaphore_mem>>
        %dma_start3A_95 = arith.constant 0 : i32
        %dma_start3A_96 = arith.constant 0 : i32
        %dma_start3A_97 = tpu.memref_slice %arg11[%run_scoped3A, %dma_start3A_95, %dma_start3A_96] : memref<2x128x32xf32, #tpu.memory_space<vmem>> -> memref<1x128x32xf32, #tpu.memory_space<vmem>>
        %dma_start3A_98 = tpu.memref_squeeze %dma_start3A_97 : memref<1x128x32xf32, #tpu.memory_space<vmem>> -> memref<128x32xf32, #tpu.memory_space<vmem>>
        %dma_start3A_99 = arith.constant 0 : i32
        %dma_start3A_100 = tpu.memref_slice %arg12[%mul3A_93, %dma_start3A_99] : memref<50048x32xf32, #tpu.memory_space<vmem_shared>> -> memref<128x32xf32, #tpu.memory_space<vmem_shared>>
        %dma_start3A_101 = arith.constant 0 : i32
        %dma_start3A_102 = tpu.memref_slice %arg12[%mul3A_93, %dma_start3A_101] : memref<50048x32xf32, #tpu.memory_space<vmem_shared>> -> memref<128x32xf32, #tpu.memory_space<vmem_shared>>
        %dma_start3A_103 = arith.constant 0 : i32
        %dma_start3A_104 = arith.constant 0 : i32
        %dma_start3A_105 = tpu.memref_slice %arg11[%run_scoped3A, %dma_start3A_103, %dma_start3A_104] : memref<2x128x32xf32, #tpu.memory_space<vmem>> -> memref<1x128x32xf32, #tpu.memory_space<vmem>>
        %dma_start3A_106 = tpu.memref_squeeze %dma_start3A_105 : memref<1x128x32xf32, #tpu.memory_space<vmem>> -> memref<128x32xf32, #tpu.memory_space<vmem>>
        tpu.enqueue_dma source(%dma_start3A_106 : memref<128x32xf32, #tpu.memory_space<vmem>>) target(%dma_start3A_102 : memref<128x32xf32, #tpu.memory_space<vmem_shared>>) target_semaphore(%run_scoped3A_94 : memref<!tpu.dma_semaphore, #tpu.memory_space<semaphore_mem>>)
        %dma_wait3A_107 = arith.constant 0 : i32
        %dma_wait3A_108 = arith.constant 0 : i32
        %dma_wait3A_109 = tpu.memref_slice %arg11[%run_scoped3A, %dma_wait3A_107, %dma_wait3A_108] : memref<2x128x32xf32, #tpu.memory_space<vmem>> -> memref<1x128x32xf32, #tpu.memory_space<vmem>>
        %dma_wait3A_110 = tpu.memref_squeeze %dma_wait3A_109 : memref<1x128x32xf32, #tpu.memory_space<vmem>> -> memref<128x32xf32, #tpu.memory_space<vmem>>
        %dma_wait3A_111 = arith.constant 0 : i32
        %dma_wait3A_112 = tpu.memref_slice %arg12[%mul3A_93, %dma_wait3A_111] : memref<50048x32xf32, #tpu.memory_space<vmem_shared>> -> memref<128x32xf32, #tpu.memory_space<vmem_shared>>
        %dma_wait3A_113 = arith.constant 0 : i32
        %dma_wait3A_114 = tpu.memref_slice %arg12[%mul3A_93, %dma_wait3A_113] : memref<50048x32xf32, #tpu.memory_space<vmem_shared>> -> memref<128x32xf32, #tpu.memory_space<vmem_shared>>
        %dma_wait3A_115 = arith.constant 0 : i32
        %dma_wait3A_116 = arith.constant 0 : i32
        %dma_wait3A_117 = tpu.memref_slice %arg11[%run_scoped3A, %dma_wait3A_115, %dma_wait3A_116] : memref<2x128x32xf32, #tpu.memory_space<vmem>> -> memref<1x128x32xf32, #tpu.memory_space<vmem>>
        %dma_wait3A_118 = tpu.memref_squeeze %dma_wait3A_117 : memref<1x128x32xf32, #tpu.memory_space<vmem>> -> memref<128x32xf32, #tpu.memory_space<vmem>>
        tpu.wait_dma2 semaphore(%run_scoped3A_94 : memref<!tpu.dma_semaphore, #tpu.memory_space<semaphore_mem>>) src(%dma_wait3A_118 : memref<128x32xf32, #tpu.memory_space<vmem>>) dst(%dma_wait3A_114 : memref<128x32xf32, #tpu.memory_space<vmem_shared>>)
        tpu.yield
      }) : () -> ()
    }
    %while3A_23 = arith.constant 1 : i32
    scf.for %while3A_86 = %while3A_21 to %while3A_17 step %while3A_23  : i32 {
      %mul3A_87 = arith.muli %while3A_86, %while3A : i32
      %add3A_88 = arith.addi %while3A_14, %mul3A_87 : i32
      %mul3A_89 = arith.constant 16 : i32
      %mul3A_90 = arith.muli %add3A_88, %mul3A_89 : i32
      %add3A_91 = arith.addi %arg1, %mul3A_90 : i32
      %mul3A_92 = arith.constant 128 : i32
      %mul3A_93 = arith.muli %add3A_91, %mul3A_92 : i32
      %run_scoped3A = arith.constant 0 : i32
      "tpu.region"() ({
        %run_scoped3A_94 = tpu.sem_alloc : memref<!tpu.dma_semaphore, #tpu.memory_space<semaphore_mem>>
        %dma_start3A_95 = arith.constant 0 : i32
        %dma_start3A_96 = arith.constant 0 : i32
        %dma_start3A_97 = tpu.memref_slice %arg11[%run_scoped3A, %dma_start3A_95, %dma_start3A_96] : memref<2x128x32xf32, #tpu.memory_space<vmem>> -> memref<1x128x32xf32, #tpu.memory_space<vmem>>
        %dma_start3A_98 = tpu.memref_squeeze %dma_start3A_97 : memref<1x128x32xf32, #tpu.memory_space<vmem>> -> memref<128x32xf32, #tpu.memory_space<vmem>>
        %dma_start3A_99 = arith.constant 0 : i32
        %dma_start3A_100 = tpu.memref_slice %arg12[%mul3A_93, %dma_start3A_99] : memref<50048x32xf32, #tpu.memory_space<vmem_shared>> -> memref<128x32xf32, #tpu.memory_space<vmem_shared>>
        %dma_start3A_101 = arith.constant 0 : i32
        %dma_start3A_102 = tpu.memref_slice %arg12[%mul3A_93, %dma_start3A_101] : memref<50048x32xf32, #tpu.memory_space<vmem_shared>> -> memref<128x32xf32, #tpu.memory_space<vmem_shared>>
        %dma_start3A_103 = arith.constant 0 : i32
        %dma_start3A_104 = arith.constant 0 : i32
        %dma_start3A_105 = tpu.memref_slice %arg11[%run_scoped3A, %dma_start3A_103, %dma_start3A_104] : memref<2x128x32xf32, #tpu.memory_space<vmem>> -> memref<1x128x32xf32, #tpu.memory_space<vmem>>
        %dma_start3A_106 = tpu.memref_squeeze %dma_start3A_105 : memref<1x128x32xf32, #tpu.memory_space<vmem>> -> memref<128x32xf32, #tpu.memory_space<vmem>>
        tpu.enqueue_dma source(%dma_start3A_106 : memref<128x32xf32, #tpu.memory_space<vmem>>) target(%dma_start3A_102 : memref<128x32xf32, #tpu.memory_space<vmem_shared>>) target_semaphore(%run_scoped3A_94 : memref<!tpu.dma_semaphore, #tpu.memory_space<semaphore_mem>>)
        %dma_wait3A_107 = arith.constant 0 : i32
        %dma_wait3A_108 = arith.constant 0 : i32
        %dma_wait3A_109 = tpu.memref_slice %arg11[%run_scoped3A, %dma_wait3A_107, %dma_wait3A_108] : memref<2x128x32xf32, #tpu.memory_space<vmem>> -> memref<1x128x32xf32, #tpu.memory_space<vmem>>
        %dma_wait3A_110 = tpu.memref_squeeze %dma_wait3A_109 : memref<1x128x32xf32, #tpu.memory_space<vmem>> -> memref<128x32xf32, #tpu.memory_space<vmem>>
        %dma_wait3A_111 = arith.constant 0 : i32
        %dma_wait3A_112 = tpu.memref_slice %arg12[%mul3A_93, %dma_wait3A_111] : memref<50048x32xf32, #tpu.memory_space<vmem_shared>> -> memref<128x32xf32, #tpu.memory_space<vmem_shared>>
        %dma_wait3A_113 = arith.constant 0 : i32
        %dma_wait3A_114 = tpu.memref_slice %arg12[%mul3A_93, %dma_wait3A_113] : memref<50048x32xf32, #tpu.memory_space<vmem_shared>> -> memref<128x32xf32, #tpu.memory_space<vmem_shared>>
        %dma_wait3A_115 = arith.constant 0 : i32
        %dma_wait3A_116 = arith.constant 0 : i32
        %dma_wait3A_117 = tpu.memref_slice %arg11[%run_scoped3A, %dma_wait3A_115, %dma_wait3A_116] : memref<2x128x32xf32, #tpu.memory_space<vmem>> -> memref<1x128x32xf32, #tpu.memory_space<vmem>>
        %dma_wait3A_118 = tpu.memref_squeeze %dma_wait3A_117 : memref<1x128x32xf32, #tpu.memory_space<vmem>> -> memref<128x32xf32, #tpu.memory_space<vmem>>
        tpu.wait_dma2 semaphore(%run_scoped3A_94 : memref<!tpu.dma_semaphore, #tpu.memory_space<semaphore_mem>>) src(%dma_wait3A_118 : memref<128x32xf32, #tpu.memory_space<vmem>>) dst(%dma_wait3A_114 : memref<128x32xf32, #tpu.memory_space<vmem_shared>>)
        tpu.yield
      }) : () -> ()
    }
    %mul3A_24 = arith.constant 400 : i32
    %mul3A_25 = arith.muli %add3A, %mul3A_24 : i32
    %dma_start3A = arith.constant 0 : i32
    %dma_start3A_26 = arith.constant 0 : i32
    %dma_start3A_27 = arith.constant 0 : i32
    %dma_start3A_28 = tpu.memref_slice %arg7[%dma_start3A, %dma_start3A_26, %dma_start3A_27] : memref<2x10x128xi32, #tpu.memory_space<vmem>> -> memref<1x10x128xi32, #tpu.memory_space<vmem>>
    %dma_start3A_29 = tpu.memref_squeeze %dma_start3A_28 : memref<1x10x128xi32, #tpu.memory_space<vmem>> -> memref<10x128xi32, #tpu.memory_space<vmem>>
    %dma_start3A_30 = arith.constant 0 : i32
    %dma_start3A_31 = tpu.memref_slice %arg4[%mul3A_25, %dma_start3A_30] : memref<12800x128xi32, #tpu.memory_space<hbm>> -> memref<10x128xi32, #tpu.memory_space<hbm>>
    %dma_start3A_32 = arith.constant 0 : i32
    %dma_start3A_33 = arith.constant 0 : i32
    %dma_start3A_34 = tpu.memref_slice %arg7[%dma_start3A, %dma_start3A_32, %dma_start3A_33] : memref<2x10x128xi32, #tpu.memory_space<vmem>> -> memref<1x10x128xi32, #tpu.memory_space<vmem>>
    %dma_start3A_35 = tpu.memref_squeeze %dma_start3A_34 : memref<1x10x128xi32, #tpu.memory_space<vmem>> -> memref<10x128xi32, #tpu.memory_space<vmem>>
    %dma_start3A_36 = arith.constant 0 : i32
    %dma_start3A_37 = tpu.memref_slice %arg4[%mul3A_25, %dma_start3A_36] : memref<12800x128xi32, #tpu.memory_space<hbm>> -> memref<10x128xi32, #tpu.memory_space<hbm>>
    tpu.enqueue_dma source(%dma_start3A_37 : memref<10x128xi32, #tpu.memory_space<hbm>>) target(%dma_start3A_35 : memref<10x128xi32, #tpu.memory_space<vmem>>) target_semaphore(%arg13 : memref<!tpu.dma_semaphore, #tpu.memory_space<semaphore_mem>>)
    %dma_start3A_38 = arith.constant 0 : i32
    %dma_start3A_39 = arith.constant 0 : i32
    %dma_start3A_40 = arith.constant 0 : i32
    %dma_start3A_41 = tpu.memref_slice %arg8[%dma_start3A_38, %dma_start3A_39, %dma_start3A_40] : memref<2x10x128xi32, #tpu.memory_space<vmem>> -> memref<1x10x128xi32, #tpu.memory_space<vmem>>
    %dma_start3A_42 = tpu.memref_squeeze %dma_start3A_41 : memref<1x10x128xi32, #tpu.memory_space<vmem>> -> memref<10x128xi32, #tpu.memory_space<vmem>>
    %dma_start3A_43 = arith.constant 0 : i32
    %dma_start3A_44 = tpu.memref_slice %arg5[%mul3A_25, %dma_start3A_43] : memref<12800x128xi32, #tpu.memory_space<hbm>> -> memref<10x128xi32, #tpu.memory_space<hbm>>
    %dma_start3A_45 = arith.constant 0 : i32
    %dma_start3A_46 = arith.constant 0 : i32
    %dma_start3A_47 = tpu.memref_slice %arg8[%dma_start3A_38, %dma_start3A_45, %dma_start3A_46] : memref<2x10x128xi32, #tpu.memory_space<vmem>> -> memref<1x10x128xi32, #tpu.memory_space<vmem>>
    %dma_start3A_48 = tpu.memref_squeeze %dma_start3A_47 : memref<1x10x128xi32, #tpu.memory_space<vmem>> -> memref<10x128xi32, #tpu.memory_space<vmem>>
    %dma_start3A_49 = arith.constant 0 : i32
    %dma_start3A_50 = tpu.memref_slice %arg5[%mul3A_25, %dma_start3A_49] : memref<12800x128xi32, #tpu.memory_space<hbm>> -> memref<10x128xi32, #tpu.memory_space<hbm>>
    tpu.enqueue_dma source(%dma_start3A_50 : memref<10x128xi32, #tpu.memory_space<hbm>>) target(%dma_start3A_48 : memref<10x128xi32, #tpu.memory_space<vmem>>) target_semaphore(%arg13 : memref<!tpu.dma_semaphore, #tpu.memory_space<semaphore_mem>>)
    %barrier3A = arith.constant 0 : index
    tpu.barrier barrier_id(%barrier3A)
    %scan3A_51 = arith.constant 0 : i32
    %scan3A_52 = arith.constant 20 : i32
    %scan3A_53 = arith.addi %scan3A_51, %scan3A_52 : i32
    %scan3A_54 = arith.constant 1 : i32
    scf.for %scan3A_86 = %scan3A_51 to %scan3A_53 step %scan3A_54  : i32 {
      %mul3A_87 = arith.constant 2 : i32
      %mul3A_88 = arith.muli %scan3A_86, %mul3A_87 : i32
      %add3A_89 = arith.constant 0 : i32
      %add3A_90 = arith.addi %add3A_89, %mul3A_88 : i32
      %dma_wait3A_91 = arith.constant 0 : i32
      %dma_wait3A_92 = arith.constant 0 : i32
      %dma_wait3A_93 = arith.constant 0 : i32
      %dma_wait3A_94 = tpu.memref_slice %arg7[%dma_wait3A_91, %dma_wait3A_92, %dma_wait3A_93] : memref<2x10x128xi32, #tpu.memory_space<vmem>> -> memref<1x10x128xi32, #tpu.memory_space<vmem>>
      %dma_wait3A_95 = tpu.memref_squeeze %dma_wait3A_94 : memref<1x10x128xi32, #tpu.memory_space<vmem>> -> memref<10x128xi32, #tpu.memory_space<vmem>>
      %dma_wait3A_96 = arith.constant 0 : i32
      %dma_wait3A_97 = tpu.memref_slice %arg4[%mul3A_25, %dma_wait3A_96] : memref<12800x128xi32, #tpu.memory_space<hbm>> -> memref<10x128xi32, #tpu.memory_space<hbm>>
      %dma_wait3A_98 = arith.constant 0 : i32
      %dma_wait3A_99 = arith.constant 0 : i32
      %dma_wait3A_100 = tpu.memref_slice %arg7[%dma_wait3A_91, %dma_wait3A_98, %dma_wait3A_99] : memref<2x10x128xi32, #tpu.memory_space<vmem>> -> memref<1x10x128xi32, #tpu.memory_space<vmem>>
      %dma_wait3A_101 = tpu.memref_squeeze %dma_wait3A_100 : memref<1x10x128xi32, #tpu.memory_space<vmem>> -> memref<10x128xi32, #tpu.memory_space<vmem>>
      %dma_wait3A_102 = arith.constant 0 : i32
      %dma_wait3A_103 = tpu.memref_slice %arg4[%mul3A_25, %dma_wait3A_102] : memref<12800x128xi32, #tpu.memory_space<hbm>> -> memref<10x128xi32, #tpu.memory_space<hbm>>
      tpu.wait_dma2 semaphore(%arg13 : memref<!tpu.dma_semaphore, #tpu.memory_space<semaphore_mem>>) src(%dma_wait3A_103 : memref<10x128xi32, #tpu.memory_space<hbm>>) dst(%dma_wait3A_101 : memref<10x128xi32, #tpu.memory_space<vmem>>)
      %dma_wait3A_104 = arith.constant 0 : i32
      %dma_wait3A_105 = arith.constant 0 : i32
      %dma_wait3A_106 = arith.constant 0 : i32
      %dma_wait3A_107 = tpu.memref_slice %arg8[%dma_wait3A_104, %dma_wait3A_105, %dma_wait3A_106] : memref<2x10x128xi32, #tpu.memory_space<vmem>> -> memref<1x10x128xi32, #tpu.memory_space<vmem>>
      %dma_wait3A_108 = tpu.memref_squeeze %dma_wait3A_107 : memref<1x10x128xi32, #tpu.memory_space<vmem>> -> memref<10x128xi32, #tpu.memory_space<vmem>>
      %dma_wait3A_109 = arith.constant 0 : i32
      %dma_wait3A_110 = tpu.memref_slice %arg5[%mul3A_25, %dma_wait3A_109] : memref<12800x128xi32, #tpu.memory_space<hbm>> -> memref<10x128xi32, #tpu.memory_space<hbm>>
      %dma_wait3A_111 = arith.constant 0 : i32
      %dma_wait3A_112 = arith.constant 0 : i32
      %dma_wait3A_113 = tpu.memref_slice %arg8[%dma_wait3A_104, %dma_wait3A_111, %dma_wait3A_112] : memref<2x10x128xi32, #tpu.memory_space<vmem>> -> memref<1x10x128xi32, #tpu.memory_space<vmem>>
      %dma_wait3A_114 = tpu.memref_squeeze %dma_wait3A_113 : memref<1x10x128xi32, #tpu.memory_space<vmem>> -> memref<10x128xi32, #tpu.memory_space<vmem>>
      %dma_wait3A_115 = arith.constant 0 : i32
      %dma_wait3A_116 = tpu.memref_slice %arg5[%mul3A_25, %dma_wait3A_115] : memref<12800x128xi32, #tpu.memory_space<hbm>> -> memref<10x128xi32, #tpu.memory_space<hbm>>
      tpu.wait_dma2 semaphore(%arg13 : memref<!tpu.dma_semaphore, #tpu.memory_space<semaphore_mem>>) src(%dma_wait3A_116 : memref<10x128xi32, #tpu.memory_space<hbm>>) dst(%dma_wait3A_114 : memref<10x128xi32, #tpu.memory_space<vmem>>)
      %dma_start3A_117 = arith.constant 0 : i32
      %dma_start3A_118 = arith.constant 0 : i32
      %dma_start3A_119 = arith.constant 0 : i32
      %dma_start3A_120 = arith.constant 0 : i32
      %dma_start3A_121 = arith.constant 0 : i32
      %dma_start3A_122 = tpu.memref_slice %arg9[%dma_start3A_119, %dma_start3A_120, %dma_start3A_121] : memref<2x128x32xf32, #tpu.memory_space<vmem>> -> memref<1x128x32xf32, #tpu.memory_space<vmem>>
      %dma_start3A_123 = tpu.memref_squeeze %dma_start3A_122 : memref<1x128x32xf32, #tpu.memory_space<vmem>> -> memref<128x32xf32, #tpu.memory_space<vmem>>
      %dma_start3A_124 = arith.constant 0 : i32
      %dma_start3A_125 = arith.constant 0 : i32
      %dma_start3A_126 = tpu.memref_slice %arg7[%dma_start3A_117, %dma_start3A_124, %dma_start3A_125] : memref<2x10x128xi32, #tpu.memory_space<vmem>> -> memref<1x10x128xi32, #tpu.memory_space<vmem>>
      %dma_start3A_127 = tpu.memref_squeeze %dma_start3A_126 : memref<1x10x128xi32, #tpu.memory_space<vmem>> -> memref<10x128xi32, #tpu.memory_space<vmem>>
      %dma_start3A_128 = arith.constant 0 : i32
      %dma_start3A_129 = tpu.memref_slice %dma_start3A_127[%dma_start3A_118, %dma_start3A_128] : memref<10x128xi32, #tpu.memory_space<vmem>> -> memref<1x128xi32, #tpu.memory_space<vmem>>
      %dma_start3A_130 = tpu.memref_squeeze %dma_start3A_129 : memref<1x128xi32, #tpu.memory_space<vmem>> -> memref<128xi32, #tpu.memory_space<vmem>>
      %dma_start3A_131 = arith.constant 0 : i32
      %dma_start3A_132 = arith.constant 0 : i32
      %dma_start3A_133 = tpu.memref_slice %arg2[%dma_start3A_131, %dma_start3A_132] : memref<50048x32xf32, #tpu.memory_space<hbm>> -> memref<50048x32xf32, #tpu.memory_space<hbm>>
      tpu.enqueue_indirect_dma source(%dma_start3A_133 : memref<50048x32xf32, #tpu.memory_space<hbm>>) target(%dma_start3A_123 : memref<128x32xf32, #tpu.memory_space<vmem>>) offsets(%dma_start3A_130 : memref<128xi32, #tpu.memory_space<vmem>>) semaphore(%arg15 : memref<!tpu.dma_semaphore, #tpu.memory_space<semaphore_mem>>)
      %dma_start3A_134 = arith.constant 0 : i32
      %dma_start3A_135 = arith.constant 0 : i32
      %dma_start3A_136 = arith.constant 0 : i32
      %dma_start3A_137 = arith.constant 0 : i32
      %dma_start3A_138 = arith.constant 0 : i32
      %dma_start3A_139 = tpu.memref_slice %arg10[%dma_start3A_136, %dma_start3A_137, %dma_start3A_138] : memref<2x128x16xf32, #tpu.memory_space<vmem>> -> memref<1x128x16xf32, #tpu.memory_space<vmem>>
      %dma_start3A_140 = tpu.memref_squeeze %dma_start3A_139 : memref<1x128x16xf32, #tpu.memory_space<vmem>> -> memref<128x16xf32, #tpu.memory_space<vmem>>
      %dma_start3A_141 = arith.constant 0 : i32
      %dma_start3A_142 = arith.constant 0 : i32
      %dma_start3A_143 = tpu.memref_slice %arg8[%dma_start3A_134, %dma_start3A_141, %dma_start3A_142] : memref<2x10x128xi32, #tpu.memory_space<vmem>> -> memref<1x10x128xi32, #tpu.memory_space<vmem>>
      %dma_start3A_144 = tpu.memref_squeeze %dma_start3A_143 : memref<1x10x128xi32, #tpu.memory_space<vmem>> -> memref<10x128xi32, #tpu.memory_space<vmem>>
      %dma_start3A_145 = arith.constant 0 : i32
      %dma_start3A_146 = tpu.memref_slice %dma_start3A_144[%dma_start3A_135, %dma_start3A_145] : memref<10x128xi32, #tpu.memory_space<vmem>> -> memref<1x128xi32, #tpu.memory_space<vmem>>
      %dma_start3A_147 = tpu.memref_squeeze %dma_start3A_146 : memref<1x128xi32, #tpu.memory_space<vmem>> -> memref<128xi32, #tpu.memory_space<vmem>>
      %dma_start3A_148 = arith.constant 0 : i32
      %dma_start3A_149 = arith.constant 0 : i32
      %dma_start3A_150 = tpu.memref_slice %arg3[%dma_start3A_148, %dma_start3A_149] : memref<50048x16xf32, #tpu.memory_space<hbm>> -> memref<50048x16xf32, #tpu.memory_space<hbm>>
      tpu.enqueue_indirect_dma source(%dma_start3A_150 : memref<50048x16xf32, #tpu.memory_space<hbm>>) target(%dma_start3A_140 : memref<128x16xf32, #tpu.memory_space<vmem>>) offsets(%dma_start3A_147 : memref<128xi32, #tpu.memory_space<vmem>>) semaphore(%arg15 : memref<!tpu.dma_semaphore, #tpu.memory_space<semaphore_mem>>)
      %scan3A_151 = arith.constant 0 : i32
      %scan3A_152 = arith.constant 0 : i32
      %scan3A_153 = arith.constant 0 : i32
      %scan3A_154 = arith.constant 5 : i32
      %scan3A_155 = arith.addi %scan3A_153, %scan3A_154 : i32
      %scan3A_156 = arith.constant 1 : i32
      scf.for %scan3A_227 = %scan3A_153 to %scan3A_155 step %scan3A_156  : i32 {
        %mul3A_228 = arith.constant 2 : i32
        %mul3A_229 = arith.muli %scan3A_227, %mul3A_228 : i32
        %add3A_230 = arith.constant 0 : i32
        %add3A_231 = arith.addi %add3A_230, %mul3A_229 : i32
        %add3A_232 = arith.constant 0 : i32
        %add3A_233 = arith.addi %add3A_231, %add3A_232 : i32
        %add3A_234 = arith.constant 1 : i32
        %add3A_235 = arith.addi %add3A_233, %add3A_234 : i32
        %dma_start3A_236 = arith.constant 1 : i32
        %dma_start3A_237 = arith.constant 0 : i32
        %dma_start3A_238 = arith.constant 0 : i32
        %dma_start3A_239 = tpu.memref_slice %arg9[%dma_start3A_236, %dma_start3A_237, %dma_start3A_238] : memref<2x128x32xf32, #tpu.memory_space<vmem>> -> memref<1x128x32xf32, #tpu.memory_space<vmem>>
        %dma_start3A_240 = tpu.memref_squeeze %dma_start3A_239 : memref<1x128x32xf32, #tpu.memory_space<vmem>> -> memref<128x32xf32, #tpu.memory_space<vmem>>
        %dma_start3A_241 = arith.constant 0 : i32
        %dma_start3A_242 = arith.constant 0 : i32
        %dma_start3A_243 = tpu.memref_slice %arg7[%scan3A_151, %dma_start3A_241, %dma_start3A_242] : memref<2x10x128xi32, #tpu.memory_space<vmem>> -> memref<1x10x128xi32, #tpu.memory_space<vmem>>
        %dma_start3A_244 = tpu.memref_squeeze %dma_start3A_243 : memref<1x10x128xi32, #tpu.memory_space<vmem>> -> memref<10x128xi32, #tpu.memory_space<vmem>>
        %dma_start3A_245 = arith.constant 0 : i32
        %dma_start3A_246 = tpu.memref_slice %dma_start3A_244[%add3A_235, %dma_start3A_245] : memref<10x128xi32, #tpu.memory_space<vmem>> -> memref<1x128xi32, #tpu.memory_space<vmem>>
        %dma_start3A_247 = tpu.memref_squeeze %dma_start3A_246 : memref<1x128xi32, #tpu.memory_space<vmem>> -> memref<128xi32, #tpu.memory_space<vmem>>
        %dma_start3A_248 = arith.constant 0 : i32
        %dma_start3A_249 = arith.constant 0 : i32
        %dma_start3A_250 = tpu.memref_slice %arg2[%dma_start3A_248, %dma_start3A_249] : memref<50048x32xf32, #tpu.memory_space<hbm>> -> memref<50048x32xf32, #tpu.memory_space<hbm>>
        tpu.enqueue_indirect_dma source(%dma_start3A_250 : memref<50048x32xf32, #tpu.memory_space<hbm>>) target(%dma_start3A_240 : memref<128x32xf32, #tpu.memory_space<vmem>>) offsets(%dma_start3A_247 : memref<128xi32, #tpu.memory_space<vmem>>) semaphore(%arg16 : memref<!tpu.dma_semaphore, #tpu.memory_space<semaphore_mem>>)
        %add3A_251 = arith.constant 1 : i32
        %add3A_252 = arith.addi %add3A_233, %add3A_251 : i32
        %dma_start3A_253 = arith.constant 1 : i32
        %dma_start3A_254 = arith.constant 0 : i32
        %dma_start3A_255 = arith.constant 0 : i32
        %dma_start3A_256 = tpu.memref_slice %arg10[%dma_start3A_253, %dma_start3A_254, %dma_start3A_255] : memref<2x128x16xf32, #tpu.memory_space<vmem>> -> memref<1x128x16xf32, #tpu.memory_space<vmem>>
        %dma_start3A_257 = tpu.memref_squeeze %dma_start3A_256 : memref<1x128x16xf32, #tpu.memory_space<vmem>> -> memref<128x16xf32, #tpu.memory_space<vmem>>
        %dma_start3A_258 = arith.constant 0 : i32
        %dma_start3A_259 = arith.constant 0 : i32
        %dma_start3A_260 = tpu.memref_slice %arg8[%scan3A_152, %dma_start3A_258, %dma_start3A_259] : memref<2x10x128xi32, #tpu.memory_space<vmem>> -> memref<1x10x128xi32, #tpu.memory_space<vmem>>
        %dma_start3A_261 = tpu.memref_squeeze %dma_start3A_260 : memref<1x10x128xi32, #tpu.memory_space<vmem>> -> memref<10x128xi32, #tpu.memory_space<vmem>>
        %dma_start3A_262 = arith.constant 0 : i32
        %dma_start3A_263 = tpu.memref_slice %dma_start3A_261[%add3A_252, %dma_start3A_262] : memref<10x128xi32, #tpu.memory_space<vmem>> -> memref<1x128xi32, #tpu.memory_space<vmem>>
        %dma_start3A_264 = tpu.memref_squeeze %dma_start3A_263 : memref<1x128xi32, #tpu.memory_space<vmem>> -> memref<128xi32, #tpu.memory_space<vmem>>
        %dma_start3A_265 = arith.constant 0 : i32
        %dma_start3A_266 = arith.constant 0 : i32
        %dma_start3A_267 = tpu.memref_slice %arg3[%dma_start3A_265, %dma_start3A_266] : memref<50048x16xf32, #tpu.memory_space<hbm>> -> memref<50048x16xf32, #tpu.memory_space<hbm>>
        tpu.enqueue_indirect_dma source(%dma_start3A_267 : memref<50048x16xf32, #tpu.memory_space<hbm>>) target(%dma_start3A_257 : memref<128x16xf32, #tpu.memory_space<vmem>>) offsets(%dma_start3A_264 : memref<128xi32, #tpu.memory_space<vmem>>) semaphore(%arg16 : memref<!tpu.dma_semaphore, #tpu.memory_space<semaphore_mem>>)
        %eq3A = arith.constant 2 : i32
        %eq3A_268 = arith.cmpi eq, %add3A_231, %eq3A : i32
        %lt3A_269 = arith.constant 39 : i32
        %lt3A_270 = arith.cmpi slt, %add3A_90, %lt3A_269 : i32
        %and3A = arith.andi %eq3A_268, %lt3A_270 : i1
        %convert_element_type3A = arith.extui %and3A : i1 to i32
        %cond3A = arith.constant 0 : i32
        %cond3A_271 = arith.cmpi ne, %convert_element_type3A, %cond3A : i32
        scf.if %cond3A_271 {
          %add3A_397 = arith.constant 1 : i32
          %add3A_398 = arith.addi %add3A_90, %add3A_397 : i32
          %mul3A_399 = arith.constant 10 : i32
          %mul3A_400 = arith.muli %add3A_398, %mul3A_399 : i32
          %add3A_401 = arith.addi %mul3A_25, %mul3A_400 : i32
          %dma_start3A_402 = arith.constant 1 : i32
          %dma_start3A_403 = arith.constant 0 : i32
          %dma_start3A_404 = arith.constant 0 : i32
          %dma_start3A_405 = tpu.memref_slice %arg7[%dma_start3A_402, %dma_start3A_403, %dma_start3A_404] : memref<2x10x128xi32, #tpu.memory_space<vmem>> -> memref<1x10x128xi32, #tpu.memory_space<vmem>>
          %dma_start3A_406 = tpu.memref_squeeze %dma_start3A_405 : memref<1x10x128xi32, #tpu.memory_space<vmem>> -> memref<10x128xi32, #tpu.memory_space<vmem>>
          %dma_start3A_407 = arith.constant 0 : i32
          %dma_start3A_408 = tpu.memref_slice %arg4[%add3A_401, %dma_start3A_407] : memref<12800x128xi32, #tpu.memory_space<hbm>> -> memref<10x128xi32, #tpu.memory_space<hbm>>
          %dma_start3A_409 = arith.constant 0 : i32
          %dma_start3A_410 = arith.constant 0 : i32
          %dma_start3A_411 = tpu.memref_slice %arg7[%dma_start3A_402, %dma_start3A_409, %dma_start3A_410] : memref<2x10x128xi32, #tpu.memory_space<vmem>> -> memref<1x10x128xi32, #tpu.memory_space<vmem>>
          %dma_start3A_412 = tpu.memref_squeeze %dma_start3A_411 : memref<1x10x128xi32, #tpu.memory_space<vmem>> -> memref<10x128xi32, #tpu.memory_space<vmem>>
          %dma_start3A_413 = arith.constant 0 : i32
          %dma_start3A_414 = tpu.memref_slice %arg4[%add3A_401, %dma_start3A_413] : memref<12800x128xi32, #tpu.memory_space<hbm>> -> memref<10x128xi32, #tpu.memory_space<hbm>>
          tpu.enqueue_dma source(%dma_start3A_414 : memref<10x128xi32, #tpu.memory_space<hbm>>) target(%dma_start3A_412 : memref<10x128xi32, #tpu.memory_space<vmem>>) target_semaphore(%arg14 : memref<!tpu.dma_semaphore, #tpu.memory_space<semaphore_mem>>)
          %dma_start3A_415 = arith.constant 1 : i32
          %dma_start3A_416 = arith.constant 0 : i32
          %dma_start3A_417 = arith.constant 0 : i32
          %dma_start3A_418 = tpu.memref_slice %arg8[%dma_start3A_415, %dma_start3A_416, %dma_start3A_417] : memref<2x10x128xi32, #tpu.memory_space<vmem>> -> memref<1x10x128xi32, #tpu.memory_space<vmem>>
          %dma_start3A_419 = tpu.memref_squeeze %dma_start3A_418 : memref<1x10x128xi32, #tpu.memory_space<vmem>> -> memref<10x128xi32, #tpu.memory_space<vmem>>
          %dma_start3A_420 = arith.constant 0 : i32
          %dma_start3A_421 = tpu.memref_slice %arg5[%add3A_401, %dma_start3A_420] : memref<12800x128xi32, #tpu.memory_space<hbm>> -> memref<10x128xi32, #tpu.memory_space<hbm>>
          %dma_start3A_422 = arith.constant 0 : i32
          %dma_start3A_423 = arith.constant 0 : i32
          %dma_start3A_424 = tpu.memref_slice %arg8[%dma_start3A_415, %dma_start3A_422, %dma_start3A_423] : memref<2x10x128xi32, #tpu.memory_space<vmem>> -> memref<1x10x128xi32, #tpu.memory_space<vmem>>
          %dma_start3A_425 = tpu.memref_squeeze %dma_start3A_424 : memref<1x10x128xi32, #tpu.memory_space<vmem>> -> memref<10x128xi32, #tpu.memory_space<vmem>>
          %dma_start3A_426 = arith.constant 0 : i32
          %dma_start3A_427 = tpu.memref_slice %arg5[%add3A_401, %dma_start3A_426] : memref<12800x128xi32, #tpu.memory_space<hbm>> -> memref<10x128xi32, #tpu.memory_space<hbm>>
          tpu.enqueue_dma source(%dma_start3A_427 : memref<10x128xi32, #tpu.memory_space<hbm>>) target(%dma_start3A_425 : memref<10x128xi32, #tpu.memory_space<vmem>>) target_semaphore(%arg14 : memref<!tpu.dma_semaphore, #tpu.memory_space<semaphore_mem>>)
        } else {
        }
        %dma_wait3A_272 = arith.constant 0 : i32
        %dma_wait3A_273 = arith.constant 0 : i32
        %dma_wait3A_274 = arith.constant 0 : i32
        %dma_wait3A_275 = tpu.memref_slice %arg9[%dma_wait3A_272, %dma_wait3A_273, %dma_wait3A_274] : memref<2x128x32xf32, #tpu.memory_space<vmem>> -> memref<1x128x32xf32, #tpu.memory_space<vmem>>
        %dma_wait3A_276 = tpu.memref_squeeze %dma_wait3A_275 : memref<1x128x32xf32, #tpu.memory_space<vmem>> -> memref<128x32xf32, #tpu.memory_space<vmem>>
        %dma_wait3A_277 = arith.constant 0 : i32
        %dma_wait3A_278 = arith.constant 0 : i32
        %dma_wait3A_279 = tpu.memref_slice %arg7[%scan3A_151, %dma_wait3A_277, %dma_wait3A_278] : memref<2x10x128xi32, #tpu.memory_space<vmem>> -> memref<1x10x128xi32, #tpu.memory_space<vmem>>
        %dma_wait3A_280 = tpu.memref_squeeze %dma_wait3A_279 : memref<1x10x128xi32, #tpu.memory_space<vmem>> -> memref<10x128xi32, #tpu.memory_space<vmem>>
        %dma_wait3A_281 = arith.constant 0 : i32
        %dma_wait3A_282 = tpu.memref_slice %dma_wait3A_280[%add3A_233, %dma_wait3A_281] : memref<10x128xi32, #tpu.memory_space<vmem>> -> memref<1x128xi32, #tpu.memory_space<vmem>>
        %dma_wait3A_283 = tpu.memref_squeeze %dma_wait3A_282 : memref<1x128xi32, #tpu.memory_space<vmem>> -> memref<128xi32, #tpu.memory_space<vmem>>
        %dma_wait3A_284 = arith.constant 0 : i32
        %dma_wait3A_285 = arith.constant 0 : i32
        %dma_wait3A_286 = tpu.memref_slice %arg2[%dma_wait3A_284, %dma_wait3A_285] : memref<50048x32xf32, #tpu.memory_space<hbm>> -> memref<50048x32xf32, #tpu.memory_space<hbm>>
        tpu.wait_indirect_dma semaphore(%arg15 : memref<!tpu.dma_semaphore, #tpu.memory_space<semaphore_mem>>) src(%dma_wait3A_286 : memref<50048x32xf32, #tpu.memory_space<hbm>>) dst(%dma_wait3A_276 : memref<128x32xf32, #tpu.memory_space<vmem>>)
        %dma_wait3A_287 = arith.constant 0 : i32
        %dma_wait3A_288 = arith.constant 0 : i32
        %dma_wait3A_289 = arith.constant 0 : i32
        %dma_wait3A_290 = tpu.memref_slice %arg10[%dma_wait3A_287, %dma_wait3A_288, %dma_wait3A_289] : memref<2x128x16xf32, #tpu.memory_space<vmem>> -> memref<1x128x16xf32, #tpu.memory_space<vmem>>
        %dma_wait3A_291 = tpu.memref_squeeze %dma_wait3A_290 : memref<1x128x16xf32, #tpu.memory_space<vmem>> -> memref<128x16xf32, #tpu.memory_space<vmem>>
        %dma_wait3A_292 = arith.constant 0 : i32
        %dma_wait3A_293 = arith.constant 0 : i32
        %dma_wait3A_294 = tpu.memref_slice %arg8[%scan3A_152, %dma_wait3A_292, %dma_wait3A_293] : memref<2x10x128xi32, #tpu.memory_space<vmem>> -> memref<1x10x128xi32, #tpu.memory_space<vmem>>
        %dma_wait3A_295 = tpu.memref_squeeze %dma_wait3A_294 : memref<1x10x128xi32, #tpu.memory_space<vmem>> -> memref<10x128xi32, #tpu.memory_space<vmem>>
        %dma_wait3A_296 = arith.constant 0 : i32
        %dma_wait3A_297 = tpu.memref_slice %dma_wait3A_295[%add3A_233, %dma_wait3A_296] : memref<10x128xi32, #tpu.memory_space<vmem>> -> memref<1x128xi32, #tpu.memory_space<vmem>>
        %dma_wait3A_298 = tpu.memref_squeeze %dma_wait3A_297 : memref<1x128xi32, #tpu.memory_space<vmem>> -> memref<128xi32, #tpu.memory_space<vmem>>
        %dma_wait3A_299 = arith.constant 0 : i32
        %dma_wait3A_300 = arith.constant 0 : i32
        %dma_wait3A_301 = tpu.memref_slice %arg3[%dma_wait3A_299, %dma_wait3A_300] : memref<50048x16xf32, #tpu.memory_space<hbm>> -> memref<50048x16xf32, #tpu.memory_space<hbm>>
        tpu.wait_indirect_dma semaphore(%arg15 : memref<!tpu.dma_semaphore, #tpu.memory_space<semaphore_mem>>) src(%dma_wait3A_301 : memref<50048x16xf32, #tpu.memory_space<hbm>>) dst(%dma_wait3A_291 : memref<128x16xf32, #tpu.memory_space<vmem>>)
        %mul3A_302 = arith.constant 10 : i32
        %mul3A_303 = arith.muli %add3A_90, %mul3A_302 : i32
        %add3A_304 = arith.addi %mul3A_303, %add3A_233 : i32
        %ge3A = arith.constant 2 : i32
        %ge3A_305 = arith.cmpi sge, %add3A_304, %ge3A : i32
        %convert_element_type3A_306 = arith.extui %ge3A_305 : i1 to i32
        %cond3A_307 = arith.constant 0 : i32
        %cond3A_308 = arith.constant 0 : i32
        %cond3A_309 = arith.cmpi ne, %convert_element_type3A_306, %cond3A_308 : i32
        scf.if %cond3A_309 {
          %dma_wait3A_397 = arith.constant 0 : i32
          %dma_wait3A_398 = arith.constant 0 : i32
          %dma_wait3A_399 = arith.constant 0 : i32
          %dma_wait3A_400 = tpu.memref_slice %arg11[%cond3A_307, %dma_wait3A_398, %dma_wait3A_399] : memref<2x128x32xf32, #tpu.memory_space<vmem>> -> memref<1x128x32xf32, #tpu.memory_space<vmem>>
          %dma_wait3A_401 = tpu.memref_squeeze %dma_wait3A_400 : memref<1x128x32xf32, #tpu.memory_space<vmem>> -> memref<128x32xf32, #tpu.memory_space<vmem>>
          %dma_wait3A_402 = arith.constant 0 : i32
          %dma_wait3A_403 = arith.constant 0 : i32
          %dma_wait3A_404 = tpu.memref_slice %arg8[%scan3A_152, %dma_wait3A_402, %dma_wait3A_403] : memref<2x10x128xi32, #tpu.memory_space<vmem>> -> memref<1x10x128xi32, #tpu.memory_space<vmem>>
          %dma_wait3A_405 = tpu.memref_squeeze %dma_wait3A_404 : memref<1x10x128xi32, #tpu.memory_space<vmem>> -> memref<10x128xi32, #tpu.memory_space<vmem>>
          %dma_wait3A_406 = arith.constant 0 : i32
          %dma_wait3A_407 = tpu.memref_slice %dma_wait3A_405[%dma_wait3A_397, %dma_wait3A_406] : memref<10x128xi32, #tpu.memory_space<vmem>> -> memref<1x128xi32, #tpu.memory_space<vmem>>
          %dma_wait3A_408 = tpu.memref_squeeze %dma_wait3A_407 : memref<1x128xi32, #tpu.memory_space<vmem>> -> memref<128xi32, #tpu.memory_space<vmem>>
          %dma_wait3A_409 = arith.constant 0 : i32
          %dma_wait3A_410 = arith.constant 0 : i32
          %dma_wait3A_411 = tpu.memref_slice %arg12[%dma_wait3A_409, %dma_wait3A_410] : memref<50048x32xf32, #tpu.memory_space<vmem_shared>> -> memref<50048x32xf32, #tpu.memory_space<vmem_shared>>
          tpu.wait_indirect_dma semaphore(%arg17 : memref<!tpu.dma_semaphore, #tpu.memory_space<semaphore_mem>>) src(%dma_wait3A_401 : memref<128x32xf32, #tpu.memory_space<vmem>>) dst(%dma_wait3A_411 : memref<50048x32xf32, #tpu.memory_space<vmem_shared>>)
        } else {
        }
        %parallel_loop3A = arith.constant 0 : i32
        %parallel_loop3A_310 = arith.constant 128 : i32
        %parallel_loop3A_311 = arith.constant 1 : i32
        %parallel_loop3A_312 = arith.constant 0 : i32
        %parallel_loop3A_313 = arith.constant 0 : i32
        %parallel_loop3A_314 = arith.constant 0 : i32
        scf.for %parallel_loop3A_397 = %parallel_loop3A to %parallel_loop3A_310 step %parallel_loop3A_311  : i32 {
          %parallel_loop3A_398 = arith.constant 0 : i32
          %parallel_loop3A_399 = arith.constant 0 : i32
          %parallel_loop3A_400 = tpu.memref_slice %arg9[%parallel_loop3A_312, %parallel_loop3A_398, %parallel_loop3A_399] : memref<2x128x32xf32, #tpu.memory_space<vmem>> -> memref<1x128x32xf32, #tpu.memory_space<vmem>>
          %parallel_loop3A_401 = tpu.memref_squeeze %parallel_loop3A_400 : memref<1x128x32xf32, #tpu.memory_space<vmem>> -> memref<128x32xf32, #tpu.memory_space<vmem>>
          %parallel_loop3A_402 = arith.index_cast %parallel_loop3A_397 : i32 to index
          %parallel_loop3A_403 = arith.constant 0 : index
          %parallel_loop3A_404 = tpu.vector_load %parallel_loop3A_401[%parallel_loop3A_402, %parallel_loop3A_403] {strides = array<i32>} : memref<128x32xf32, #tpu.memory_space<vmem>>, vector<16xf32>,
          %parallel_loop3A_405 = arith.constant 0 : i32
          %parallel_loop3A_406 = arith.constant 0 : i32
          %parallel_loop3A_407 = tpu.memref_slice %arg10[%parallel_loop3A_313, %parallel_loop3A_405, %parallel_loop3A_406] : memref<2x128x16xf32, #tpu.memory_space<vmem>> -> memref<1x128x16xf32, #tpu.memory_space<vmem>>
          %parallel_loop3A_408 = tpu.memref_squeeze %parallel_loop3A_407 : memref<1x128x16xf32, #tpu.memory_space<vmem>> -> memref<128x16xf32, #tpu.memory_space<vmem>>
          %parallel_loop3A_409 = arith.index_cast %parallel_loop3A_397 : i32 to index
          %parallel_loop3A_410 = arith.constant 0 : index
          %parallel_loop3A_411 = tpu.vector_load %parallel_loop3A_408[%parallel_loop3A_409, %parallel_loop3A_410] {strides = array<i32>} : memref<128x16xf32, #tpu.memory_space<vmem>>, vector<16xf32>,
          %parallel_loop3A_412 = arith.constant 0 : i32
          %parallel_loop3A_413 = arith.constant 0 : i32
          %parallel_loop3A_414 = tpu.memref_slice %arg9[%parallel_loop3A_312, %parallel_loop3A_412, %parallel_loop3A_413] : memref<2x128x32xf32, #tpu.memory_space<vmem>> -> memref<1x128x32xf32, #tpu.memory_space<vmem>>
          %parallel_loop3A_415 = tpu.memref_squeeze %parallel_loop3A_414 : memref<1x128x32xf32, #tpu.memory_space<vmem>> -> memref<128x32xf32, #tpu.memory_space<vmem>>
          %parallel_loop3A_416 = arith.index_cast %parallel_loop3A_397 : i32 to index
          %parallel_loop3A_417 = arith.constant 16 : index
          %parallel_loop3A_418 = tpu.vector_load %parallel_loop3A_415[%parallel_loop3A_416, %parallel_loop3A_417] {strides = array<i32>} : memref<128x32xf32, #tpu.memory_space<vmem>>, vector<16xf32>,
          %parallel_loop3A_419 = arith.mulf %parallel_loop3A_404, %parallel_loop3A_411 : vector<16xf32>
          %parallel_loop3A_420 = arith.constant true
          %parallel_loop3A_421 = vector.broadcast %parallel_loop3A_420 : i1 to vector<16xi1>
          %parallel_loop3A_422 = tpu.scan <sum>, %parallel_loop3A_419 masked %parallel_loop3A_421 : vector<16xf32>, vector<16xi1> -> vector<16xf32>
          %parallel_loop3A_423 = vector.extract %parallel_loop3A_422[15] : f32 from vector<16xf32>
          %parallel_loop3A_424 = vector.broadcast %parallel_loop3A_423 : f32 to vector<16xf32>
          %parallel_loop3A_425 = math.exp %parallel_loop3A_424 : vector<16xf32>
          %parallel_loop3A_426 = arith.mulf %parallel_loop3A_425, %parallel_loop3A_418 : vector<16xf32>
          %parallel_loop3A_427 = arith.constant 0 : i32
          %parallel_loop3A_428 = arith.constant 0 : i32
          %parallel_loop3A_429 = tpu.memref_slice %arg11[%parallel_loop3A_314, %parallel_loop3A_427, %parallel_loop3A_428] : memref<2x128x32xf32, #tpu.memory_space<vmem>> -> memref<1x128x32xf32, #tpu.memory_space<vmem>>
          %parallel_loop3A_430 = tpu.memref_squeeze %parallel_loop3A_429 : memref<1x128x32xf32, #tpu.memory_space<vmem>> -> memref<128x32xf32, #tpu.memory_space<vmem>>
          %parallel_loop3A_431 = arith.index_cast %parallel_loop3A_397 : i32 to index
          %parallel_loop3A_432 = arith.constant 0 : index
          %parallel_loop3A_433 = tpu.vector_load %parallel_loop3A_430[%parallel_loop3A_431, %parallel_loop3A_432] {strides = array<i32>} : memref<128x32xf32, #tpu.memory_space<vmem>>, vector<16xf32>,
          tpu.vector_store %parallel_loop3A_430[%parallel_loop3A_431, %parallel_loop3A_432], %parallel_loop3A_426 {strides = array<i32>} : memref<128x32xf32, #tpu.memory_space<vmem>>, vector<16xf32>,
          %parallel_loop3A_434 = arith.constant 0 : i32
          %parallel_loop3A_435 = arith.constant 0 : i32
          %parallel_loop3A_436 = tpu.memref_slice %arg11[%parallel_loop3A_314, %parallel_loop3A_434, %parallel_loop3A_435] : memref<2x128x32xf32, #tpu.memory_space<vmem>> -> memref<1x128x32xf32, #tpu.memory_space<vmem>>
          %parallel_loop3A_437 = tpu.memref_squeeze %parallel_loop3A_436 : memref<1x128x32xf32, #tpu.memory_space<vmem>> -> memref<128x32xf32, #tpu.memory_space<vmem>>
          %parallel_loop3A_438 = arith.index_cast %parallel_loop3A_397 : i32 to index
          %parallel_loop3A_439 = arith.constant 16 : index
          %parallel_loop3A_440 = tpu.vector_load %parallel_loop3A_437[%parallel_loop3A_438, %parallel_loop3A_439] {strides = array<i32>} : memref<128x32xf32, #tpu.memory_space<vmem>>, vector<16xf32>,
          tpu.vector_store %parallel_loop3A_437[%parallel_loop3A_438, %parallel_loop3A_439], %parallel_loop3A_425 {strides = array<i32>} : memref<128x32xf32, #tpu.memory_space<vmem>>, vector<16xf32>,
        } {sc.loop_unroll_factor = 16 : i64, sc.parallel_access}
        %dma_start3A_315 = arith.constant 0 : i32
        %dma_start3A_316 = arith.constant 0 : i32
        %dma_start3A_317 = arith.constant 0 : i32
        %dma_start3A_318 = tpu.memref_slice %arg11[%dma_start3A_315, %dma_start3A_316, %dma_start3A_317] : memref<2x128x32xf32, #tpu.memory_space<vmem>> -> memref<1x128x32xf32, #tpu.memory_space<vmem>>
        %dma_start3A_319 = tpu.memref_squeeze %dma_start3A_318 : memref<1x128x32xf32, #tpu.memory_space<vmem>> -> memref<128x32xf32, #tpu.memory_space<vmem>>
        %dma_start3A_320 = arith.constant 0 : i32
        %dma_start3A_321 = arith.constant 0 : i32
        %dma_start3A_322 = tpu.memref_slice %arg8[%scan3A_152, %dma_start3A_320, %dma_start3A_321] : memref<2x10x128xi32, #tpu.memory_space<vmem>> -> memref<1x10x128xi32, #tpu.memory_space<vmem>>
        %dma_start3A_323 = tpu.memref_squeeze %dma_start3A_322 : memref<1x10x128xi32, #tpu.memory_space<vmem>> -> memref<10x128xi32, #tpu.memory_space<vmem>>
        %dma_start3A_324 = arith.constant 0 : i32
        %dma_start3A_325 = tpu.memref_slice %dma_start3A_323[%add3A_233, %dma_start3A_324] : memref<10x128xi32, #tpu.memory_space<vmem>> -> memref<1x128xi32, #tpu.memory_space<vmem>>
        %dma_start3A_326 = tpu.memref_squeeze %dma_start3A_325 : memref<1x128xi32, #tpu.memory_space<vmem>> -> memref<128xi32, #tpu.memory_space<vmem>>
        %dma_start3A_327 = arith.constant 0 : i32
        %dma_start3A_328 = arith.constant 0 : i32
        %dma_start3A_329 = tpu.memref_slice %arg12[%dma_start3A_327, %dma_start3A_328] : memref<50048x32xf32, #tpu.memory_space<vmem_shared>> -> memref<50048x32xf32, #tpu.memory_space<vmem_shared>>
        tpu.enqueue_indirect_dma source(%dma_start3A_319 : memref<128x32xf32, #tpu.memory_space<vmem>>) target(%dma_start3A_329 : memref<50048x32xf32, #tpu.memory_space<vmem_shared>>) offsets(%dma_start3A_326 : memref<128xi32, #tpu.memory_space<vmem>>) semaphore(%arg17 : memref<!tpu.dma_semaphore, #tpu.memory_space<semaphore_mem>>) {add = true}
        %add3A_330 = arith.constant 1 : i32
        %add3A_331 = arith.addi %add3A_231, %add3A_330 : i32
        %lt3A_332 = arith.constant 8 : i32
        %lt3A_333 = arith.cmpi slt, %add3A_231, %lt3A_332 : i32
        %convert_element_type3A_334 = arith.extui %lt3A_333 : i1 to i32
        %cond3A_335 = arith.constant 0 : i32
        %cond3A_336 = arith.cmpi ne, %convert_element_type3A_334, %cond3A_335 : i32
        scf.if %cond3A_336 {
          %add3A_397 = arith.constant 1 : i32
          %add3A_398 = arith.addi %add3A_331, %add3A_397 : i32
          %dma_start3A_399 = arith.constant 0 : i32
          %dma_start3A_400 = arith.constant 0 : i32
          %dma_start3A_401 = arith.constant 0 : i32
          %dma_start3A_402 = tpu.memref_slice %arg9[%dma_start3A_399, %dma_start3A_400, %dma_start3A_401] : memref<2x128x32xf32, #tpu.memory_space<vmem>> -> memref<1x128x32xf32, #tpu.memory_space<vmem>>
          %dma_start3A_403 = tpu.memref_squeeze %dma_start3A_402 : memref<1x128x32xf32, #tpu.memory_space<vmem>> -> memref<128x32xf32, #tpu.memory_space<vmem>>
          %dma_start3A_404 = arith.constant 0 : i32
          %dma_start3A_405 = arith.constant 0 : i32
          %dma_start3A_406 = tpu.memref_slice %arg7[%scan3A_151, %dma_start3A_404, %dma_start3A_405] : memref<2x10x128xi32, #tpu.memory_space<vmem>> -> memref<1x10x128xi32, #tpu.memory_space<vmem>>
          %dma_start3A_407 = tpu.memref_squeeze %dma_start3A_406 : memref<1x10x128xi32, #tpu.memory_space<vmem>> -> memref<10x128xi32, #tpu.memory_space<vmem>>
          %dma_start3A_408 = arith.constant 0 : i32
          %dma_start3A_409 = tpu.memref_slice %dma_start3A_407[%add3A_398, %dma_start3A_408] : memref<10x128xi32, #tpu.memory_space<vmem>> -> memref<1x128xi32, #tpu.memory_space<vmem>>
          %dma_start3A_410 = tpu.memref_squeeze %dma_start3A_409 : memref<1x128xi32, #tpu.memory_space<vmem>> -> memref<128xi32, #tpu.memory_space<vmem>>
          %dma_start3A_411 = arith.constant 0 : i32
          %dma_start3A_412 = arith.constant 0 : i32
          %dma_start3A_413 = tpu.memref_slice %arg2[%dma_start3A_411, %dma_start3A_412] : memref<50048x32xf32, #tpu.memory_space<hbm>> -> memref<50048x32xf32, #tpu.memory_space<hbm>>
          tpu.enqueue_indirect_dma source(%dma_start3A_413 : memref<50048x32xf32, #tpu.memory_space<hbm>>) target(%dma_start3A_403 : memref<128x32xf32, #tpu.memory_space<vmem>>) offsets(%dma_start3A_410 : memref<128xi32, #tpu.memory_space<vmem>>) semaphore(%arg15 : memref<!tpu.dma_semaphore, #tpu.memory_space<semaphore_mem>>)
          %add3A_414 = arith.constant 1 : i32
          %add3A_415 = arith.addi %add3A_331, %add3A_414 : i32
          %dma_start3A_416 = arith.constant 0 : i32
          %dma_start3A_417 = arith.constant 0 : i32
          %dma_start3A_418 = arith.constant 0 : i32
          %dma_start3A_419 = tpu.memref_slice %arg10[%dma_start3A_416, %dma_start3A_417, %dma_start3A_418] : memref<2x128x16xf32, #tpu.memory_space<vmem>> -> memref<1x128x16xf32, #tpu.memory_space<vmem>>
          %dma_start3A_420 = tpu.memref_squeeze %dma_start3A_419 : memref<1x128x16xf32, #tpu.memory_space<vmem>> -> memref<128x16xf32, #tpu.memory_space<vmem>>
          %dma_start3A_421 = arith.constant 0 : i32
          %dma_start3A_422 = arith.constant 0 : i32
          %dma_start3A_423 = tpu.memref_slice %arg8[%scan3A_152, %dma_start3A_421, %dma_start3A_422] : memref<2x10x128xi32, #tpu.memory_space<vmem>> -> memref<1x10x128xi32, #tpu.memory_space<vmem>>
          %dma_start3A_424 = tpu.memref_squeeze %dma_start3A_423 : memref<1x10x128xi32, #tpu.memory_space<vmem>> -> memref<10x128xi32, #tpu.memory_space<vmem>>
          %dma_start3A_425 = arith.constant 0 : i32
          %dma_start3A_426 = tpu.memref_slice %dma_start3A_424[%add3A_415, %dma_start3A_425] : memref<10x128xi32, #tpu.memory_space<vmem>> -> memref<1x128xi32, #tpu.memory_space<vmem>>
          %dma_start3A_427 = tpu.memref_squeeze %dma_start3A_426 : memref<1x128xi32, #tpu.memory_space<vmem>> -> memref<128xi32, #tpu.memory_space<vmem>>
          %dma_start3A_428 = arith.constant 0 : i32
          %dma_start3A_429 = arith.constant 0 : i32
          %dma_start3A_430 = tpu.memref_slice %arg3[%dma_start3A_428, %dma_start3A_429] : memref<50048x16xf32, #tpu.memory_space<hbm>> -> memref<50048x16xf32, #tpu.memory_space<hbm>>
          tpu.enqueue_indirect_dma source(%dma_start3A_430 : memref<50048x16xf32, #tpu.memory_space<hbm>>) target(%dma_start3A_420 : memref<128x16xf32, #tpu.memory_space<vmem>>) offsets(%dma_start3A_427 : memref<128xi32, #tpu.memory_space<vmem>>) semaphore(%arg15 : memref<!tpu.dma_semaphore, #tpu.memory_space<semaphore_mem>>)
        } else {
        }
        %dma_wait3A_337 = arith.constant 1 : i32
        %dma_wait3A_338 = arith.constant 0 : i32
        %dma_wait3A_339 = arith.constant 0 : i32
        %dma_wait3A_340 = tpu.memref_slice %arg9[%dma_wait3A_337, %dma_wait3A_338, %dma_wait3A_339] : memref<2x128x32xf32, #tpu.memory_space<vmem>> -> memref<1x128x32xf32, #tpu.memory_space<vmem>>
        %dma_wait3A_341 = tpu.memref_squeeze %dma_wait3A_340 : memref<1x128x32xf32, #tpu.memory_space<vmem>> -> memref<128x32xf32, #tpu.memory_space<vmem>>
        %dma_wait3A_342 = arith.constant 0 : i32
        %dma_wait3A_343 = arith.constant 0 : i32
        %dma_wait3A_344 = tpu.memref_slice %arg7[%scan3A_151, %dma_wait3A_342, %dma_wait3A_343] : memref<2x10x128xi32, #tpu.memory_space<vmem>> -> memref<1x10x128xi32, #tpu.memory_space<vmem>>
        %dma_wait3A_345 = tpu.memref_squeeze %dma_wait3A_344 : memref<1x10x128xi32, #tpu.memory_space<vmem>> -> memref<10x128xi32, #tpu.memory_space<vmem>>
        %dma_wait3A_346 = arith.constant 0 : i32
        %dma_wait3A_347 = tpu.memref_slice %dma_wait3A_345[%add3A_331, %dma_wait3A_346] : memref<10x128xi32, #tpu.memory_space<vmem>> -> memref<1x128xi32, #tpu.memory_space<vmem>>
        %dma_wait3A_348 = tpu.memref_squeeze %dma_wait3A_347 : memref<1x128xi32, #tpu.memory_space<vmem>> -> memref<128xi32, #tpu.memory_space<vmem>>
        %dma_wait3A_349 = arith.constant 0 : i32
        %dma_wait3A_350 = arith.constant 0 : i32
        %dma_wait3A_351 = tpu.memref_slice %arg2[%dma_wait3A_349, %dma_wait3A_350] : memref<50048x32xf32, #tpu.memory_space<hbm>> -> memref<50048x32xf32, #tpu.memory_space<hbm>>
        tpu.wait_indirect_dma semaphore(%arg16 : memref<!tpu.dma_semaphore, #tpu.memory_space<semaphore_mem>>) src(%dma_wait3A_351 : memref<50048x32xf32, #tpu.memory_space<hbm>>) dst(%dma_wait3A_341 : memref<128x32xf32, #tpu.memory_space<vmem>>)
        %dma_wait3A_352 = arith.constant 1 : i32
        %dma_wait3A_353 = arith.constant 0 : i32
        %dma_wait3A_354 = arith.constant 0 : i32
        %dma_wait3A_355 = tpu.memref_slice %arg10[%dma_wait3A_352, %dma_wait3A_353, %dma_wait3A_354] : memref<2x128x16xf32, #tpu.memory_space<vmem>> -> memref<1x128x16xf32, #tpu.memory_space<vmem>>
        %dma_wait3A_356 = tpu.memref_squeeze %dma_wait3A_355 : memref<1x128x16xf32, #tpu.memory_space<vmem>> -> memref<128x16xf32, #tpu.memory_space<vmem>>
        %dma_wait3A_357 = arith.constant 0 : i32
        %dma_wait3A_358 = arith.constant 0 : i32
        %dma_wait3A_359 = tpu.memref_slice %arg8[%scan3A_152, %dma_wait3A_357, %dma_wait3A_358] : memref<2x10x128xi32, #tpu.memory_space<vmem>> -> memref<1x10x128xi32, #tpu.memory_space<vmem>>
        %dma_wait3A_360 = tpu.memref_squeeze %dma_wait3A_359 : memref<1x10x128xi32, #tpu.memory_space<vmem>> -> memref<10x128xi32, #tpu.memory_space<vmem>>
        %dma_wait3A_361 = arith.constant 0 : i32
        %dma_wait3A_362 = tpu.memref_slice %dma_wait3A_360[%add3A_331, %dma_wait3A_361] : memref<10x128xi32, #tpu.memory_space<vmem>> -> memref<1x128xi32, #tpu.memory_space<vmem>>
        %dma_wait3A_363 = tpu.memref_squeeze %dma_wait3A_362 : memref<1x128xi32, #tpu.memory_space<vmem>> -> memref<128xi32, #tpu.memory_space<vmem>>
        %dma_wait3A_364 = arith.constant 0 : i32
        %dma_wait3A_365 = arith.constant 0 : i32
        %dma_wait3A_366 = tpu.memref_slice %arg3[%dma_wait3A_364, %dma_wait3A_365] : memref<50048x16xf32, #tpu.memory_space<hbm>> -> memref<50048x16xf32, #tpu.memory_space<hbm>>
        tpu.wait_indirect_dma semaphore(%arg16 : memref<!tpu.dma_semaphore, #tpu.memory_space<semaphore_mem>>) src(%dma_wait3A_366 : memref<50048x16xf32, #tpu.memory_space<hbm>>) dst(%dma_wait3A_356 : memref<128x16xf32, #tpu.memory_space<vmem>>)
        %mul3A_367 = arith.constant 10 : i32
        %mul3A_368 = arith.muli %add3A_90, %mul3A_367 : i32
        %add3A_369 = arith.addi %mul3A_368, %add3A_331 : i32
        %ge3A_370 = arith.constant 2 : i32
        %ge3A_371 = arith.cmpi sge, %add3A_369, %ge3A_370 : i32
        %convert_element_type3A_372 = arith.extui %ge3A_371 : i1 to i32
        %cond3A_373 = arith.constant 1 : i32
        %cond3A_374 = arith.constant 0 : i32
        %cond3A_375 = arith.cmpi ne, %convert_element_type3A_372, %cond3A_374 : i32
        scf.if %cond3A_375 {
          %dma_wait3A_397 = arith.constant 0 : i32
          %dma_wait3A_398 = arith.constant 0 : i32
          %dma_wait3A_399 = arith.constant 0 : i32
          %dma_wait3A_400 = tpu.memref_slice %arg11[%cond3A_373, %dma_wait3A_398, %dma_wait3A_399] : memref<2x128x32xf32, #tpu.memory_space<vmem>> -> memref<1x128x32xf32, #tpu.memory_space<vmem>>
          %dma_wait3A_401 = tpu.memref_squeeze %dma_wait3A_400 : memref<1x128x32xf32, #tpu.memory_space<vmem>> -> memref<128x32xf32, #tpu.memory_space<vmem>>
          %dma_wait3A_402 = arith.constant 0 : i32
          %dma_wait3A_403 = arith.constant 0 : i32
          %dma_wait3A_404 = tpu.memref_slice %arg8[%scan3A_152, %dma_wait3A_402, %dma_wait3A_403] : memref<2x10x128xi32, #tpu.memory_space<vmem>> -> memref<1x10x128xi32, #tpu.memory_space<vmem>>
          %dma_wait3A_405 = tpu.memref_squeeze %dma_wait3A_404 : memref<1x10x128xi32, #tpu.memory_space<vmem>> -> memref<10x128xi32, #tpu.memory_space<vmem>>
          %dma_wait3A_406 = arith.constant 0 : i32
          %dma_wait3A_407 = tpu.memref_slice %dma_wait3A_405[%dma_wait3A_397, %dma_wait3A_406] : memref<10x128xi32, #tpu.memory_space<vmem>> -> memref<1x128xi32, #tpu.memory_space<vmem>>
          %dma_wait3A_408 = tpu.memref_squeeze %dma_wait3A_407 : memref<1x128xi32, #tpu.memory_space<vmem>> -> memref<128xi32, #tpu.memory_space<vmem>>
          %dma_wait3A_409 = arith.constant 0 : i32
          %dma_wait3A_410 = arith.constant 0 : i32
          %dma_wait3A_411 = tpu.memref_slice %arg12[%dma_wait3A_409, %dma_wait3A_410] : memref<50048x32xf32, #tpu.memory_space<vmem_shared>> -> memref<50048x32xf32, #tpu.memory_space<vmem_shared>>
          tpu.wait_indirect_dma semaphore(%arg18 : memref<!tpu.dma_semaphore, #tpu.memory_space<semaphore_mem>>) src(%dma_wait3A_401 : memref<128x32xf32, #tpu.memory_space<vmem>>) dst(%dma_wait3A_411 : memref<50048x32xf32, #tpu.memory_space<vmem_shared>>)
        } else {
        }
        %parallel_loop3A_376 = arith.constant 0 : i32
        %parallel_loop3A_377 = arith.constant 128 : i32
        %parallel_loop3A_378 = arith.constant 1 : i32
        %parallel_loop3A_379 = arith.constant 1 : i32
        %parallel_loop3A_380 = arith.constant 1 : i32
        %parallel_loop3A_381 = arith.constant 1 : i32
        scf.for %parallel_loop3A_397 = %parallel_loop3A_376 to %parallel_loop3A_377 step %parallel_loop3A_378  : i32 {
          %parallel_loop3A_398 = arith.constant 0 : i32
          %parallel_loop3A_399 = arith.constant 0 : i32
          %parallel_loop3A_400 = tpu.memref_slice %arg9[%parallel_loop3A_379, %parallel_loop3A_398, %parallel_loop3A_399] : memref<2x128x32xf32, #tpu.memory_space<vmem>> -> memref<1x128x32xf32, #tpu.memory_space<vmem>>
          %parallel_loop3A_401 = tpu.memref_squeeze %parallel_loop3A_400 : memref<1x128x32xf32, #tpu.memory_space<vmem>> -> memref<128x32xf32, #tpu.memory_space<vmem>>
          %parallel_loop3A_402 = arith.index_cast %parallel_loop3A_397 : i32 to index
          %parallel_loop3A_403 = arith.constant 0 : index
          %parallel_loop3A_404 = tpu.vector_load %parallel_loop3A_401[%parallel_loop3A_402, %parallel_loop3A_403] {strides = array<i32>} : memref<128x32xf32, #tpu.memory_space<vmem>>, vector<16xf32>,
          %parallel_loop3A_405 = arith.constant 0 : i32
          %parallel_loop3A_406 = arith.constant 0 : i32
          %parallel_loop3A_407 = tpu.memref_slice %arg10[%parallel_loop3A_380, %parallel_loop3A_405, %parallel_loop3A_406] : memref<2x128x16xf32, #tpu.memory_space<vmem>> -> memref<1x128x16xf32, #tpu.memory_space<vmem>>
          %parallel_loop3A_408 = tpu.memref_squeeze %parallel_loop3A_407 : memref<1x128x16xf32, #tpu.memory_space<vmem>> -> memref<128x16xf32, #tpu.memory_space<vmem>>
          %parallel_loop3A_409 = arith.index_cast %parallel_loop3A_397 : i32 to index
          %parallel_loop3A_410 = arith.constant 0 : index
          %parallel_loop3A_411 = tpu.vector_load %parallel_loop3A_408[%parallel_loop3A_409, %parallel_loop3A_410] {strides = array<i32>} : memref<128x16xf32, #tpu.memory_space<vmem>>, vector<16xf32>,
          %parallel_loop3A_412 = arith.constant 0 : i32
          %parallel_loop3A_413 = arith.constant 0 : i32
          %parallel_loop3A_414 = tpu.memref_slice %arg9[%parallel_loop3A_379, %parallel_loop3A_412, %parallel_loop3A_413] : memref<2x128x32xf32, #tpu.memory_space<vmem>> -> memref<1x128x32xf32, #tpu.memory_space<vmem>>
          %parallel_loop3A_415 = tpu.memref_squeeze %parallel_loop3A_414 : memref<1x128x32xf32, #tpu.memory_space<vmem>> -> memref<128x32xf32, #tpu.memory_space<vmem>>
          %parallel_loop3A_416 = arith.index_cast %parallel_loop3A_397 : i32 to index
          %parallel_loop3A_417 = arith.constant 16 : index
          %parallel_loop3A_418 = tpu.vector_load %parallel_loop3A_415[%parallel_loop3A_416, %parallel_loop3A_417] {strides = array<i32>} : memref<128x32xf32, #tpu.memory_space<vmem>>, vector<16xf32>,
          %parallel_loop3A_419 = arith.mulf %parallel_loop3A_404, %parallel_loop3A_411 : vector<16xf32>
          %parallel_loop3A_420 = arith.constant true
          %parallel_loop3A_421 = vector.broadcast %parallel_loop3A_420 : i1 to vector<16xi1>
          %parallel_loop3A_422 = tpu.scan <sum>, %parallel_loop3A_419 masked %parallel_loop3A_421 : vector<16xf32>, vector<16xi1> -> vector<16xf32>
          %parallel_loop3A_423 = vector.extract %parallel_loop3A_422[15] : f32 from vector<16xf32>
          %parallel_loop3A_424 = vector.broadcast %parallel_loop3A_423 : f32 to vector<16xf32>
          %parallel_loop3A_425 = math.exp %parallel_loop3A_424 : vector<16xf32>
          %parallel_loop3A_426 = arith.mulf %parallel_loop3A_425, %parallel_loop3A_418 : vector<16xf32>
          %parallel_loop3A_427 = arith.constant 0 : i32
          %parallel_loop3A_428 = arith.constant 0 : i32
          %parallel_loop3A_429 = tpu.memref_slice %arg11[%parallel_loop3A_381, %parallel_loop3A_427, %parallel_loop3A_428] : memref<2x128x32xf32, #tpu.memory_space<vmem>> -> memref<1x128x32xf32, #tpu.memory_space<vmem>>
          %parallel_loop3A_430 = tpu.memref_squeeze %parallel_loop3A_429 : memref<1x128x32xf32, #tpu.memory_space<vmem>> -> memref<128x32xf32, #tpu.memory_space<vmem>>
          %parallel_loop3A_431 = arith.index_cast %parallel_loop3A_397 : i32 to index
          %parallel_loop3A_432 = arith.constant 0 : index
          %parallel_loop3A_433 = tpu.vector_load %parallel_loop3A_430[%parallel_loop3A_431, %parallel_loop3A_432] {strides = array<i32>} : memref<128x32xf32, #tpu.memory_space<vmem>>, vector<16xf32>,
          tpu.vector_store %parallel_loop3A_430[%parallel_loop3A_431, %parallel_loop3A_432], %parallel_loop3A_426 {strides = array<i32>} : memref<128x32xf32, #tpu.memory_space<vmem>>, vector<16xf32>,
          %parallel_loop3A_434 = arith.constant 0 : i32
          %parallel_loop3A_435 = arith.constant 0 : i32
          %parallel_loop3A_436 = tpu.memref_slice %arg11[%parallel_loop3A_381, %parallel_loop3A_434, %parallel_loop3A_435] : memref<2x128x32xf32, #tpu.memory_space<vmem>> -> memref<1x128x32xf32, #tpu.memory_space<vmem>>
          %parallel_loop3A_437 = tpu.memref_squeeze %parallel_loop3A_436 : memref<1x128x32xf32, #tpu.memory_space<vmem>> -> memref<128x32xf32, #tpu.memory_space<vmem>>
          %parallel_loop3A_438 = arith.index_cast %parallel_loop3A_397 : i32 to index
          %parallel_loop3A_439 = arith.constant 16 : index
          %parallel_loop3A_440 = tpu.vector_load %parallel_loop3A_437[%parallel_loop3A_438, %parallel_loop3A_439] {strides = array<i32>} : memref<128x32xf32, #tpu.memory_space<vmem>>, vector<16xf32>,
          tpu.vector_store %parallel_loop3A_437[%parallel_loop3A_438, %parallel_loop3A_439], %parallel_loop3A_425 {strides = array<i32>} : memref<128x32xf32, #tpu.memory_space<vmem>>, vector<16xf32>,
        } {sc.loop_unroll_factor = 16 : i64, sc.parallel_access}
        %dma_start3A_382 = arith.constant 1 : i32
        %dma_start3A_383 = arith.constant 0 : i32
        %dma_start3A_384 = arith.constant 0 : i32
        %dma_start3A_385 = tpu.memref_slice %arg11[%dma_start3A_382, %dma_start3A_383, %dma_start3A_384] : memref<2x128x32xf32, #tpu.memory_space<vmem>> -> memref<1x128x32xf32, #tpu.memory_space<vmem>>
        %dma_start3A_386 = tpu.memref_squeeze %dma_start3A_385 : memref<1x128x32xf32, #tpu.memory_space<vmem>> -> memref<128x32xf32, #tpu.memory_space<vmem>>
        %dma_start3A_387 = arith.constant 0 : i32
        %dma_start3A_388 = arith.constant 0 : i32
        %dma_start3A_389 = tpu.memref_slice %arg8[%scan3A_152, %dma_start3A_387, %dma_start3A_388] : memref<2x10x128xi32, #tpu.memory_space<vmem>> -> memref<1x10x128xi32, #tpu.memory_space<vmem>>
        %dma_start3A_390 = tpu.memref_squeeze %dma_start3A_389 : memref<1x10x128xi32, #tpu.memory_space<vmem>> -> memref<10x128xi32, #tpu.memory_space<vmem>>
        %dma_start3A_391 = arith.constant 0 : i32
        %dma_start3A_392 = tpu.memref_slice %dma_start3A_390[%add3A_331, %dma_start3A_391] : memref<10x128xi32, #tpu.memory_space<vmem>> -> memref<1x128xi32, #tpu.memory_space<vmem>>
        %dma_start3A_393 = tpu.memref_squeeze %dma_start3A_392 : memref<1x128xi32, #tpu.memory_space<vmem>> -> memref<128xi32, #tpu.memory_space<vmem>>
        %dma_start3A_394 = arith.constant 0 : i32
        %dma_start3A_395 = arith.constant 0 : i32
        %dma_start3A_396 = tpu.memref_slice %arg12[%dma_start3A_394, %dma_start3A_395] : memref<50048x32xf32, #tpu.memory_space<vmem_shared>> -> memref<50048x32xf32, #tpu.memory_space<vmem_shared>>
        tpu.enqueue_indirect_dma source(%dma_start3A_386 : memref<128x32xf32, #tpu.memory_space<vmem>>) target(%dma_start3A_396 : memref<50048x32xf32, #tpu.memory_space<vmem_shared>>) offsets(%dma_start3A_393 : memref<128xi32, #tpu.memory_space<vmem>>) semaphore(%arg18 : memref<!tpu.dma_semaphore, #tpu.memory_space<semaphore_mem>>) {add = true}
      }
      %scan3A_157 = arith.constant 5 : i32
      %add3A_158 = arith.constant 1 : i32
      %add3A_159 = arith.addi %add3A_90, %add3A_158 : i32
      %dma_wait3A_160 = arith.constant 1 : i32
      %dma_wait3A_161 = arith.constant 0 : i32
      %dma_wait3A_162 = arith.constant 0 : i32
      %dma_wait3A_163 = tpu.memref_slice %arg7[%dma_wait3A_160, %dma_wait3A_161, %dma_wait3A_162] : memref<2x10x128xi32, #tpu.memory_space<vmem>> -> memref<1x10x128xi32, #tpu.memory_space<vmem>>
      %dma_wait3A_164 = tpu.memref_squeeze %dma_wait3A_163 : memref<1x10x128xi32, #tpu.memory_space<vmem>> -> memref<10x128xi32, #tpu.memory_space<vmem>>
      %dma_wait3A_165 = arith.constant 0 : i32
      %dma_wait3A_166 = tpu.memref_slice %arg4[%mul3A_25, %dma_wait3A_165] : memref<12800x128xi32, #tpu.memory_space<hbm>> -> memref<10x128xi32, #tpu.memory_space<hbm>>
      %dma_wait3A_167 = arith.constant 0 : i32
      %dma_wait3A_168 = arith.constant 0 : i32
      %dma_wait3A_169 = tpu.memref_slice %arg7[%dma_wait3A_160, %dma_wait3A_167, %dma_wait3A_168] : memref<2x10x128xi32, #tpu.memory_space<vmem>> -> memref<1x10x128xi32, #tpu.memory_space<vmem>>
      %dma_wait3A_170 = tpu.memref_squeeze %dma_wait3A_169 : memref<1x10x128xi32, #tpu.memory_space<vmem>> -> memref<10x128xi32, #tpu.memory_space<vmem>>
      %dma_wait3A_171 = arith.constant 0 : i32
      %dma_wait3A_172 = tpu.memref_slice %arg4[%mul3A_25, %dma_wait3A_171] : memref<12800x128xi32, #tpu.memory_space<hbm>> -> memref<10x128xi32, #tpu.memory_space<hbm>>
      tpu.wait_dma2 semaphore(%arg14 : memref<!tpu.dma_semaphore, #tpu.memory_space<semaphore_mem>>) src(%dma_wait3A_172 : memref<10x128xi32, #tpu.memory_space<hbm>>) dst(%dma_wait3A_170 : memref<10x128xi32, #tpu.memory_space<vmem>>)
      %dma_wait3A_173 = arith.constant 1 : i32
      %dma_wait3A_174 = arith.constant 0 : i32
      %dma_wait3A_175 = arith.constant 0 : i32
      %dma_wait3A_176 = tpu.memref_slice %arg8[%dma_wait3A_173, %dma_wait3A_174, %dma_wait3A_175] : memref<2x10x128xi32, #tpu.memory_space<vmem>> -> memref<1x10x128xi32, #tpu.memory_space<vmem>>
      %dma_wait3A_177 = tpu.memref_squeeze %dma_wait3A_176 : memref<1x10x128xi32, #tpu.memory_space<vmem>> -> memref<10x128xi32, #tpu.memory_space<vmem>>
      %dma_wait3A_178 = arith.constant 0 : i32
      %dma_wait3A_179 = tpu.memref_slice %arg5[%mul3A_25, %dma_wait3A_178] : memref<12800x128xi32, #tpu.memory_space<hbm>> -> memref<10x128xi32, #tpu.memory_space<hbm>>
      %dma_wait3A_180 = arith.constant 0 : i32
      %dma_wait3A_181 = arith.constant 0 : i32
      %dma_wait3A_182 = tpu.memref_slice %arg8[%dma_wait3A_173, %dma_wait3A_180, %dma_wait3A_181] : memref<2x10x128xi32, #tpu.memory_space<vmem>> -> memref<1x10x128xi32, #tpu.memory_space<vmem>>
      %dma_wait3A_183 = tpu.memref_squeeze %dma_wait3A_182 : memref<1x10x128xi32, #tpu.memory_space<vmem>> -> memref<10x128xi32, #tpu.memory_space<vmem>>
      %dma_wait3A_184 = arith.constant 0 : i32
      %dma_wait3A_185 = tpu.memref_slice %arg5[%mul3A_25, %dma_wait3A_184] : memref<12800x128xi32, #tpu.memory_space<hbm>> -> memref<10x128xi32, #tpu.memory_space<hbm>>
      tpu.wait_dma2 semaphore(%arg14 : memref<!tpu.dma_semaphore, #tpu.memory_space<semaphore_mem>>) src(%dma_wait3A_185 : memref<10x128xi32, #tpu.memory_space<hbm>>) dst(%dma_wait3A_183 : memref<10x128xi32, #tpu.memory_space<vmem>>)
      %dma_start3A_186 = arith.constant 1 : i32
      %dma_start3A_187 = arith.constant 0 : i32
      %dma_start3A_188 = arith.constant 0 : i32
      %dma_start3A_189 = arith.constant 0 : i32
      %dma_start3A_190 = arith.constant 0 : i32
      %dma_start3A_191 = tpu.memref_slice %arg9[%dma_start3A_188, %dma_start3A_189, %dma_start3A_190] : memref<2x128x32xf32, #tpu.memory_space<vmem>> -> memref<1x128x32xf32, #tpu.memory_space<vmem>>
      %dma_start3A_192 = tpu.memref_squeeze %dma_start3A_191 : memref<1x128x32xf32, #tpu.memory_space<vmem>> -> memref<128x32xf32, #tpu.memory_space<vmem>>
      %dma_start3A_193 = arith.constant 0 : i32
      %dma_start3A_194 = arith.constant 0 : i32
      %dma_start3A_195 = tpu.memref_slice %arg7[%dma_start3A_186, %dma_start3A_193, %dma_start3A_194] : memref<2x10x128xi32, #tpu.memory_space<vmem>> -> memref<1x10x128xi32, #tpu.memory_space<vmem>>
      %dma_start3A_196 = tpu.memref_squeeze %dma_start3A_195 : memref<1x10x128xi32, #tpu.memory_space<vmem>> -> memref<10x128xi32, #tpu.memory_space<vmem>>
      %dma_start3A_197 = arith.constant 0 : i32
      %dma_start3A_198 = tpu.memref_slice %dma_start3A_196[%dma_start3A_187, %dma_start3A_197] : memref<10x128xi32, #tpu.memory_space<vmem>> -> memref<1x128xi32, #tpu.memory_space<vmem>>
      %dma_start3A_199 = tpu.memref_squeeze %dma_start3A_198 : memref<1x128xi32, #tpu.memory_space<vmem>> -> memref<128xi32, #tpu.memory_space<vmem>>
      %dma_start3A_200 = arith.constant 0 : i32
      %dma_start3A_201 = arith.constant 0 : i32
      %dma_start3A_202 = tpu.memref_slice %arg2[%dma_start3A_200, %dma_start3A_201] : memref<50048x32xf32, #tpu.memory_space<hbm>> -> memref<50048x32xf32, #tpu.memory_space<hbm>>
      tpu.enqueue_indirect_dma source(%dma_start3A_202 : memref<50048x32xf32, #tpu.memory_space<hbm>>) target(%dma_start3A_192 : memref<128x32xf32, #tpu.memory_space<vmem>>) offsets(%dma_start3A_199 : memref<128xi32, #tpu.memory_space<vmem>>) semaphore(%arg15 : memref<!tpu.dma_semaphore, #tpu.memory_space<semaphore_mem>>)
      %dma_start3A_203 = arith.constant 1 : i32
      %dma_start3A_204 = arith.constant 0 : i32
      %dma_start3A_205 = arith.constant 0 : i32
      %dma_start3A_206 = arith.constant 0 : i32
      %dma_start3A_207 = arith.constant 0 : i32
      %dma_start3A_208 = tpu.memref_slice %arg10[%dma_start3A_205, %dma_start3A_206, %dma_start3A_207] : memref<2x128x16xf32, #tpu.memory_space<vmem>> -> memref<1x128x16xf32, #tpu.memory_space<vmem>>
      %dma_start3A_209 = tpu.memref_squeeze %dma_start3A_208 : memref<1x128x16xf32, #tpu.memory_space<vmem>> -> memref<128x16xf32, #tpu.memory_space<vmem>>
      %dma_start3A_210 = arith.constant 0 : i32
      %dma_start3A_211 = arith.constant 0 : i32
      %dma_start3A_212 = tpu.memref_slice %arg8[%dma_start3A_203, %dma_start3A_210, %dma_start3A_211] : memref<2x10x128xi32, #tpu.memory_space<vmem>> -> memref<1x10x128xi32, #tpu.memory_space<vmem>>
      %dma_start3A_213 = tpu.memref_squeeze %dma_start3A_212 : memref<1x10x128xi32, #tpu.memory_space<vmem>> -> memref<10x128xi32, #tpu.memory_space<vmem>>
      %dma_start3A_214 = arith.constant 0 : i32
      %dma_start3A_215 = tpu.memref_slice %dma_start3A_213[%dma_start3A_204, %dma_start3A_214] : memref<10x128xi32, #tpu.memory_space<vmem>> -> memref<1x128xi32, #tpu.memory_space<vmem>>
      %dma_start3A_216 = tpu.memref_squeeze %dma_start3A_215 : memref<1x128xi32, #tpu.memory_space<vmem>> -> memref<128xi32, #tpu.memory_space<vmem>>
      %dma_start3A_217 = arith.constant 0 : i32
      %dma_start3A_218 = arith.constant 0 : i32
      %dma_start3A_219 = tpu.memref_slice %arg3[%dma_start3A_217, %dma_start3A_218] : memref<50048x16xf32, #tpu.memory_space<hbm>> -> memref<50048x16xf32, #tpu.memory_space<hbm>>
      tpu.enqueue_indirect_dma source(%dma_start3A_219 : memref<50048x16xf32, #tpu.memory_space<hbm>>) target(%dma_start3A_209 : memref<128x16xf32, #tpu.memory_space<vmem>>) offsets(%dma_start3A_216 : memref<128xi32, #tpu.memory_space<vmem>>) semaphore(%arg15 : memref<!tpu.dma_semaphore, #tpu.memory_space<semaphore_mem>>)
      %scan3A_220 = arith.constant 1 : i32
      %scan3A_221 = arith.constant 1 : i32
      %scan3A_222 = arith.constant 0 : i32
      %scan3A_223 = arith.constant 5 : i32
      %scan3A_224 = arith.addi %scan3A_222, %scan3A_223 : i32
      %scan3A_225 = arith.constant 1 : i32
      scf.for %scan3A_227 = %scan3A_222 to %scan3A_224 step %scan3A_225  : i32 {
        %mul3A_228 = arith.constant 2 : i32
        %mul3A_229 = arith.muli %scan3A_227, %mul3A_228 : i32
        %add3A_230 = arith.constant 0 : i32
        %add3A_231 = arith.addi %add3A_230, %mul3A_229 : i32
        %add3A_232 = arith.constant 0 : i32
        %add3A_233 = arith.addi %add3A_231, %add3A_232 : i32
        %add3A_234 = arith.constant 1 : i32
        %add3A_235 = arith.addi %add3A_233, %add3A_234 : i32
        %dma_start3A_236 = arith.constant 1 : i32
        %dma_start3A_237 = arith.constant 0 : i32
        %dma_start3A_238 = arith.constant 0 : i32
        %dma_start3A_239 = tpu.memref_slice %arg9[%dma_start3A_236, %dma_start3A_237, %dma_start3A_238] : memref<2x128x32xf32, #tpu.memory_space<vmem>> -> memref<1x128x32xf32, #tpu.memory_space<vmem>>
        %dma_start3A_240 = tpu.memref_squeeze %dma_start3A_239 : memref<1x128x32xf32, #tpu.memory_space<vmem>> -> memref<128x32xf32, #tpu.memory_space<vmem>>
        %dma_start3A_241 = arith.constant 0 : i32
        %dma_start3A_242 = arith.constant 0 : i32
        %dma_start3A_243 = tpu.memref_slice %arg7[%scan3A_220, %dma_start3A_241, %dma_start3A_242] : memref<2x10x128xi32, #tpu.memory_space<vmem>> -> memref<1x10x128xi32, #tpu.memory_space<vmem>>
        %dma_start3A_244 = tpu.memref_squeeze %dma_start3A_243 : memref<1x10x128xi32, #tpu.memory_space<vmem>> -> memref<10x128xi32, #tpu.memory_space<vmem>>
        %dma_start3A_245 = arith.constant 0 : i32
        %dma_start3A_246 = tpu.memref_slice %dma_start3A_244[%add3A_235, %dma_start3A_245] : memref<10x128xi32, #tpu.memory_space<vmem>> -> memref<1x128xi32, #tpu.memory_space<vmem>>
        %dma_start3A_247 = tpu.memref_squeeze %dma_start3A_246 : memref<1x128xi32, #tpu.memory_space<vmem>> -> memref<128xi32, #tpu.memory_space<vmem>>
        %dma_start3A_248 = arith.constant 0 : i32
        %dma_start3A_249 = arith.constant 0 : i32
        %dma_start3A_250 = tpu.memref_slice %arg2[%dma_start3A_248, %dma_start3A_249] : memref<50048x32xf32, #tpu.memory_space<hbm>> -> memref<50048x32xf32, #tpu.memory_space<hbm>>
        tpu.enqueue_indirect_dma source(%dma_start3A_250 : memref<50048x32xf32, #tpu.memory_space<hbm>>) target(%dma_start3A_240 : memref<128x32xf32, #tpu.memory_space<vmem>>) offsets(%dma_start3A_247 : memref<128xi32, #tpu.memory_space<vmem>>) semaphore(%arg16 : memref<!tpu.dma_semaphore, #tpu.memory_space<semaphore_mem>>)
        %add3A_251 = arith.constant 1 : i32
        %add3A_252 = arith.addi %add3A_233, %add3A_251 : i32
        %dma_start3A_253 = arith.constant 1 : i32
        %dma_start3A_254 = arith.constant 0 : i32
        %dma_start3A_255 = arith.constant 0 : i32
        %dma_start3A_256 = tpu.memref_slice %arg10[%dma_start3A_253, %dma_start3A_254, %dma_start3A_255] : memref<2x128x16xf32, #tpu.memory_space<vmem>> -> memref<1x128x16xf32, #tpu.memory_space<vmem>>
        %dma_start3A_257 = tpu.memref_squeeze %dma_start3A_256 : memref<1x128x16xf32, #tpu.memory_space<vmem>> -> memref<128x16xf32, #tpu.memory_space<vmem>>
        %dma_start3A_258 = arith.constant 0 : i32
        %dma_start3A_259 = arith.constant 0 : i32
        %dma_start3A_260 = tpu.memref_slice %arg8[%scan3A_221, %dma_start3A_258, %dma_start3A_259] : memref<2x10x128xi32, #tpu.memory_space<vmem>> -> memref<1x10x128xi32, #tpu.memory_space<vmem>>
        %dma_start3A_261 = tpu.memref_squeeze %dma_start3A_260 : memref<1x10x128xi32, #tpu.memory_space<vmem>> -> memref<10x128xi32, #tpu.memory_space<vmem>>
        %dma_start3A_262 = arith.constant 0 : i32
        %dma_start3A_263 = tpu.memref_slice %dma_start3A_261[%add3A_252, %dma_start3A_262] : memref<10x128xi32, #tpu.memory_space<vmem>> -> memref<1x128xi32, #tpu.memory_space<vmem>>
        %dma_start3A_264 = tpu.memref_squeeze %dma_start3A_263 : memref<1x128xi32, #tpu.memory_space<vmem>> -> memref<128xi32, #tpu.memory_space<vmem>>
        %dma_start3A_265 = arith.constant 0 : i32
        %dma_start3A_266 = arith.constant 0 : i32
        %dma_start3A_267 = tpu.memref_slice %arg3[%dma_start3A_265, %dma_start3A_266] : memref<50048x16xf32, #tpu.memory_space<hbm>> -> memref<50048x16xf32, #tpu.memory_space<hbm>>
        tpu.enqueue_indirect_dma source(%dma_start3A_267 : memref<50048x16xf32, #tpu.memory_space<hbm>>) target(%dma_start3A_257 : memref<128x16xf32, #tpu.memory_space<vmem>>) offsets(%dma_start3A_264 : memref<128xi32, #tpu.memory_space<vmem>>) semaphore(%arg16 : memref<!tpu.dma_semaphore, #tpu.memory_space<semaphore_mem>>)
        %eq3A = arith.constant 2 : i32
        %eq3A_268 = arith.cmpi eq, %add3A_231, %eq3A : i32
        %lt3A_269 = arith.constant 39 : i32
        %lt3A_270 = arith.cmpi slt, %add3A_159, %lt3A_269 : i32
        %and3A = arith.andi %eq3A_268, %lt3A_270 : i1
        %convert_element_type3A = arith.extui %and3A : i1 to i32
        %cond3A = arith.constant 0 : i32
        %cond3A_271 = arith.cmpi ne, %convert_element_type3A, %cond3A : i32
        scf.if %cond3A_271 {
          %add3A_397 = arith.constant 1 : i32
          %add3A_398 = arith.addi %add3A_159, %add3A_397 : i32
          %mul3A_399 = arith.constant 10 : i32
          %mul3A_400 = arith.muli %add3A_398, %mul3A_399 : i32
          %add3A_401 = arith.addi %mul3A_25, %mul3A_400 : i32
          %dma_start3A_402 = arith.constant 0 : i32
          %dma_start3A_403 = arith.constant 0 : i32
          %dma_start3A_404 = arith.constant 0 : i32
          %dma_start3A_405 = tpu.memref_slice %arg7[%dma_start3A_402, %dma_start3A_403, %dma_start3A_404] : memref<2x10x128xi32, #tpu.memory_space<vmem>> -> memref<1x10x128xi32, #tpu.memory_space<vmem>>
          %dma_start3A_406 = tpu.memref_squeeze %dma_start3A_405 : memref<1x10x128xi32, #tpu.memory_space<vmem>> -> memref<10x128xi32, #tpu.memory_space<vmem>>
          %dma_start3A_407 = arith.constant 0 : i32
          %dma_start3A_408 = tpu.memref_slice %arg4[%add3A_401, %dma_start3A_407] : memref<12800x128xi32, #tpu.memory_space<hbm>> -> memref<10x128xi32, #tpu.memory_space<hbm>>
          %dma_start3A_409 = arith.constant 0 : i32
          %dma_start3A_410 = arith.constant 0 : i32
          %dma_start3A_411 = tpu.memref_slice %arg7[%dma_start3A_402, %dma_start3A_409, %dma_start3A_410] : memref<2x10x128xi32, #tpu.memory_space<vmem>> -> memref<1x10x128xi32, #tpu.memory_space<vmem>>
          %dma_start3A_412 = tpu.memref_squeeze %dma_start3A_411 : memref<1x10x128xi32, #tpu.memory_space<vmem>> -> memref<10x128xi32, #tpu.memory_space<vmem>>
          %dma_start3A_413 = arith.constant 0 : i32
          %dma_start3A_414 = tpu.memref_slice %arg4[%add3A_401, %dma_start3A_413] : memref<12800x128xi32, #tpu.memory_space<hbm>> -> memref<10x128xi32, #tpu.memory_space<hbm>>
          tpu.enqueue_dma source(%dma_start3A_414 : memref<10x128xi32, #tpu.memory_space<hbm>>) target(%dma_start3A_412 : memref<10x128xi32, #tpu.memory_space<vmem>>) target_semaphore(%arg13 : memref<!tpu.dma_semaphore, #tpu.memory_space<semaphore_mem>>)
          %dma_start3A_415 = arith.constant 0 : i32
          %dma_start3A_416 = arith.constant 0 : i32
          %dma_start3A_417 = arith.constant 0 : i32
          %dma_start3A_418 = tpu.memref_slice %arg8[%dma_start3A_415, %dma_start3A_416, %dma_start3A_417] : memref<2x10x128xi32, #tpu.memory_space<vmem>> -> memref<1x10x128xi32, #tpu.memory_space<vmem>>
          %dma_start3A_419 = tpu.memref_squeeze %dma_start3A_418 : memref<1x10x128xi32, #tpu.memory_space<vmem>> -> memref<10x128xi32, #tpu.memory_space<vmem>>
          %dma_start3A_420 = arith.constant 0 : i32
          %dma_start3A_421 = tpu.memref_slice %arg5[%add3A_401, %dma_start3A_420] : memref<12800x128xi32, #tpu.memory_space<hbm>> -> memref<10x128xi32, #tpu.memory_space<hbm>>
          %dma_start3A_422 = arith.constant 0 : i32
          %dma_start3A_423 = arith.constant 0 : i32
          %dma_start3A_424 = tpu.memref_slice %arg8[%dma_start3A_415, %dma_start3A_422, %dma_start3A_423] : memref<2x10x128xi32, #tpu.memory_space<vmem>> -> memref<1x10x128xi32, #tpu.memory_space<vmem>>
          %dma_start3A_425 = tpu.memref_squeeze %dma_start3A_424 : memref<1x10x128xi32, #tpu.memory_space<vmem>> -> memref<10x128xi32, #tpu.memory_space<vmem>>
          %dma_start3A_426 = arith.constant 0 : i32
          %dma_start3A_427 = tpu.memref_slice %arg5[%add3A_401, %dma_start3A_426] : memref<12800x128xi32, #tpu.memory_space<hbm>> -> memref<10x128xi32, #tpu.memory_space<hbm>>
          tpu.enqueue_dma source(%dma_start3A_427 : memref<10x128xi32, #tpu.memory_space<hbm>>) target(%dma_start3A_425 : memref<10x128xi32, #tpu.memory_space<vmem>>) target_semaphore(%arg13 : memref<!tpu.dma_semaphore, #tpu.memory_space<semaphore_mem>>)
        } else {
        }
        %dma_wait3A_272 = arith.constant 0 : i32
        %dma_wait3A_273 = arith.constant 0 : i32
        %dma_wait3A_274 = arith.constant 0 : i32
        %dma_wait3A_275 = tpu.memref_slice %arg9[%dma_wait3A_272, %dma_wait3A_273, %dma_wait3A_274] : memref<2x128x32xf32, #tpu.memory_space<vmem>> -> memref<1x128x32xf32, #tpu.memory_space<vmem>>
        %dma_wait3A_276 = tpu.memref_squeeze %dma_wait3A_275 : memref<1x128x32xf32, #tpu.memory_space<vmem>> -> memref<128x32xf32, #tpu.memory_space<vmem>>
        %dma_wait3A_277 = arith.constant 0 : i32
        %dma_wait3A_278 = arith.constant 0 : i32
        %dma_wait3A_279 = tpu.memref_slice %arg7[%scan3A_220, %dma_wait3A_277, %dma_wait3A_278] : memref<2x10x128xi32, #tpu.memory_space<vmem>> -> memref<1x10x128xi32, #tpu.memory_space<vmem>>
        %dma_wait3A_280 = tpu.memref_squeeze %dma_wait3A_279 : memref<1x10x128xi32, #tpu.memory_space<vmem>> -> memref<10x128xi32, #tpu.memory_space<vmem>>
        %dma_wait3A_281 = arith.constant 0 : i32
        %dma_wait3A_282 = tpu.memref_slice %dma_wait3A_280[%add3A_233, %dma_wait3A_281] : memref<10x128xi32, #tpu.memory_space<vmem>> -> memref<1x128xi32, #tpu.memory_space<vmem>>
        %dma_wait3A_283 = tpu.memref_squeeze %dma_wait3A_282 : memref<1x128xi32, #tpu.memory_space<vmem>> -> memref<128xi32, #tpu.memory_space<vmem>>
        %dma_wait3A_284 = arith.constant 0 : i32
        %dma_wait3A_285 = arith.constant 0 : i32
        %dma_wait3A_286 = tpu.memref_slice %arg2[%dma_wait3A_284, %dma_wait3A_285] : memref<50048x32xf32, #tpu.memory_space<hbm>> -> memref<50048x32xf32, #tpu.memory_space<hbm>>
        tpu.wait_indirect_dma semaphore(%arg15 : memref<!tpu.dma_semaphore, #tpu.memory_space<semaphore_mem>>) src(%dma_wait3A_286 : memref<50048x32xf32, #tpu.memory_space<hbm>>) dst(%dma_wait3A_276 : memref<128x32xf32, #tpu.memory_space<vmem>>)
        %dma_wait3A_287 = arith.constant 0 : i32
        %dma_wait3A_288 = arith.constant 0 : i32
        %dma_wait3A_289 = arith.constant 0 : i32
        %dma_wait3A_290 = tpu.memref_slice %arg10[%dma_wait3A_287, %dma_wait3A_288, %dma_wait3A_289] : memref<2x128x16xf32, #tpu.memory_space<vmem>> -> memref<1x128x16xf32, #tpu.memory_space<vmem>>
        %dma_wait3A_291 = tpu.memref_squeeze %dma_wait3A_290 : memref<1x128x16xf32, #tpu.memory_space<vmem>> -> memref<128x16xf32, #tpu.memory_space<vmem>>
        %dma_wait3A_292 = arith.constant 0 : i32
        %dma_wait3A_293 = arith.constant 0 : i32
        %dma_wait3A_294 = tpu.memref_slice %arg8[%scan3A_221, %dma_wait3A_292, %dma_wait3A_293] : memref<2x10x128xi32, #tpu.memory_space<vmem>> -> memref<1x10x128xi32, #tpu.memory_space<vmem>>
        %dma_wait3A_295 = tpu.memref_squeeze %dma_wait3A_294 : memref<1x10x128xi32, #tpu.memory_space<vmem>> -> memref<10x128xi32, #tpu.memory_space<vmem>>
        %dma_wait3A_296 = arith.constant 0 : i32
        %dma_wait3A_297 = tpu.memref_slice %dma_wait3A_295[%add3A_233, %dma_wait3A_296] : memref<10x128xi32, #tpu.memory_space<vmem>> -> memref<1x128xi32, #tpu.memory_space<vmem>>
        %dma_wait3A_298 = tpu.memref_squeeze %dma_wait3A_297 : memref<1x128xi32, #tpu.memory_space<vmem>> -> memref<128xi32, #tpu.memory_space<vmem>>
        %dma_wait3A_299 = arith.constant 0 : i32
        %dma_wait3A_300 = arith.constant 0 : i32
        %dma_wait3A_301 = tpu.memref_slice %arg3[%dma_wait3A_299, %dma_wait3A_300] : memref<50048x16xf32, #tpu.memory_space<hbm>> -> memref<50048x16xf32, #tpu.memory_space<hbm>>
        tpu.wait_indirect_dma semaphore(%arg15 : memref<!tpu.dma_semaphore, #tpu.memory_space<semaphore_mem>>) src(%dma_wait3A_301 : memref<50048x16xf32, #tpu.memory_space<hbm>>) dst(%dma_wait3A_291 : memref<128x16xf32, #tpu.memory_space<vmem>>)
        %mul3A_302 = arith.constant 10 : i32
        %mul3A_303 = arith.muli %add3A_159, %mul3A_302 : i32
        %add3A_304 = arith.addi %mul3A_303, %add3A_233 : i32
        %ge3A = arith.constant 2 : i32
        %ge3A_305 = arith.cmpi sge, %add3A_304, %ge3A : i32
        %convert_element_type3A_306 = arith.extui %ge3A_305 : i1 to i32
        %cond3A_307 = arith.constant 0 : i32
        %cond3A_308 = arith.constant 0 : i32
        %cond3A_309 = arith.cmpi ne, %convert_element_type3A_306, %cond3A_308 : i32
        scf.if %cond3A_309 {
          %dma_wait3A_397 = arith.constant 0 : i32
          %dma_wait3A_398 = arith.constant 0 : i32
          %dma_wait3A_399 = arith.constant 0 : i32
          %dma_wait3A_400 = tpu.memref_slice %arg11[%cond3A_307, %dma_wait3A_398, %dma_wait3A_399] : memref<2x128x32xf32, #tpu.memory_space<vmem>> -> memref<1x128x32xf32, #tpu.memory_space<vmem>>
          %dma_wait3A_401 = tpu.memref_squeeze %dma_wait3A_400 : memref<1x128x32xf32, #tpu.memory_space<vmem>> -> memref<128x32xf32, #tpu.memory_space<vmem>>
          %dma_wait3A_402 = arith.constant 0 : i32
          %dma_wait3A_403 = arith.constant 0 : i32
          %dma_wait3A_404 = tpu.memref_slice %arg8[%scan3A_221, %dma_wait3A_402, %dma_wait3A_403] : memref<2x10x128xi32, #tpu.memory_space<vmem>> -> memref<1x10x128xi32, #tpu.memory_space<vmem>>
          %dma_wait3A_405 = tpu.memref_squeeze %dma_wait3A_404 : memref<1x10x128xi32, #tpu.memory_space<vmem>> -> memref<10x128xi32, #tpu.memory_space<vmem>>
          %dma_wait3A_406 = arith.constant 0 : i32
          %dma_wait3A_407 = tpu.memref_slice %dma_wait3A_405[%dma_wait3A_397, %dma_wait3A_406] : memref<10x128xi32, #tpu.memory_space<vmem>> -> memref<1x128xi32, #tpu.memory_space<vmem>>
          %dma_wait3A_408 = tpu.memref_squeeze %dma_wait3A_407 : memref<1x128xi32, #tpu.memory_space<vmem>> -> memref<128xi32, #tpu.memory_space<vmem>>
          %dma_wait3A_409 = arith.constant 0 : i32
          %dma_wait3A_410 = arith.constant 0 : i32
          %dma_wait3A_411 = tpu.memref_slice %arg12[%dma_wait3A_409, %dma_wait3A_410] : memref<50048x32xf32, #tpu.memory_space<vmem_shared>> -> memref<50048x32xf32, #tpu.memory_space<vmem_shared>>
          tpu.wait_indirect_dma semaphore(%arg17 : memref<!tpu.dma_semaphore, #tpu.memory_space<semaphore_mem>>) src(%dma_wait3A_401 : memref<128x32xf32, #tpu.memory_space<vmem>>) dst(%dma_wait3A_411 : memref<50048x32xf32, #tpu.memory_space<vmem_shared>>)
        } else {
        }
        %parallel_loop3A = arith.constant 0 : i32
        %parallel_loop3A_310 = arith.constant 128 : i32
        %parallel_loop3A_311 = arith.constant 1 : i32
        %parallel_loop3A_312 = arith.constant 0 : i32
        %parallel_loop3A_313 = arith.constant 0 : i32
        %parallel_loop3A_314 = arith.constant 0 : i32
        scf.for %parallel_loop3A_397 = %parallel_loop3A to %parallel_loop3A_310 step %parallel_loop3A_311  : i32 {
          %parallel_loop3A_398 = arith.constant 0 : i32
          %parallel_loop3A_399 = arith.constant 0 : i32
          %parallel_loop3A_400 = tpu.memref_slice %arg9[%parallel_loop3A_312, %parallel_loop3A_398, %parallel_loop3A_399] : memref<2x128x32xf32, #tpu.memory_space<vmem>> -> memref<1x128x32xf32, #tpu.memory_space<vmem>>
          %parallel_loop3A_401 = tpu.memref_squeeze %parallel_loop3A_400 : memref<1x128x32xf32, #tpu.memory_space<vmem>> -> memref<128x32xf32, #tpu.memory_space<vmem>>
          %parallel_loop3A_402 = arith.index_cast %parallel_loop3A_397 : i32 to index
          %parallel_loop3A_403 = arith.constant 0 : index
          %parallel_loop3A_404 = tpu.vector_load %parallel_loop3A_401[%parallel_loop3A_402, %parallel_loop3A_403] {strides = array<i32>} : memref<128x32xf32, #tpu.memory_space<vmem>>, vector<16xf32>,
          %parallel_loop3A_405 = arith.constant 0 : i32
          %parallel_loop3A_406 = arith.constant 0 : i32
          %parallel_loop3A_407 = tpu.memref_slice %arg10[%parallel_loop3A_313, %parallel_loop3A_405, %parallel_loop3A_406] : memref<2x128x16xf32, #tpu.memory_space<vmem>> -> memref<1x128x16xf32, #tpu.memory_space<vmem>>
          %parallel_loop3A_408 = tpu.memref_squeeze %parallel_loop3A_407 : memref<1x128x16xf32, #tpu.memory_space<vmem>> -> memref<128x16xf32, #tpu.memory_space<vmem>>
          %parallel_loop3A_409 = arith.index_cast %parallel_loop3A_397 : i32 to index
          %parallel_loop3A_410 = arith.constant 0 : index
          %parallel_loop3A_411 = tpu.vector_load %parallel_loop3A_408[%parallel_loop3A_409, %parallel_loop3A_410] {strides = array<i32>} : memref<128x16xf32, #tpu.memory_space<vmem>>, vector<16xf32>,
          %parallel_loop3A_412 = arith.constant 0 : i32
          %parallel_loop3A_413 = arith.constant 0 : i32
          %parallel_loop3A_414 = tpu.memref_slice %arg9[%parallel_loop3A_312, %parallel_loop3A_412, %parallel_loop3A_413] : memref<2x128x32xf32, #tpu.memory_space<vmem>> -> memref<1x128x32xf32, #tpu.memory_space<vmem>>
          %parallel_loop3A_415 = tpu.memref_squeeze %parallel_loop3A_414 : memref<1x128x32xf32, #tpu.memory_space<vmem>> -> memref<128x32xf32, #tpu.memory_space<vmem>>
          %parallel_loop3A_416 = arith.index_cast %parallel_loop3A_397 : i32 to index
          %parallel_loop3A_417 = arith.constant 16 : index
          %parallel_loop3A_418 = tpu.vector_load %parallel_loop3A_415[%parallel_loop3A_416, %parallel_loop3A_417] {strides = array<i32>} : memref<128x32xf32, #tpu.memory_space<vmem>>, vector<16xf32>,
          %parallel_loop3A_419 = arith.mulf %parallel_loop3A_404, %parallel_loop3A_411 : vector<16xf32>
          %parallel_loop3A_420 = arith.constant true
          %parallel_loop3A_421 = vector.broadcast %parallel_loop3A_420 : i1 to vector<16xi1>
          %parallel_loop3A_422 = tpu.scan <sum>, %parallel_loop3A_419 masked %parallel_loop3A_421 : vector<16xf32>, vector<16xi1> -> vector<16xf32>
          %parallel_loop3A_423 = vector.extract %parallel_loop3A_422[15] : f32 from vector<16xf32>
          %parallel_loop3A_424 = vector.broadcast %parallel_loop3A_423 : f32 to vector<16xf32>
          %parallel_loop3A_425 = math.exp %parallel_loop3A_424 : vector<16xf32>
          %parallel_loop3A_426 = arith.mulf %parallel_loop3A_425, %parallel_loop3A_418 : vector<16xf32>
          %parallel_loop3A_427 = arith.constant 0 : i32
          %parallel_loop3A_428 = arith.constant 0 : i32
          %parallel_loop3A_429 = tpu.memref_slice %arg11[%parallel_loop3A_314, %parallel_loop3A_427, %parallel_loop3A_428] : memref<2x128x32xf32, #tpu.memory_space<vmem>> -> memref<1x128x32xf32, #tpu.memory_space<vmem>>
          %parallel_loop3A_430 = tpu.memref_squeeze %parallel_loop3A_429 : memref<1x128x32xf32, #tpu.memory_space<vmem>> -> memref<128x32xf32, #tpu.memory_space<vmem>>
          %parallel_loop3A_431 = arith.index_cast %parallel_loop3A_397 : i32 to index
          %parallel_loop3A_432 = arith.constant 0 : index
          %parallel_loop3A_433 = tpu.vector_load %parallel_loop3A_430[%parallel_loop3A_431, %parallel_loop3A_432] {strides = array<i32>} : memref<128x32xf32, #tpu.memory_space<vmem>>, vector<16xf32>,
          tpu.vector_store %parallel_loop3A_430[%parallel_loop3A_431, %parallel_loop3A_432], %parallel_loop3A_426 {strides = array<i32>} : memref<128x32xf32, #tpu.memory_space<vmem>>, vector<16xf32>,
          %parallel_loop3A_434 = arith.constant 0 : i32
          %parallel_loop3A_435 = arith.constant 0 : i32
          %parallel_loop3A_436 = tpu.memref_slice %arg11[%parallel_loop3A_314, %parallel_loop3A_434, %parallel_loop3A_435] : memref<2x128x32xf32, #tpu.memory_space<vmem>> -> memref<1x128x32xf32, #tpu.memory_space<vmem>>
          %parallel_loop3A_437 = tpu.memref_squeeze %parallel_loop3A_436 : memref<1x128x32xf32, #tpu.memory_space<vmem>> -> memref<128x32xf32, #tpu.memory_space<vmem>>
          %parallel_loop3A_438 = arith.index_cast %parallel_loop3A_397 : i32 to index
          %parallel_loop3A_439 = arith.constant 16 : index
          %parallel_loop3A_440 = tpu.vector_load %parallel_loop3A_437[%parallel_loop3A_438, %parallel_loop3A_439] {strides = array<i32>} : memref<128x32xf32, #tpu.memory_space<vmem>>, vector<16xf32>,
          tpu.vector_store %parallel_loop3A_437[%parallel_loop3A_438, %parallel_loop3A_439], %parallel_loop3A_425 {strides = array<i32>} : memref<128x32xf32, #tpu.memory_space<vmem>>, vector<16xf32>,
        } {sc.loop_unroll_factor = 16 : i64, sc.parallel_access}
        %dma_start3A_315 = arith.constant 0 : i32
        %dma_start3A_316 = arith.constant 0 : i32
        %dma_start3A_317 = arith.constant 0 : i32
        %dma_start3A_318 = tpu.memref_slice %arg11[%dma_start3A_315, %dma_start3A_316, %dma_start3A_317] : memref<2x128x32xf32, #tpu.memory_space<vmem>> -> memref<1x128x32xf32, #tpu.memory_space<vmem>>
        %dma_start3A_319 = tpu.memref_squeeze %dma_start3A_318 : memref<1x128x32xf32, #tpu.memory_space<vmem>> -> memref<128x32xf32, #tpu.memory_space<vmem>>
        %dma_start3A_320 = arith.constant 0 : i32
        %dma_start3A_321 = arith.constant 0 : i32
        %dma_start3A_322 = tpu.memref_slice %arg8[%scan3A_221, %dma_start3A_320, %dma_start3A_321] : memref<2x10x128xi32, #tpu.memory_space<vmem>> -> memref<1x10x128xi32, #tpu.memory_space<vmem>>
        %dma_start3A_323 = tpu.memref_squeeze %dma_start3A_322 : memref<1x10x128xi32, #tpu.memory_space<vmem>> -> memref<10x128xi32, #tpu.memory_space<vmem>>
        %dma_start3A_324 = arith.constant 0 : i32
        %dma_start3A_325 = tpu.memref_slice %dma_start3A_323[%add3A_233, %dma_start3A_324] : memref<10x128xi32, #tpu.memory_space<vmem>> -> memref<1x128xi32, #tpu.memory_space<vmem>>
        %dma_start3A_326 = tpu.memref_squeeze %dma_start3A_325 : memref<1x128xi32, #tpu.memory_space<vmem>> -> memref<128xi32, #tpu.memory_space<vmem>>
        %dma_start3A_327 = arith.constant 0 : i32
        %dma_start3A_328 = arith.constant 0 : i32
        %dma_start3A_329 = tpu.memref_slice %arg12[%dma_start3A_327, %dma_start3A_328] : memref<50048x32xf32, #tpu.memory_space<vmem_shared>> -> memref<50048x32xf32, #tpu.memory_space<vmem_shared>>
        tpu.enqueue_indirect_dma source(%dma_start3A_319 : memref<128x32xf32, #tpu.memory_space<vmem>>) target(%dma_start3A_329 : memref<50048x32xf32, #tpu.memory_space<vmem_shared>>) offsets(%dma_start3A_326 : memref<128xi32, #tpu.memory_space<vmem>>) semaphore(%arg17 : memref<!tpu.dma_semaphore, #tpu.memory_space<semaphore_mem>>) {add = true}
        %add3A_330 = arith.constant 1 : i32
        %add3A_331 = arith.addi %add3A_231, %add3A_330 : i32
        %lt3A_332 = arith.constant 8 : i32
        %lt3A_333 = arith.cmpi slt, %add3A_231, %lt3A_332 : i32
        %convert_element_type3A_334 = arith.extui %lt3A_333 : i1 to i32
        %cond3A_335 = arith.constant 0 : i32
        %cond3A_336 = arith.cmpi ne, %convert_element_type3A_334, %cond3A_335 : i32
        scf.if %cond3A_336 {
          %add3A_397 = arith.constant 1 : i32
          %add3A_398 = arith.addi %add3A_331, %add3A_397 : i32
          %dma_start3A_399 = arith.constant 0 : i32
          %dma_start3A_400 = arith.constant 0 : i32
          %dma_start3A_401 = arith.constant 0 : i32
          %dma_start3A_402 = tpu.memref_slice %arg9[%dma_start3A_399, %dma_start3A_400, %dma_start3A_401] : memref<2x128x32xf32, #tpu.memory_space<vmem>> -> memref<1x128x32xf32, #tpu.memory_space<vmem>>
          %dma_start3A_403 = tpu.memref_squeeze %dma_start3A_402 : memref<1x128x32xf32, #tpu.memory_space<vmem>> -> memref<128x32xf32, #tpu.memory_space<vmem>>
          %dma_start3A_404 = arith.constant 0 : i32
          %dma_start3A_405 = arith.constant 0 : i32
          %dma_start3A_406 = tpu.memref_slice %arg7[%scan3A_220, %dma_start3A_404, %dma_start3A_405] : memref<2x10x128xi32, #tpu.memory_space<vmem>> -> memref<1x10x128xi32, #tpu.memory_space<vmem>>
          %dma_start3A_407 = tpu.memref_squeeze %dma_start3A_406 : memref<1x10x128xi32, #tpu.memory_space<vmem>> -> memref<10x128xi32, #tpu.memory_space<vmem>>
          %dma_start3A_408 = arith.constant 0 : i32
          %dma_start3A_409 = tpu.memref_slice %dma_start3A_407[%add3A_398, %dma_start3A_408] : memref<10x128xi32, #tpu.memory_space<vmem>> -> memref<1x128xi32, #tpu.memory_space<vmem>>
          %dma_start3A_410 = tpu.memref_squeeze %dma_start3A_409 : memref<1x128xi32, #tpu.memory_space<vmem>> -> memref<128xi32, #tpu.memory_space<vmem>>
          %dma_start3A_411 = arith.constant 0 : i32
          %dma_start3A_412 = arith.constant 0 : i32
          %dma_start3A_413 = tpu.memref_slice %arg2[%dma_start3A_411, %dma_start3A_412] : memref<50048x32xf32, #tpu.memory_space<hbm>> -> memref<50048x32xf32, #tpu.memory_space<hbm>>
          tpu.enqueue_indirect_dma source(%dma_start3A_413 : memref<50048x32xf32, #tpu.memory_space<hbm>>) target(%dma_start3A_403 : memref<128x32xf32, #tpu.memory_space<vmem>>) offsets(%dma_start3A_410 : memref<128xi32, #tpu.memory_space<vmem>>) semaphore(%arg15 : memref<!tpu.dma_semaphore, #tpu.memory_space<semaphore_mem>>)
          %add3A_414 = arith.constant 1 : i32
          %add3A_415 = arith.addi %add3A_331, %add3A_414 : i32
          %dma_start3A_416 = arith.constant 0 : i32
          %dma_start3A_417 = arith.constant 0 : i32
          %dma_start3A_418 = arith.constant 0 : i32
          %dma_start3A_419 = tpu.memref_slice %arg10[%dma_start3A_416, %dma_start3A_417, %dma_start3A_418] : memref<2x128x16xf32, #tpu.memory_space<vmem>> -> memref<1x128x16xf32, #tpu.memory_space<vmem>>
          %dma_start3A_420 = tpu.memref_squeeze %dma_start3A_419 : memref<1x128x16xf32, #tpu.memory_space<vmem>> -> memref<128x16xf32, #tpu.memory_space<vmem>>
          %dma_start3A_421 = arith.constant 0 : i32
          %dma_start3A_422 = arith.constant 0 : i32
          %dma_start3A_423 = tpu.memref_slice %arg8[%scan3A_221, %dma_start3A_421, %dma_start3A_422] : memref<2x10x128xi32, #tpu.memory_space<vmem>> -> memref<1x10x128xi32, #tpu.memory_space<vmem>>
          %dma_start3A_424 = tpu.memref_squeeze %dma_start3A_423 : memref<1x10x128xi32, #tpu.memory_space<vmem>> -> memref<10x128xi32, #tpu.memory_space<vmem>>
          %dma_start3A_425 = arith.constant 0 : i32
          %dma_start3A_426 = tpu.memref_slice %dma_start3A_424[%add3A_415, %dma_start3A_425] : memref<10x128xi32, #tpu.memory_space<vmem>> -> memref<1x128xi32, #tpu.memory_space<vmem>>
          %dma_start3A_427 = tpu.memref_squeeze %dma_start3A_426 : memref<1x128xi32, #tpu.memory_space<vmem>> -> memref<128xi32, #tpu.memory_space<vmem>>
          %dma_start3A_428 = arith.constant 0 : i32
          %dma_start3A_429 = arith.constant 0 : i32
          %dma_start3A_430 = tpu.memref_slice %arg3[%dma_start3A_428, %dma_start3A_429] : memref<50048x16xf32, #tpu.memory_space<hbm>> -> memref<50048x16xf32, #tpu.memory_space<hbm>>
          tpu.enqueue_indirect_dma source(%dma_start3A_430 : memref<50048x16xf32, #tpu.memory_space<hbm>>) target(%dma_start3A_420 : memref<128x16xf32, #tpu.memory_space<vmem>>) offsets(%dma_start3A_427 : memref<128xi32, #tpu.memory_space<vmem>>) semaphore(%arg15 : memref<!tpu.dma_semaphore, #tpu.memory_space<semaphore_mem>>)
        } else {
        }
        %dma_wait3A_337 = arith.constant 1 : i32
        %dma_wait3A_338 = arith.constant 0 : i32
        %dma_wait3A_339 = arith.constant 0 : i32
        %dma_wait3A_340 = tpu.memref_slice %arg9[%dma_wait3A_337, %dma_wait3A_338, %dma_wait3A_339] : memref<2x128x32xf32, #tpu.memory_space<vmem>> -> memref<1x128x32xf32, #tpu.memory_space<vmem>>
        %dma_wait3A_341 = tpu.memref_squeeze %dma_wait3A_340 : memref<1x128x32xf32, #tpu.memory_space<vmem>> -> memref<128x32xf32, #tpu.memory_space<vmem>>
        %dma_wait3A_342 = arith.constant 0 : i32
        %dma_wait3A_343 = arith.constant 0 : i32
        %dma_wait3A_344 = tpu.memref_slice %arg7[%scan3A_220, %dma_wait3A_342, %dma_wait3A_343] : memref<2x10x128xi32, #tpu.memory_space<vmem>> -> memref<1x10x128xi32, #tpu.memory_space<vmem>>
        %dma_wait3A_345 = tpu.memref_squeeze %dma_wait3A_344 : memref<1x10x128xi32, #tpu.memory_space<vmem>> -> memref<10x128xi32, #tpu.memory_space<vmem>>
        %dma_wait3A_346 = arith.constant 0 : i32
        %dma_wait3A_347 = tpu.memref_slice %dma_wait3A_345[%add3A_331, %dma_wait3A_346] : memref<10x128xi32, #tpu.memory_space<vmem>> -> memref<1x128xi32, #tpu.memory_space<vmem>>
        %dma_wait3A_348 = tpu.memref_squeeze %dma_wait3A_347 : memref<1x128xi32, #tpu.memory_space<vmem>> -> memref<128xi32, #tpu.memory_space<vmem>>
        %dma_wait3A_349 = arith.constant 0 : i32
        %dma_wait3A_350 = arith.constant 0 : i32
        %dma_wait3A_351 = tpu.memref_slice %arg2[%dma_wait3A_349, %dma_wait3A_350] : memref<50048x32xf32, #tpu.memory_space<hbm>> -> memref<50048x32xf32, #tpu.memory_space<hbm>>
        tpu.wait_indirect_dma semaphore(%arg16 : memref<!tpu.dma_semaphore, #tpu.memory_space<semaphore_mem>>) src(%dma_wait3A_351 : memref<50048x32xf32, #tpu.memory_space<hbm>>) dst(%dma_wait3A_341 : memref<128x32xf32, #tpu.memory_space<vmem>>)
        %dma_wait3A_352 = arith.constant 1 : i32
        %dma_wait3A_353 = arith.constant 0 : i32
        %dma_wait3A_354 = arith.constant 0 : i32
        %dma_wait3A_355 = tpu.memref_slice %arg10[%dma_wait3A_352, %dma_wait3A_353, %dma_wait3A_354] : memref<2x128x16xf32, #tpu.memory_space<vmem>> -> memref<1x128x16xf32, #tpu.memory_space<vmem>>
        %dma_wait3A_356 = tpu.memref_squeeze %dma_wait3A_355 : memref<1x128x16xf32, #tpu.memory_space<vmem>> -> memref<128x16xf32, #tpu.memory_space<vmem>>
        %dma_wait3A_357 = arith.constant 0 : i32
        %dma_wait3A_358 = arith.constant 0 : i32
        %dma_wait3A_359 = tpu.memref_slice %arg8[%scan3A_221, %dma_wait3A_357, %dma_wait3A_358] : memref<2x10x128xi32, #tpu.memory_space<vmem>> -> memref<1x10x128xi32, #tpu.memory_space<vmem>>
        %dma_wait3A_360 = tpu.memref_squeeze %dma_wait3A_359 : memref<1x10x128xi32, #tpu.memory_space<vmem>> -> memref<10x128xi32, #tpu.memory_space<vmem>>
        %dma_wait3A_361 = arith.constant 0 : i32
        %dma_wait3A_362 = tpu.memref_slice %dma_wait3A_360[%add3A_331, %dma_wait3A_361] : memref<10x128xi32, #tpu.memory_space<vmem>> -> memref<1x128xi32, #tpu.memory_space<vmem>>
        %dma_wait3A_363 = tpu.memref_squeeze %dma_wait3A_362 : memref<1x128xi32, #tpu.memory_space<vmem>> -> memref<128xi32, #tpu.memory_space<vmem>>
        %dma_wait3A_364 = arith.constant 0 : i32
        %dma_wait3A_365 = arith.constant 0 : i32
        %dma_wait3A_366 = tpu.memref_slice %arg3[%dma_wait3A_364, %dma_wait3A_365] : memref<50048x16xf32, #tpu.memory_space<hbm>> -> memref<50048x16xf32, #tpu.memory_space<hbm>>
        tpu.wait_indirect_dma semaphore(%arg16 : memref<!tpu.dma_semaphore, #tpu.memory_space<semaphore_mem>>) src(%dma_wait3A_366 : memref<50048x16xf32, #tpu.memory_space<hbm>>) dst(%dma_wait3A_356 : memref<128x16xf32, #tpu.memory_space<vmem>>)
        %mul3A_367 = arith.constant 10 : i32
        %mul3A_368 = arith.muli %add3A_159, %mul3A_367 : i32
        %add3A_369 = arith.addi %mul3A_368, %add3A_331 : i32
        %ge3A_370 = arith.constant 2 : i32
        %ge3A_371 = arith.cmpi sge, %add3A_369, %ge3A_370 : i32
        %convert_element_type3A_372 = arith.extui %ge3A_371 : i1 to i32
        %cond3A_373 = arith.constant 1 : i32
        %cond3A_374 = arith.constant 0 : i32
        %cond3A_375 = arith.cmpi ne, %convert_element_type3A_372, %cond3A_374 : i32
        scf.if %cond3A_375 {
          %dma_wait3A_397 = arith.constant 0 : i32
          %dma_wait3A_398 = arith.constant 0 : i32
          %dma_wait3A_399 = arith.constant 0 : i32
          %dma_wait3A_400 = tpu.memref_slice %arg11[%cond3A_373, %dma_wait3A_398, %dma_wait3A_399] : memref<2x128x32xf32, #tpu.memory_space<vmem>> -> memref<1x128x32xf32, #tpu.memory_space<vmem>>
          %dma_wait3A_401 = tpu.memref_squeeze %dma_wait3A_400 : memref<1x128x32xf32, #tpu.memory_space<vmem>> -> memref<128x32xf32, #tpu.memory_space<vmem>>
          %dma_wait3A_402 = arith.constant 0 : i32
          %dma_wait3A_403 = arith.constant 0 : i32
          %dma_wait3A_404 = tpu.memref_slice %arg8[%scan3A_221, %dma_wait3A_402, %dma_wait3A_403] : memref<2x10x128xi32, #tpu.memory_space<vmem>> -> memref<1x10x128xi32, #tpu.memory_space<vmem>>
          %dma_wait3A_405 = tpu.memref_squeeze %dma_wait3A_404 : memref<1x10x128xi32, #tpu.memory_space<vmem>> -> memref<10x128xi32, #tpu.memory_space<vmem>>
          %dma_wait3A_406 = arith.constant 0 : i32
          %dma_wait3A_407 = tpu.memref_slice %dma_wait3A_405[%dma_wait3A_397, %dma_wait3A_406] : memref<10x128xi32, #tpu.memory_space<vmem>> -> memref<1x128xi32, #tpu.memory_space<vmem>>
          %dma_wait3A_408 = tpu.memref_squeeze %dma_wait3A_407 : memref<1x128xi32, #tpu.memory_space<vmem>> -> memref<128xi32, #tpu.memory_space<vmem>>
          %dma_wait3A_409 = arith.constant 0 : i32
          %dma_wait3A_410 = arith.constant 0 : i32
          %dma_wait3A_411 = tpu.memref_slice %arg12[%dma_wait3A_409, %dma_wait3A_410] : memref<50048x32xf32, #tpu.memory_space<vmem_shared>> -> memref<50048x32xf32, #tpu.memory_space<vmem_shared>>
          tpu.wait_indirect_dma semaphore(%arg18 : memref<!tpu.dma_semaphore, #tpu.memory_space<semaphore_mem>>) src(%dma_wait3A_401 : memref<128x32xf32, #tpu.memory_space<vmem>>) dst(%dma_wait3A_411 : memref<50048x32xf32, #tpu.memory_space<vmem_shared>>)
        } else {
        }
        %parallel_loop3A_376 = arith.constant 0 : i32
        %parallel_loop3A_377 = arith.constant 128 : i32
        %parallel_loop3A_378 = arith.constant 1 : i32
        %parallel_loop3A_379 = arith.constant 1 : i32
        %parallel_loop3A_380 = arith.constant 1 : i32
        %parallel_loop3A_381 = arith.constant 1 : i32
        scf.for %parallel_loop3A_397 = %parallel_loop3A_376 to %parallel_loop3A_377 step %parallel_loop3A_378  : i32 {
          %parallel_loop3A_398 = arith.constant 0 : i32
          %parallel_loop3A_399 = arith.constant 0 : i32
          %parallel_loop3A_400 = tpu.memref_slice %arg9[%parallel_loop3A_379, %parallel_loop3A_398, %parallel_loop3A_399] : memref<2x128x32xf32, #tpu.memory_space<vmem>> -> memref<1x128x32xf32, #tpu.memory_space<vmem>>
          %parallel_loop3A_401 = tpu.memref_squeeze %parallel_loop3A_400 : memref<1x128x32xf32, #tpu.memory_space<vmem>> -> memref<128x32xf32, #tpu.memory_space<vmem>>
          %parallel_loop3A_402 = arith.index_cast %parallel_loop3A_397 : i32 to index
          %parallel_loop3A_403 = arith.constant 0 : index
          %parallel_loop3A_404 = tpu.vector_load %parallel_loop3A_401[%parallel_loop3A_402, %parallel_loop3A_403] {strides = array<i32>} : memref<128x32xf32, #tpu.memory_space<vmem>>, vector<16xf32>,
          %parallel_loop3A_405 = arith.constant 0 : i32
          %parallel_loop3A_406 = arith.constant 0 : i32
          %parallel_loop3A_407 = tpu.memref_slice %arg10[%parallel_loop3A_380, %parallel_loop3A_405, %parallel_loop3A_406] : memref<2x128x16xf32, #tpu.memory_space<vmem>> -> memref<1x128x16xf32, #tpu.memory_space<vmem>>
          %parallel_loop3A_408 = tpu.memref_squeeze %parallel_loop3A_407 : memref<1x128x16xf32, #tpu.memory_space<vmem>> -> memref<128x16xf32, #tpu.memory_space<vmem>>
          %parallel_loop3A_409 = arith.index_cast %parallel_loop3A_397 : i32 to index
          %parallel_loop3A_410 = arith.constant 0 : index
          %parallel_loop3A_411 = tpu.vector_load %parallel_loop3A_408[%parallel_loop3A_409, %parallel_loop3A_410] {strides = array<i32>} : memref<128x16xf32, #tpu.memory_space<vmem>>, vector<16xf32>,
          %parallel_loop3A_412 = arith.constant 0 : i32
          %parallel_loop3A_413 = arith.constant 0 : i32
          %parallel_loop3A_414 = tpu.memref_slice %arg9[%parallel_loop3A_379, %parallel_loop3A_412, %parallel_loop3A_413] : memref<2x128x32xf32, #tpu.memory_space<vmem>> -> memref<1x128x32xf32, #tpu.memory_space<vmem>>
          %parallel_loop3A_415 = tpu.memref_squeeze %parallel_loop3A_414 : memref<1x128x32xf32, #tpu.memory_space<vmem>> -> memref<128x32xf32, #tpu.memory_space<vmem>>
          %parallel_loop3A_416 = arith.index_cast %parallel_loop3A_397 : i32 to index
          %parallel_loop3A_417 = arith.constant 16 : index
          %parallel_loop3A_418 = tpu.vector_load %parallel_loop3A_415[%parallel_loop3A_416, %parallel_loop3A_417] {strides = array<i32>} : memref<128x32xf32, #tpu.memory_space<vmem>>, vector<16xf32>,
          %parallel_loop3A_419 = arith.mulf %parallel_loop3A_404, %parallel_loop3A_411 : vector<16xf32>
          %parallel_loop3A_420 = arith.constant true
          %parallel_loop3A_421 = vector.broadcast %parallel_loop3A_420 : i1 to vector<16xi1>
          %parallel_loop3A_422 = tpu.scan <sum>, %parallel_loop3A_419 masked %parallel_loop3A_421 : vector<16xf32>, vector<16xi1> -> vector<16xf32>
          %parallel_loop3A_423 = vector.extract %parallel_loop3A_422[15] : f32 from vector<16xf32>
          %parallel_loop3A_424 = vector.broadcast %parallel_loop3A_423 : f32 to vector<16xf32>
          %parallel_loop3A_425 = math.exp %parallel_loop3A_424 : vector<16xf32>
          %parallel_loop3A_426 = arith.mulf %parallel_loop3A_425, %parallel_loop3A_418 : vector<16xf32>
          %parallel_loop3A_427 = arith.constant 0 : i32
          %parallel_loop3A_428 = arith.constant 0 : i32
          %parallel_loop3A_429 = tpu.memref_slice %arg11[%parallel_loop3A_381, %parallel_loop3A_427, %parallel_loop3A_428] : memref<2x128x32xf32, #tpu.memory_space<vmem>> -> memref<1x128x32xf32, #tpu.memory_space<vmem>>
          %parallel_loop3A_430 = tpu.memref_squeeze %parallel_loop3A_429 : memref<1x128x32xf32, #tpu.memory_space<vmem>> -> memref<128x32xf32, #tpu.memory_space<vmem>>
          %parallel_loop3A_431 = arith.index_cast %parallel_loop3A_397 : i32 to index
          %parallel_loop3A_432 = arith.constant 0 : index
          %parallel_loop3A_433 = tpu.vector_load %parallel_loop3A_430[%parallel_loop3A_431, %parallel_loop3A_432] {strides = array<i32>} : memref<128x32xf32, #tpu.memory_space<vmem>>, vector<16xf32>,
          tpu.vector_store %parallel_loop3A_430[%parallel_loop3A_431, %parallel_loop3A_432], %parallel_loop3A_426 {strides = array<i32>} : memref<128x32xf32, #tpu.memory_space<vmem>>, vector<16xf32>,
          %parallel_loop3A_434 = arith.constant 0 : i32
          %parallel_loop3A_435 = arith.constant 0 : i32
          %parallel_loop3A_436 = tpu.memref_slice %arg11[%parallel_loop3A_381, %parallel_loop3A_434, %parallel_loop3A_435] : memref<2x128x32xf32, #tpu.memory_space<vmem>> -> memref<1x128x32xf32, #tpu.memory_space<vmem>>
          %parallel_loop3A_437 = tpu.memref_squeeze %parallel_loop3A_436 : memref<1x128x32xf32, #tpu.memory_space<vmem>> -> memref<128x32xf32, #tpu.memory_space<vmem>>
          %parallel_loop3A_438 = arith.index_cast %parallel_loop3A_397 : i32 to index
          %parallel_loop3A_439 = arith.constant 16 : index
          %parallel_loop3A_440 = tpu.vector_load %parallel_loop3A_437[%parallel_loop3A_438, %parallel_loop3A_439] {strides = array<i32>} : memref<128x32xf32, #tpu.memory_space<vmem>>, vector<16xf32>,
          tpu.vector_store %parallel_loop3A_437[%parallel_loop3A_438, %parallel_loop3A_439], %parallel_loop3A_425 {strides = array<i32>} : memref<128x32xf32, #tpu.memory_space<vmem>>, vector<16xf32>,
        } {sc.loop_unroll_factor = 16 : i64, sc.parallel_access}
        %dma_start3A_382 = arith.constant 1 : i32
        %dma_start3A_383 = arith.constant 0 : i32
        %dma_start3A_384 = arith.constant 0 : i32
        %dma_start3A_385 = tpu.memref_slice %arg11[%dma_start3A_382, %dma_start3A_383, %dma_start3A_384] : memref<2x128x32xf32, #tpu.memory_space<vmem>> -> memref<1x128x32xf32, #tpu.memory_space<vmem>>
        %dma_start3A_386 = tpu.memref_squeeze %dma_start3A_385 : memref<1x128x32xf32, #tpu.memory_space<vmem>> -> memref<128x32xf32, #tpu.memory_space<vmem>>
        %dma_start3A_387 = arith.constant 0 : i32
        %dma_start3A_388 = arith.constant 0 : i32
        %dma_start3A_389 = tpu.memref_slice %arg8[%scan3A_221, %dma_start3A_387, %dma_start3A_388] : memref<2x10x128xi32, #tpu.memory_space<vmem>> -> memref<1x10x128xi32, #tpu.memory_space<vmem>>
        %dma_start3A_390 = tpu.memref_squeeze %dma_start3A_389 : memref<1x10x128xi32, #tpu.memory_space<vmem>> -> memref<10x128xi32, #tpu.memory_space<vmem>>
        %dma_start3A_391 = arith.constant 0 : i32
        %dma_start3A_392 = tpu.memref_slice %dma_start3A_390[%add3A_331, %dma_start3A_391] : memref<10x128xi32, #tpu.memory_space<vmem>> -> memref<1x128xi32, #tpu.memory_space<vmem>>
        %dma_start3A_393 = tpu.memref_squeeze %dma_start3A_392 : memref<1x128xi32, #tpu.memory_space<vmem>> -> memref<128xi32, #tpu.memory_space<vmem>>
        %dma_start3A_394 = arith.constant 0 : i32
        %dma_start3A_395 = arith.constant 0 : i32
        %dma_start3A_396 = tpu.memref_slice %arg12[%dma_start3A_394, %dma_start3A_395] : memref<50048x32xf32, #tpu.memory_space<vmem_shared>> -> memref<50048x32xf32, #tpu.memory_space<vmem_shared>>
        tpu.enqueue_indirect_dma source(%dma_start3A_386 : memref<128x32xf32, #tpu.memory_space<vmem>>) target(%dma_start3A_396 : memref<50048x32xf32, #tpu.memory_space<vmem_shared>>) offsets(%dma_start3A_393 : memref<128xi32, #tpu.memory_space<vmem>>) semaphore(%arg18 : memref<!tpu.dma_semaphore, #tpu.memory_space<semaphore_mem>>) {add = true}
      }
      %scan3A_226 = arith.constant 5 : i32
    }
    %scan3A_55 = arith.constant 20 : i32
    %dma_wait3A = arith.constant 0 : i32
    %dma_wait3A_56 = arith.constant 0 : i32
    %dma_wait3A_57 = arith.constant 0 : i32
    %dma_wait3A_58 = arith.constant 0 : i32
    %dma_wait3A_59 = arith.constant 0 : i32
    %dma_wait3A_60 = tpu.memref_slice %arg11[%dma_wait3A, %dma_wait3A_58, %dma_wait3A_59] : memref<2x128x32xf32, #tpu.memory_space<vmem>> -> memref<1x128x32xf32, #tpu.memory_space<vmem>>
    %dma_wait3A_61 = tpu.memref_squeeze %dma_wait3A_60 : memref<1x128x32xf32, #tpu.memory_space<vmem>> -> memref<128x32xf32, #tpu.memory_space<vmem>>
    %dma_wait3A_62 = arith.constant 0 : i32
    %dma_wait3A_63 = tpu.memref_slice %arg8[%dma_wait3A_56, %dma_wait3A_57, %dma_wait3A_62] : memref<2x10x128xi32, #tpu.memory_space<vmem>> -> memref<1x1x128xi32, #tpu.memory_space<vmem>>
    %dma_wait3A_64 = tpu.memref_squeeze %dma_wait3A_63 : memref<1x1x128xi32, #tpu.memory_space<vmem>> -> memref<128xi32, #tpu.memory_space<vmem>>
    %dma_wait3A_65 = arith.constant 0 : i32
    %dma_wait3A_66 = arith.constant 0 : i32
    %dma_wait3A_67 = tpu.memref_slice %arg12[%dma_wait3A_65, %dma_wait3A_66] : memref<50048x32xf32, #tpu.memory_space<vmem_shared>> -> memref<50048x32xf32, #tpu.memory_space<vmem_shared>>
    tpu.wait_indirect_dma semaphore(%arg17 : memref<!tpu.dma_semaphore, #tpu.memory_space<semaphore_mem>>) src(%dma_wait3A_61 : memref<128x32xf32, #tpu.memory_space<vmem>>) dst(%dma_wait3A_67 : memref<50048x32xf32, #tpu.memory_space<vmem_shared>>)
    %dma_wait3A_68 = arith.constant 1 : i32
    %dma_wait3A_69 = arith.constant 0 : i32
    %dma_wait3A_70 = arith.constant 0 : i32
    %dma_wait3A_71 = arith.constant 0 : i32
    %dma_wait3A_72 = arith.constant 0 : i32
    %dma_wait3A_73 = tpu.memref_slice %arg11[%dma_wait3A_68, %dma_wait3A_71, %dma_wait3A_72] : memref<2x128x32xf32, #tpu.memory_space<vmem>> -> memref<1x128x32xf32, #tpu.memory_space<vmem>>
    %dma_wait3A_74 = tpu.memref_squeeze %dma_wait3A_73 : memref<1x128x32xf32, #tpu.memory_space<vmem>> -> memref<128x32xf32, #tpu.memory_space<vmem>>
    %dma_wait3A_75 = arith.constant 0 : i32
    %dma_wait3A_76 = tpu.memref_slice %arg8[%dma_wait3A_69, %dma_wait3A_70, %dma_wait3A_75] : memref<2x10x128xi32, #tpu.memory_space<vmem>> -> memref<1x1x128xi32, #tpu.memory_space<vmem>>
    %dma_wait3A_77 = tpu.memref_squeeze %dma_wait3A_76 : memref<1x1x128xi32, #tpu.memory_space<vmem>> -> memref<128xi32, #tpu.memory_space<vmem>>
    %dma_wait3A_78 = arith.constant 0 : i32
    %dma_wait3A_79 = arith.constant 0 : i32
    %dma_wait3A_80 = tpu.memref_slice %arg12[%dma_wait3A_78, %dma_wait3A_79] : memref<50048x32xf32, #tpu.memory_space<vmem_shared>> -> memref<50048x32xf32, #tpu.memory_space<vmem_shared>>
    tpu.wait_indirect_dma semaphore(%arg18 : memref<!tpu.dma_semaphore, #tpu.memory_space<semaphore_mem>>) src(%dma_wait3A_74 : memref<128x32xf32, #tpu.memory_space<vmem>>) dst(%dma_wait3A_80 : memref<50048x32xf32, #tpu.memory_space<vmem_shared>>)
    %barrier3A_81 = arith.constant 0 : index
    tpu.barrier barrier_id(%barrier3A_81)
    %mul3A_82 = arith.constant 3128 : i32
    %mul3A_83 = arith.muli %arg1, %mul3A_82 : i32
    %mul3A_84 = arith.constant 3128 : i32
    %mul3A_85 = arith.muli %arg1, %mul3A_84 : i32
    "tpu.region"() ({
      %run_scoped3A = tpu.sem_alloc : memref<!tpu.dma_semaphore, #tpu.memory_space<semaphore_mem>>
      %dma_start3A_86 = arith.constant 0 : i32
      %dma_start3A_87 = tpu.memref_slice %arg6[%arg0, %mul3A_85, %dma_start3A_86] : memref<2x50048x32xf32, #tpu.memory_space<hbm>> -> memref<1x3128x32xf32, #tpu.memory_space<hbm>>
      %dma_start3A_88 = tpu.memref_squeeze %dma_start3A_87 : memref<1x3128x32xf32, #tpu.memory_space<hbm>> -> memref<3128x32xf32, #tpu.memory_space<hbm>>
      %dma_start3A_89 = arith.constant 0 : i32
      %dma_start3A_90 = tpu.memref_slice %arg12[%mul3A_83, %dma_start3A_89] : memref<50048x32xf32, #tpu.memory_space<vmem_shared>> -> memref<3128x32xf32, #tpu.memory_space<vmem_shared>>
      tpu.enqueue_dma source(%dma_start3A_90 : memref<3128x32xf32, #tpu.memory_space<vmem_shared>>) target(%dma_start3A_88 : memref<3128x32xf32, #tpu.memory_space<hbm>>) target_semaphore(%run_scoped3A : memref<!tpu.dma_semaphore, #tpu.memory_space<semaphore_mem>>)
      %dma_wait3A_91 = arith.constant 0 : i32
      %dma_wait3A_92 = tpu.memref_slice %arg6[%arg0, %mul3A_85, %dma_wait3A_91] : memref<2x50048x32xf32, #tpu.memory_space<hbm>> -> memref<1x3128x32xf32, #tpu.memory_space<hbm>>
      %dma_wait3A_93 = tpu.memref_squeeze %dma_wait3A_92 : memref<1x3128x32xf32, #tpu.memory_space<hbm>> -> memref<3128x32xf32, #tpu.memory_space<hbm>>
      %dma_wait3A_94 = arith.constant 0 : i32
      %dma_wait3A_95 = tpu.memref_slice %arg12[%mul3A_83, %dma_wait3A_94] : memref<50048x32xf32, #tpu.memory_space<vmem_shared>> -> memref<3128x32xf32, #tpu.memory_space<vmem_shared>>
      tpu.wait_dma2 semaphore(%run_scoped3A : memref<!tpu.dma_semaphore, #tpu.memory_space<semaphore_mem>>) src(%dma_wait3A_95 : memref<3128x32xf32, #tpu.memory_space<vmem_shared>>) dst(%dma_wait3A_93 : memref<3128x32xf32, #tpu.memory_space<hbm>>)
      tpu.yield
    }) : () -> ()
    return
  }
}

#map = affine_map<(d0, d1) -> (0, 0)>
#map1 = affine_map<(d0, d1) -> (0, 0, 0)>
module attributes {stable_mosaic.version = 14 : i64} {
  func.func @_agnn_pass(%arg0: i32, %arg1: i32, %arg2: memref<50048x32xf32, #tpu.memory_space<hbm>>, %arg3: memref<50048x16xf32, #tpu.memory_space<hbm>>, %arg4: memref<12800x128xi32, #tpu.memory_space<hbm>>, %arg5: memref<12800x128xi32, #tpu.memory_space<hbm>>, %arg6: memref<2x50048x32xf32, #tpu.memory_space<hbm>>, %arg7: memref<2x10x128xi32, #tpu.memory_space<vmem>>, %arg8: memref<2x10x128xi32, #tpu.memory_space<vmem>>, %arg9: memref<2x128x32xf32, #tpu.memory_space<vmem>>, %arg10: memref<2x128x16xf32, #tpu.memory_space<vmem>>, %arg11: memref<2x128x32xf32, #tpu.memory_space<vmem>>, %arg12: memref<50048x32xf32, #tpu.memory_space<vmem_shared>>, %arg13: memref<!tpu.dma_semaphore, #tpu.memory_space<semaphore_mem>>, %arg14: memref<!tpu.dma_semaphore, #tpu.memory_space<semaphore_mem>>, %arg15: memref<!tpu.dma_semaphore, #tpu.memory_space<semaphore_mem>>, %arg16: memref<!tpu.dma_semaphore, #tpu.memory_space<semaphore_mem>>, %arg17: memref<!tpu.dma_semaphore, #tpu.memory_space<semaphore_mem>>, %arg18: memref<!tpu.dma_semaphore, #tpu.memory_space<semaphore_mem>>) attributes {dimension_semantics = [#tpu.dimension_semantics<core_parallel>, #tpu.dimension_semantics<subcore_parallel>], iteration_bounds = array<i64: 2, 16>, scalar_prefetch = 0 : i64, scratch_operands = 12 : i64, tpu.core_type = #tpu.core_type<sc_vector_subcore>, window_params = [{transform_indices = #map}, {transform_indices = #map}, {transform_indices = #map}, {transform_indices = #map}, {transform_indices = #map1}]} {
    %mul3A = arith.constant 2 : i32
    %mul3A_0 = arith.muli %arg1, %mul3A : i32
    %add3A = arith.addi %mul3A_0, %arg0 : i32
    %broadcast_in_dim3A = arith.constant 0.000000e+00 : f32
    %broadcast_in_dim3A_1 = vector.broadcast %broadcast_in_dim3A : f32 to vector<16xf32>
    %scan3A = arith.constant 0 : i32
    %scan3A_2 = arith.constant 128 : i32
    %scan3A_3 = arith.addi %scan3A, %scan3A_2 : i32
    %scan3A_4 = arith.constant 1 : i32
    scf.for %scan3A_86 = %scan3A to %scan3A_3 step %scan3A_4  : i32 {
      %mul3A_87 = arith.constant 1 : i32
      %mul3A_88 = arith.muli %scan3A_86, %mul3A_87 : i32
      %add3A_89 = arith.constant 0 : i32
      %add3A_90 = arith.addi %add3A_89, %mul3A_88 : i32
      %swap3A = arith.constant 0 : i32
      %swap3A_91 = arith.index_cast %swap3A : i32 to index
      %swap3A_92 = arith.index_cast %add3A_90 : i32 to index
      %swap3A_93 = arith.constant 0 : index
      %swap3A_94 = tpu.vector_load %arg11[%swap3A_91, %swap3A_92, %swap3A_93] {strides = array<i32>} : memref<2x128x32xf32, #tpu.memory_space<vmem>>, vector<16xf32>,
      tpu.vector_store %arg11[%swap3A_91, %swap3A_92, %swap3A_93], %broadcast_in_dim3A_1 {strides = array<i32>} : memref<2x128x32xf32, #tpu.memory_space<vmem>>, vector<16xf32>,
      %swap3A_95 = arith.constant 0 : i32
      %swap3A_96 = arith.index_cast %swap3A_95 : i32 to index
      %swap3A_97 = arith.index_cast %add3A_90 : i32 to index
      %swap3A_98 = arith.constant 16 : index
      %swap3A_99 = tpu.vector_load %arg11[%swap3A_96, %swap3A_97, %swap3A_98] {strides = array<i32>} : memref<2x128x32xf32, #tpu.memory_space<vmem>>, vector<16xf32>,
      tpu.vector_store %arg11[%swap3A_96, %swap3A_97, %swap3A_98], %broadcast_in_dim3A_1 {strides = array<i32>} : memref<2x128x32xf32, #tpu.memory_space<vmem>>, vector<16xf32>,
    }
    %scan3A_5 = arith.constant 128 : i32
    %lt3A = arith.constant 7 : i32
    %lt3A_6 = arith.cmpi slt, %arg1, %lt3A : i32
    %jit3A = arith.constant 25 : i32
    %jit3A_7 = arith.constant 24 : i32
    %select_n3A = arith.select %lt3A_6, %jit3A, %jit3A_7 : i32
    %sub3A = arith.constant 0 : i32
    %sub3A_8 = arith.subi %select_n3A, %sub3A : i32
    %sub3A_9 = arith.constant 1 : i32
    %sub3A_10 = arith.constant 1 : i32
    %sub3A_11 = arith.subi %sub3A_9, %sub3A_10 : i32
    %add3A_12 = arith.addi %sub3A_8, %sub3A_11 : i32
    %div3A = arith.constant 1 : i32
    %div3A_13 = arith.divsi %add3A_12, %div3A : i32
    %while3A = arith.constant 1 : i32
    %while3A_14 = arith.constant 0 : i32
    %while3A_15 = arith.constant 0 : i32
    %while3A_16 = arith.subi %div3A_13, %while3A_15 : i32
    %while3A_17 = arith.addi %while3A_15, %while3A_16 : i32
    %while3A_18 = arith.constant 1 : i32
    %while3A_19 = arith.divsi %while3A_16, %while3A_18 : i32
    %while3A_20 = arith.muli %while3A_19, %while3A_18 : i32
    %while3A_21 = arith.addi %while3A_15, %while3A_20 : i32
    %while3A_22 = arith.constant 1 : i32
    scf.for %while3A_86 = %while3A_15 to %while3A_21 step %while3A_22  : i32 {
      %mul3A_87 = arith.muli %while3A_86, %while3A : i32
      %add3A_88 = arith.addi %while3A_14, %mul3A_87 : i32
      %mul3A_89 = arith.constant 16 : i32
      %mul3A_90 = arith.muli %add3A_88, %mul3A_89 : i32
      %add3A_91 = arith.addi %arg1, %mul3A_90 : i32
      %mul3A_92 = arith.constant 128 : i32
      %mul3A_93 = arith.muli %add3A_91, %mul3A_92 : i32
      %run_scoped3A = arith.constant 0 : i32
      "tpu.region"() ({
        %run_scoped3A_94 = tpu.sem_alloc : memref<!tpu.dma_semaphore, #tpu.memory_space<semaphore_mem>>
        %dma_start3A_95 = arith.constant 0 : i32
        %dma_start3A_96 = arith.constant 0 : i32
        %dma_start3A_97 = tpu.memref_slice %arg11[%run_scoped3A, %dma_start3A_95, %dma_start3A_96] : memref<2x128x32xf32, #tpu.memory_space<vmem>> -> memref<1x128x32xf32, #tpu.memory_space<vmem>>
        %dma_start3A_98 = tpu.memref_squeeze %dma_start3A_97 : memref<1x128x32xf32, #tpu.memory_space<vmem>> -> memref<128x32xf32, #tpu.memory_space<vmem>>
        %dma_start3A_99 = arith.constant 0 : i32
        %dma_start3A_100 = tpu.memref_slice %arg12[%mul3A_93, %dma_start3A_99] : memref<50048x32xf32, #tpu.memory_space<vmem_shared>> -> memref<128x32xf32, #tpu.memory_space<vmem_shared>>
        %dma_start3A_101 = arith.constant 0 : i32
        %dma_start3A_102 = tpu.memref_slice %arg12[%mul3A_93, %dma_start3A_101] : memref<50048x32xf32, #tpu.memory_space<vmem_shared>> -> memref<128x32xf32, #tpu.memory_space<vmem_shared>>
        %dma_start3A_103 = arith.constant 0 : i32
        %dma_start3A_104 = arith.constant 0 : i32
        %dma_start3A_105 = tpu.memref_slice %arg11[%run_scoped3A, %dma_start3A_103, %dma_start3A_104] : memref<2x128x32xf32, #tpu.memory_space<vmem>> -> memref<1x128x32xf32, #tpu.memory_space<vmem>>
        %dma_start3A_106 = tpu.memref_squeeze %dma_start3A_105 : memref<1x128x32xf32, #tpu.memory_space<vmem>> -> memref<128x32xf32, #tpu.memory_space<vmem>>
        tpu.enqueue_dma source(%dma_start3A_106 : memref<128x32xf32, #tpu.memory_space<vmem>>) target(%dma_start3A_102 : memref<128x32xf32, #tpu.memory_space<vmem_shared>>) target_semaphore(%run_scoped3A_94 : memref<!tpu.dma_semaphore, #tpu.memory_space<semaphore_mem>>)
        %dma_wait3A_107 = arith.constant 0 : i32
        %dma_wait3A_108 = arith.constant 0 : i32
        %dma_wait3A_109 = tpu.memref_slice %arg11[%run_scoped3A, %dma_wait3A_107, %dma_wait3A_108] : memref<2x128x32xf32, #tpu.memory_space<vmem>> -> memref<1x128x32xf32, #tpu.memory_space<vmem>>
        %dma_wait3A_110 = tpu.memref_squeeze %dma_wait3A_109 : memref<1x128x32xf32, #tpu.memory_space<vmem>> -> memref<128x32xf32, #tpu.memory_space<vmem>>
        %dma_wait3A_111 = arith.constant 0 : i32
        %dma_wait3A_112 = tpu.memref_slice %arg12[%mul3A_93, %dma_wait3A_111] : memref<50048x32xf32, #tpu.memory_space<vmem_shared>> -> memref<128x32xf32, #tpu.memory_space<vmem_shared>>
        %dma_wait3A_113 = arith.constant 0 : i32
        %dma_wait3A_114 = tpu.memref_slice %arg12[%mul3A_93, %dma_wait3A_113] : memref<50048x32xf32, #tpu.memory_space<vmem_shared>> -> memref<128x32xf32, #tpu.memory_space<vmem_shared>>
        %dma_wait3A_115 = arith.constant 0 : i32
        %dma_wait3A_116 = arith.constant 0 : i32
        %dma_wait3A_117 = tpu.memref_slice %arg11[%run_scoped3A, %dma_wait3A_115, %dma_wait3A_116] : memref<2x128x32xf32, #tpu.memory_space<vmem>> -> memref<1x128x32xf32, #tpu.memory_space<vmem>>
        %dma_wait3A_118 = tpu.memref_squeeze %dma_wait3A_117 : memref<1x128x32xf32, #tpu.memory_space<vmem>> -> memref<128x32xf32, #tpu.memory_space<vmem>>
        tpu.wait_dma2 semaphore(%run_scoped3A_94 : memref<!tpu.dma_semaphore, #tpu.memory_space<semaphore_mem>>) src(%dma_wait3A_118 : memref<128x32xf32, #tpu.memory_space<vmem>>) dst(%dma_wait3A_114 : memref<128x32xf32, #tpu.memory_space<vmem_shared>>)
        tpu.yield
      }) : () -> ()
    }
    %while3A_23 = arith.constant 1 : i32
    scf.for %while3A_86 = %while3A_21 to %while3A_17 step %while3A_23  : i32 {
      %mul3A_87 = arith.muli %while3A_86, %while3A : i32
      %add3A_88 = arith.addi %while3A_14, %mul3A_87 : i32
      %mul3A_89 = arith.constant 16 : i32
      %mul3A_90 = arith.muli %add3A_88, %mul3A_89 : i32
      %add3A_91 = arith.addi %arg1, %mul3A_90 : i32
      %mul3A_92 = arith.constant 128 : i32
      %mul3A_93 = arith.muli %add3A_91, %mul3A_92 : i32
      %run_scoped3A = arith.constant 0 : i32
      "tpu.region"() ({
        %run_scoped3A_94 = tpu.sem_alloc : memref<!tpu.dma_semaphore, #tpu.memory_space<semaphore_mem>>
        %dma_start3A_95 = arith.constant 0 : i32
        %dma_start3A_96 = arith.constant 0 : i32
        %dma_start3A_97 = tpu.memref_slice %arg11[%run_scoped3A, %dma_start3A_95, %dma_start3A_96] : memref<2x128x32xf32, #tpu.memory_space<vmem>> -> memref<1x128x32xf32, #tpu.memory_space<vmem>>
        %dma_start3A_98 = tpu.memref_squeeze %dma_start3A_97 : memref<1x128x32xf32, #tpu.memory_space<vmem>> -> memref<128x32xf32, #tpu.memory_space<vmem>>
        %dma_start3A_99 = arith.constant 0 : i32
        %dma_start3A_100 = tpu.memref_slice %arg12[%mul3A_93, %dma_start3A_99] : memref<50048x32xf32, #tpu.memory_space<vmem_shared>> -> memref<128x32xf32, #tpu.memory_space<vmem_shared>>
        %dma_start3A_101 = arith.constant 0 : i32
        %dma_start3A_102 = tpu.memref_slice %arg12[%mul3A_93, %dma_start3A_101] : memref<50048x32xf32, #tpu.memory_space<vmem_shared>> -> memref<128x32xf32, #tpu.memory_space<vmem_shared>>
        %dma_start3A_103 = arith.constant 0 : i32
        %dma_start3A_104 = arith.constant 0 : i32
        %dma_start3A_105 = tpu.memref_slice %arg11[%run_scoped3A, %dma_start3A_103, %dma_start3A_104] : memref<2x128x32xf32, #tpu.memory_space<vmem>> -> memref<1x128x32xf32, #tpu.memory_space<vmem>>
        %dma_start3A_106 = tpu.memref_squeeze %dma_start3A_105 : memref<1x128x32xf32, #tpu.memory_space<vmem>> -> memref<128x32xf32, #tpu.memory_space<vmem>>
        tpu.enqueue_dma source(%dma_start3A_106 : memref<128x32xf32, #tpu.memory_space<vmem>>) target(%dma_start3A_102 : memref<128x32xf32, #tpu.memory_space<vmem_shared>>) target_semaphore(%run_scoped3A_94 : memref<!tpu.dma_semaphore, #tpu.memory_space<semaphore_mem>>)
        %dma_wait3A_107 = arith.constant 0 : i32
        %dma_wait3A_108 = arith.constant 0 : i32
        %dma_wait3A_109 = tpu.memref_slice %arg11[%run_scoped3A, %dma_wait3A_107, %dma_wait3A_108] : memref<2x128x32xf32, #tpu.memory_space<vmem>> -> memref<1x128x32xf32, #tpu.memory_space<vmem>>
        %dma_wait3A_110 = tpu.memref_squeeze %dma_wait3A_109 : memref<1x128x32xf32, #tpu.memory_space<vmem>> -> memref<128x32xf32, #tpu.memory_space<vmem>>
        %dma_wait3A_111 = arith.constant 0 : i32
        %dma_wait3A_112 = tpu.memref_slice %arg12[%mul3A_93, %dma_wait3A_111] : memref<50048x32xf32, #tpu.memory_space<vmem_shared>> -> memref<128x32xf32, #tpu.memory_space<vmem_shared>>
        %dma_wait3A_113 = arith.constant 0 : i32
        %dma_wait3A_114 = tpu.memref_slice %arg12[%mul3A_93, %dma_wait3A_113] : memref<50048x32xf32, #tpu.memory_space<vmem_shared>> -> memref<128x32xf32, #tpu.memory_space<vmem_shared>>
        %dma_wait3A_115 = arith.constant 0 : i32
        %dma_wait3A_116 = arith.constant 0 : i32
        %dma_wait3A_117 = tpu.memref_slice %arg11[%run_scoped3A, %dma_wait3A_115, %dma_wait3A_116] : memref<2x128x32xf32, #tpu.memory_space<vmem>> -> memref<1x128x32xf32, #tpu.memory_space<vmem>>
        %dma_wait3A_118 = tpu.memref_squeeze %dma_wait3A_117 : memref<1x128x32xf32, #tpu.memory_space<vmem>> -> memref<128x32xf32, #tpu.memory_space<vmem>>
        tpu.wait_dma2 semaphore(%run_scoped3A_94 : memref<!tpu.dma_semaphore, #tpu.memory_space<semaphore_mem>>) src(%dma_wait3A_118 : memref<128x32xf32, #tpu.memory_space<vmem>>) dst(%dma_wait3A_114 : memref<128x32xf32, #tpu.memory_space<vmem_shared>>)
        tpu.yield
      }) : () -> ()
    }
    %mul3A_24 = arith.constant 400 : i32
    %mul3A_25 = arith.muli %add3A, %mul3A_24 : i32
    %dma_start3A = arith.constant 0 : i32
    %dma_start3A_26 = arith.constant 0 : i32
    %dma_start3A_27 = arith.constant 0 : i32
    %dma_start3A_28 = tpu.memref_slice %arg7[%dma_start3A, %dma_start3A_26, %dma_start3A_27] : memref<2x10x128xi32, #tpu.memory_space<vmem>> -> memref<1x10x128xi32, #tpu.memory_space<vmem>>
    %dma_start3A_29 = tpu.memref_squeeze %dma_start3A_28 : memref<1x10x128xi32, #tpu.memory_space<vmem>> -> memref<10x128xi32, #tpu.memory_space<vmem>>
    %dma_start3A_30 = arith.constant 0 : i32
    %dma_start3A_31 = tpu.memref_slice %arg4[%mul3A_25, %dma_start3A_30] : memref<12800x128xi32, #tpu.memory_space<hbm>> -> memref<10x128xi32, #tpu.memory_space<hbm>>
    %dma_start3A_32 = arith.constant 0 : i32
    %dma_start3A_33 = arith.constant 0 : i32
    %dma_start3A_34 = tpu.memref_slice %arg7[%dma_start3A, %dma_start3A_32, %dma_start3A_33] : memref<2x10x128xi32, #tpu.memory_space<vmem>> -> memref<1x10x128xi32, #tpu.memory_space<vmem>>
    %dma_start3A_35 = tpu.memref_squeeze %dma_start3A_34 : memref<1x10x128xi32, #tpu.memory_space<vmem>> -> memref<10x128xi32, #tpu.memory_space<vmem>>
    %dma_start3A_36 = arith.constant 0 : i32
    %dma_start3A_37 = tpu.memref_slice %arg4[%mul3A_25, %dma_start3A_36] : memref<12800x128xi32, #tpu.memory_space<hbm>> -> memref<10x128xi32, #tpu.memory_space<hbm>>
    tpu.enqueue_dma source(%dma_start3A_37 : memref<10x128xi32, #tpu.memory_space<hbm>>) target(%dma_start3A_35 : memref<10x128xi32, #tpu.memory_space<vmem>>) target_semaphore(%arg13 : memref<!tpu.dma_semaphore, #tpu.memory_space<semaphore_mem>>)
    %dma_start3A_38 = arith.constant 0 : i32
    %dma_start3A_39 = arith.constant 0 : i32
    %dma_start3A_40 = arith.constant 0 : i32
    %dma_start3A_41 = tpu.memref_slice %arg8[%dma_start3A_38, %dma_start3A_39, %dma_start3A_40] : memref<2x10x128xi32, #tpu.memory_space<vmem>> -> memref<1x10x128xi32, #tpu.memory_space<vmem>>
    %dma_start3A_42 = tpu.memref_squeeze %dma_start3A_41 : memref<1x10x128xi32, #tpu.memory_space<vmem>> -> memref<10x128xi32, #tpu.memory_space<vmem>>
    %dma_start3A_43 = arith.constant 0 : i32
    %dma_start3A_44 = tpu.memref_slice %arg5[%mul3A_25, %dma_start3A_43] : memref<12800x128xi32, #tpu.memory_space<hbm>> -> memref<10x128xi32, #tpu.memory_space<hbm>>
    %dma_start3A_45 = arith.constant 0 : i32
    %dma_start3A_46 = arith.constant 0 : i32
    %dma_start3A_47 = tpu.memref_slice %arg8[%dma_start3A_38, %dma_start3A_45, %dma_start3A_46] : memref<2x10x128xi32, #tpu.memory_space<vmem>> -> memref<1x10x128xi32, #tpu.memory_space<vmem>>
    %dma_start3A_48 = tpu.memref_squeeze %dma_start3A_47 : memref<1x10x128xi32, #tpu.memory_space<vmem>> -> memref<10x128xi32, #tpu.memory_space<vmem>>
    %dma_start3A_49 = arith.constant 0 : i32
    %dma_start3A_50 = tpu.memref_slice %arg5[%mul3A_25, %dma_start3A_49] : memref<12800x128xi32, #tpu.memory_space<hbm>> -> memref<10x128xi32, #tpu.memory_space<hbm>>
    tpu.enqueue_dma source(%dma_start3A_50 : memref<10x128xi32, #tpu.memory_space<hbm>>) target(%dma_start3A_48 : memref<10x128xi32, #tpu.memory_space<vmem>>) target_semaphore(%arg13 : memref<!tpu.dma_semaphore, #tpu.memory_space<semaphore_mem>>)
    %barrier3A = arith.constant 0 : index
    tpu.barrier barrier_id(%barrier3A)
    %scan3A_51 = arith.constant 0 : i32
    %scan3A_52 = arith.constant 20 : i32
    %scan3A_53 = arith.addi %scan3A_51, %scan3A_52 : i32
    %scan3A_54 = arith.constant 1 : i32
    scf.for %scan3A_86 = %scan3A_51 to %scan3A_53 step %scan3A_54  : i32 {
      %mul3A_87 = arith.constant 2 : i32
      %mul3A_88 = arith.muli %scan3A_86, %mul3A_87 : i32
      %add3A_89 = arith.constant 0 : i32
      %add3A_90 = arith.addi %add3A_89, %mul3A_88 : i32
      %dma_wait3A_91 = arith.constant 0 : i32
      %dma_wait3A_92 = arith.constant 0 : i32
      %dma_wait3A_93 = arith.constant 0 : i32
      %dma_wait3A_94 = tpu.memref_slice %arg7[%dma_wait3A_91, %dma_wait3A_92, %dma_wait3A_93] : memref<2x10x128xi32, #tpu.memory_space<vmem>> -> memref<1x10x128xi32, #tpu.memory_space<vmem>>
      %dma_wait3A_95 = tpu.memref_squeeze %dma_wait3A_94 : memref<1x10x128xi32, #tpu.memory_space<vmem>> -> memref<10x128xi32, #tpu.memory_space<vmem>>
      %dma_wait3A_96 = arith.constant 0 : i32
      %dma_wait3A_97 = tpu.memref_slice %arg4[%mul3A_25, %dma_wait3A_96] : memref<12800x128xi32, #tpu.memory_space<hbm>> -> memref<10x128xi32, #tpu.memory_space<hbm>>
      %dma_wait3A_98 = arith.constant 0 : i32
      %dma_wait3A_99 = arith.constant 0 : i32
      %dma_wait3A_100 = tpu.memref_slice %arg7[%dma_wait3A_91, %dma_wait3A_98, %dma_wait3A_99] : memref<2x10x128xi32, #tpu.memory_space<vmem>> -> memref<1x10x128xi32, #tpu.memory_space<vmem>>
      %dma_wait3A_101 = tpu.memref_squeeze %dma_wait3A_100 : memref<1x10x128xi32, #tpu.memory_space<vmem>> -> memref<10x128xi32, #tpu.memory_space<vmem>>
      %dma_wait3A_102 = arith.constant 0 : i32
      %dma_wait3A_103 = tpu.memref_slice %arg4[%mul3A_25, %dma_wait3A_102] : memref<12800x128xi32, #tpu.memory_space<hbm>> -> memref<10x128xi32, #tpu.memory_space<hbm>>
      tpu.wait_dma2 semaphore(%arg13 : memref<!tpu.dma_semaphore, #tpu.memory_space<semaphore_mem>>) src(%dma_wait3A_103 : memref<10x128xi32, #tpu.memory_space<hbm>>) dst(%dma_wait3A_101 : memref<10x128xi32, #tpu.memory_space<vmem>>)
      %dma_wait3A_104 = arith.constant 0 : i32
      %dma_wait3A_105 = arith.constant 0 : i32
      %dma_wait3A_106 = arith.constant 0 : i32
      %dma_wait3A_107 = tpu.memref_slice %arg8[%dma_wait3A_104, %dma_wait3A_105, %dma_wait3A_106] : memref<2x10x128xi32, #tpu.memory_space<vmem>> -> memref<1x10x128xi32, #tpu.memory_space<vmem>>
      %dma_wait3A_108 = tpu.memref_squeeze %dma_wait3A_107 : memref<1x10x128xi32, #tpu.memory_space<vmem>> -> memref<10x128xi32, #tpu.memory_space<vmem>>
      %dma_wait3A_109 = arith.constant 0 : i32
      %dma_wait3A_110 = tpu.memref_slice %arg5[%mul3A_25, %dma_wait3A_109] : memref<12800x128xi32, #tpu.memory_space<hbm>> -> memref<10x128xi32, #tpu.memory_space<hbm>>
      %dma_wait3A_111 = arith.constant 0 : i32
      %dma_wait3A_112 = arith.constant 0 : i32
      %dma_wait3A_113 = tpu.memref_slice %arg8[%dma_wait3A_104, %dma_wait3A_111, %dma_wait3A_112] : memref<2x10x128xi32, #tpu.memory_space<vmem>> -> memref<1x10x128xi32, #tpu.memory_space<vmem>>
      %dma_wait3A_114 = tpu.memref_squeeze %dma_wait3A_113 : memref<1x10x128xi32, #tpu.memory_space<vmem>> -> memref<10x128xi32, #tpu.memory_space<vmem>>
      %dma_wait3A_115 = arith.constant 0 : i32
      %dma_wait3A_116 = tpu.memref_slice %arg5[%mul3A_25, %dma_wait3A_115] : memref<12800x128xi32, #tpu.memory_space<hbm>> -> memref<10x128xi32, #tpu.memory_space<hbm>>
      tpu.wait_dma2 semaphore(%arg13 : memref<!tpu.dma_semaphore, #tpu.memory_space<semaphore_mem>>) src(%dma_wait3A_116 : memref<10x128xi32, #tpu.memory_space<hbm>>) dst(%dma_wait3A_114 : memref<10x128xi32, #tpu.memory_space<vmem>>)
      %dma_start3A_117 = arith.constant 0 : i32
      %dma_start3A_118 = arith.constant 0 : i32
      %dma_start3A_119 = arith.constant 0 : i32
      %dma_start3A_120 = arith.constant 0 : i32
      %dma_start3A_121 = arith.constant 0 : i32
      %dma_start3A_122 = tpu.memref_slice %arg9[%dma_start3A_119, %dma_start3A_120, %dma_start3A_121] : memref<2x128x32xf32, #tpu.memory_space<vmem>> -> memref<1x128x32xf32, #tpu.memory_space<vmem>>
      %dma_start3A_123 = tpu.memref_squeeze %dma_start3A_122 : memref<1x128x32xf32, #tpu.memory_space<vmem>> -> memref<128x32xf32, #tpu.memory_space<vmem>>
      %dma_start3A_124 = arith.constant 0 : i32
      %dma_start3A_125 = arith.constant 0 : i32
      %dma_start3A_126 = tpu.memref_slice %arg7[%dma_start3A_117, %dma_start3A_124, %dma_start3A_125] : memref<2x10x128xi32, #tpu.memory_space<vmem>> -> memref<1x10x128xi32, #tpu.memory_space<vmem>>
      %dma_start3A_127 = tpu.memref_squeeze %dma_start3A_126 : memref<1x10x128xi32, #tpu.memory_space<vmem>> -> memref<10x128xi32, #tpu.memory_space<vmem>>
      %dma_start3A_128 = arith.constant 0 : i32
      %dma_start3A_129 = tpu.memref_slice %dma_start3A_127[%dma_start3A_118, %dma_start3A_128] : memref<10x128xi32, #tpu.memory_space<vmem>> -> memref<1x128xi32, #tpu.memory_space<vmem>>
      %dma_start3A_130 = tpu.memref_squeeze %dma_start3A_129 : memref<1x128xi32, #tpu.memory_space<vmem>> -> memref<128xi32, #tpu.memory_space<vmem>>
      %dma_start3A_131 = arith.constant 0 : i32
      %dma_start3A_132 = arith.constant 0 : i32
      %dma_start3A_133 = tpu.memref_slice %arg2[%dma_start3A_131, %dma_start3A_132] : memref<50048x32xf32, #tpu.memory_space<hbm>> -> memref<50048x32xf32, #tpu.memory_space<hbm>>
      tpu.enqueue_indirect_dma source(%dma_start3A_133 : memref<50048x32xf32, #tpu.memory_space<hbm>>) target(%dma_start3A_123 : memref<128x32xf32, #tpu.memory_space<vmem>>) offsets(%dma_start3A_130 : memref<128xi32, #tpu.memory_space<vmem>>) semaphore(%arg15 : memref<!tpu.dma_semaphore, #tpu.memory_space<semaphore_mem>>)
      %dma_start3A_134 = arith.constant 0 : i32
      %dma_start3A_135 = arith.constant 0 : i32
      %dma_start3A_136 = arith.constant 0 : i32
      %dma_start3A_137 = arith.constant 0 : i32
      %dma_start3A_138 = arith.constant 0 : i32
      %dma_start3A_139 = tpu.memref_slice %arg10[%dma_start3A_136, %dma_start3A_137, %dma_start3A_138] : memref<2x128x16xf32, #tpu.memory_space<vmem>> -> memref<1x128x16xf32, #tpu.memory_space<vmem>>
      %dma_start3A_140 = tpu.memref_squeeze %dma_start3A_139 : memref<1x128x16xf32, #tpu.memory_space<vmem>> -> memref<128x16xf32, #tpu.memory_space<vmem>>
      %dma_start3A_141 = arith.constant 0 : i32
      %dma_start3A_142 = arith.constant 0 : i32
      %dma_start3A_143 = tpu.memref_slice %arg8[%dma_start3A_134, %dma_start3A_141, %dma_start3A_142] : memref<2x10x128xi32, #tpu.memory_space<vmem>> -> memref<1x10x128xi32, #tpu.memory_space<vmem>>
      %dma_start3A_144 = tpu.memref_squeeze %dma_start3A_143 : memref<1x10x128xi32, #tpu.memory_space<vmem>> -> memref<10x128xi32, #tpu.memory_space<vmem>>
      %dma_start3A_145 = arith.constant 0 : i32
      %dma_start3A_146 = tpu.memref_slice %dma_start3A_144[%dma_start3A_135, %dma_start3A_145] : memref<10x128xi32, #tpu.memory_space<vmem>> -> memref<1x128xi32, #tpu.memory_space<vmem>>
      %dma_start3A_147 = tpu.memref_squeeze %dma_start3A_146 : memref<1x128xi32, #tpu.memory_space<vmem>> -> memref<128xi32, #tpu.memory_space<vmem>>
      %dma_start3A_148 = arith.constant 0 : i32
      %dma_start3A_149 = arith.constant 0 : i32
      %dma_start3A_150 = tpu.memref_slice %arg3[%dma_start3A_148, %dma_start3A_149] : memref<50048x16xf32, #tpu.memory_space<hbm>> -> memref<50048x16xf32, #tpu.memory_space<hbm>>
      tpu.enqueue_indirect_dma source(%dma_start3A_150 : memref<50048x16xf32, #tpu.memory_space<hbm>>) target(%dma_start3A_140 : memref<128x16xf32, #tpu.memory_space<vmem>>) offsets(%dma_start3A_147 : memref<128xi32, #tpu.memory_space<vmem>>) semaphore(%arg15 : memref<!tpu.dma_semaphore, #tpu.memory_space<semaphore_mem>>)
      %scan3A_151 = arith.constant 0 : i32
      %scan3A_152 = arith.constant 0 : i32
      %scan3A_153 = arith.constant 0 : i32
      %scan3A_154 = arith.constant 5 : i32
      %scan3A_155 = arith.addi %scan3A_153, %scan3A_154 : i32
      %scan3A_156 = arith.constant 1 : i32
      scf.for %scan3A_227 = %scan3A_153 to %scan3A_155 step %scan3A_156  : i32 {
        %mul3A_228 = arith.constant 2 : i32
        %mul3A_229 = arith.muli %scan3A_227, %mul3A_228 : i32
        %add3A_230 = arith.constant 0 : i32
        %add3A_231 = arith.addi %add3A_230, %mul3A_229 : i32
        %add3A_232 = arith.constant 0 : i32
        %add3A_233 = arith.addi %add3A_231, %add3A_232 : i32
        %add3A_234 = arith.constant 1 : i32
        %add3A_235 = arith.addi %add3A_233, %add3A_234 : i32
        %dma_start3A_236 = arith.constant 1 : i32
        %dma_start3A_237 = arith.constant 0 : i32
        %dma_start3A_238 = arith.constant 0 : i32
        %dma_start3A_239 = tpu.memref_slice %arg9[%dma_start3A_236, %dma_start3A_237, %dma_start3A_238] : memref<2x128x32xf32, #tpu.memory_space<vmem>> -> memref<1x128x32xf32, #tpu.memory_space<vmem>>
        %dma_start3A_240 = tpu.memref_squeeze %dma_start3A_239 : memref<1x128x32xf32, #tpu.memory_space<vmem>> -> memref<128x32xf32, #tpu.memory_space<vmem>>
        %dma_start3A_241 = arith.constant 0 : i32
        %dma_start3A_242 = arith.constant 0 : i32
        %dma_start3A_243 = tpu.memref_slice %arg7[%scan3A_151, %dma_start3A_241, %dma_start3A_242] : memref<2x10x128xi32, #tpu.memory_space<vmem>> -> memref<1x10x128xi32, #tpu.memory_space<vmem>>
        %dma_start3A_244 = tpu.memref_squeeze %dma_start3A_243 : memref<1x10x128xi32, #tpu.memory_space<vmem>> -> memref<10x128xi32, #tpu.memory_space<vmem>>
        %dma_start3A_245 = arith.constant 0 : i32
        %dma_start3A_246 = tpu.memref_slice %dma_start3A_244[%add3A_235, %dma_start3A_245] : memref<10x128xi32, #tpu.memory_space<vmem>> -> memref<1x128xi32, #tpu.memory_space<vmem>>
        %dma_start3A_247 = tpu.memref_squeeze %dma_start3A_246 : memref<1x128xi32, #tpu.memory_space<vmem>> -> memref<128xi32, #tpu.memory_space<vmem>>
        %dma_start3A_248 = arith.constant 0 : i32
        %dma_start3A_249 = arith.constant 0 : i32
        %dma_start3A_250 = tpu.memref_slice %arg2[%dma_start3A_248, %dma_start3A_249] : memref<50048x32xf32, #tpu.memory_space<hbm>> -> memref<50048x32xf32, #tpu.memory_space<hbm>>
        tpu.enqueue_indirect_dma source(%dma_start3A_250 : memref<50048x32xf32, #tpu.memory_space<hbm>>) target(%dma_start3A_240 : memref<128x32xf32, #tpu.memory_space<vmem>>) offsets(%dma_start3A_247 : memref<128xi32, #tpu.memory_space<vmem>>) semaphore(%arg16 : memref<!tpu.dma_semaphore, #tpu.memory_space<semaphore_mem>>)
        %add3A_251 = arith.constant 1 : i32
        %add3A_252 = arith.addi %add3A_233, %add3A_251 : i32
        %dma_start3A_253 = arith.constant 1 : i32
        %dma_start3A_254 = arith.constant 0 : i32
        %dma_start3A_255 = arith.constant 0 : i32
        %dma_start3A_256 = tpu.memref_slice %arg10[%dma_start3A_253, %dma_start3A_254, %dma_start3A_255] : memref<2x128x16xf32, #tpu.memory_space<vmem>> -> memref<1x128x16xf32, #tpu.memory_space<vmem>>
        %dma_start3A_257 = tpu.memref_squeeze %dma_start3A_256 : memref<1x128x16xf32, #tpu.memory_space<vmem>> -> memref<128x16xf32, #tpu.memory_space<vmem>>
        %dma_start3A_258 = arith.constant 0 : i32
        %dma_start3A_259 = arith.constant 0 : i32
        %dma_start3A_260 = tpu.memref_slice %arg8[%scan3A_152, %dma_start3A_258, %dma_start3A_259] : memref<2x10x128xi32, #tpu.memory_space<vmem>> -> memref<1x10x128xi32, #tpu.memory_space<vmem>>
        %dma_start3A_261 = tpu.memref_squeeze %dma_start3A_260 : memref<1x10x128xi32, #tpu.memory_space<vmem>> -> memref<10x128xi32, #tpu.memory_space<vmem>>
        %dma_start3A_262 = arith.constant 0 : i32
        %dma_start3A_263 = tpu.memref_slice %dma_start3A_261[%add3A_252, %dma_start3A_262] : memref<10x128xi32, #tpu.memory_space<vmem>> -> memref<1x128xi32, #tpu.memory_space<vmem>>
        %dma_start3A_264 = tpu.memref_squeeze %dma_start3A_263 : memref<1x128xi32, #tpu.memory_space<vmem>> -> memref<128xi32, #tpu.memory_space<vmem>>
        %dma_start3A_265 = arith.constant 0 : i32
        %dma_start3A_266 = arith.constant 0 : i32
        %dma_start3A_267 = tpu.memref_slice %arg3[%dma_start3A_265, %dma_start3A_266] : memref<50048x16xf32, #tpu.memory_space<hbm>> -> memref<50048x16xf32, #tpu.memory_space<hbm>>
        tpu.enqueue_indirect_dma source(%dma_start3A_267 : memref<50048x16xf32, #tpu.memory_space<hbm>>) target(%dma_start3A_257 : memref<128x16xf32, #tpu.memory_space<vmem>>) offsets(%dma_start3A_264 : memref<128xi32, #tpu.memory_space<vmem>>) semaphore(%arg16 : memref<!tpu.dma_semaphore, #tpu.memory_space<semaphore_mem>>)
        %eq3A = arith.constant 2 : i32
        %eq3A_268 = arith.cmpi eq, %add3A_231, %eq3A : i32
        %lt3A_269 = arith.constant 39 : i32
        %lt3A_270 = arith.cmpi slt, %add3A_90, %lt3A_269 : i32
        %and3A = arith.andi %eq3A_268, %lt3A_270 : i1
        %convert_element_type3A = arith.extui %and3A : i1 to i32
        %cond3A = arith.constant 0 : i32
        %cond3A_271 = arith.cmpi ne, %convert_element_type3A, %cond3A : i32
        scf.if %cond3A_271 {
          %add3A_397 = arith.constant 1 : i32
          %add3A_398 = arith.addi %add3A_90, %add3A_397 : i32
          %mul3A_399 = arith.constant 10 : i32
          %mul3A_400 = arith.muli %add3A_398, %mul3A_399 : i32
          %add3A_401 = arith.addi %mul3A_25, %mul3A_400 : i32
          %dma_start3A_402 = arith.constant 1 : i32
          %dma_start3A_403 = arith.constant 0 : i32
          %dma_start3A_404 = arith.constant 0 : i32
          %dma_start3A_405 = tpu.memref_slice %arg7[%dma_start3A_402, %dma_start3A_403, %dma_start3A_404] : memref<2x10x128xi32, #tpu.memory_space<vmem>> -> memref<1x10x128xi32, #tpu.memory_space<vmem>>
          %dma_start3A_406 = tpu.memref_squeeze %dma_start3A_405 : memref<1x10x128xi32, #tpu.memory_space<vmem>> -> memref<10x128xi32, #tpu.memory_space<vmem>>
          %dma_start3A_407 = arith.constant 0 : i32
          %dma_start3A_408 = tpu.memref_slice %arg4[%add3A_401, %dma_start3A_407] : memref<12800x128xi32, #tpu.memory_space<hbm>> -> memref<10x128xi32, #tpu.memory_space<hbm>>
          %dma_start3A_409 = arith.constant 0 : i32
          %dma_start3A_410 = arith.constant 0 : i32
          %dma_start3A_411 = tpu.memref_slice %arg7[%dma_start3A_402, %dma_start3A_409, %dma_start3A_410] : memref<2x10x128xi32, #tpu.memory_space<vmem>> -> memref<1x10x128xi32, #tpu.memory_space<vmem>>
          %dma_start3A_412 = tpu.memref_squeeze %dma_start3A_411 : memref<1x10x128xi32, #tpu.memory_space<vmem>> -> memref<10x128xi32, #tpu.memory_space<vmem>>
          %dma_start3A_413 = arith.constant 0 : i32
          %dma_start3A_414 = tpu.memref_slice %arg4[%add3A_401, %dma_start3A_413] : memref<12800x128xi32, #tpu.memory_space<hbm>> -> memref<10x128xi32, #tpu.memory_space<hbm>>
          tpu.enqueue_dma source(%dma_start3A_414 : memref<10x128xi32, #tpu.memory_space<hbm>>) target(%dma_start3A_412 : memref<10x128xi32, #tpu.memory_space<vmem>>) target_semaphore(%arg14 : memref<!tpu.dma_semaphore, #tpu.memory_space<semaphore_mem>>)
          %dma_start3A_415 = arith.constant 1 : i32
          %dma_start3A_416 = arith.constant 0 : i32
          %dma_start3A_417 = arith.constant 0 : i32
          %dma_start3A_418 = tpu.memref_slice %arg8[%dma_start3A_415, %dma_start3A_416, %dma_start3A_417] : memref<2x10x128xi32, #tpu.memory_space<vmem>> -> memref<1x10x128xi32, #tpu.memory_space<vmem>>
          %dma_start3A_419 = tpu.memref_squeeze %dma_start3A_418 : memref<1x10x128xi32, #tpu.memory_space<vmem>> -> memref<10x128xi32, #tpu.memory_space<vmem>>
          %dma_start3A_420 = arith.constant 0 : i32
          %dma_start3A_421 = tpu.memref_slice %arg5[%add3A_401, %dma_start3A_420] : memref<12800x128xi32, #tpu.memory_space<hbm>> -> memref<10x128xi32, #tpu.memory_space<hbm>>
          %dma_start3A_422 = arith.constant 0 : i32
          %dma_start3A_423 = arith.constant 0 : i32
          %dma_start3A_424 = tpu.memref_slice %arg8[%dma_start3A_415, %dma_start3A_422, %dma_start3A_423] : memref<2x10x128xi32, #tpu.memory_space<vmem>> -> memref<1x10x128xi32, #tpu.memory_space<vmem>>
          %dma_start3A_425 = tpu.memref_squeeze %dma_start3A_424 : memref<1x10x128xi32, #tpu.memory_space<vmem>> -> memref<10x128xi32, #tpu.memory_space<vmem>>
          %dma_start3A_426 = arith.constant 0 : i32
          %dma_start3A_427 = tpu.memref_slice %arg5[%add3A_401, %dma_start3A_426] : memref<12800x128xi32, #tpu.memory_space<hbm>> -> memref<10x128xi32, #tpu.memory_space<hbm>>
          tpu.enqueue_dma source(%dma_start3A_427 : memref<10x128xi32, #tpu.memory_space<hbm>>) target(%dma_start3A_425 : memref<10x128xi32, #tpu.memory_space<vmem>>) target_semaphore(%arg14 : memref<!tpu.dma_semaphore, #tpu.memory_space<semaphore_mem>>)
        } else {
        }
        %dma_wait3A_272 = arith.constant 0 : i32
        %dma_wait3A_273 = arith.constant 0 : i32
        %dma_wait3A_274 = arith.constant 0 : i32
        %dma_wait3A_275 = tpu.memref_slice %arg9[%dma_wait3A_272, %dma_wait3A_273, %dma_wait3A_274] : memref<2x128x32xf32, #tpu.memory_space<vmem>> -> memref<1x128x32xf32, #tpu.memory_space<vmem>>
        %dma_wait3A_276 = tpu.memref_squeeze %dma_wait3A_275 : memref<1x128x32xf32, #tpu.memory_space<vmem>> -> memref<128x32xf32, #tpu.memory_space<vmem>>
        %dma_wait3A_277 = arith.constant 0 : i32
        %dma_wait3A_278 = arith.constant 0 : i32
        %dma_wait3A_279 = tpu.memref_slice %arg7[%scan3A_151, %dma_wait3A_277, %dma_wait3A_278] : memref<2x10x128xi32, #tpu.memory_space<vmem>> -> memref<1x10x128xi32, #tpu.memory_space<vmem>>
        %dma_wait3A_280 = tpu.memref_squeeze %dma_wait3A_279 : memref<1x10x128xi32, #tpu.memory_space<vmem>> -> memref<10x128xi32, #tpu.memory_space<vmem>>
        %dma_wait3A_281 = arith.constant 0 : i32
        %dma_wait3A_282 = tpu.memref_slice %dma_wait3A_280[%add3A_233, %dma_wait3A_281] : memref<10x128xi32, #tpu.memory_space<vmem>> -> memref<1x128xi32, #tpu.memory_space<vmem>>
        %dma_wait3A_283 = tpu.memref_squeeze %dma_wait3A_282 : memref<1x128xi32, #tpu.memory_space<vmem>> -> memref<128xi32, #tpu.memory_space<vmem>>
        %dma_wait3A_284 = arith.constant 0 : i32
        %dma_wait3A_285 = arith.constant 0 : i32
        %dma_wait3A_286 = tpu.memref_slice %arg2[%dma_wait3A_284, %dma_wait3A_285] : memref<50048x32xf32, #tpu.memory_space<hbm>> -> memref<50048x32xf32, #tpu.memory_space<hbm>>
        tpu.wait_indirect_dma semaphore(%arg15 : memref<!tpu.dma_semaphore, #tpu.memory_space<semaphore_mem>>) src(%dma_wait3A_286 : memref<50048x32xf32, #tpu.memory_space<hbm>>) dst(%dma_wait3A_276 : memref<128x32xf32, #tpu.memory_space<vmem>>)
        %dma_wait3A_287 = arith.constant 0 : i32
        %dma_wait3A_288 = arith.constant 0 : i32
        %dma_wait3A_289 = arith.constant 0 : i32
        %dma_wait3A_290 = tpu.memref_slice %arg10[%dma_wait3A_287, %dma_wait3A_288, %dma_wait3A_289] : memref<2x128x16xf32, #tpu.memory_space<vmem>> -> memref<1x128x16xf32, #tpu.memory_space<vmem>>
        %dma_wait3A_291 = tpu.memref_squeeze %dma_wait3A_290 : memref<1x128x16xf32, #tpu.memory_space<vmem>> -> memref<128x16xf32, #tpu.memory_space<vmem>>
        %dma_wait3A_292 = arith.constant 0 : i32
        %dma_wait3A_293 = arith.constant 0 : i32
        %dma_wait3A_294 = tpu.memref_slice %arg8[%scan3A_152, %dma_wait3A_292, %dma_wait3A_293] : memref<2x10x128xi32, #tpu.memory_space<vmem>> -> memref<1x10x128xi32, #tpu.memory_space<vmem>>
        %dma_wait3A_295 = tpu.memref_squeeze %dma_wait3A_294 : memref<1x10x128xi32, #tpu.memory_space<vmem>> -> memref<10x128xi32, #tpu.memory_space<vmem>>
        %dma_wait3A_296 = arith.constant 0 : i32
        %dma_wait3A_297 = tpu.memref_slice %dma_wait3A_295[%add3A_233, %dma_wait3A_296] : memref<10x128xi32, #tpu.memory_space<vmem>> -> memref<1x128xi32, #tpu.memory_space<vmem>>
        %dma_wait3A_298 = tpu.memref_squeeze %dma_wait3A_297 : memref<1x128xi32, #tpu.memory_space<vmem>> -> memref<128xi32, #tpu.memory_space<vmem>>
        %dma_wait3A_299 = arith.constant 0 : i32
        %dma_wait3A_300 = arith.constant 0 : i32
        %dma_wait3A_301 = tpu.memref_slice %arg3[%dma_wait3A_299, %dma_wait3A_300] : memref<50048x16xf32, #tpu.memory_space<hbm>> -> memref<50048x16xf32, #tpu.memory_space<hbm>>
        tpu.wait_indirect_dma semaphore(%arg15 : memref<!tpu.dma_semaphore, #tpu.memory_space<semaphore_mem>>) src(%dma_wait3A_301 : memref<50048x16xf32, #tpu.memory_space<hbm>>) dst(%dma_wait3A_291 : memref<128x16xf32, #tpu.memory_space<vmem>>)
        %mul3A_302 = arith.constant 10 : i32
        %mul3A_303 = arith.muli %add3A_90, %mul3A_302 : i32
        %add3A_304 = arith.addi %mul3A_303, %add3A_233 : i32
        %ge3A = arith.constant 2 : i32
        %ge3A_305 = arith.cmpi sge, %add3A_304, %ge3A : i32
        %convert_element_type3A_306 = arith.extui %ge3A_305 : i1 to i32
        %cond3A_307 = arith.constant 0 : i32
        %cond3A_308 = arith.constant 0 : i32
        %cond3A_309 = arith.cmpi ne, %convert_element_type3A_306, %cond3A_308 : i32
        scf.if %cond3A_309 {
          %dma_wait3A_397 = arith.constant 0 : i32
          %dma_wait3A_398 = arith.constant 0 : i32
          %dma_wait3A_399 = arith.constant 0 : i32
          %dma_wait3A_400 = tpu.memref_slice %arg11[%cond3A_307, %dma_wait3A_398, %dma_wait3A_399] : memref<2x128x32xf32, #tpu.memory_space<vmem>> -> memref<1x128x32xf32, #tpu.memory_space<vmem>>
          %dma_wait3A_401 = tpu.memref_squeeze %dma_wait3A_400 : memref<1x128x32xf32, #tpu.memory_space<vmem>> -> memref<128x32xf32, #tpu.memory_space<vmem>>
          %dma_wait3A_402 = arith.constant 0 : i32
          %dma_wait3A_403 = arith.constant 0 : i32
          %dma_wait3A_404 = tpu.memref_slice %arg8[%scan3A_152, %dma_wait3A_402, %dma_wait3A_403] : memref<2x10x128xi32, #tpu.memory_space<vmem>> -> memref<1x10x128xi32, #tpu.memory_space<vmem>>
          %dma_wait3A_405 = tpu.memref_squeeze %dma_wait3A_404 : memref<1x10x128xi32, #tpu.memory_space<vmem>> -> memref<10x128xi32, #tpu.memory_space<vmem>>
          %dma_wait3A_406 = arith.constant 0 : i32
          %dma_wait3A_407 = tpu.memref_slice %dma_wait3A_405[%dma_wait3A_397, %dma_wait3A_406] : memref<10x128xi32, #tpu.memory_space<vmem>> -> memref<1x128xi32, #tpu.memory_space<vmem>>
          %dma_wait3A_408 = tpu.memref_squeeze %dma_wait3A_407 : memref<1x128xi32, #tpu.memory_space<vmem>> -> memref<128xi32, #tpu.memory_space<vmem>>
          %dma_wait3A_409 = arith.constant 0 : i32
          %dma_wait3A_410 = arith.constant 0 : i32
          %dma_wait3A_411 = tpu.memref_slice %arg12[%dma_wait3A_409, %dma_wait3A_410] : memref<50048x32xf32, #tpu.memory_space<vmem_shared>> -> memref<50048x32xf32, #tpu.memory_space<vmem_shared>>
          tpu.wait_indirect_dma semaphore(%arg17 : memref<!tpu.dma_semaphore, #tpu.memory_space<semaphore_mem>>) src(%dma_wait3A_401 : memref<128x32xf32, #tpu.memory_space<vmem>>) dst(%dma_wait3A_411 : memref<50048x32xf32, #tpu.memory_space<vmem_shared>>)
        } else {
        }
        %parallel_loop3A = arith.constant 0 : i32
        %parallel_loop3A_310 = arith.constant 128 : i32
        %parallel_loop3A_311 = arith.constant 1 : i32
        %parallel_loop3A_312 = arith.constant 0 : i32
        %parallel_loop3A_313 = arith.constant 0 : i32
        %parallel_loop3A_314 = arith.constant 0 : i32
        scf.for %parallel_loop3A_397 = %parallel_loop3A to %parallel_loop3A_310 step %parallel_loop3A_311  : i32 {
          %parallel_loop3A_398 = arith.constant 0 : i32
          %parallel_loop3A_399 = arith.constant 0 : i32
          %parallel_loop3A_400 = tpu.memref_slice %arg9[%parallel_loop3A_312, %parallel_loop3A_398, %parallel_loop3A_399] : memref<2x128x32xf32, #tpu.memory_space<vmem>> -> memref<1x128x32xf32, #tpu.memory_space<vmem>>
          %parallel_loop3A_401 = tpu.memref_squeeze %parallel_loop3A_400 : memref<1x128x32xf32, #tpu.memory_space<vmem>> -> memref<128x32xf32, #tpu.memory_space<vmem>>
          %parallel_loop3A_402 = arith.index_cast %parallel_loop3A_397 : i32 to index
          %parallel_loop3A_403 = arith.constant 0 : index
          %parallel_loop3A_404 = tpu.vector_load %parallel_loop3A_401[%parallel_loop3A_402, %parallel_loop3A_403] {strides = array<i32>} : memref<128x32xf32, #tpu.memory_space<vmem>>, vector<16xf32>,
          %parallel_loop3A_405 = arith.constant 0 : i32
          %parallel_loop3A_406 = arith.constant 0 : i32
          %parallel_loop3A_407 = tpu.memref_slice %arg10[%parallel_loop3A_313, %parallel_loop3A_405, %parallel_loop3A_406] : memref<2x128x16xf32, #tpu.memory_space<vmem>> -> memref<1x128x16xf32, #tpu.memory_space<vmem>>
          %parallel_loop3A_408 = tpu.memref_squeeze %parallel_loop3A_407 : memref<1x128x16xf32, #tpu.memory_space<vmem>> -> memref<128x16xf32, #tpu.memory_space<vmem>>
          %parallel_loop3A_409 = arith.index_cast %parallel_loop3A_397 : i32 to index
          %parallel_loop3A_410 = arith.constant 0 : index
          %parallel_loop3A_411 = tpu.vector_load %parallel_loop3A_408[%parallel_loop3A_409, %parallel_loop3A_410] {strides = array<i32>} : memref<128x16xf32, #tpu.memory_space<vmem>>, vector<16xf32>,
          %parallel_loop3A_412 = arith.constant 0 : i32
          %parallel_loop3A_413 = arith.constant 0 : i32
          %parallel_loop3A_414 = tpu.memref_slice %arg9[%parallel_loop3A_312, %parallel_loop3A_412, %parallel_loop3A_413] : memref<2x128x32xf32, #tpu.memory_space<vmem>> -> memref<1x128x32xf32, #tpu.memory_space<vmem>>
          %parallel_loop3A_415 = tpu.memref_squeeze %parallel_loop3A_414 : memref<1x128x32xf32, #tpu.memory_space<vmem>> -> memref<128x32xf32, #tpu.memory_space<vmem>>
          %parallel_loop3A_416 = arith.index_cast %parallel_loop3A_397 : i32 to index
          %parallel_loop3A_417 = arith.constant 16 : index
          %parallel_loop3A_418 = tpu.vector_load %parallel_loop3A_415[%parallel_loop3A_416, %parallel_loop3A_417] {strides = array<i32>} : memref<128x32xf32, #tpu.memory_space<vmem>>, vector<16xf32>,
          %parallel_loop3A_419 = arith.mulf %parallel_loop3A_404, %parallel_loop3A_411 : vector<16xf32>
          %parallel_loop3A_420 = arith.constant true
          %parallel_loop3A_421 = vector.broadcast %parallel_loop3A_420 : i1 to vector<16xi1>
          %parallel_loop3A_422 = tpu.scan <sum>, %parallel_loop3A_419 masked %parallel_loop3A_421 : vector<16xf32>, vector<16xi1> -> vector<16xf32>
          %parallel_loop3A_423 = vector.extract %parallel_loop3A_422[15] : f32 from vector<16xf32>
          %parallel_loop3A_424 = vector.broadcast %parallel_loop3A_423 : f32 to vector<16xf32>
          %parallel_loop3A_425 = math.exp %parallel_loop3A_424 : vector<16xf32>
          %parallel_loop3A_426 = arith.mulf %parallel_loop3A_425, %parallel_loop3A_418 : vector<16xf32>
          %parallel_loop3A_427 = arith.constant 0 : i32
          %parallel_loop3A_428 = arith.constant 0 : i32
          %parallel_loop3A_429 = tpu.memref_slice %arg11[%parallel_loop3A_314, %parallel_loop3A_427, %parallel_loop3A_428] : memref<2x128x32xf32, #tpu.memory_space<vmem>> -> memref<1x128x32xf32, #tpu.memory_space<vmem>>
          %parallel_loop3A_430 = tpu.memref_squeeze %parallel_loop3A_429 : memref<1x128x32xf32, #tpu.memory_space<vmem>> -> memref<128x32xf32, #tpu.memory_space<vmem>>
          %parallel_loop3A_431 = arith.index_cast %parallel_loop3A_397 : i32 to index
          %parallel_loop3A_432 = arith.constant 0 : index
          %parallel_loop3A_433 = tpu.vector_load %parallel_loop3A_430[%parallel_loop3A_431, %parallel_loop3A_432] {strides = array<i32>} : memref<128x32xf32, #tpu.memory_space<vmem>>, vector<16xf32>,
          tpu.vector_store %parallel_loop3A_430[%parallel_loop3A_431, %parallel_loop3A_432], %parallel_loop3A_426 {strides = array<i32>} : memref<128x32xf32, #tpu.memory_space<vmem>>, vector<16xf32>,
          %parallel_loop3A_434 = arith.constant 0 : i32
          %parallel_loop3A_435 = arith.constant 0 : i32
          %parallel_loop3A_436 = tpu.memref_slice %arg11[%parallel_loop3A_314, %parallel_loop3A_434, %parallel_loop3A_435] : memref<2x128x32xf32, #tpu.memory_space<vmem>> -> memref<1x128x32xf32, #tpu.memory_space<vmem>>
          %parallel_loop3A_437 = tpu.memref_squeeze %parallel_loop3A_436 : memref<1x128x32xf32, #tpu.memory_space<vmem>> -> memref<128x32xf32, #tpu.memory_space<vmem>>
          %parallel_loop3A_438 = arith.index_cast %parallel_loop3A_397 : i32 to index
          %parallel_loop3A_439 = arith.constant 16 : index
          %parallel_loop3A_440 = tpu.vector_load %parallel_loop3A_437[%parallel_loop3A_438, %parallel_loop3A_439] {strides = array<i32>} : memref<128x32xf32, #tpu.memory_space<vmem>>, vector<16xf32>,
          tpu.vector_store %parallel_loop3A_437[%parallel_loop3A_438, %parallel_loop3A_439], %parallel_loop3A_425 {strides = array<i32>} : memref<128x32xf32, #tpu.memory_space<vmem>>, vector<16xf32>,
        } {sc.loop_unroll_factor = 16 : i64, sc.parallel_access}
        %dma_start3A_315 = arith.constant 0 : i32
        %dma_start3A_316 = arith.constant 0 : i32
        %dma_start3A_317 = arith.constant 0 : i32
        %dma_start3A_318 = tpu.memref_slice %arg11[%dma_start3A_315, %dma_start3A_316, %dma_start3A_317] : memref<2x128x32xf32, #tpu.memory_space<vmem>> -> memref<1x128x32xf32, #tpu.memory_space<vmem>>
        %dma_start3A_319 = tpu.memref_squeeze %dma_start3A_318 : memref<1x128x32xf32, #tpu.memory_space<vmem>> -> memref<128x32xf32, #tpu.memory_space<vmem>>
        %dma_start3A_320 = arith.constant 0 : i32
        %dma_start3A_321 = arith.constant 0 : i32
        %dma_start3A_322 = tpu.memref_slice %arg8[%scan3A_152, %dma_start3A_320, %dma_start3A_321] : memref<2x10x128xi32, #tpu.memory_space<vmem>> -> memref<1x10x128xi32, #tpu.memory_space<vmem>>
        %dma_start3A_323 = tpu.memref_squeeze %dma_start3A_322 : memref<1x10x128xi32, #tpu.memory_space<vmem>> -> memref<10x128xi32, #tpu.memory_space<vmem>>
        %dma_start3A_324 = arith.constant 0 : i32
        %dma_start3A_325 = tpu.memref_slice %dma_start3A_323[%add3A_233, %dma_start3A_324] : memref<10x128xi32, #tpu.memory_space<vmem>> -> memref<1x128xi32, #tpu.memory_space<vmem>>
        %dma_start3A_326 = tpu.memref_squeeze %dma_start3A_325 : memref<1x128xi32, #tpu.memory_space<vmem>> -> memref<128xi32, #tpu.memory_space<vmem>>
        %dma_start3A_327 = arith.constant 0 : i32
        %dma_start3A_328 = arith.constant 0 : i32
        %dma_start3A_329 = tpu.memref_slice %arg12[%dma_start3A_327, %dma_start3A_328] : memref<50048x32xf32, #tpu.memory_space<vmem_shared>> -> memref<50048x32xf32, #tpu.memory_space<vmem_shared>>
        tpu.enqueue_indirect_dma source(%dma_start3A_319 : memref<128x32xf32, #tpu.memory_space<vmem>>) target(%dma_start3A_329 : memref<50048x32xf32, #tpu.memory_space<vmem_shared>>) offsets(%dma_start3A_326 : memref<128xi32, #tpu.memory_space<vmem>>) semaphore(%arg17 : memref<!tpu.dma_semaphore, #tpu.memory_space<semaphore_mem>>) {add = true}
        %add3A_330 = arith.constant 1 : i32
        %add3A_331 = arith.addi %add3A_231, %add3A_330 : i32
        %lt3A_332 = arith.constant 8 : i32
        %lt3A_333 = arith.cmpi slt, %add3A_231, %lt3A_332 : i32
        %convert_element_type3A_334 = arith.extui %lt3A_333 : i1 to i32
        %cond3A_335 = arith.constant 0 : i32
        %cond3A_336 = arith.cmpi ne, %convert_element_type3A_334, %cond3A_335 : i32
        scf.if %cond3A_336 {
          %add3A_397 = arith.constant 1 : i32
          %add3A_398 = arith.addi %add3A_331, %add3A_397 : i32
          %dma_start3A_399 = arith.constant 0 : i32
          %dma_start3A_400 = arith.constant 0 : i32
          %dma_start3A_401 = arith.constant 0 : i32
          %dma_start3A_402 = tpu.memref_slice %arg9[%dma_start3A_399, %dma_start3A_400, %dma_start3A_401] : memref<2x128x32xf32, #tpu.memory_space<vmem>> -> memref<1x128x32xf32, #tpu.memory_space<vmem>>
          %dma_start3A_403 = tpu.memref_squeeze %dma_start3A_402 : memref<1x128x32xf32, #tpu.memory_space<vmem>> -> memref<128x32xf32, #tpu.memory_space<vmem>>
          %dma_start3A_404 = arith.constant 0 : i32
          %dma_start3A_405 = arith.constant 0 : i32
          %dma_start3A_406 = tpu.memref_slice %arg7[%scan3A_151, %dma_start3A_404, %dma_start3A_405] : memref<2x10x128xi32, #tpu.memory_space<vmem>> -> memref<1x10x128xi32, #tpu.memory_space<vmem>>
          %dma_start3A_407 = tpu.memref_squeeze %dma_start3A_406 : memref<1x10x128xi32, #tpu.memory_space<vmem>> -> memref<10x128xi32, #tpu.memory_space<vmem>>
          %dma_start3A_408 = arith.constant 0 : i32
          %dma_start3A_409 = tpu.memref_slice %dma_start3A_407[%add3A_398, %dma_start3A_408] : memref<10x128xi32, #tpu.memory_space<vmem>> -> memref<1x128xi32, #tpu.memory_space<vmem>>
          %dma_start3A_410 = tpu.memref_squeeze %dma_start3A_409 : memref<1x128xi32, #tpu.memory_space<vmem>> -> memref<128xi32, #tpu.memory_space<vmem>>
          %dma_start3A_411 = arith.constant 0 : i32
          %dma_start3A_412 = arith.constant 0 : i32
          %dma_start3A_413 = tpu.memref_slice %arg2[%dma_start3A_411, %dma_start3A_412] : memref<50048x32xf32, #tpu.memory_space<hbm>> -> memref<50048x32xf32, #tpu.memory_space<hbm>>
          tpu.enqueue_indirect_dma source(%dma_start3A_413 : memref<50048x32xf32, #tpu.memory_space<hbm>>) target(%dma_start3A_403 : memref<128x32xf32, #tpu.memory_space<vmem>>) offsets(%dma_start3A_410 : memref<128xi32, #tpu.memory_space<vmem>>) semaphore(%arg15 : memref<!tpu.dma_semaphore, #tpu.memory_space<semaphore_mem>>)
          %add3A_414 = arith.constant 1 : i32
          %add3A_415 = arith.addi %add3A_331, %add3A_414 : i32
          %dma_start3A_416 = arith.constant 0 : i32
          %dma_start3A_417 = arith.constant 0 : i32
          %dma_start3A_418 = arith.constant 0 : i32
          %dma_start3A_419 = tpu.memref_slice %arg10[%dma_start3A_416, %dma_start3A_417, %dma_start3A_418] : memref<2x128x16xf32, #tpu.memory_space<vmem>> -> memref<1x128x16xf32, #tpu.memory_space<vmem>>
          %dma_start3A_420 = tpu.memref_squeeze %dma_start3A_419 : memref<1x128x16xf32, #tpu.memory_space<vmem>> -> memref<128x16xf32, #tpu.memory_space<vmem>>
          %dma_start3A_421 = arith.constant 0 : i32
          %dma_start3A_422 = arith.constant 0 : i32
          %dma_start3A_423 = tpu.memref_slice %arg8[%scan3A_152, %dma_start3A_421, %dma_start3A_422] : memref<2x10x128xi32, #tpu.memory_space<vmem>> -> memref<1x10x128xi32, #tpu.memory_space<vmem>>
          %dma_start3A_424 = tpu.memref_squeeze %dma_start3A_423 : memref<1x10x128xi32, #tpu.memory_space<vmem>> -> memref<10x128xi32, #tpu.memory_space<vmem>>
          %dma_start3A_425 = arith.constant 0 : i32
          %dma_start3A_426 = tpu.memref_slice %dma_start3A_424[%add3A_415, %dma_start3A_425] : memref<10x128xi32, #tpu.memory_space<vmem>> -> memref<1x128xi32, #tpu.memory_space<vmem>>
          %dma_start3A_427 = tpu.memref_squeeze %dma_start3A_426 : memref<1x128xi32, #tpu.memory_space<vmem>> -> memref<128xi32, #tpu.memory_space<vmem>>
          %dma_start3A_428 = arith.constant 0 : i32
          %dma_start3A_429 = arith.constant 0 : i32
          %dma_start3A_430 = tpu.memref_slice %arg3[%dma_start3A_428, %dma_start3A_429] : memref<50048x16xf32, #tpu.memory_space<hbm>> -> memref<50048x16xf32, #tpu.memory_space<hbm>>
          tpu.enqueue_indirect_dma source(%dma_start3A_430 : memref<50048x16xf32, #tpu.memory_space<hbm>>) target(%dma_start3A_420 : memref<128x16xf32, #tpu.memory_space<vmem>>) offsets(%dma_start3A_427 : memref<128xi32, #tpu.memory_space<vmem>>) semaphore(%arg15 : memref<!tpu.dma_semaphore, #tpu.memory_space<semaphore_mem>>)
        } else {
        }
        %dma_wait3A_337 = arith.constant 1 : i32
        %dma_wait3A_338 = arith.constant 0 : i32
        %dma_wait3A_339 = arith.constant 0 : i32
        %dma_wait3A_340 = tpu.memref_slice %arg9[%dma_wait3A_337, %dma_wait3A_338, %dma_wait3A_339] : memref<2x128x32xf32, #tpu.memory_space<vmem>> -> memref<1x128x32xf32, #tpu.memory_space<vmem>>
        %dma_wait3A_341 = tpu.memref_squeeze %dma_wait3A_340 : memref<1x128x32xf32, #tpu.memory_space<vmem>> -> memref<128x32xf32, #tpu.memory_space<vmem>>
        %dma_wait3A_342 = arith.constant 0 : i32
        %dma_wait3A_343 = arith.constant 0 : i32
        %dma_wait3A_344 = tpu.memref_slice %arg7[%scan3A_151, %dma_wait3A_342, %dma_wait3A_343] : memref<2x10x128xi32, #tpu.memory_space<vmem>> -> memref<1x10x128xi32, #tpu.memory_space<vmem>>
        %dma_wait3A_345 = tpu.memref_squeeze %dma_wait3A_344 : memref<1x10x128xi32, #tpu.memory_space<vmem>> -> memref<10x128xi32, #tpu.memory_space<vmem>>
        %dma_wait3A_346 = arith.constant 0 : i32
        %dma_wait3A_347 = tpu.memref_slice %dma_wait3A_345[%add3A_331, %dma_wait3A_346] : memref<10x128xi32, #tpu.memory_space<vmem>> -> memref<1x128xi32, #tpu.memory_space<vmem>>
        %dma_wait3A_348 = tpu.memref_squeeze %dma_wait3A_347 : memref<1x128xi32, #tpu.memory_space<vmem>> -> memref<128xi32, #tpu.memory_space<vmem>>
        %dma_wait3A_349 = arith.constant 0 : i32
        %dma_wait3A_350 = arith.constant 0 : i32
        %dma_wait3A_351 = tpu.memref_slice %arg2[%dma_wait3A_349, %dma_wait3A_350] : memref<50048x32xf32, #tpu.memory_space<hbm>> -> memref<50048x32xf32, #tpu.memory_space<hbm>>
        tpu.wait_indirect_dma semaphore(%arg16 : memref<!tpu.dma_semaphore, #tpu.memory_space<semaphore_mem>>) src(%dma_wait3A_351 : memref<50048x32xf32, #tpu.memory_space<hbm>>) dst(%dma_wait3A_341 : memref<128x32xf32, #tpu.memory_space<vmem>>)
        %dma_wait3A_352 = arith.constant 1 : i32
        %dma_wait3A_353 = arith.constant 0 : i32
        %dma_wait3A_354 = arith.constant 0 : i32
        %dma_wait3A_355 = tpu.memref_slice %arg10[%dma_wait3A_352, %dma_wait3A_353, %dma_wait3A_354] : memref<2x128x16xf32, #tpu.memory_space<vmem>> -> memref<1x128x16xf32, #tpu.memory_space<vmem>>
        %dma_wait3A_356 = tpu.memref_squeeze %dma_wait3A_355 : memref<1x128x16xf32, #tpu.memory_space<vmem>> -> memref<128x16xf32, #tpu.memory_space<vmem>>
        %dma_wait3A_357 = arith.constant 0 : i32
        %dma_wait3A_358 = arith.constant 0 : i32
        %dma_wait3A_359 = tpu.memref_slice %arg8[%scan3A_152, %dma_wait3A_357, %dma_wait3A_358] : memref<2x10x128xi32, #tpu.memory_space<vmem>> -> memref<1x10x128xi32, #tpu.memory_space<vmem>>
        %dma_wait3A_360 = tpu.memref_squeeze %dma_wait3A_359 : memref<1x10x128xi32, #tpu.memory_space<vmem>> -> memref<10x128xi32, #tpu.memory_space<vmem>>
        %dma_wait3A_361 = arith.constant 0 : i32
        %dma_wait3A_362 = tpu.memref_slice %dma_wait3A_360[%add3A_331, %dma_wait3A_361] : memref<10x128xi32, #tpu.memory_space<vmem>> -> memref<1x128xi32, #tpu.memory_space<vmem>>
        %dma_wait3A_363 = tpu.memref_squeeze %dma_wait3A_362 : memref<1x128xi32, #tpu.memory_space<vmem>> -> memref<128xi32, #tpu.memory_space<vmem>>
        %dma_wait3A_364 = arith.constant 0 : i32
        %dma_wait3A_365 = arith.constant 0 : i32
        %dma_wait3A_366 = tpu.memref_slice %arg3[%dma_wait3A_364, %dma_wait3A_365] : memref<50048x16xf32, #tpu.memory_space<hbm>> -> memref<50048x16xf32, #tpu.memory_space<hbm>>
        tpu.wait_indirect_dma semaphore(%arg16 : memref<!tpu.dma_semaphore, #tpu.memory_space<semaphore_mem>>) src(%dma_wait3A_366 : memref<50048x16xf32, #tpu.memory_space<hbm>>) dst(%dma_wait3A_356 : memref<128x16xf32, #tpu.memory_space<vmem>>)
        %mul3A_367 = arith.constant 10 : i32
        %mul3A_368 = arith.muli %add3A_90, %mul3A_367 : i32
        %add3A_369 = arith.addi %mul3A_368, %add3A_331 : i32
        %ge3A_370 = arith.constant 2 : i32
        %ge3A_371 = arith.cmpi sge, %add3A_369, %ge3A_370 : i32
        %convert_element_type3A_372 = arith.extui %ge3A_371 : i1 to i32
        %cond3A_373 = arith.constant 1 : i32
        %cond3A_374 = arith.constant 0 : i32
        %cond3A_375 = arith.cmpi ne, %convert_element_type3A_372, %cond3A_374 : i32
        scf.if %cond3A_375 {
          %dma_wait3A_397 = arith.constant 0 : i32
          %dma_wait3A_398 = arith.constant 0 : i32
          %dma_wait3A_399 = arith.constant 0 : i32
          %dma_wait3A_400 = tpu.memref_slice %arg11[%cond3A_373, %dma_wait3A_398, %dma_wait3A_399] : memref<2x128x32xf32, #tpu.memory_space<vmem>> -> memref<1x128x32xf32, #tpu.memory_space<vmem>>
          %dma_wait3A_401 = tpu.memref_squeeze %dma_wait3A_400 : memref<1x128x32xf32, #tpu.memory_space<vmem>> -> memref<128x32xf32, #tpu.memory_space<vmem>>
          %dma_wait3A_402 = arith.constant 0 : i32
          %dma_wait3A_403 = arith.constant 0 : i32
          %dma_wait3A_404 = tpu.memref_slice %arg8[%scan3A_152, %dma_wait3A_402, %dma_wait3A_403] : memref<2x10x128xi32, #tpu.memory_space<vmem>> -> memref<1x10x128xi32, #tpu.memory_space<vmem>>
          %dma_wait3A_405 = tpu.memref_squeeze %dma_wait3A_404 : memref<1x10x128xi32, #tpu.memory_space<vmem>> -> memref<10x128xi32, #tpu.memory_space<vmem>>
          %dma_wait3A_406 = arith.constant 0 : i32
          %dma_wait3A_407 = tpu.memref_slice %dma_wait3A_405[%dma_wait3A_397, %dma_wait3A_406] : memref<10x128xi32, #tpu.memory_space<vmem>> -> memref<1x128xi32, #tpu.memory_space<vmem>>
          %dma_wait3A_408 = tpu.memref_squeeze %dma_wait3A_407 : memref<1x128xi32, #tpu.memory_space<vmem>> -> memref<128xi32, #tpu.memory_space<vmem>>
          %dma_wait3A_409 = arith.constant 0 : i32
          %dma_wait3A_410 = arith.constant 0 : i32
          %dma_wait3A_411 = tpu.memref_slice %arg12[%dma_wait3A_409, %dma_wait3A_410] : memref<50048x32xf32, #tpu.memory_space<vmem_shared>> -> memref<50048x32xf32, #tpu.memory_space<vmem_shared>>
          tpu.wait_indirect_dma semaphore(%arg18 : memref<!tpu.dma_semaphore, #tpu.memory_space<semaphore_mem>>) src(%dma_wait3A_401 : memref<128x32xf32, #tpu.memory_space<vmem>>) dst(%dma_wait3A_411 : memref<50048x32xf32, #tpu.memory_space<vmem_shared>>)
        } else {
        }
        %parallel_loop3A_376 = arith.constant 0 : i32
        %parallel_loop3A_377 = arith.constant 128 : i32
        %parallel_loop3A_378 = arith.constant 1 : i32
        %parallel_loop3A_379 = arith.constant 1 : i32
        %parallel_loop3A_380 = arith.constant 1 : i32
        %parallel_loop3A_381 = arith.constant 1 : i32
        scf.for %parallel_loop3A_397 = %parallel_loop3A_376 to %parallel_loop3A_377 step %parallel_loop3A_378  : i32 {
          %parallel_loop3A_398 = arith.constant 0 : i32
          %parallel_loop3A_399 = arith.constant 0 : i32
          %parallel_loop3A_400 = tpu.memref_slice %arg9[%parallel_loop3A_379, %parallel_loop3A_398, %parallel_loop3A_399] : memref<2x128x32xf32, #tpu.memory_space<vmem>> -> memref<1x128x32xf32, #tpu.memory_space<vmem>>
          %parallel_loop3A_401 = tpu.memref_squeeze %parallel_loop3A_400 : memref<1x128x32xf32, #tpu.memory_space<vmem>> -> memref<128x32xf32, #tpu.memory_space<vmem>>
          %parallel_loop3A_402 = arith.index_cast %parallel_loop3A_397 : i32 to index
          %parallel_loop3A_403 = arith.constant 0 : index
          %parallel_loop3A_404 = tpu.vector_load %parallel_loop3A_401[%parallel_loop3A_402, %parallel_loop3A_403] {strides = array<i32>} : memref<128x32xf32, #tpu.memory_space<vmem>>, vector<16xf32>,
          %parallel_loop3A_405 = arith.constant 0 : i32
          %parallel_loop3A_406 = arith.constant 0 : i32
          %parallel_loop3A_407 = tpu.memref_slice %arg10[%parallel_loop3A_380, %parallel_loop3A_405, %parallel_loop3A_406] : memref<2x128x16xf32, #tpu.memory_space<vmem>> -> memref<1x128x16xf32, #tpu.memory_space<vmem>>
          %parallel_loop3A_408 = tpu.memref_squeeze %parallel_loop3A_407 : memref<1x128x16xf32, #tpu.memory_space<vmem>> -> memref<128x16xf32, #tpu.memory_space<vmem>>
          %parallel_loop3A_409 = arith.index_cast %parallel_loop3A_397 : i32 to index
          %parallel_loop3A_410 = arith.constant 0 : index
          %parallel_loop3A_411 = tpu.vector_load %parallel_loop3A_408[%parallel_loop3A_409, %parallel_loop3A_410] {strides = array<i32>} : memref<128x16xf32, #tpu.memory_space<vmem>>, vector<16xf32>,
          %parallel_loop3A_412 = arith.constant 0 : i32
          %parallel_loop3A_413 = arith.constant 0 : i32
          %parallel_loop3A_414 = tpu.memref_slice %arg9[%parallel_loop3A_379, %parallel_loop3A_412, %parallel_loop3A_413] : memref<2x128x32xf32, #tpu.memory_space<vmem>> -> memref<1x128x32xf32, #tpu.memory_space<vmem>>
          %parallel_loop3A_415 = tpu.memref_squeeze %parallel_loop3A_414 : memref<1x128x32xf32, #tpu.memory_space<vmem>> -> memref<128x32xf32, #tpu.memory_space<vmem>>
          %parallel_loop3A_416 = arith.index_cast %parallel_loop3A_397 : i32 to index
          %parallel_loop3A_417 = arith.constant 16 : index
          %parallel_loop3A_418 = tpu.vector_load %parallel_loop3A_415[%parallel_loop3A_416, %parallel_loop3A_417] {strides = array<i32>} : memref<128x32xf32, #tpu.memory_space<vmem>>, vector<16xf32>,
          %parallel_loop3A_419 = arith.mulf %parallel_loop3A_404, %parallel_loop3A_411 : vector<16xf32>
          %parallel_loop3A_420 = arith.constant true
          %parallel_loop3A_421 = vector.broadcast %parallel_loop3A_420 : i1 to vector<16xi1>
          %parallel_loop3A_422 = tpu.scan <sum>, %parallel_loop3A_419 masked %parallel_loop3A_421 : vector<16xf32>, vector<16xi1> -> vector<16xf32>
          %parallel_loop3A_423 = vector.extract %parallel_loop3A_422[15] : f32 from vector<16xf32>
          %parallel_loop3A_424 = vector.broadcast %parallel_loop3A_423 : f32 to vector<16xf32>
          %parallel_loop3A_425 = math.exp %parallel_loop3A_424 : vector<16xf32>
          %parallel_loop3A_426 = arith.mulf %parallel_loop3A_425, %parallel_loop3A_418 : vector<16xf32>
          %parallel_loop3A_427 = arith.constant 0 : i32
          %parallel_loop3A_428 = arith.constant 0 : i32
          %parallel_loop3A_429 = tpu.memref_slice %arg11[%parallel_loop3A_381, %parallel_loop3A_427, %parallel_loop3A_428] : memref<2x128x32xf32, #tpu.memory_space<vmem>> -> memref<1x128x32xf32, #tpu.memory_space<vmem>>
          %parallel_loop3A_430 = tpu.memref_squeeze %parallel_loop3A_429 : memref<1x128x32xf32, #tpu.memory_space<vmem>> -> memref<128x32xf32, #tpu.memory_space<vmem>>
          %parallel_loop3A_431 = arith.index_cast %parallel_loop3A_397 : i32 to index
          %parallel_loop3A_432 = arith.constant 0 : index
          %parallel_loop3A_433 = tpu.vector_load %parallel_loop3A_430[%parallel_loop3A_431, %parallel_loop3A_432] {strides = array<i32>} : memref<128x32xf32, #tpu.memory_space<vmem>>, vector<16xf32>,
          tpu.vector_store %parallel_loop3A_430[%parallel_loop3A_431, %parallel_loop3A_432], %parallel_loop3A_426 {strides = array<i32>} : memref<128x32xf32, #tpu.memory_space<vmem>>, vector<16xf32>,
          %parallel_loop3A_434 = arith.constant 0 : i32
          %parallel_loop3A_435 = arith.constant 0 : i32
          %parallel_loop3A_436 = tpu.memref_slice %arg11[%parallel_loop3A_381, %parallel_loop3A_434, %parallel_loop3A_435] : memref<2x128x32xf32, #tpu.memory_space<vmem>> -> memref<1x128x32xf32, #tpu.memory_space<vmem>>
          %parallel_loop3A_437 = tpu.memref_squeeze %parallel_loop3A_436 : memref<1x128x32xf32, #tpu.memory_space<vmem>> -> memref<128x32xf32, #tpu.memory_space<vmem>>
          %parallel_loop3A_438 = arith.index_cast %parallel_loop3A_397 : i32 to index
          %parallel_loop3A_439 = arith.constant 16 : index
          %parallel_loop3A_440 = tpu.vector_load %parallel_loop3A_437[%parallel_loop3A_438, %parallel_loop3A_439] {strides = array<i32>} : memref<128x32xf32, #tpu.memory_space<vmem>>, vector<16xf32>,
          tpu.vector_store %parallel_loop3A_437[%parallel_loop3A_438, %parallel_loop3A_439], %parallel_loop3A_425 {strides = array<i32>} : memref<128x32xf32, #tpu.memory_space<vmem>>, vector<16xf32>,
        } {sc.loop_unroll_factor = 16 : i64, sc.parallel_access}
        %dma_start3A_382 = arith.constant 1 : i32
        %dma_start3A_383 = arith.constant 0 : i32
        %dma_start3A_384 = arith.constant 0 : i32
        %dma_start3A_385 = tpu.memref_slice %arg11[%dma_start3A_382, %dma_start3A_383, %dma_start3A_384] : memref<2x128x32xf32, #tpu.memory_space<vmem>> -> memref<1x128x32xf32, #tpu.memory_space<vmem>>
        %dma_start3A_386 = tpu.memref_squeeze %dma_start3A_385 : memref<1x128x32xf32, #tpu.memory_space<vmem>> -> memref<128x32xf32, #tpu.memory_space<vmem>>
        %dma_start3A_387 = arith.constant 0 : i32
        %dma_start3A_388 = arith.constant 0 : i32
        %dma_start3A_389 = tpu.memref_slice %arg8[%scan3A_152, %dma_start3A_387, %dma_start3A_388] : memref<2x10x128xi32, #tpu.memory_space<vmem>> -> memref<1x10x128xi32, #tpu.memory_space<vmem>>
        %dma_start3A_390 = tpu.memref_squeeze %dma_start3A_389 : memref<1x10x128xi32, #tpu.memory_space<vmem>> -> memref<10x128xi32, #tpu.memory_space<vmem>>
        %dma_start3A_391 = arith.constant 0 : i32
        %dma_start3A_392 = tpu.memref_slice %dma_start3A_390[%add3A_331, %dma_start3A_391] : memref<10x128xi32, #tpu.memory_space<vmem>> -> memref<1x128xi32, #tpu.memory_space<vmem>>
        %dma_start3A_393 = tpu.memref_squeeze %dma_start3A_392 : memref<1x128xi32, #tpu.memory_space<vmem>> -> memref<128xi32, #tpu.memory_space<vmem>>
        %dma_start3A_394 = arith.constant 0 : i32
        %dma_start3A_395 = arith.constant 0 : i32
        %dma_start3A_396 = tpu.memref_slice %arg12[%dma_start3A_394, %dma_start3A_395] : memref<50048x32xf32, #tpu.memory_space<vmem_shared>> -> memref<50048x32xf32, #tpu.memory_space<vmem_shared>>
        tpu.enqueue_indirect_dma source(%dma_start3A_386 : memref<128x32xf32, #tpu.memory_space<vmem>>) target(%dma_start3A_396 : memref<50048x32xf32, #tpu.memory_space<vmem_shared>>) offsets(%dma_start3A_393 : memref<128xi32, #tpu.memory_space<vmem>>) semaphore(%arg18 : memref<!tpu.dma_semaphore, #tpu.memory_space<semaphore_mem>>) {add = true}
      }
      %scan3A_157 = arith.constant 5 : i32
      %add3A_158 = arith.constant 1 : i32
      %add3A_159 = arith.addi %add3A_90, %add3A_158 : i32
      %dma_wait3A_160 = arith.constant 1 : i32
      %dma_wait3A_161 = arith.constant 0 : i32
      %dma_wait3A_162 = arith.constant 0 : i32
      %dma_wait3A_163 = tpu.memref_slice %arg7[%dma_wait3A_160, %dma_wait3A_161, %dma_wait3A_162] : memref<2x10x128xi32, #tpu.memory_space<vmem>> -> memref<1x10x128xi32, #tpu.memory_space<vmem>>
      %dma_wait3A_164 = tpu.memref_squeeze %dma_wait3A_163 : memref<1x10x128xi32, #tpu.memory_space<vmem>> -> memref<10x128xi32, #tpu.memory_space<vmem>>
      %dma_wait3A_165 = arith.constant 0 : i32
      %dma_wait3A_166 = tpu.memref_slice %arg4[%mul3A_25, %dma_wait3A_165] : memref<12800x128xi32, #tpu.memory_space<hbm>> -> memref<10x128xi32, #tpu.memory_space<hbm>>
      %dma_wait3A_167 = arith.constant 0 : i32
      %dma_wait3A_168 = arith.constant 0 : i32
      %dma_wait3A_169 = tpu.memref_slice %arg7[%dma_wait3A_160, %dma_wait3A_167, %dma_wait3A_168] : memref<2x10x128xi32, #tpu.memory_space<vmem>> -> memref<1x10x128xi32, #tpu.memory_space<vmem>>
      %dma_wait3A_170 = tpu.memref_squeeze %dma_wait3A_169 : memref<1x10x128xi32, #tpu.memory_space<vmem>> -> memref<10x128xi32, #tpu.memory_space<vmem>>
      %dma_wait3A_171 = arith.constant 0 : i32
      %dma_wait3A_172 = tpu.memref_slice %arg4[%mul3A_25, %dma_wait3A_171] : memref<12800x128xi32, #tpu.memory_space<hbm>> -> memref<10x128xi32, #tpu.memory_space<hbm>>
      tpu.wait_dma2 semaphore(%arg14 : memref<!tpu.dma_semaphore, #tpu.memory_space<semaphore_mem>>) src(%dma_wait3A_172 : memref<10x128xi32, #tpu.memory_space<hbm>>) dst(%dma_wait3A_170 : memref<10x128xi32, #tpu.memory_space<vmem>>)
      %dma_wait3A_173 = arith.constant 1 : i32
      %dma_wait3A_174 = arith.constant 0 : i32
      %dma_wait3A_175 = arith.constant 0 : i32
      %dma_wait3A_176 = tpu.memref_slice %arg8[%dma_wait3A_173, %dma_wait3A_174, %dma_wait3A_175] : memref<2x10x128xi32, #tpu.memory_space<vmem>> -> memref<1x10x128xi32, #tpu.memory_space<vmem>>
      %dma_wait3A_177 = tpu.memref_squeeze %dma_wait3A_176 : memref<1x10x128xi32, #tpu.memory_space<vmem>> -> memref<10x128xi32, #tpu.memory_space<vmem>>
      %dma_wait3A_178 = arith.constant 0 : i32
      %dma_wait3A_179 = tpu.memref_slice %arg5[%mul3A_25, %dma_wait3A_178] : memref<12800x128xi32, #tpu.memory_space<hbm>> -> memref<10x128xi32, #tpu.memory_space<hbm>>
      %dma_wait3A_180 = arith.constant 0 : i32
      %dma_wait3A_181 = arith.constant 0 : i32
      %dma_wait3A_182 = tpu.memref_slice %arg8[%dma_wait3A_173, %dma_wait3A_180, %dma_wait3A_181] : memref<2x10x128xi32, #tpu.memory_space<vmem>> -> memref<1x10x128xi32, #tpu.memory_space<vmem>>
      %dma_wait3A_183 = tpu.memref_squeeze %dma_wait3A_182 : memref<1x10x128xi32, #tpu.memory_space<vmem>> -> memref<10x128xi32, #tpu.memory_space<vmem>>
      %dma_wait3A_184 = arith.constant 0 : i32
      %dma_wait3A_185 = tpu.memref_slice %arg5[%mul3A_25, %dma_wait3A_184] : memref<12800x128xi32, #tpu.memory_space<hbm>> -> memref<10x128xi32, #tpu.memory_space<hbm>>
      tpu.wait_dma2 semaphore(%arg14 : memref<!tpu.dma_semaphore, #tpu.memory_space<semaphore_mem>>) src(%dma_wait3A_185 : memref<10x128xi32, #tpu.memory_space<hbm>>) dst(%dma_wait3A_183 : memref<10x128xi32, #tpu.memory_space<vmem>>)
      %dma_start3A_186 = arith.constant 1 : i32
      %dma_start3A_187 = arith.constant 0 : i32
      %dma_start3A_188 = arith.constant 0 : i32
      %dma_start3A_189 = arith.constant 0 : i32
      %dma_start3A_190 = arith.constant 0 : i32
      %dma_start3A_191 = tpu.memref_slice %arg9[%dma_start3A_188, %dma_start3A_189, %dma_start3A_190] : memref<2x128x32xf32, #tpu.memory_space<vmem>> -> memref<1x128x32xf32, #tpu.memory_space<vmem>>
      %dma_start3A_192 = tpu.memref_squeeze %dma_start3A_191 : memref<1x128x32xf32, #tpu.memory_space<vmem>> -> memref<128x32xf32, #tpu.memory_space<vmem>>
      %dma_start3A_193 = arith.constant 0 : i32
      %dma_start3A_194 = arith.constant 0 : i32
      %dma_start3A_195 = tpu.memref_slice %arg7[%dma_start3A_186, %dma_start3A_193, %dma_start3A_194] : memref<2x10x128xi32, #tpu.memory_space<vmem>> -> memref<1x10x128xi32, #tpu.memory_space<vmem>>
      %dma_start3A_196 = tpu.memref_squeeze %dma_start3A_195 : memref<1x10x128xi32, #tpu.memory_space<vmem>> -> memref<10x128xi32, #tpu.memory_space<vmem>>
      %dma_start3A_197 = arith.constant 0 : i32
      %dma_start3A_198 = tpu.memref_slice %dma_start3A_196[%dma_start3A_187, %dma_start3A_197] : memref<10x128xi32, #tpu.memory_space<vmem>> -> memref<1x128xi32, #tpu.memory_space<vmem>>
      %dma_start3A_199 = tpu.memref_squeeze %dma_start3A_198 : memref<1x128xi32, #tpu.memory_space<vmem>> -> memref<128xi32, #tpu.memory_space<vmem>>
      %dma_start3A_200 = arith.constant 0 : i32
      %dma_start3A_201 = arith.constant 0 : i32
      %dma_start3A_202 = tpu.memref_slice %arg2[%dma_start3A_200, %dma_start3A_201] : memref<50048x32xf32, #tpu.memory_space<hbm>> -> memref<50048x32xf32, #tpu.memory_space<hbm>>
      tpu.enqueue_indirect_dma source(%dma_start3A_202 : memref<50048x32xf32, #tpu.memory_space<hbm>>) target(%dma_start3A_192 : memref<128x32xf32, #tpu.memory_space<vmem>>) offsets(%dma_start3A_199 : memref<128xi32, #tpu.memory_space<vmem>>) semaphore(%arg15 : memref<!tpu.dma_semaphore, #tpu.memory_space<semaphore_mem>>)
      %dma_start3A_203 = arith.constant 1 : i32
      %dma_start3A_204 = arith.constant 0 : i32
      %dma_start3A_205 = arith.constant 0 : i32
      %dma_start3A_206 = arith.constant 0 : i32
      %dma_start3A_207 = arith.constant 0 : i32
      %dma_start3A_208 = tpu.memref_slice %arg10[%dma_start3A_205, %dma_start3A_206, %dma_start3A_207] : memref<2x128x16xf32, #tpu.memory_space<vmem>> -> memref<1x128x16xf32, #tpu.memory_space<vmem>>
      %dma_start3A_209 = tpu.memref_squeeze %dma_start3A_208 : memref<1x128x16xf32, #tpu.memory_space<vmem>> -> memref<128x16xf32, #tpu.memory_space<vmem>>
      %dma_start3A_210 = arith.constant 0 : i32
      %dma_start3A_211 = arith.constant 0 : i32
      %dma_start3A_212 = tpu.memref_slice %arg8[%dma_start3A_203, %dma_start3A_210, %dma_start3A_211] : memref<2x10x128xi32, #tpu.memory_space<vmem>> -> memref<1x10x128xi32, #tpu.memory_space<vmem>>
      %dma_start3A_213 = tpu.memref_squeeze %dma_start3A_212 : memref<1x10x128xi32, #tpu.memory_space<vmem>> -> memref<10x128xi32, #tpu.memory_space<vmem>>
      %dma_start3A_214 = arith.constant 0 : i32
      %dma_start3A_215 = tpu.memref_slice %dma_start3A_213[%dma_start3A_204, %dma_start3A_214] : memref<10x128xi32, #tpu.memory_space<vmem>> -> memref<1x128xi32, #tpu.memory_space<vmem>>
      %dma_start3A_216 = tpu.memref_squeeze %dma_start3A_215 : memref<1x128xi32, #tpu.memory_space<vmem>> -> memref<128xi32, #tpu.memory_space<vmem>>
      %dma_start3A_217 = arith.constant 0 : i32
      %dma_start3A_218 = arith.constant 0 : i32
      %dma_start3A_219 = tpu.memref_slice %arg3[%dma_start3A_217, %dma_start3A_218] : memref<50048x16xf32, #tpu.memory_space<hbm>> -> memref<50048x16xf32, #tpu.memory_space<hbm>>
      tpu.enqueue_indirect_dma source(%dma_start3A_219 : memref<50048x16xf32, #tpu.memory_space<hbm>>) target(%dma_start3A_209 : memref<128x16xf32, #tpu.memory_space<vmem>>) offsets(%dma_start3A_216 : memref<128xi32, #tpu.memory_space<vmem>>) semaphore(%arg15 : memref<!tpu.dma_semaphore, #tpu.memory_space<semaphore_mem>>)
      %scan3A_220 = arith.constant 1 : i32
      %scan3A_221 = arith.constant 1 : i32
      %scan3A_222 = arith.constant 0 : i32
      %scan3A_223 = arith.constant 5 : i32
      %scan3A_224 = arith.addi %scan3A_222, %scan3A_223 : i32
      %scan3A_225 = arith.constant 1 : i32
      scf.for %scan3A_227 = %scan3A_222 to %scan3A_224 step %scan3A_225  : i32 {
        %mul3A_228 = arith.constant 2 : i32
        %mul3A_229 = arith.muli %scan3A_227, %mul3A_228 : i32
        %add3A_230 = arith.constant 0 : i32
        %add3A_231 = arith.addi %add3A_230, %mul3A_229 : i32
        %add3A_232 = arith.constant 0 : i32
        %add3A_233 = arith.addi %add3A_231, %add3A_232 : i32
        %add3A_234 = arith.constant 1 : i32
        %add3A_235 = arith.addi %add3A_233, %add3A_234 : i32
        %dma_start3A_236 = arith.constant 1 : i32
        %dma_start3A_237 = arith.constant 0 : i32
        %dma_start3A_238 = arith.constant 0 : i32
        %dma_start3A_239 = tpu.memref_slice %arg9[%dma_start3A_236, %dma_start3A_237, %dma_start3A_238] : memref<2x128x32xf32, #tpu.memory_space<vmem>> -> memref<1x128x32xf32, #tpu.memory_space<vmem>>
        %dma_start3A_240 = tpu.memref_squeeze %dma_start3A_239 : memref<1x128x32xf32, #tpu.memory_space<vmem>> -> memref<128x32xf32, #tpu.memory_space<vmem>>
        %dma_start3A_241 = arith.constant 0 : i32
        %dma_start3A_242 = arith.constant 0 : i32
        %dma_start3A_243 = tpu.memref_slice %arg7[%scan3A_220, %dma_start3A_241, %dma_start3A_242] : memref<2x10x128xi32, #tpu.memory_space<vmem>> -> memref<1x10x128xi32, #tpu.memory_space<vmem>>
        %dma_start3A_244 = tpu.memref_squeeze %dma_start3A_243 : memref<1x10x128xi32, #tpu.memory_space<vmem>> -> memref<10x128xi32, #tpu.memory_space<vmem>>
        %dma_start3A_245 = arith.constant 0 : i32
        %dma_start3A_246 = tpu.memref_slice %dma_start3A_244[%add3A_235, %dma_start3A_245] : memref<10x128xi32, #tpu.memory_space<vmem>> -> memref<1x128xi32, #tpu.memory_space<vmem>>
        %dma_start3A_247 = tpu.memref_squeeze %dma_start3A_246 : memref<1x128xi32, #tpu.memory_space<vmem>> -> memref<128xi32, #tpu.memory_space<vmem>>
        %dma_start3A_248 = arith.constant 0 : i32
        %dma_start3A_249 = arith.constant 0 : i32
        %dma_start3A_250 = tpu.memref_slice %arg2[%dma_start3A_248, %dma_start3A_249] : memref<50048x32xf32, #tpu.memory_space<hbm>> -> memref<50048x32xf32, #tpu.memory_space<hbm>>
        tpu.enqueue_indirect_dma source(%dma_start3A_250 : memref<50048x32xf32, #tpu.memory_space<hbm>>) target(%dma_start3A_240 : memref<128x32xf32, #tpu.memory_space<vmem>>) offsets(%dma_start3A_247 : memref<128xi32, #tpu.memory_space<vmem>>) semaphore(%arg16 : memref<!tpu.dma_semaphore, #tpu.memory_space<semaphore_mem>>)
        %add3A_251 = arith.constant 1 : i32
        %add3A_252 = arith.addi %add3A_233, %add3A_251 : i32
        %dma_start3A_253 = arith.constant 1 : i32
        %dma_start3A_254 = arith.constant 0 : i32
        %dma_start3A_255 = arith.constant 0 : i32
        %dma_start3A_256 = tpu.memref_slice %arg10[%dma_start3A_253, %dma_start3A_254, %dma_start3A_255] : memref<2x128x16xf32, #tpu.memory_space<vmem>> -> memref<1x128x16xf32, #tpu.memory_space<vmem>>
        %dma_start3A_257 = tpu.memref_squeeze %dma_start3A_256 : memref<1x128x16xf32, #tpu.memory_space<vmem>> -> memref<128x16xf32, #tpu.memory_space<vmem>>
        %dma_start3A_258 = arith.constant 0 : i32
        %dma_start3A_259 = arith.constant 0 : i32
        %dma_start3A_260 = tpu.memref_slice %arg8[%scan3A_221, %dma_start3A_258, %dma_start3A_259] : memref<2x10x128xi32, #tpu.memory_space<vmem>> -> memref<1x10x128xi32, #tpu.memory_space<vmem>>
        %dma_start3A_261 = tpu.memref_squeeze %dma_start3A_260 : memref<1x10x128xi32, #tpu.memory_space<vmem>> -> memref<10x128xi32, #tpu.memory_space<vmem>>
        %dma_start3A_262 = arith.constant 0 : i32
        %dma_start3A_263 = tpu.memref_slice %dma_start3A_261[%add3A_252, %dma_start3A_262] : memref<10x128xi32, #tpu.memory_space<vmem>> -> memref<1x128xi32, #tpu.memory_space<vmem>>
        %dma_start3A_264 = tpu.memref_squeeze %dma_start3A_263 : memref<1x128xi32, #tpu.memory_space<vmem>> -> memref<128xi32, #tpu.memory_space<vmem>>
        %dma_start3A_265 = arith.constant 0 : i32
        %dma_start3A_266 = arith.constant 0 : i32
        %dma_start3A_267 = tpu.memref_slice %arg3[%dma_start3A_265, %dma_start3A_266] : memref<50048x16xf32, #tpu.memory_space<hbm>> -> memref<50048x16xf32, #tpu.memory_space<hbm>>
        tpu.enqueue_indirect_dma source(%dma_start3A_267 : memref<50048x16xf32, #tpu.memory_space<hbm>>) target(%dma_start3A_257 : memref<128x16xf32, #tpu.memory_space<vmem>>) offsets(%dma_start3A_264 : memref<128xi32, #tpu.memory_space<vmem>>) semaphore(%arg16 : memref<!tpu.dma_semaphore, #tpu.memory_space<semaphore_mem>>)
        %eq3A = arith.constant 2 : i32
        %eq3A_268 = arith.cmpi eq, %add3A_231, %eq3A : i32
        %lt3A_269 = arith.constant 39 : i32
        %lt3A_270 = arith.cmpi slt, %add3A_159, %lt3A_269 : i32
        %and3A = arith.andi %eq3A_268, %lt3A_270 : i1
        %convert_element_type3A = arith.extui %and3A : i1 to i32
        %cond3A = arith.constant 0 : i32
        %cond3A_271 = arith.cmpi ne, %convert_element_type3A, %cond3A : i32
        scf.if %cond3A_271 {
          %add3A_397 = arith.constant 1 : i32
          %add3A_398 = arith.addi %add3A_159, %add3A_397 : i32
          %mul3A_399 = arith.constant 10 : i32
          %mul3A_400 = arith.muli %add3A_398, %mul3A_399 : i32
          %add3A_401 = arith.addi %mul3A_25, %mul3A_400 : i32
          %dma_start3A_402 = arith.constant 0 : i32
          %dma_start3A_403 = arith.constant 0 : i32
          %dma_start3A_404 = arith.constant 0 : i32
          %dma_start3A_405 = tpu.memref_slice %arg7[%dma_start3A_402, %dma_start3A_403, %dma_start3A_404] : memref<2x10x128xi32, #tpu.memory_space<vmem>> -> memref<1x10x128xi32, #tpu.memory_space<vmem>>
          %dma_start3A_406 = tpu.memref_squeeze %dma_start3A_405 : memref<1x10x128xi32, #tpu.memory_space<vmem>> -> memref<10x128xi32, #tpu.memory_space<vmem>>
          %dma_start3A_407 = arith.constant 0 : i32
          %dma_start3A_408 = tpu.memref_slice %arg4[%add3A_401, %dma_start3A_407] : memref<12800x128xi32, #tpu.memory_space<hbm>> -> memref<10x128xi32, #tpu.memory_space<hbm>>
          %dma_start3A_409 = arith.constant 0 : i32
          %dma_start3A_410 = arith.constant 0 : i32
          %dma_start3A_411 = tpu.memref_slice %arg7[%dma_start3A_402, %dma_start3A_409, %dma_start3A_410] : memref<2x10x128xi32, #tpu.memory_space<vmem>> -> memref<1x10x128xi32, #tpu.memory_space<vmem>>
          %dma_start3A_412 = tpu.memref_squeeze %dma_start3A_411 : memref<1x10x128xi32, #tpu.memory_space<vmem>> -> memref<10x128xi32, #tpu.memory_space<vmem>>
          %dma_start3A_413 = arith.constant 0 : i32
          %dma_start3A_414 = tpu.memref_slice %arg4[%add3A_401, %dma_start3A_413] : memref<12800x128xi32, #tpu.memory_space<hbm>> -> memref<10x128xi32, #tpu.memory_space<hbm>>
          tpu.enqueue_dma source(%dma_start3A_414 : memref<10x128xi32, #tpu.memory_space<hbm>>) target(%dma_start3A_412 : memref<10x128xi32, #tpu.memory_space<vmem>>) target_semaphore(%arg13 : memref<!tpu.dma_semaphore, #tpu.memory_space<semaphore_mem>>)
          %dma_start3A_415 = arith.constant 0 : i32
          %dma_start3A_416 = arith.constant 0 : i32
          %dma_start3A_417 = arith.constant 0 : i32
          %dma_start3A_418 = tpu.memref_slice %arg8[%dma_start3A_415, %dma_start3A_416, %dma_start3A_417] : memref<2x10x128xi32, #tpu.memory_space<vmem>> -> memref<1x10x128xi32, #tpu.memory_space<vmem>>
          %dma_start3A_419 = tpu.memref_squeeze %dma_start3A_418 : memref<1x10x128xi32, #tpu.memory_space<vmem>> -> memref<10x128xi32, #tpu.memory_space<vmem>>
          %dma_start3A_420 = arith.constant 0 : i32
          %dma_start3A_421 = tpu.memref_slice %arg5[%add3A_401, %dma_start3A_420] : memref<12800x128xi32, #tpu.memory_space<hbm>> -> memref<10x128xi32, #tpu.memory_space<hbm>>
          %dma_start3A_422 = arith.constant 0 : i32
          %dma_start3A_423 = arith.constant 0 : i32
          %dma_start3A_424 = tpu.memref_slice %arg8[%dma_start3A_415, %dma_start3A_422, %dma_start3A_423] : memref<2x10x128xi32, #tpu.memory_space<vmem>> -> memref<1x10x128xi32, #tpu.memory_space<vmem>>
          %dma_start3A_425 = tpu.memref_squeeze %dma_start3A_424 : memref<1x10x128xi32, #tpu.memory_space<vmem>> -> memref<10x128xi32, #tpu.memory_space<vmem>>
          %dma_start3A_426 = arith.constant 0 : i32
          %dma_start3A_427 = tpu.memref_slice %arg5[%add3A_401, %dma_start3A_426] : memref<12800x128xi32, #tpu.memory_space<hbm>> -> memref<10x128xi32, #tpu.memory_space<hbm>>
          tpu.enqueue_dma source(%dma_start3A_427 : memref<10x128xi32, #tpu.memory_space<hbm>>) target(%dma_start3A_425 : memref<10x128xi32, #tpu.memory_space<vmem>>) target_semaphore(%arg13 : memref<!tpu.dma_semaphore, #tpu.memory_space<semaphore_mem>>)
        } else {
        }
        %dma_wait3A_272 = arith.constant 0 : i32
        %dma_wait3A_273 = arith.constant 0 : i32
        %dma_wait3A_274 = arith.constant 0 : i32
        %dma_wait3A_275 = tpu.memref_slice %arg9[%dma_wait3A_272, %dma_wait3A_273, %dma_wait3A_274] : memref<2x128x32xf32, #tpu.memory_space<vmem>> -> memref<1x128x32xf32, #tpu.memory_space<vmem>>
        %dma_wait3A_276 = tpu.memref_squeeze %dma_wait3A_275 : memref<1x128x32xf32, #tpu.memory_space<vmem>> -> memref<128x32xf32, #tpu.memory_space<vmem>>
        %dma_wait3A_277 = arith.constant 0 : i32
        %dma_wait3A_278 = arith.constant 0 : i32
        %dma_wait3A_279 = tpu.memref_slice %arg7[%scan3A_220, %dma_wait3A_277, %dma_wait3A_278] : memref<2x10x128xi32, #tpu.memory_space<vmem>> -> memref<1x10x128xi32, #tpu.memory_space<vmem>>
        %dma_wait3A_280 = tpu.memref_squeeze %dma_wait3A_279 : memref<1x10x128xi32, #tpu.memory_space<vmem>> -> memref<10x128xi32, #tpu.memory_space<vmem>>
        %dma_wait3A_281 = arith.constant 0 : i32
        %dma_wait3A_282 = tpu.memref_slice %dma_wait3A_280[%add3A_233, %dma_wait3A_281] : memref<10x128xi32, #tpu.memory_space<vmem>> -> memref<1x128xi32, #tpu.memory_space<vmem>>
        %dma_wait3A_283 = tpu.memref_squeeze %dma_wait3A_282 : memref<1x128xi32, #tpu.memory_space<vmem>> -> memref<128xi32, #tpu.memory_space<vmem>>
        %dma_wait3A_284 = arith.constant 0 : i32
        %dma_wait3A_285 = arith.constant 0 : i32
        %dma_wait3A_286 = tpu.memref_slice %arg2[%dma_wait3A_284, %dma_wait3A_285] : memref<50048x32xf32, #tpu.memory_space<hbm>> -> memref<50048x32xf32, #tpu.memory_space<hbm>>
        tpu.wait_indirect_dma semaphore(%arg15 : memref<!tpu.dma_semaphore, #tpu.memory_space<semaphore_mem>>) src(%dma_wait3A_286 : memref<50048x32xf32, #tpu.memory_space<hbm>>) dst(%dma_wait3A_276 : memref<128x32xf32, #tpu.memory_space<vmem>>)
        %dma_wait3A_287 = arith.constant 0 : i32
        %dma_wait3A_288 = arith.constant 0 : i32
        %dma_wait3A_289 = arith.constant 0 : i32
        %dma_wait3A_290 = tpu.memref_slice %arg10[%dma_wait3A_287, %dma_wait3A_288, %dma_wait3A_289] : memref<2x128x16xf32, #tpu.memory_space<vmem>> -> memref<1x128x16xf32, #tpu.memory_space<vmem>>
        %dma_wait3A_291 = tpu.memref_squeeze %dma_wait3A_290 : memref<1x128x16xf32, #tpu.memory_space<vmem>> -> memref<128x16xf32, #tpu.memory_space<vmem>>
        %dma_wait3A_292 = arith.constant 0 : i32
        %dma_wait3A_293 = arith.constant 0 : i32
        %dma_wait3A_294 = tpu.memref_slice %arg8[%scan3A_221, %dma_wait3A_292, %dma_wait3A_293] : memref<2x10x128xi32, #tpu.memory_space<vmem>> -> memref<1x10x128xi32, #tpu.memory_space<vmem>>
        %dma_wait3A_295 = tpu.memref_squeeze %dma_wait3A_294 : memref<1x10x128xi32, #tpu.memory_space<vmem>> -> memref<10x128xi32, #tpu.memory_space<vmem>>
        %dma_wait3A_296 = arith.constant 0 : i32
        %dma_wait3A_297 = tpu.memref_slice %dma_wait3A_295[%add3A_233, %dma_wait3A_296] : memref<10x128xi32, #tpu.memory_space<vmem>> -> memref<1x128xi32, #tpu.memory_space<vmem>>
        %dma_wait3A_298 = tpu.memref_squeeze %dma_wait3A_297 : memref<1x128xi32, #tpu.memory_space<vmem>> -> memref<128xi32, #tpu.memory_space<vmem>>
        %dma_wait3A_299 = arith.constant 0 : i32
        %dma_wait3A_300 = arith.constant 0 : i32
        %dma_wait3A_301 = tpu.memref_slice %arg3[%dma_wait3A_299, %dma_wait3A_300] : memref<50048x16xf32, #tpu.memory_space<hbm>> -> memref<50048x16xf32, #tpu.memory_space<hbm>>
        tpu.wait_indirect_dma semaphore(%arg15 : memref<!tpu.dma_semaphore, #tpu.memory_space<semaphore_mem>>) src(%dma_wait3A_301 : memref<50048x16xf32, #tpu.memory_space<hbm>>) dst(%dma_wait3A_291 : memref<128x16xf32, #tpu.memory_space<vmem>>)
        %mul3A_302 = arith.constant 10 : i32
        %mul3A_303 = arith.muli %add3A_159, %mul3A_302 : i32
        %add3A_304 = arith.addi %mul3A_303, %add3A_233 : i32
        %ge3A = arith.constant 2 : i32
        %ge3A_305 = arith.cmpi sge, %add3A_304, %ge3A : i32
        %convert_element_type3A_306 = arith.extui %ge3A_305 : i1 to i32
        %cond3A_307 = arith.constant 0 : i32
        %cond3A_308 = arith.constant 0 : i32
        %cond3A_309 = arith.cmpi ne, %convert_element_type3A_306, %cond3A_308 : i32
        scf.if %cond3A_309 {
          %dma_wait3A_397 = arith.constant 0 : i32
          %dma_wait3A_398 = arith.constant 0 : i32
          %dma_wait3A_399 = arith.constant 0 : i32
          %dma_wait3A_400 = tpu.memref_slice %arg11[%cond3A_307, %dma_wait3A_398, %dma_wait3A_399] : memref<2x128x32xf32, #tpu.memory_space<vmem>> -> memref<1x128x32xf32, #tpu.memory_space<vmem>>
          %dma_wait3A_401 = tpu.memref_squeeze %dma_wait3A_400 : memref<1x128x32xf32, #tpu.memory_space<vmem>> -> memref<128x32xf32, #tpu.memory_space<vmem>>
          %dma_wait3A_402 = arith.constant 0 : i32
          %dma_wait3A_403 = arith.constant 0 : i32
          %dma_wait3A_404 = tpu.memref_slice %arg8[%scan3A_221, %dma_wait3A_402, %dma_wait3A_403] : memref<2x10x128xi32, #tpu.memory_space<vmem>> -> memref<1x10x128xi32, #tpu.memory_space<vmem>>
          %dma_wait3A_405 = tpu.memref_squeeze %dma_wait3A_404 : memref<1x10x128xi32, #tpu.memory_space<vmem>> -> memref<10x128xi32, #tpu.memory_space<vmem>>
          %dma_wait3A_406 = arith.constant 0 : i32
          %dma_wait3A_407 = tpu.memref_slice %dma_wait3A_405[%dma_wait3A_397, %dma_wait3A_406] : memref<10x128xi32, #tpu.memory_space<vmem>> -> memref<1x128xi32, #tpu.memory_space<vmem>>
          %dma_wait3A_408 = tpu.memref_squeeze %dma_wait3A_407 : memref<1x128xi32, #tpu.memory_space<vmem>> -> memref<128xi32, #tpu.memory_space<vmem>>
          %dma_wait3A_409 = arith.constant 0 : i32
          %dma_wait3A_410 = arith.constant 0 : i32
          %dma_wait3A_411 = tpu.memref_slice %arg12[%dma_wait3A_409, %dma_wait3A_410] : memref<50048x32xf32, #tpu.memory_space<vmem_shared>> -> memref<50048x32xf32, #tpu.memory_space<vmem_shared>>
          tpu.wait_indirect_dma semaphore(%arg17 : memref<!tpu.dma_semaphore, #tpu.memory_space<semaphore_mem>>) src(%dma_wait3A_401 : memref<128x32xf32, #tpu.memory_space<vmem>>) dst(%dma_wait3A_411 : memref<50048x32xf32, #tpu.memory_space<vmem_shared>>)
        } else {
        }
        %parallel_loop3A = arith.constant 0 : i32
        %parallel_loop3A_310 = arith.constant 128 : i32
        %parallel_loop3A_311 = arith.constant 1 : i32
        %parallel_loop3A_312 = arith.constant 0 : i32
        %parallel_loop3A_313 = arith.constant 0 : i32
        %parallel_loop3A_314 = arith.constant 0 : i32
        scf.for %parallel_loop3A_397 = %parallel_loop3A to %parallel_loop3A_310 step %parallel_loop3A_311  : i32 {
          %parallel_loop3A_398 = arith.constant 0 : i32
          %parallel_loop3A_399 = arith.constant 0 : i32
          %parallel_loop3A_400 = tpu.memref_slice %arg9[%parallel_loop3A_312, %parallel_loop3A_398, %parallel_loop3A_399] : memref<2x128x32xf32, #tpu.memory_space<vmem>> -> memref<1x128x32xf32, #tpu.memory_space<vmem>>
          %parallel_loop3A_401 = tpu.memref_squeeze %parallel_loop3A_400 : memref<1x128x32xf32, #tpu.memory_space<vmem>> -> memref<128x32xf32, #tpu.memory_space<vmem>>
          %parallel_loop3A_402 = arith.index_cast %parallel_loop3A_397 : i32 to index
          %parallel_loop3A_403 = arith.constant 0 : index
          %parallel_loop3A_404 = tpu.vector_load %parallel_loop3A_401[%parallel_loop3A_402, %parallel_loop3A_403] {strides = array<i32>} : memref<128x32xf32, #tpu.memory_space<vmem>>, vector<16xf32>,
          %parallel_loop3A_405 = arith.constant 0 : i32
          %parallel_loop3A_406 = arith.constant 0 : i32
          %parallel_loop3A_407 = tpu.memref_slice %arg10[%parallel_loop3A_313, %parallel_loop3A_405, %parallel_loop3A_406] : memref<2x128x16xf32, #tpu.memory_space<vmem>> -> memref<1x128x16xf32, #tpu.memory_space<vmem>>
          %parallel_loop3A_408 = tpu.memref_squeeze %parallel_loop3A_407 : memref<1x128x16xf32, #tpu.memory_space<vmem>> -> memref<128x16xf32, #tpu.memory_space<vmem>>
          %parallel_loop3A_409 = arith.index_cast %parallel_loop3A_397 : i32 to index
          %parallel_loop3A_410 = arith.constant 0 : index
          %parallel_loop3A_411 = tpu.vector_load %parallel_loop3A_408[%parallel_loop3A_409, %parallel_loop3A_410] {strides = array<i32>} : memref<128x16xf32, #tpu.memory_space<vmem>>, vector<16xf32>,
          %parallel_loop3A_412 = arith.constant 0 : i32
          %parallel_loop3A_413 = arith.constant 0 : i32
          %parallel_loop3A_414 = tpu.memref_slice %arg9[%parallel_loop3A_312, %parallel_loop3A_412, %parallel_loop3A_413] : memref<2x128x32xf32, #tpu.memory_space<vmem>> -> memref<1x128x32xf32, #tpu.memory_space<vmem>>
          %parallel_loop3A_415 = tpu.memref_squeeze %parallel_loop3A_414 : memref<1x128x32xf32, #tpu.memory_space<vmem>> -> memref<128x32xf32, #tpu.memory_space<vmem>>
          %parallel_loop3A_416 = arith.index_cast %parallel_loop3A_397 : i32 to index
          %parallel_loop3A_417 = arith.constant 16 : index
          %parallel_loop3A_418 = tpu.vector_load %parallel_loop3A_415[%parallel_loop3A_416, %parallel_loop3A_417] {strides = array<i32>} : memref<128x32xf32, #tpu.memory_space<vmem>>, vector<16xf32>,
          %parallel_loop3A_419 = arith.mulf %parallel_loop3A_404, %parallel_loop3A_411 : vector<16xf32>
          %parallel_loop3A_420 = arith.constant true
          %parallel_loop3A_421 = vector.broadcast %parallel_loop3A_420 : i1 to vector<16xi1>
          %parallel_loop3A_422 = tpu.scan <sum>, %parallel_loop3A_419 masked %parallel_loop3A_421 : vector<16xf32>, vector<16xi1> -> vector<16xf32>
          %parallel_loop3A_423 = vector.extract %parallel_loop3A_422[15] : f32 from vector<16xf32>
          %parallel_loop3A_424 = vector.broadcast %parallel_loop3A_423 : f32 to vector<16xf32>
          %parallel_loop3A_425 = math.exp %parallel_loop3A_424 : vector<16xf32>
          %parallel_loop3A_426 = arith.mulf %parallel_loop3A_425, %parallel_loop3A_418 : vector<16xf32>
          %parallel_loop3A_427 = arith.constant 0 : i32
          %parallel_loop3A_428 = arith.constant 0 : i32
          %parallel_loop3A_429 = tpu.memref_slice %arg11[%parallel_loop3A_314, %parallel_loop3A_427, %parallel_loop3A_428] : memref<2x128x32xf32, #tpu.memory_space<vmem>> -> memref<1x128x32xf32, #tpu.memory_space<vmem>>
          %parallel_loop3A_430 = tpu.memref_squeeze %parallel_loop3A_429 : memref<1x128x32xf32, #tpu.memory_space<vmem>> -> memref<128x32xf32, #tpu.memory_space<vmem>>
          %parallel_loop3A_431 = arith.index_cast %parallel_loop3A_397 : i32 to index
          %parallel_loop3A_432 = arith.constant 0 : index
          %parallel_loop3A_433 = tpu.vector_load %parallel_loop3A_430[%parallel_loop3A_431, %parallel_loop3A_432] {strides = array<i32>} : memref<128x32xf32, #tpu.memory_space<vmem>>, vector<16xf32>,
          tpu.vector_store %parallel_loop3A_430[%parallel_loop3A_431, %parallel_loop3A_432], %parallel_loop3A_426 {strides = array<i32>} : memref<128x32xf32, #tpu.memory_space<vmem>>, vector<16xf32>,
          %parallel_loop3A_434 = arith.constant 0 : i32
          %parallel_loop3A_435 = arith.constant 0 : i32
          %parallel_loop3A_436 = tpu.memref_slice %arg11[%parallel_loop3A_314, %parallel_loop3A_434, %parallel_loop3A_435] : memref<2x128x32xf32, #tpu.memory_space<vmem>> -> memref<1x128x32xf32, #tpu.memory_space<vmem>>
          %parallel_loop3A_437 = tpu.memref_squeeze %parallel_loop3A_436 : memref<1x128x32xf32, #tpu.memory_space<vmem>> -> memref<128x32xf32, #tpu.memory_space<vmem>>
          %parallel_loop3A_438 = arith.index_cast %parallel_loop3A_397 : i32 to index
          %parallel_loop3A_439 = arith.constant 16 : index
          %parallel_loop3A_440 = tpu.vector_load %parallel_loop3A_437[%parallel_loop3A_438, %parallel_loop3A_439] {strides = array<i32>} : memref<128x32xf32, #tpu.memory_space<vmem>>, vector<16xf32>,
          tpu.vector_store %parallel_loop3A_437[%parallel_loop3A_438, %parallel_loop3A_439], %parallel_loop3A_425 {strides = array<i32>} : memref<128x32xf32, #tpu.memory_space<vmem>>, vector<16xf32>,
        } {sc.loop_unroll_factor = 16 : i64, sc.parallel_access}
        %dma_start3A_315 = arith.constant 0 : i32
        %dma_start3A_316 = arith.constant 0 : i32
        %dma_start3A_317 = arith.constant 0 : i32
        %dma_start3A_318 = tpu.memref_slice %arg11[%dma_start3A_315, %dma_start3A_316, %dma_start3A_317] : memref<2x128x32xf32, #tpu.memory_space<vmem>> -> memref<1x128x32xf32, #tpu.memory_space<vmem>>
        %dma_start3A_319 = tpu.memref_squeeze %dma_start3A_318 : memref<1x128x32xf32, #tpu.memory_space<vmem>> -> memref<128x32xf32, #tpu.memory_space<vmem>>
        %dma_start3A_320 = arith.constant 0 : i32
        %dma_start3A_321 = arith.constant 0 : i32
        %dma_start3A_322 = tpu.memref_slice %arg8[%scan3A_221, %dma_start3A_320, %dma_start3A_321] : memref<2x10x128xi32, #tpu.memory_space<vmem>> -> memref<1x10x128xi32, #tpu.memory_space<vmem>>
        %dma_start3A_323 = tpu.memref_squeeze %dma_start3A_322 : memref<1x10x128xi32, #tpu.memory_space<vmem>> -> memref<10x128xi32, #tpu.memory_space<vmem>>
        %dma_start3A_324 = arith.constant 0 : i32
        %dma_start3A_325 = tpu.memref_slice %dma_start3A_323[%add3A_233, %dma_start3A_324] : memref<10x128xi32, #tpu.memory_space<vmem>> -> memref<1x128xi32, #tpu.memory_space<vmem>>
        %dma_start3A_326 = tpu.memref_squeeze %dma_start3A_325 : memref<1x128xi32, #tpu.memory_space<vmem>> -> memref<128xi32, #tpu.memory_space<vmem>>
        %dma_start3A_327 = arith.constant 0 : i32
        %dma_start3A_328 = arith.constant 0 : i32
        %dma_start3A_329 = tpu.memref_slice %arg12[%dma_start3A_327, %dma_start3A_328] : memref<50048x32xf32, #tpu.memory_space<vmem_shared>> -> memref<50048x32xf32, #tpu.memory_space<vmem_shared>>
        tpu.enqueue_indirect_dma source(%dma_start3A_319 : memref<128x32xf32, #tpu.memory_space<vmem>>) target(%dma_start3A_329 : memref<50048x32xf32, #tpu.memory_space<vmem_shared>>) offsets(%dma_start3A_326 : memref<128xi32, #tpu.memory_space<vmem>>) semaphore(%arg17 : memref<!tpu.dma_semaphore, #tpu.memory_space<semaphore_mem>>) {add = true}
        %add3A_330 = arith.constant 1 : i32
        %add3A_331 = arith.addi %add3A_231, %add3A_330 : i32
        %lt3A_332 = arith.constant 8 : i32
        %lt3A_333 = arith.cmpi slt, %add3A_231, %lt3A_332 : i32
        %convert_element_type3A_334 = arith.extui %lt3A_333 : i1 to i32
        %cond3A_335 = arith.constant 0 : i32
        %cond3A_336 = arith.cmpi ne, %convert_element_type3A_334, %cond3A_335 : i32
        scf.if %cond3A_336 {
          %add3A_397 = arith.constant 1 : i32
          %add3A_398 = arith.addi %add3A_331, %add3A_397 : i32
          %dma_start3A_399 = arith.constant 0 : i32
          %dma_start3A_400 = arith.constant 0 : i32
          %dma_start3A_401 = arith.constant 0 : i32
          %dma_start3A_402 = tpu.memref_slice %arg9[%dma_start3A_399, %dma_start3A_400, %dma_start3A_401] : memref<2x128x32xf32, #tpu.memory_space<vmem>> -> memref<1x128x32xf32, #tpu.memory_space<vmem>>
          %dma_start3A_403 = tpu.memref_squeeze %dma_start3A_402 : memref<1x128x32xf32, #tpu.memory_space<vmem>> -> memref<128x32xf32, #tpu.memory_space<vmem>>
          %dma_start3A_404 = arith.constant 0 : i32
          %dma_start3A_405 = arith.constant 0 : i32
          %dma_start3A_406 = tpu.memref_slice %arg7[%scan3A_220, %dma_start3A_404, %dma_start3A_405] : memref<2x10x128xi32, #tpu.memory_space<vmem>> -> memref<1x10x128xi32, #tpu.memory_space<vmem>>
          %dma_start3A_407 = tpu.memref_squeeze %dma_start3A_406 : memref<1x10x128xi32, #tpu.memory_space<vmem>> -> memref<10x128xi32, #tpu.memory_space<vmem>>
          %dma_start3A_408 = arith.constant 0 : i32
          %dma_start3A_409 = tpu.memref_slice %dma_start3A_407[%add3A_398, %dma_start3A_408] : memref<10x128xi32, #tpu.memory_space<vmem>> -> memref<1x128xi32, #tpu.memory_space<vmem>>
          %dma_start3A_410 = tpu.memref_squeeze %dma_start3A_409 : memref<1x128xi32, #tpu.memory_space<vmem>> -> memref<128xi32, #tpu.memory_space<vmem>>
          %dma_start3A_411 = arith.constant 0 : i32
          %dma_start3A_412 = arith.constant 0 : i32
          %dma_start3A_413 = tpu.memref_slice %arg2[%dma_start3A_411, %dma_start3A_412] : memref<50048x32xf32, #tpu.memory_space<hbm>> -> memref<50048x32xf32, #tpu.memory_space<hbm>>
          tpu.enqueue_indirect_dma source(%dma_start3A_413 : memref<50048x32xf32, #tpu.memory_space<hbm>>) target(%dma_start3A_403 : memref<128x32xf32, #tpu.memory_space<vmem>>) offsets(%dma_start3A_410 : memref<128xi32, #tpu.memory_space<vmem>>) semaphore(%arg15 : memref<!tpu.dma_semaphore, #tpu.memory_space<semaphore_mem>>)
          %add3A_414 = arith.constant 1 : i32
          %add3A_415 = arith.addi %add3A_331, %add3A_414 : i32
          %dma_start3A_416 = arith.constant 0 : i32
          %dma_start3A_417 = arith.constant 0 : i32
          %dma_start3A_418 = arith.constant 0 : i32
          %dma_start3A_419 = tpu.memref_slice %arg10[%dma_start3A_416, %dma_start3A_417, %dma_start3A_418] : memref<2x128x16xf32, #tpu.memory_space<vmem>> -> memref<1x128x16xf32, #tpu.memory_space<vmem>>
          %dma_start3A_420 = tpu.memref_squeeze %dma_start3A_419 : memref<1x128x16xf32, #tpu.memory_space<vmem>> -> memref<128x16xf32, #tpu.memory_space<vmem>>
          %dma_start3A_421 = arith.constant 0 : i32
          %dma_start3A_422 = arith.constant 0 : i32
          %dma_start3A_423 = tpu.memref_slice %arg8[%scan3A_221, %dma_start3A_421, %dma_start3A_422] : memref<2x10x128xi32, #tpu.memory_space<vmem>> -> memref<1x10x128xi32, #tpu.memory_space<vmem>>
          %dma_start3A_424 = tpu.memref_squeeze %dma_start3A_423 : memref<1x10x128xi32, #tpu.memory_space<vmem>> -> memref<10x128xi32, #tpu.memory_space<vmem>>
          %dma_start3A_425 = arith.constant 0 : i32
          %dma_start3A_426 = tpu.memref_slice %dma_start3A_424[%add3A_415, %dma_start3A_425] : memref<10x128xi32, #tpu.memory_space<vmem>> -> memref<1x128xi32, #tpu.memory_space<vmem>>
          %dma_start3A_427 = tpu.memref_squeeze %dma_start3A_426 : memref<1x128xi32, #tpu.memory_space<vmem>> -> memref<128xi32, #tpu.memory_space<vmem>>
          %dma_start3A_428 = arith.constant 0 : i32
          %dma_start3A_429 = arith.constant 0 : i32
          %dma_start3A_430 = tpu.memref_slice %arg3[%dma_start3A_428, %dma_start3A_429] : memref<50048x16xf32, #tpu.memory_space<hbm>> -> memref<50048x16xf32, #tpu.memory_space<hbm>>
          tpu.enqueue_indirect_dma source(%dma_start3A_430 : memref<50048x16xf32, #tpu.memory_space<hbm>>) target(%dma_start3A_420 : memref<128x16xf32, #tpu.memory_space<vmem>>) offsets(%dma_start3A_427 : memref<128xi32, #tpu.memory_space<vmem>>) semaphore(%arg15 : memref<!tpu.dma_semaphore, #tpu.memory_space<semaphore_mem>>)
        } else {
        }
        %dma_wait3A_337 = arith.constant 1 : i32
        %dma_wait3A_338 = arith.constant 0 : i32
        %dma_wait3A_339 = arith.constant 0 : i32
        %dma_wait3A_340 = tpu.memref_slice %arg9[%dma_wait3A_337, %dma_wait3A_338, %dma_wait3A_339] : memref<2x128x32xf32, #tpu.memory_space<vmem>> -> memref<1x128x32xf32, #tpu.memory_space<vmem>>
        %dma_wait3A_341 = tpu.memref_squeeze %dma_wait3A_340 : memref<1x128x32xf32, #tpu.memory_space<vmem>> -> memref<128x32xf32, #tpu.memory_space<vmem>>
        %dma_wait3A_342 = arith.constant 0 : i32
        %dma_wait3A_343 = arith.constant 0 : i32
        %dma_wait3A_344 = tpu.memref_slice %arg7[%scan3A_220, %dma_wait3A_342, %dma_wait3A_343] : memref<2x10x128xi32, #tpu.memory_space<vmem>> -> memref<1x10x128xi32, #tpu.memory_space<vmem>>
        %dma_wait3A_345 = tpu.memref_squeeze %dma_wait3A_344 : memref<1x10x128xi32, #tpu.memory_space<vmem>> -> memref<10x128xi32, #tpu.memory_space<vmem>>
        %dma_wait3A_346 = arith.constant 0 : i32
        %dma_wait3A_347 = tpu.memref_slice %dma_wait3A_345[%add3A_331, %dma_wait3A_346] : memref<10x128xi32, #tpu.memory_space<vmem>> -> memref<1x128xi32, #tpu.memory_space<vmem>>
        %dma_wait3A_348 = tpu.memref_squeeze %dma_wait3A_347 : memref<1x128xi32, #tpu.memory_space<vmem>> -> memref<128xi32, #tpu.memory_space<vmem>>
        %dma_wait3A_349 = arith.constant 0 : i32
        %dma_wait3A_350 = arith.constant 0 : i32
        %dma_wait3A_351 = tpu.memref_slice %arg2[%dma_wait3A_349, %dma_wait3A_350] : memref<50048x32xf32, #tpu.memory_space<hbm>> -> memref<50048x32xf32, #tpu.memory_space<hbm>>
        tpu.wait_indirect_dma semaphore(%arg16 : memref<!tpu.dma_semaphore, #tpu.memory_space<semaphore_mem>>) src(%dma_wait3A_351 : memref<50048x32xf32, #tpu.memory_space<hbm>>) dst(%dma_wait3A_341 : memref<128x32xf32, #tpu.memory_space<vmem>>)
        %dma_wait3A_352 = arith.constant 1 : i32
        %dma_wait3A_353 = arith.constant 0 : i32
        %dma_wait3A_354 = arith.constant 0 : i32
        %dma_wait3A_355 = tpu.memref_slice %arg10[%dma_wait3A_352, %dma_wait3A_353, %dma_wait3A_354] : memref<2x128x16xf32, #tpu.memory_space<vmem>> -> memref<1x128x16xf32, #tpu.memory_space<vmem>>
        %dma_wait3A_356 = tpu.memref_squeeze %dma_wait3A_355 : memref<1x128x16xf32, #tpu.memory_space<vmem>> -> memref<128x16xf32, #tpu.memory_space<vmem>>
        %dma_wait3A_357 = arith.constant 0 : i32
        %dma_wait3A_358 = arith.constant 0 : i32
        %dma_wait3A_359 = tpu.memref_slice %arg8[%scan3A_221, %dma_wait3A_357, %dma_wait3A_358] : memref<2x10x128xi32, #tpu.memory_space<vmem>> -> memref<1x10x128xi32, #tpu.memory_space<vmem>>
        %dma_wait3A_360 = tpu.memref_squeeze %dma_wait3A_359 : memref<1x10x128xi32, #tpu.memory_space<vmem>> -> memref<10x128xi32, #tpu.memory_space<vmem>>
        %dma_wait3A_361 = arith.constant 0 : i32
        %dma_wait3A_362 = tpu.memref_slice %dma_wait3A_360[%add3A_331, %dma_wait3A_361] : memref<10x128xi32, #tpu.memory_space<vmem>> -> memref<1x128xi32, #tpu.memory_space<vmem>>
        %dma_wait3A_363 = tpu.memref_squeeze %dma_wait3A_362 : memref<1x128xi32, #tpu.memory_space<vmem>> -> memref<128xi32, #tpu.memory_space<vmem>>
        %dma_wait3A_364 = arith.constant 0 : i32
        %dma_wait3A_365 = arith.constant 0 : i32
        %dma_wait3A_366 = tpu.memref_slice %arg3[%dma_wait3A_364, %dma_wait3A_365] : memref<50048x16xf32, #tpu.memory_space<hbm>> -> memref<50048x16xf32, #tpu.memory_space<hbm>>
        tpu.wait_indirect_dma semaphore(%arg16 : memref<!tpu.dma_semaphore, #tpu.memory_space<semaphore_mem>>) src(%dma_wait3A_366 : memref<50048x16xf32, #tpu.memory_space<hbm>>) dst(%dma_wait3A_356 : memref<128x16xf32, #tpu.memory_space<vmem>>)
        %mul3A_367 = arith.constant 10 : i32
        %mul3A_368 = arith.muli %add3A_159, %mul3A_367 : i32
        %add3A_369 = arith.addi %mul3A_368, %add3A_331 : i32
        %ge3A_370 = arith.constant 2 : i32
        %ge3A_371 = arith.cmpi sge, %add3A_369, %ge3A_370 : i32
        %convert_element_type3A_372 = arith.extui %ge3A_371 : i1 to i32
        %cond3A_373 = arith.constant 1 : i32
        %cond3A_374 = arith.constant 0 : i32
        %cond3A_375 = arith.cmpi ne, %convert_element_type3A_372, %cond3A_374 : i32
        scf.if %cond3A_375 {
          %dma_wait3A_397 = arith.constant 0 : i32
          %dma_wait3A_398 = arith.constant 0 : i32
          %dma_wait3A_399 = arith.constant 0 : i32
          %dma_wait3A_400 = tpu.memref_slice %arg11[%cond3A_373, %dma_wait3A_398, %dma_wait3A_399] : memref<2x128x32xf32, #tpu.memory_space<vmem>> -> memref<1x128x32xf32, #tpu.memory_space<vmem>>
          %dma_wait3A_401 = tpu.memref_squeeze %dma_wait3A_400 : memref<1x128x32xf32, #tpu.memory_space<vmem>> -> memref<128x32xf32, #tpu.memory_space<vmem>>
          %dma_wait3A_402 = arith.constant 0 : i32
          %dma_wait3A_403 = arith.constant 0 : i32
          %dma_wait3A_404 = tpu.memref_slice %arg8[%scan3A_221, %dma_wait3A_402, %dma_wait3A_403] : memref<2x10x128xi32, #tpu.memory_space<vmem>> -> memref<1x10x128xi32, #tpu.memory_space<vmem>>
          %dma_wait3A_405 = tpu.memref_squeeze %dma_wait3A_404 : memref<1x10x128xi32, #tpu.memory_space<vmem>> -> memref<10x128xi32, #tpu.memory_space<vmem>>
          %dma_wait3A_406 = arith.constant 0 : i32
          %dma_wait3A_407 = tpu.memref_slice %dma_wait3A_405[%dma_wait3A_397, %dma_wait3A_406] : memref<10x128xi32, #tpu.memory_space<vmem>> -> memref<1x128xi32, #tpu.memory_space<vmem>>
          %dma_wait3A_408 = tpu.memref_squeeze %dma_wait3A_407 : memref<1x128xi32, #tpu.memory_space<vmem>> -> memref<128xi32, #tpu.memory_space<vmem>>
          %dma_wait3A_409 = arith.constant 0 : i32
          %dma_wait3A_410 = arith.constant 0 : i32
          %dma_wait3A_411 = tpu.memref_slice %arg12[%dma_wait3A_409, %dma_wait3A_410] : memref<50048x32xf32, #tpu.memory_space<vmem_shared>> -> memref<50048x32xf32, #tpu.memory_space<vmem_shared>>
          tpu.wait_indirect_dma semaphore(%arg18 : memref<!tpu.dma_semaphore, #tpu.memory_space<semaphore_mem>>) src(%dma_wait3A_401 : memref<128x32xf32, #tpu.memory_space<vmem>>) dst(%dma_wait3A_411 : memref<50048x32xf32, #tpu.memory_space<vmem_shared>>)
        } else {
        }
        %parallel_loop3A_376 = arith.constant 0 : i32
        %parallel_loop3A_377 = arith.constant 128 : i32
        %parallel_loop3A_378 = arith.constant 1 : i32
        %parallel_loop3A_379 = arith.constant 1 : i32
        %parallel_loop3A_380 = arith.constant 1 : i32
        %parallel_loop3A_381 = arith.constant 1 : i32
        scf.for %parallel_loop3A_397 = %parallel_loop3A_376 to %parallel_loop3A_377 step %parallel_loop3A_378  : i32 {
          %parallel_loop3A_398 = arith.constant 0 : i32
          %parallel_loop3A_399 = arith.constant 0 : i32
          %parallel_loop3A_400 = tpu.memref_slice %arg9[%parallel_loop3A_379, %parallel_loop3A_398, %parallel_loop3A_399] : memref<2x128x32xf32, #tpu.memory_space<vmem>> -> memref<1x128x32xf32, #tpu.memory_space<vmem>>
          %parallel_loop3A_401 = tpu.memref_squeeze %parallel_loop3A_400 : memref<1x128x32xf32, #tpu.memory_space<vmem>> -> memref<128x32xf32, #tpu.memory_space<vmem>>
          %parallel_loop3A_402 = arith.index_cast %parallel_loop3A_397 : i32 to index
          %parallel_loop3A_403 = arith.constant 0 : index
          %parallel_loop3A_404 = tpu.vector_load %parallel_loop3A_401[%parallel_loop3A_402, %parallel_loop3A_403] {strides = array<i32>} : memref<128x32xf32, #tpu.memory_space<vmem>>, vector<16xf32>,
          %parallel_loop3A_405 = arith.constant 0 : i32
          %parallel_loop3A_406 = arith.constant 0 : i32
          %parallel_loop3A_407 = tpu.memref_slice %arg10[%parallel_loop3A_380, %parallel_loop3A_405, %parallel_loop3A_406] : memref<2x128x16xf32, #tpu.memory_space<vmem>> -> memref<1x128x16xf32, #tpu.memory_space<vmem>>
          %parallel_loop3A_408 = tpu.memref_squeeze %parallel_loop3A_407 : memref<1x128x16xf32, #tpu.memory_space<vmem>> -> memref<128x16xf32, #tpu.memory_space<vmem>>
          %parallel_loop3A_409 = arith.index_cast %parallel_loop3A_397 : i32 to index
          %parallel_loop3A_410 = arith.constant 0 : index
          %parallel_loop3A_411 = tpu.vector_load %parallel_loop3A_408[%parallel_loop3A_409, %parallel_loop3A_410] {strides = array<i32>} : memref<128x16xf32, #tpu.memory_space<vmem>>, vector<16xf32>,
          %parallel_loop3A_412 = arith.constant 0 : i32
          %parallel_loop3A_413 = arith.constant 0 : i32
          %parallel_loop3A_414 = tpu.memref_slice %arg9[%parallel_loop3A_379, %parallel_loop3A_412, %parallel_loop3A_413] : memref<2x128x32xf32, #tpu.memory_space<vmem>> -> memref<1x128x32xf32, #tpu.memory_space<vmem>>
          %parallel_loop3A_415 = tpu.memref_squeeze %parallel_loop3A_414 : memref<1x128x32xf32, #tpu.memory_space<vmem>> -> memref<128x32xf32, #tpu.memory_space<vmem>>
          %parallel_loop3A_416 = arith.index_cast %parallel_loop3A_397 : i32 to index
          %parallel_loop3A_417 = arith.constant 16 : index
          %parallel_loop3A_418 = tpu.vector_load %parallel_loop3A_415[%parallel_loop3A_416, %parallel_loop3A_417] {strides = array<i32>} : memref<128x32xf32, #tpu.memory_space<vmem>>, vector<16xf32>,
          %parallel_loop3A_419 = arith.mulf %parallel_loop3A_404, %parallel_loop3A_411 : vector<16xf32>
          %parallel_loop3A_420 = arith.constant true
          %parallel_loop3A_421 = vector.broadcast %parallel_loop3A_420 : i1 to vector<16xi1>
          %parallel_loop3A_422 = tpu.scan <sum>, %parallel_loop3A_419 masked %parallel_loop3A_421 : vector<16xf32>, vector<16xi1> -> vector<16xf32>
          %parallel_loop3A_423 = vector.extract %parallel_loop3A_422[15] : f32 from vector<16xf32>
          %parallel_loop3A_424 = vector.broadcast %parallel_loop3A_423 : f32 to vector<16xf32>
          %parallel_loop3A_425 = math.exp %parallel_loop3A_424 : vector<16xf32>
          %parallel_loop3A_426 = arith.mulf %parallel_loop3A_425, %parallel_loop3A_418 : vector<16xf32>
          %parallel_loop3A_427 = arith.constant 0 : i32
          %parallel_loop3A_428 = arith.constant 0 : i32
          %parallel_loop3A_429 = tpu.memref_slice %arg11[%parallel_loop3A_381, %parallel_loop3A_427, %parallel_loop3A_428] : memref<2x128x32xf32, #tpu.memory_space<vmem>> -> memref<1x128x32xf32, #tpu.memory_space<vmem>>
          %parallel_loop3A_430 = tpu.memref_squeeze %parallel_loop3A_429 : memref<1x128x32xf32, #tpu.memory_space<vmem>> -> memref<128x32xf32, #tpu.memory_space<vmem>>
          %parallel_loop3A_431 = arith.index_cast %parallel_loop3A_397 : i32 to index
          %parallel_loop3A_432 = arith.constant 0 : index
          %parallel_loop3A_433 = tpu.vector_load %parallel_loop3A_430[%parallel_loop3A_431, %parallel_loop3A_432] {strides = array<i32>} : memref<128x32xf32, #tpu.memory_space<vmem>>, vector<16xf32>,
          tpu.vector_store %parallel_loop3A_430[%parallel_loop3A_431, %parallel_loop3A_432], %parallel_loop3A_426 {strides = array<i32>} : memref<128x32xf32, #tpu.memory_space<vmem>>, vector<16xf32>,
          %parallel_loop3A_434 = arith.constant 0 : i32
          %parallel_loop3A_435 = arith.constant 0 : i32
          %parallel_loop3A_436 = tpu.memref_slice %arg11[%parallel_loop3A_381, %parallel_loop3A_434, %parallel_loop3A_435] : memref<2x128x32xf32, #tpu.memory_space<vmem>> -> memref<1x128x32xf32, #tpu.memory_space<vmem>>
          %parallel_loop3A_437 = tpu.memref_squeeze %parallel_loop3A_436 : memref<1x128x32xf32, #tpu.memory_space<vmem>> -> memref<128x32xf32, #tpu.memory_space<vmem>>
          %parallel_loop3A_438 = arith.index_cast %parallel_loop3A_397 : i32 to index
          %parallel_loop3A_439 = arith.constant 16 : index
          %parallel_loop3A_440 = tpu.vector_load %parallel_loop3A_437[%parallel_loop3A_438, %parallel_loop3A_439] {strides = array<i32>} : memref<128x32xf32, #tpu.memory_space<vmem>>, vector<16xf32>,
          tpu.vector_store %parallel_loop3A_437[%parallel_loop3A_438, %parallel_loop3A_439], %parallel_loop3A_425 {strides = array<i32>} : memref<128x32xf32, #tpu.memory_space<vmem>>, vector<16xf32>,
        } {sc.loop_unroll_factor = 16 : i64, sc.parallel_access}
        %dma_start3A_382 = arith.constant 1 : i32
        %dma_start3A_383 = arith.constant 0 : i32
        %dma_start3A_384 = arith.constant 0 : i32
        %dma_start3A_385 = tpu.memref_slice %arg11[%dma_start3A_382, %dma_start3A_383, %dma_start3A_384] : memref<2x128x32xf32, #tpu.memory_space<vmem>> -> memref<1x128x32xf32, #tpu.memory_space<vmem>>
        %dma_start3A_386 = tpu.memref_squeeze %dma_start3A_385 : memref<1x128x32xf32, #tpu.memory_space<vmem>> -> memref<128x32xf32, #tpu.memory_space<vmem>>
        %dma_start3A_387 = arith.constant 0 : i32
        %dma_start3A_388 = arith.constant 0 : i32
        %dma_start3A_389 = tpu.memref_slice %arg8[%scan3A_221, %dma_start3A_387, %dma_start3A_388] : memref<2x10x128xi32, #tpu.memory_space<vmem>> -> memref<1x10x128xi32, #tpu.memory_space<vmem>>
        %dma_start3A_390 = tpu.memref_squeeze %dma_start3A_389 : memref<1x10x128xi32, #tpu.memory_space<vmem>> -> memref<10x128xi32, #tpu.memory_space<vmem>>
        %dma_start3A_391 = arith.constant 0 : i32
        %dma_start3A_392 = tpu.memref_slice %dma_start3A_390[%add3A_331, %dma_start3A_391] : memref<10x128xi32, #tpu.memory_space<vmem>> -> memref<1x128xi32, #tpu.memory_space<vmem>>
        %dma_start3A_393 = tpu.memref_squeeze %dma_start3A_392 : memref<1x128xi32, #tpu.memory_space<vmem>> -> memref<128xi32, #tpu.memory_space<vmem>>
        %dma_start3A_394 = arith.constant 0 : i32
        %dma_start3A_395 = arith.constant 0 : i32
        %dma_start3A_396 = tpu.memref_slice %arg12[%dma_start3A_394, %dma_start3A_395] : memref<50048x32xf32, #tpu.memory_space<vmem_shared>> -> memref<50048x32xf32, #tpu.memory_space<vmem_shared>>
        tpu.enqueue_indirect_dma source(%dma_start3A_386 : memref<128x32xf32, #tpu.memory_space<vmem>>) target(%dma_start3A_396 : memref<50048x32xf32, #tpu.memory_space<vmem_shared>>) offsets(%dma_start3A_393 : memref<128xi32, #tpu.memory_space<vmem>>) semaphore(%arg18 : memref<!tpu.dma_semaphore, #tpu.memory_space<semaphore_mem>>) {add = true}
      }
      %scan3A_226 = arith.constant 5 : i32
    }
    %scan3A_55 = arith.constant 20 : i32
    %dma_wait3A = arith.constant 0 : i32
    %dma_wait3A_56 = arith.constant 0 : i32
    %dma_wait3A_57 = arith.constant 0 : i32
    %dma_wait3A_58 = arith.constant 0 : i32
    %dma_wait3A_59 = arith.constant 0 : i32
    %dma_wait3A_60 = tpu.memref_slice %arg11[%dma_wait3A, %dma_wait3A_58, %dma_wait3A_59] : memref<2x128x32xf32, #tpu.memory_space<vmem>> -> memref<1x128x32xf32, #tpu.memory_space<vmem>>
    %dma_wait3A_61 = tpu.memref_squeeze %dma_wait3A_60 : memref<1x128x32xf32, #tpu.memory_space<vmem>> -> memref<128x32xf32, #tpu.memory_space<vmem>>
    %dma_wait3A_62 = arith.constant 0 : i32
    %dma_wait3A_63 = tpu.memref_slice %arg8[%dma_wait3A_56, %dma_wait3A_57, %dma_wait3A_62] : memref<2x10x128xi32, #tpu.memory_space<vmem>> -> memref<1x1x128xi32, #tpu.memory_space<vmem>>
    %dma_wait3A_64 = tpu.memref_squeeze %dma_wait3A_63 : memref<1x1x128xi32, #tpu.memory_space<vmem>> -> memref<128xi32, #tpu.memory_space<vmem>>
    %dma_wait3A_65 = arith.constant 0 : i32
    %dma_wait3A_66 = arith.constant 0 : i32
    %dma_wait3A_67 = tpu.memref_slice %arg12[%dma_wait3A_65, %dma_wait3A_66] : memref<50048x32xf32, #tpu.memory_space<vmem_shared>> -> memref<50048x32xf32, #tpu.memory_space<vmem_shared>>
    tpu.wait_indirect_dma semaphore(%arg17 : memref<!tpu.dma_semaphore, #tpu.memory_space<semaphore_mem>>) src(%dma_wait3A_61 : memref<128x32xf32, #tpu.memory_space<vmem>>) dst(%dma_wait3A_67 : memref<50048x32xf32, #tpu.memory_space<vmem_shared>>)
    %dma_wait3A_68 = arith.constant 1 : i32
    %dma_wait3A_69 = arith.constant 0 : i32
    %dma_wait3A_70 = arith.constant 0 : i32
    %dma_wait3A_71 = arith.constant 0 : i32
    %dma_wait3A_72 = arith.constant 0 : i32
    %dma_wait3A_73 = tpu.memref_slice %arg11[%dma_wait3A_68, %dma_wait3A_71, %dma_wait3A_72] : memref<2x128x32xf32, #tpu.memory_space<vmem>> -> memref<1x128x32xf32, #tpu.memory_space<vmem>>
    %dma_wait3A_74 = tpu.memref_squeeze %dma_wait3A_73 : memref<1x128x32xf32, #tpu.memory_space<vmem>> -> memref<128x32xf32, #tpu.memory_space<vmem>>
    %dma_wait3A_75 = arith.constant 0 : i32
    %dma_wait3A_76 = tpu.memref_slice %arg8[%dma_wait3A_69, %dma_wait3A_70, %dma_wait3A_75] : memref<2x10x128xi32, #tpu.memory_space<vmem>> -> memref<1x1x128xi32, #tpu.memory_space<vmem>>
    %dma_wait3A_77 = tpu.memref_squeeze %dma_wait3A_76 : memref<1x1x128xi32, #tpu.memory_space<vmem>> -> memref<128xi32, #tpu.memory_space<vmem>>
    %dma_wait3A_78 = arith.constant 0 : i32
    %dma_wait3A_79 = arith.constant 0 : i32
    %dma_wait3A_80 = tpu.memref_slice %arg12[%dma_wait3A_78, %dma_wait3A_79] : memref<50048x32xf32, #tpu.memory_space<vmem_shared>> -> memref<50048x32xf32, #tpu.memory_space<vmem_shared>>
    tpu.wait_indirect_dma semaphore(%arg18 : memref<!tpu.dma_semaphore, #tpu.memory_space<semaphore_mem>>) src(%dma_wait3A_74 : memref<128x32xf32, #tpu.memory_space<vmem>>) dst(%dma_wait3A_80 : memref<50048x32xf32, #tpu.memory_space<vmem_shared>>)
    %barrier3A_81 = arith.constant 0 : index
    tpu.barrier barrier_id(%barrier3A_81)
    %mul3A_82 = arith.constant 3128 : i32
    %mul3A_83 = arith.muli %arg1, %mul3A_82 : i32
    %mul3A_84 = arith.constant 3128 : i32
    %mul3A_85 = arith.muli %arg1, %mul3A_84 : i32
    "tpu.region"() ({
      %run_scoped3A = tpu.sem_alloc : memref<!tpu.dma_semaphore, #tpu.memory_space<semaphore_mem>>
      %dma_start3A_86 = arith.constant 0 : i32
      %dma_start3A_87 = tpu.memref_slice %arg6[%arg0, %mul3A_85, %dma_start3A_86] : memref<2x50048x32xf32, #tpu.memory_space<hbm>> -> memref<1x3128x32xf32, #tpu.memory_space<hbm>>
      %dma_start3A_88 = tpu.memref_squeeze %dma_start3A_87 : memref<1x3128x32xf32, #tpu.memory_space<hbm>> -> memref<3128x32xf32, #tpu.memory_space<hbm>>
      %dma_start3A_89 = arith.constant 0 : i32
      %dma_start3A_90 = tpu.memref_slice %arg12[%mul3A_83, %dma_start3A_89] : memref<50048x32xf32, #tpu.memory_space<vmem_shared>> -> memref<3128x32xf32, #tpu.memory_space<vmem_shared>>
      tpu.enqueue_dma source(%dma_start3A_90 : memref<3128x32xf32, #tpu.memory_space<vmem_shared>>) target(%dma_start3A_88 : memref<3128x32xf32, #tpu.memory_space<hbm>>) target_semaphore(%run_scoped3A : memref<!tpu.dma_semaphore, #tpu.memory_space<semaphore_mem>>)
      %dma_wait3A_91 = arith.constant 0 : i32
      %dma_wait3A_92 = tpu.memref_slice %arg6[%arg0, %mul3A_85, %dma_wait3A_91] : memref<2x50048x32xf32, #tpu.memory_space<hbm>> -> memref<1x3128x32xf32, #tpu.memory_space<hbm>>
      %dma_wait3A_93 = tpu.memref_squeeze %dma_wait3A_92 : memref<1x3128x32xf32, #tpu.memory_space<hbm>> -> memref<3128x32xf32, #tpu.memory_space<hbm>>
      %dma_wait3A_94 = arith.constant 0 : i32
      %dma_wait3A_95 = tpu.memref_slice %arg12[%mul3A_83, %dma_wait3A_94] : memref<50048x32xf32, #tpu.memory_space<vmem_shared>> -> memref<3128x32xf32, #tpu.memory_space<vmem_shared>>
      tpu.wait_dma2 semaphore(%run_scoped3A : memref<!tpu.dma_semaphore, #tpu.memory_space<semaphore_mem>>) src(%dma_wait3A_95 : memref<3128x32xf32, #tpu.memory_space<vmem_shared>>) dst(%dma_wait3A_93 : memref<3128x32xf32, #tpu.memory_space<hbm>>)
      tpu.yield
    }) : () -> ()
    return
  }
}

module attributes {stable_mosaic.version = 14 : i64} {
  func.func @_edges_body(%arg0: i32, %arg1: memref<2x65536xi32, #tpu.memory_space<vmem>>, %arg2: memref<512x128xi32, #tpu.memory_space<vmem>>, %arg3: memref<512x128xi32, #tpu.memory_space<vmem>>) attributes {dimension_semantics = [#tpu.dimension_semantics<arbitrary>], iteration_bounds = array<i64: 25>, scalar_prefetch = 0 : i64, scratch_operands = 0 : i64, tpu.core_type = #tpu.core_type<tc>, window_params = [{transform_indices = @transform_0, window_bounds = array<i64: 2, 65536>}, {transform_indices = @transform_1, window_bounds = array<i64: 512, 128>}, {transform_indices = @transform_2, window_bounds = array<i64: 512, 128>}]} {
    %get3A = arith.constant 0 : index
    %get3A_0 = arith.constant 0 : index
    %get3A_1 = vector.load %arg1[%get3A, %get3A_0] : memref<2x65536xi32, #tpu.memory_space<vmem>>, vector<2x65536xi32>
    %slice3A = vector.extract_strided_slice %get3A_1 {offsets = [0, 0], sizes = [1, 65536], strides = [1, 1]} : vector<2x65536xi32> to vector<1x65536xi32>
    %squeeze3A = vector.shape_cast %slice3A : vector<1x65536xi32> to vector<65536xi32>
    %reshape3A = vector.shape_cast %squeeze3A : vector<65536xi32> to vector<512x128xi32>
    %slice3A_2 = vector.extract_strided_slice %get3A_1 {offsets = [1, 0], sizes = [1, 65536], strides = [1, 1]} : vector<2x65536xi32> to vector<1x65536xi32>
    %squeeze3A_3 = vector.shape_cast %slice3A_2 : vector<1x65536xi32> to vector<65536xi32>
    %reshape3A_4 = vector.shape_cast %squeeze3A_3 : vector<65536xi32> to vector<512x128xi32>
    %mul3A = arith.constant 512 : i32
    %mul3A_5 = arith.muli %arg0, %mul3A : i32
    %iota3A = tpu.iota {dimensions = array<i32: 0>} : vector<512x128xi32>
    %add3A = vector.broadcast %mul3A_5 : i32 to vector<512x128xi32>
    %add3A_6 = arith.addi %add3A, %iota3A : vector<512x128xi32>
    %iota3A_7 = tpu.iota {dimensions = array<i32: 1>} : vector<512x128xi32>
    %mul3A_8 = arith.constant 128 : i32
    %mul3A_9 = vector.broadcast %mul3A_8 : i32 to vector<512x128xi32>
    %mul3A_10 = arith.muli %add3A_6, %mul3A_9 : vector<512x128xi32>
    %add3A_11 = arith.addi %mul3A_10, %iota3A_7 : vector<512x128xi32>
    %jit3A = arith.constant 48 : i32
    %eq3A = arith.constant 0 : i32
    %eq3A_12 = arith.cmpi eq, %jit3A, %eq3A : i32
    %jit3A_13 = arith.constant 1 : i32
    %select_n3A = arith.select %eq3A_12, %jit3A_13, %jit3A : i32
    %rem3A = vector.broadcast %select_n3A : i32 to vector<512x128xi32>
    %rem3A_14 = arith.remsi %add3A_11, %rem3A : vector<512x128xi32>
    %ne3A = arith.constant 0 : i32
    %ne3A_15 = vector.broadcast %ne3A : i32 to vector<512x128xi32>
    %ne3A_16 = arith.cmpi ne, %rem3A_14, %ne3A_15 : vector<512x128xi32>
    %lt3A = arith.constant 0 : i32
    %lt3A_17 = vector.broadcast %lt3A : i32 to vector<512x128xi32>
    %lt3A_18 = arith.cmpi slt, %rem3A_14, %lt3A_17 : vector<512x128xi32>
    %lt3A_19 = arith.constant 0 : i32
    %lt3A_20 = arith.cmpi slt, %select_n3A, %lt3A_19 : i32
    %ne3A_21 = vector.broadcast %lt3A_20 : i1 to vector<512x128xi1>
    %ne3A_22 = vector.broadcast %ne3A_21 : vector<512x128xi1> to vector<512x128xi1>
    %ne3A_23 = arith.xori %lt3A_18, %ne3A_22 : vector<512x128xi1>
    %and3A = arith.andi %ne3A_23, %ne3A_16 : vector<512x128xi1>
    %add3A_24 = vector.broadcast %select_n3A : i32 to vector<512x128xi32>
    %add3A_25 = arith.addi %rem3A_14, %add3A_24 : vector<512x128xi32>
    %select_n3A_26 = arith.select %and3A, %add3A_25, %rem3A_14 : vector<512x128xi1>, vector<512x128xi32>
    %add3A_27 = arith.constant 50000 : i32
    %add3A_28 = vector.broadcast %add3A_27 : i32 to vector<512x128xi32>
    %add3A_29 = arith.addi %add3A_28, %select_n3A_26 : vector<512x128xi32>
    %lt3A_30 = arith.constant 12500 : i32
    %lt3A_31 = vector.broadcast %lt3A_30 : i32 to vector<512x128xi32>
    %lt3A_32 = arith.cmpi slt, %add3A_6, %lt3A_31 : vector<512x128xi32>
    %select_n3A_33 = arith.select %lt3A_32, %reshape3A, %add3A_29 : vector<512x128xi1>, vector<512x128xi32>
    %swap3A = arith.constant 0 : index
    %swap3A_34 = arith.constant 0 : index
    %swap3A_35 = vector.load %arg2[%swap3A, %swap3A_34] : memref<512x128xi32, #tpu.memory_space<vmem>>, vector<512x128xi32>
    tpu.vector_store %arg2[%swap3A, %swap3A_34], %select_n3A_33 {strides = array<i32>} : memref<512x128xi32, #tpu.memory_space<vmem>>, vector<512x128xi32>,
    %select_n3A_36 = arith.select %lt3A_32, %reshape3A_4, %add3A_29 : vector<512x128xi1>, vector<512x128xi32>
    %swap3A_37 = arith.constant 0 : index
    %swap3A_38 = arith.constant 0 : index
    %swap3A_39 = vector.load %arg3[%swap3A_37, %swap3A_38] : memref<512x128xi32, #tpu.memory_space<vmem>>, vector<512x128xi32>
    tpu.vector_store %arg3[%swap3A_37, %swap3A_38], %select_n3A_36 {strides = array<i32>} : memref<512x128xi32, #tpu.memory_space<vmem>>, vector<512x128xi32>,
    return
  }
  func.func @transform_0(%arg0: i32) -> (i32, i32) {
    %c0_i32 = arith.constant 0 : i32
    %c0_i32_0 = arith.constant 0 : i32
    return %c0_i32, %arg0 : i32, i32
  }
  func.func @transform_1(%arg0: i32) -> (i32, i32) {
    %c0_i32 = arith.constant 0 : i32
    %c0_i32_0 = arith.constant 0 : i32
    return %arg0, %c0_i32 : i32, i32
  }
  func.func @transform_2(%arg0: i32) -> (i32, i32) {
    %c0_i32 = arith.constant 0 : i32
    %c0_i32_0 = arith.constant 0 : i32
    return %arg0, %c0_i32 : i32, i32
  }
}

module attributes {stable_mosaic.version = 14 : i64} {
  func.func @_prep1_body(%arg0: i32, %arg1: memref<6256x128xf32, #tpu.memory_space<vmem>>, %arg2: memref<128x16xf32, #tpu.memory_space<vmem>>, %arg3: memref<1x16xf32, #tpu.memory_space<vmem>>, %arg4: memref<6256x32xf32, #tpu.memory_space<vmem>>, %arg5: memref<6256x16xf32, #tpu.memory_space<vmem>>) attributes {dimension_semantics = [#tpu.dimension_semantics<arbitrary>], iteration_bounds = array<i64: 8>, scalar_prefetch = 0 : i64, scratch_operands = 0 : i64, tpu.core_type = #tpu.core_type<tc>, window_params = [{transform_indices = @transform_0, window_bounds = array<i64: 6256, 128>}, {pipeline_mode = #tpu.pipeline_mode<synchronous>, transform_indices = @transform_1, window_bounds = array<i64: 128, 16>}, {pipeline_mode = #tpu.pipeline_mode<synchronous>, transform_indices = @transform_2, window_bounds = array<i64: 1, 16>}, {transform_indices = @transform_3, window_bounds = array<i64: 6256, 32>}, {transform_indices = @transform_4, window_bounds = array<i64: 6256, 16>}]} {
    %get3A = arith.constant 0 : index
    %get3A_0 = arith.constant 0 : index
    %get3A_1 = vector.load %arg1[%get3A, %get3A_0] : memref<6256x128xf32, #tpu.memory_space<vmem>>, vector<6256x128xf32>
    %get3A_2 = arith.constant 0 : index
    %get3A_3 = arith.constant 0 : index
    %get3A_4 = vector.load %arg2[%get3A_2, %get3A_3] : memref<128x16xf32, #tpu.memory_space<vmem>>, vector<128x16xf32>
    %dot_general3A = arith.constant dense<0.000000e+00> : vector<6256x16xf32>
    %dot_general3A_5 = tpu.matmul %get3A_1, %get3A_4, %dot_general3A {dimension_numbers = #tpu.dot_dimension_numbers<[1], [0], [0], [1], [0, 0, 1, 1], [], []>, transpose_lhs_hint = false} : vector<6256x128xf32>, vector<128x16xf32>, vector<6256x16xf32> -> vector<6256x16xf32>
    %get3A_6 = arith.constant 0 : index
    %get3A_7 = arith.constant 0 : index
    %get3A_8 = vector.load %arg3[%get3A_6, %get3A_7] : memref<1x16xf32, #tpu.memory_space<vmem>>, vector<1x16xf32>
    %add3A = vector.broadcast %get3A_8 : vector<1x16xf32> to vector<6256x16xf32>
    %add3A_9 = arith.addf %dot_general3A_5, %add3A : vector<6256x16xf32>
    %max3A = arith.constant 0.000000e+00 : f32
    %max3A_10 = vector.broadcast %max3A : f32 to vector<6256x16xf32>
    %max3A_11 = arith.maximumf %add3A_9, %max3A_10 : vector<6256x16xf32>
    %mul3A = arith.constant 6256 : i32
    %mul3A_12 = arith.muli %arg0, %mul3A : i32
    %iota3A = tpu.iota {dimensions = array<i32: 0>} : vector<6256x1xi32>
    %add3A_13 = vector.broadcast %mul3A_12 : i32 to vector<6256x1xi32>
    %add3A_14 = arith.addi %add3A_13, %iota3A : vector<6256x1xi32>
    %lt3A = arith.constant 50000 : i32
    %lt3A_15 = vector.broadcast %lt3A : i32 to vector<6256x1xi32>
    %lt3A_16 = arith.cmpi slt, %add3A_14, %lt3A_15 : vector<6256x1xi32>
    %jit3A = arith.constant 0.000000e+00 : f32
    %broadcast_in_dim3A = vector.shape_cast %lt3A_16 : vector<6256x1xi1> to vector<6256x1xi1>
    %broadcast_in_dim3A_17 = vector.broadcast %broadcast_in_dim3A : vector<6256x1xi1> to vector<6256x16xi1>
    %broadcast_in_dim3A_18 = vector.broadcast %jit3A : f32 to vector<6256x16xf32>
    %select_n3A = arith.select %broadcast_in_dim3A_17, %max3A_11, %broadcast_in_dim3A_18 : vector<6256x16xi1>, vector<6256x16xf32>
    %mul3A_19 = arith.mulf %select_n3A, %select_n3A : vector<6256x16xf32>
    %reduce_sum3A = arith.constant dense<0.000000e+00> : vector<6256xf32>
    %reduce_sum3A_20 = vector.multi_reduction <add>, %mul3A_19, %reduce_sum3A [1] : vector<6256x16xf32> to vector<6256xf32>
    %broadcast_in_dim3A_21 = vector.shape_cast %reduce_sum3A_20 : vector<6256xf32> to vector<6256x1xf32>
    %sqrt3A = math.sqrt %broadcast_in_dim3A_21 : vector<6256x1xf32>
    %max3A_22 = arith.constant 9.99999996E-13 : f32
    %max3A_23 = vector.broadcast %max3A_22 : f32 to vector<6256x1xf32>
    %max3A_24 = arith.maximumf %sqrt3A, %max3A_23 : vector<6256x1xf32>
    %div3A = vector.broadcast %max3A_24 : vector<6256x1xf32> to vector<6256x16xf32>
    %div3A_25 = arith.divf %select_n3A, %div3A : vector<6256x16xf32>
    %concatenate3A = tpu.concatenate %div3A_25, %select_n3A in 1 : vector<6256x16xf32>, vector<6256x16xf32> -> vector<6256x32xf32>
    %swap3A = arith.constant 0 : index
    %swap3A_26 = arith.constant 0 : index
    %swap3A_27 = vector.load %arg4[%swap3A, %swap3A_26] : memref<6256x32xf32, #tpu.memory_space<vmem>>, vector<6256x32xf32>
    tpu.vector_store %arg4[%swap3A, %swap3A_26], %concatenate3A {strides = array<i32>} : memref<6256x32xf32, #tpu.memory_space<vmem>>, vector<6256x32xf32>,
    %swap3A_28 = arith.constant 0 : index
    %swap3A_29 = arith.constant 0 : index
    %swap3A_30 = vector.load %arg5[%swap3A_28, %swap3A_29] : memref<6256x16xf32, #tpu.memory_space<vmem>>, vector<6256x16xf32>
    tpu.vector_store %arg5[%swap3A_28, %swap3A_29], %div3A_25 {strides = array<i32>} : memref<6256x16xf32, #tpu.memory_space<vmem>>, vector<6256x16xf32>,
    return
  }
  func.func @transform_0(%arg0: i32) -> (i32, i32) {
    %c0_i32 = arith.constant 0 : i32
    %c0_i32_0 = arith.constant 0 : i32
    return %arg0, %c0_i32 : i32, i32
  }
  func.func @transform_1(%arg0: i32) -> (i32, i32) {
    %c0_i32 = arith.constant 0 : i32
    %c0_i32_0 = arith.constant 0 : i32
    %c0_i32_1 = arith.constant 0 : i32
    return %c0_i32, %c0_i32_0 : i32, i32
  }
  func.func @transform_2(%arg0: i32) -> (i32, i32) {
    %c0_i32 = arith.constant 0 : i32
    %c0_i32_0 = arith.constant 0 : i32
    %c0_i32_1 = arith.constant 0 : i32
    return %c0_i32, %c0_i32_0 : i32, i32
  }
  func.func @transform_3(%arg0: i32) -> (i32, i32) {
    %c0_i32 = arith.constant 0 : i32
    %c0_i32_0 = arith.constant 0 : i32
    return %arg0, %c0_i32 : i32, i32
  }
  func.func @transform_4(%arg0: i32) -> (i32, i32) {
    %c0_i32 = arith.constant 0 : i32
    %c0_i32_0 = arith.constant 0 : i32
    return %arg0, %c0_i32 : i32, i32
  }
}

module attributes {stable_mosaic.version = 14 : i64} {
  func.func @_mid_body(%arg0: i32, %arg1: memref<2x6256x32xf32, #tpu.memory_space<vmem>>, %arg2: memref<1x1xf32, #tpu.memory_space<vmem>>, %arg3: memref<6256x32xf32, #tpu.memory_space<vmem>>, %arg4: memref<6256x16xf32, #tpu.memory_space<vmem>>) attributes {dimension_semantics = [#tpu.dimension_semantics<arbitrary>], iteration_bounds = array<i64: 8>, scalar_prefetch = 0 : i64, scratch_operands = 0 : i64, tpu.core_type = #tpu.core_type<tc>, window_params = [{transform_indices = @transform_0, window_bounds = array<i64: 2, 6256, 32>}, {pipeline_mode = #tpu.pipeline_mode<synchronous>, transform_indices = @transform_1, window_bounds = array<i64: 1, 1>}, {transform_indices = @transform_2, window_bounds = array<i64: 6256, 32>}, {transform_indices = @transform_3, window_bounds = array<i64: 6256, 16>}]} {
    %get3A = arith.constant 0 : index
    %get3A_0 = arith.constant 0 : index
    %get3A_1 = arith.constant 0 : index
    %get3A_2 = vector.load %arg1[%get3A, %get3A_0, %get3A_1] : memref<2x6256x32xf32, #tpu.memory_space<vmem>>, vector<1x6256x32xf32>
    %get3A_3 = vector.shape_cast %get3A_2 : vector<1x6256x32xf32> to vector<6256x32xf32>
    %get3A_4 = arith.constant 1 : index
    %get3A_5 = arith.constant 0 : index
    %get3A_6 = arith.constant 0 : index
    %get3A_7 = vector.load %arg1[%get3A_4, %get3A_5, %get3A_6] : memref<2x6256x32xf32, #tpu.memory_space<vmem>>, vector<1x6256x32xf32>
    %get3A_8 = vector.shape_cast %get3A_7 : vector<1x6256x32xf32> to vector<6256x32xf32>
    %add3A = arith.addf %get3A_3, %get3A_8 : vector<6256x32xf32>
    %slice3A = vector.extract_strided_slice %add3A {offsets = [0, 16], sizes = [6256, 1], strides = [1, 1]} : vector<6256x32xf32> to vector<6256x1xf32>
    %max3A = arith.constant 9.99999996E-13 : f32
    %max3A_9 = vector.broadcast %max3A : f32 to vector<6256x1xf32>
    %max3A_10 = arith.maximumf %slice3A, %max3A_9 : vector<6256x1xf32>
    %slice3A_11 = vector.extract_strided_slice %add3A {offsets = [0, 0], sizes = [6256, 16], strides = [1, 1]} : vector<6256x32xf32> to vector<6256x16xf32>
    %div3A = vector.broadcast %max3A_10 : vector<6256x1xf32> to vector<6256x16xf32>
    %div3A_12 = arith.divf %slice3A_11, %div3A : vector<6256x16xf32>
    %mul3A = arith.constant 6256 : i32
    %mul3A_13 = arith.muli %arg0, %mul3A : i32
    %iota3A = tpu.iota {dimensions = array<i32: 0>} : vector<6256x1xi32>
    %add3A_14 = vector.broadcast %mul3A_13 : i32 to vector<6256x1xi32>
    %add3A_15 = arith.addi %add3A_14, %iota3A : vector<6256x1xi32>
    %lt3A = arith.constant 50000 : i32
    %lt3A_16 = vector.broadcast %lt3A : i32 to vector<6256x1xi32>
    %lt3A_17 = arith.cmpi slt, %add3A_15, %lt3A_16 : vector<6256x1xi32>
    %jit3A = arith.constant 0.000000e+00 : f32
    %broadcast_in_dim3A = vector.shape_cast %lt3A_17 : vector<6256x1xi1> to vector<6256x1xi1>
    %broadcast_in_dim3A_18 = vector.broadcast %broadcast_in_dim3A : vector<6256x1xi1> to vector<6256x16xi1>
    %broadcast_in_dim3A_19 = vector.broadcast %jit3A : f32 to vector<6256x16xf32>
    %select_n3A = arith.select %broadcast_in_dim3A_18, %div3A_12, %broadcast_in_dim3A_19 : vector<6256x16xi1>, vector<6256x16xf32>
    %mul3A_20 = arith.mulf %select_n3A, %select_n3A : vector<6256x16xf32>
    %reduce_sum3A = arith.constant dense<0.000000e+00> : vector<6256xf32>
    %reduce_sum3A_21 = vector.multi_reduction <add>, %mul3A_20, %reduce_sum3A [1] : vector<6256x16xf32> to vector<6256xf32>
    %broadcast_in_dim3A_22 = vector.shape_cast %reduce_sum3A_21 : vector<6256xf32> to vector<6256x1xf32>
    %sqrt3A = math.sqrt %broadcast_in_dim3A_22 : vector<6256x1xf32>
    %max3A_23 = arith.constant 9.99999996E-13 : f32
    %max3A_24 = vector.broadcast %max3A_23 : f32 to vector<6256x1xf32>
    %max3A_25 = arith.maximumf %sqrt3A, %max3A_24 : vector<6256x1xf32>
    %div3A_26 = vector.broadcast %max3A_25 : vector<6256x1xf32> to vector<6256x16xf32>
    %div3A_27 = arith.divf %select_n3A, %div3A_26 : vector<6256x16xf32>
    %get3A_28 = arith.constant 0 : index
    %get3A_29 = arith.constant 0 : index
    %get3A_30 = vector.load %arg2[%get3A_28, %get3A_29] : memref<1x1xf32, #tpu.memory_space<vmem>>, vector<1x1xf32>
    %get3A_31 = vector.extract %get3A_30[0, 0] : f32 from vector<1x1xf32>
    %sqrt3A_32 = math.sqrt %get3A_31 : f32
    %mul3A_33 = vector.broadcast %sqrt3A_32 : f32 to vector<6256x16xf32>
    %mul3A_34 = arith.mulf %div3A_27, %mul3A_33 : vector<6256x16xf32>
    %concatenate3A = tpu.concatenate %mul3A_34, %select_n3A in 1 : vector<6256x16xf32>, vector<6256x16xf32> -> vector<6256x32xf32>
    %swap3A = arith.constant 0 : index
    %swap3A_35 = arith.constant 0 : index
    %swap3A_36 = vector.load %arg3[%swap3A, %swap3A_35] : memref<6256x32xf32, #tpu.memory_space<vmem>>, vector<6256x32xf32>
    tpu.vector_store %arg3[%swap3A, %swap3A_35], %concatenate3A {strides = array<i32>} : memref<6256x32xf32, #tpu.memory_space<vmem>>, vector<6256x32xf32>,
    %swap3A_37 = arith.constant 0 : index
    %swap3A_38 = arith.constant 0 : index
    %swap3A_39 = vector.load %arg4[%swap3A_37, %swap3A_38] : memref<6256x16xf32, #tpu.memory_space<vmem>>, vector<6256x16xf32>
    tpu.vector_store %arg4[%swap3A_37, %swap3A_38], %mul3A_34 {strides = array<i32>} : memref<6256x16xf32, #tpu.memory_space<vmem>>, vector<6256x16xf32>,
    return
  }
  func.func @transform_0(%arg0: i32) -> (i32, i32, i32) {
    %c0_i32 = arith.constant 0 : i32
    %c0_i32_0 = arith.constant 0 : i32
    %c0_i32_1 = arith.constant 0 : i32
    return %c0_i32, %arg0, %c0_i32_0 : i32, i32, i32
  }
  func.func @transform_1(%arg0: i32) -> (i32, i32) {
    %c0_i32 = arith.constant 0 : i32
    %c0_i32_0 = arith.constant 0 : i32
    %c0_i32_1 = arith.constant 0 : i32
    return %c0_i32, %c0_i32_0 : i32, i32
  }
  func.func @transform_2(%arg0: i32) -> (i32, i32) {
    %c0_i32 = arith.constant 0 : i32
    %c0_i32_0 = arith.constant 0 : i32
    return %arg0, %c0_i32 : i32, i32
  }
  func.func @transform_3(%arg0: i32) -> (i32, i32) {
    %c0_i32 = arith.constant 0 : i32
    %c0_i32_0 = arith.constant 0 : i32
    return %arg0, %c0_i32 : i32, i32
  }
}

module attributes {stable_mosaic.version = 14 : i64} {
  func.func @_out_body(%arg0: i32, %arg1: memref<2x5000x32xf32, #tpu.memory_space<vmem>>, %arg2: memref<16x16xf32, #tpu.memory_space<vmem>>, %arg3: memref<1x16xf32, #tpu.memory_space<vmem>>, %arg4: memref<5000x16xf32, #tpu.memory_space<vmem>>) attributes {dimension_semantics = [#tpu.dimension_semantics<arbitrary>], iteration_bounds = array<i64: 10>, scalar_prefetch = 0 : i64, scratch_operands = 0 : i64, tpu.core_type = #tpu.core_type<tc>, window_params = [{transform_indices = @transform_0, window_bounds = array<i64: 2, 5000, 32>}, {pipeline_mode = #tpu.pipeline_mode<synchronous>, transform_indices = @transform_1, window_bounds = array<i64: 16, 16>}, {pipeline_mode = #tpu.pipeline_mode<synchronous>, transform_indices = @transform_2, window_bounds = array<i64: 1, 16>}, {transform_indices = @transform_3, window_bounds = array<i64: 5000, 16>}]} {
    %get3A = arith.constant 0 : index
    %get3A_0 = arith.constant 0 : index
    %get3A_1 = arith.constant 0 : index
    %get3A_2 = vector.load %arg1[%get3A, %get3A_0, %get3A_1] : memref<2x5000x32xf32, #tpu.memory_space<vmem>>, vector<1x5000x32xf32>
    %get3A_3 = vector.shape_cast %get3A_2 : vector<1x5000x32xf32> to vector<5000x32xf32>
    %get3A_4 = arith.constant 1 : index
    %get3A_5 = arith.constant 0 : index
    %get3A_6 = arith.constant 0 : index
    %get3A_7 = vector.load %arg1[%get3A_4, %get3A_5, %get3A_6] : memref<2x5000x32xf32, #tpu.memory_space<vmem>>, vector<1x5000x32xf32>
    %get3A_8 = vector.shape_cast %get3A_7 : vector<1x5000x32xf32> to vector<5000x32xf32>
    %add3A = arith.addf %get3A_3, %get3A_8 : vector<5000x32xf32>
    %slice3A = vector.extract_strided_slice %add3A {offsets = [0, 16], sizes = [5000, 1], strides = [1, 1]} : vector<5000x32xf32> to vector<5000x1xf32>
    %max3A = arith.constant 9.99999996E-13 : f32
    %max3A_9 = vector.broadcast %max3A : f32 to vector<5000x1xf32>
    %max3A_10 = arith.maximumf %slice3A, %max3A_9 : vector<5000x1xf32>
    %slice3A_11 = vector.extract_strided_slice %add3A {offsets = [0, 0], sizes = [5000, 16], strides = [1, 1]} : vector<5000x32xf32> to vector<5000x16xf32>
    %div3A = vector.broadcast %max3A_10 : vector<5000x1xf32> to vector<5000x16xf32>
    %div3A_12 = arith.divf %slice3A_11, %div3A : vector<5000x16xf32>
    %get3A_13 = arith.constant 0 : index
    %get3A_14 = arith.constant 0 : index
    %get3A_15 = vector.load %arg2[%get3A_13, %get3A_14] : memref<16x16xf32, #tpu.memory_space<vmem>>, vector<16x16xf32>
    %dot_general3A = arith.constant dense<0.000000e+00> : vector<5000x16xf32>
    %dot_general3A_16 = tpu.matmul %div3A_12, %get3A_15, %dot_general3A {dimension_numbers = #tpu.dot_dimension_numbers<[1], [0], [0], [1], [0, 0, 1, 1], [], []>, transpose_lhs_hint = false} : vector<5000x16xf32>, vector<16x16xf32>, vector<5000x16xf32> -> vector<5000x16xf32>
    %get3A_17 = arith.constant 0 : index
    %get3A_18 = arith.constant 0 : index
    %get3A_19 = vector.load %arg3[%get3A_17, %get3A_18] : memref<1x16xf32, #tpu.memory_space<vmem>>, vector<1x16xf32>
    %add3A_20 = vector.broadcast %get3A_19 : vector<1x16xf32> to vector<5000x16xf32>
    %add3A_21 = arith.addf %dot_general3A_16, %add3A_20 : vector<5000x16xf32>
    %reduce_max3A = arith.constant dense<0xFF800000> : vector<5000xf32>
    %reduce_max3A_22 = vector.multi_reduction <maximumf>, %add3A_21, %reduce_max3A [1] : vector<5000x16xf32> to vector<5000xf32>
    %broadcast_in_dim3A = vector.shape_cast %reduce_max3A_22 : vector<5000xf32> to vector<5000x1xf32>
    %sub3A = vector.broadcast %broadcast_in_dim3A : vector<5000x1xf32> to vector<5000x16xf32>
    %sub3A_23 = arith.subf %add3A_21, %sub3A : vector<5000x16xf32>
    %exp3A = math.exp %sub3A_23 : vector<5000x16xf32>
    %reduce_sum3A = arith.constant dense<0.000000e+00> : vector<5000xf32>
    %reduce_sum3A_24 = vector.multi_reduction <add>, %exp3A, %reduce_sum3A [1] : vector<5000x16xf32> to vector<5000xf32>
    %broadcast_in_dim3A_25 = vector.shape_cast %reduce_sum3A_24 : vector<5000xf32> to vector<5000x1xf32>
    %log3A = math.log %broadcast_in_dim3A_25 : vector<5000x1xf32>
    %add3A_26 = arith.addf %log3A, %broadcast_in_dim3A : vector<5000x1xf32>
    %sub3A_27 = vector.broadcast %add3A_26 : vector<5000x1xf32> to vector<5000x16xf32>
    %sub3A_28 = arith.subf %add3A_21, %sub3A_27 : vector<5000x16xf32>
    %swap3A = arith.constant 0 : index
    %swap3A_29 = arith.constant 0 : index
    %swap3A_30 = vector.load %arg4[%swap3A, %swap3A_29] : memref<5000x16xf32, #tpu.memory_space<vmem>>, vector<5000x16xf32>
    tpu.vector_store %arg4[%swap3A, %swap3A_29], %sub3A_28 {strides = array<i32>} : memref<5000x16xf32, #tpu.memory_space<vmem>>, vector<5000x16xf32>,
    return
  }
  func.func @transform_0(%arg0: i32) -> (i32, i32, i32) {
    %c0_i32 = arith.constant 0 : i32
    %c0_i32_0 = arith.constant 0 : i32
    %c0_i32_1 = arith.constant 0 : i32
    return %c0_i32, %arg0, %c0_i32_0 : i32, i32, i32
  }
  func.func @transform_1(%arg0: i32) -> (i32, i32) {
    %c0_i32 = arith.constant 0 : i32
    %c0_i32_0 = arith.constant 0 : i32
    %c0_i32_1 = arith.constant 0 : i32
    return %c0_i32, %c0_i32_0 : i32, i32
  }
  func.func @transform_2(%arg0: i32) -> (i32, i32) {
    %c0_i32 = arith.constant 0 : i32
    %c0_i32_0 = arith.constant 0 : i32
    %c0_i32_1 = arith.constant 0 : i32
    return %c0_i32, %c0_i32_0 : i32, i32
  }
  func.func @transform_3(%arg0: i32) -> (i32, i32) {
    %c0_i32 = arith.constant 0 : i32
    %c0_i32_0 = arith.constant 0 : i32
    return %arg0, %c0_i32 : i32, i32
  }
}

</mosaic_0001>

<sc_bundles>
// kernel: _run.11.cloned.1.call-start
scs
__scs_entry_jumppad:
0x0: {  	(pc) =	sbr.rel $0x88, $3  }
0x1: {  	(tag) =	ssettag $0x0;
	lr =	simm.s32 $0x1  }
0x2: {  	[smem:$0x3F9A] =	sst lr;
	_ =	strace $0xD0000000  }
0x3: {  	_ = 	snop  }
0x4: {  	_ = 	snop  }
0x5: {  	_ = 	snop  }
0x6: {  	_ = 	snop  }
0x7: {  	_ = 	snop  }
__scs_overlays_trampoline_lowered:
0x8: {  	[smem:$0x3FA9] =	sst s0  }
0x9: {  	[smem:$0x3FAA] =	sst s1  }
0xa: {  	[smem:$0x3FAB] =	sst s2  }
0xb: {  	[smem:$0x3FAC] =	sst s3  }
0xc: {  	[smem:$0x3FAD] =	sst s4  }
0xd: {  	[smem:$0x3FAE] =	sst s5  }
0xe: {  	[smem:$0x3FAF] =	sst s6  }
0xf: {  	[smem:$0x3FB0] =	sst s7  }
0x10: {  	[smem:$0x3FB1] =	sst s8  }
0x11: {  	[smem:$0x3FB2] =	sst s9;
	s0 =	simm.s32 @!p0 $0x0  }
0x12: {  	s1 =	sld [smem:$0x3F98];
	s0 =	simm.s32 @p0 $0x1  }
0x13: {  	[smem:$0x3FB3] =	sst s0;
	s0 =	simm.s32 @!p1 $0x0  }
0x14: {  	s2 =	sld [smem:$0x3F97];
	s0 =	simm.s32 @p1 $0x1  }
0x15: {  	[smem:$0x3FB4] =	sst s0;
	s0 =	simm.s32 @!p2 $0x0  }
0x16: {  	s3 =	sld [smem:$0x3FDB];
	s0 =	simm.s32 @p2 $0x1  }
0x17: {  	s4 =	simm.s32 $0x1BF5;
	[smem:$0x3FB6] =	sst s0  }
0x18: {  	s0 =	sld [smem:$0x3F99];
	_ =	swait.ge [sflag:s4], $0x0  }
0x19: {  	s7 =	sld [smem:$0x3F9A]  }
0x1a: {  	s8 =	sadd.s32 $0xFFFFE003, lr  }
0x1b: {  	s9 =	sadd.s32 $0xFFFFFEF7, lr;
	s5 =	simm.s32 $0xFFFFFFFF;
	p2 =	slt.u32 s8, $0xFFFFF086  }
0x1c: {  	p1 =	slt.u32 s9, $0xF7A;
	s5 =	simm.s32 @!p2 $0x0  }
0x1d: {  	s5 =	simm.s32 @p1 $0x1;
	p0 =	seq.s32 s7, s2  }
0x1e: {  	s7 =	smul.u32 @!p0 $0xF7A, s2;
	p2 =	seq.s32 @!p0 s5, $0x0  }
0x1f: {  	s9 =	smul.u32 $0xF7A, s1;
	s8 =	simm.s32 @!p0 $0x1BF5;
	p2 =	por !p2, p0  }
0x20: {  	[sflag:s8] =	ssyncset.s32 @!p0 $0xFFFFF086;
	s6 =	sadd.s32 @!p0 s3, s7;
	s7 =	simm.s32 @!p0 $0x108  }
0x21: {  	s3 =	sadd.s32 s3, s9;
	s6 =	sadd.s32 @!p0 $0x88, s6;
	s7 =	simm.s32 @p2 $0x1082  }
0x22: {  	[simem:s7], [sflag:s8] =	dma.local @!p0 [hbm:s6], $0xF7A  }
0x23: {  	s9 =	sor.u32 $0xD0000000, s2;
	s6 =	simm.s32 $0x108;
	_ =	swait.ge @!p0 [sflag:s8], $0x0  }
0x24: {  	s3 =	sadd.s32 $0x88, s3;
	s6 =	simm.s32 @!p1 $0x1082;
	[sflag:s4] =	ssyncset.s32 $0xFFFFF086  }
0x25: {  	[simem:s6], [sflag:s4] =	dma.local [hbm:s3], $0xF7A  }
0x26: {  	[smem:$0x3F9A] =	sst s1;
	(tag) =	ssettag s2;
	_ =	strace s9  }
0x27: {  	s1 =	sld [smem:$0x3FAA]  }
0x28: {  	s2 =	sld [smem:$0x3FAB]  }
0x29: {  	s4 =	sld [smem:$0x3FAD]  }
0x2a: {  	p0 =	seq.s32 s5, $0x0;
	s5 =	sld [smem:$0x3FAE]  }
0x2b: {  	s6 =	sld [smem:$0x3FAF]  }
0x2c: {  	s7 =	sld [smem:$0x3FB0]  }
0x2d: {  	s3 =	simm.s32 $0x108;
	s8 =	sld [smem:$0x3FB1]  }
0x2e: {  	s3 =	simm.s32 @!p0 $0x1082;
	s9 =	sld [smem:$0x3FB2]  }
0x2f: {  	lr =	sadd.s32 s0, s3;
	s0 =	sld [smem:$0x3FA9]  }
0x30: {  	s3 =	sld [smem:$0x3FAC]  }
0x31: {  	[smem:$0x3FB5] =	sst s10  }
0x32: {  	s10 =	sld [smem:$0x3FB3];
	_ =	sdelay $0x3  }
0x33: {  	p0 =	seq.s32 s10, $0x1;
	s10 =	sld [smem:$0x3FB5];
	_ =	sdelay $0x3  }
0x34: {  	[smem:$0x3FB5] =	sst s10  }
0x35: {  	s10 =	sld [smem:$0x3FB4];
	_ =	sdelay $0x3  }
0x36: {  	p1 =	seq.s32 s10, $0x1;
	s10 =	sld [smem:$0x3FB5];
	_ =	sdelay $0x3  }
0x37: {  	[smem:$0x3FB5] =	sst s10  }
0x38: {  	s10 =	sld [smem:$0x3FB6]  }
0x39: {  	_ = 	snop;
	(pc) =	sbr.ind lr, $3  }
0x3a: {  	_ = 	snop  }
0x3b: {  	_ = 	snop  }
0x3c: {  	p2 =	seq.s32 s10, $0x1;
	s10 =	sld [smem:$0x3FB5]  }
0x3d: {  	_ =	shalt  }
0x3e: {  	_ =	shalt  }
0x3f: {  	_ =	shalt  }
0x40: {  	_ =	shalt  }
0x41: {  	_ =	shalt  }
0x42: {  	_ =	shalt  }
0x43: {  	_ =	shalt  }
0x44: {  	_ =	shalt  }
0x45: {  	_ =	shalt  }
0x46: {  	_ =	shalt  }
0x47: {  	_ =	shalt  }
0x48: {  	_ =	shalt  }
0x49: {  	_ =	shalt  }
0x4a: {  	_ =	shalt  }
0x4b: {  	_ =	shalt  }
0x4c: {  	_ =	shalt  }
0x4d: {  	_ =	shalt  }
0x4e: {  	_ =	shalt  }
0x4f: {  	_ =	shalt  }
0x50: {  	_ =	shalt  }
0x51: {  	_ =	shalt  }
0x52: {  	_ =	shalt  }
0x53: {  	_ =	shalt  }
0x54: {  	_ =	shalt  }
0x55: {  	_ =	shalt  }
0x56: {  	_ =	shalt  }
0x57: {  	_ =	shalt  }
0x58: {  	_ =	shalt  }
0x59: {  	_ =	shalt  }
0x5a: {  	_ =	shalt  }
0x5b: {  	_ =	shalt  }
0x5c: {  	_ =	shalt  }
0x5d: {  	_ =	shalt  }
0x5e: {  	_ =	shalt  }
0x5f: {  	_ =	shalt  }
0x60: {  	_ =	shalt  }
0x61: {  	_ =	shalt  }
0x62: {  	_ =	shalt  }
0x63: {  	_ =	shalt  }
0x64: {  	_ =	shalt  }
0x65: {  	_ =	shalt  }
0x66: {  	_ =	shalt  }
0x67: {  	_ =	shalt  }
0x68: {  	_ =	shalt  }
0x69: {  	_ =	shalt  }
0x6a: {  	_ =	shalt  }
0x6b: {  	_ =	shalt  }
0x6c: {  	_ =	shalt  }
0x6d: {  	_ =	shalt  }
0x6e: {  	_ =	shalt  }
0x6f: {  	_ =	shalt  }
0x70: {  	_ =	shalt  }
0x71: {  	_ =	shalt  }
0x72: {  	_ =	shalt  }
0x73: {  	_ =	shalt  }
0x74: {  	_ =	shalt  }
0x75: {  	_ =	shalt  }
0x76: {  	_ =	shalt  }
0x77: {  	_ =	shalt  }
0x78: {  	_ =	shalt  }
0x79: {  	_ =	shalt  }
0x7a: {  	_ =	shalt  }
0x7b: {  	_ =	shalt  }
0x7c: {  	_ =	shalt  }
0x7d: {  	_ =	shalt  }
0x7e: {  	_ =	shalt  }
0x7f: {  	_ =	shalt  }
0x80: {  	_ =	shalt  }
0x81: {  	_ =	shalt  }
0x82: {  	_ =	shalt  }
0x83: {  	_ =	shalt  }
0x84: {  	_ =	shalt  }
0x85: {  	_ =	shalt  }
0x86: {  	_ =	shalt  }
0x87: {  	_ =	shalt  }
.Lfunc_end0:
.L_simem_size_0:
called_computation.1_lowered:
.L_overlay_start_0:
0x88: {  	s2 =	sld [smem:$0x3FD9]  }
0x89: {  	s3 =	sld [smem:$0x3FFE];
	_ =	sdelay $0x1  }
0x8a: {  	s1 =	srdreg.scid  }
0x8b: {  	s0 =	sand.u32 $0x1, s1  }
0x8c: {  	s17 =	sshll.u32 s0, $0xA;
	s2 =	sadd.s32 s3, s2  }
0x8d: {  	s2 =	sadd.s32 s2, s17  }
0x8e: {  	[smem:$0x3FC1] =	sst s2  }
0x8f: {  	_ = 	snop  }
0x90: {  	s2 =	sld [smem:$0x3FD0];
	(tm) =	ssettm $0x1  }
0x91: {  	s18 =	sld [smem:$0x3FFB];
	_ =	sdelay $0x3  }
0x92: {  	_ =	strace s18  }
0x93: {  	s3 =	sld [smem:$0x3FFC];
	_ =	sdelay $0x3  }
0x94: {  	_ =	strace s3  }
0x95: {  	s3 =	sld [smem:$0x3FFD];
	_ =	sdelay $0x3  }
0x96: {  	_ =	strace s3  }
0x97: {  	_ =	strace $0x8FFFFFFF  }
0x98: {  	s19 =	sld [smem:$0x3FDB];
	_ =	sdelay $0x1  }
0x99: {  	s4 =	simm.s32 $_scs_section_size  }
0x9a: {  	s5 =	simm.s32 $_size__tile_overlayer_lowered;
	s6 =	simm.s32 $_tile_overlayer_lowered  }
0x9b: {  	s22 =	simm.s32 $0x1BFF;
	s21 =	sshll.u32 s6, $0x1;
	s3 =	sadd.s32 s4, s19  }
0x9c: {  	s7 =	simm.s32 $0x0;
	s20 =	sshll.u32 s5, $0x1;
	s5 =	sadd.s32 s21, s3  }
0x9d: {  	[timem:s7], [sflag:s22] =	dma.local [hbm:s5], s20  }
0x9e: {  	_ =	swait.ge [sflag:s22], s20  }
0x9f: {  	s4 =	ssub.s32 $0x0, s20;
	[sflag:s22] =	ssyncset.done $0x0  }
0xa0: {  	[sflag:s22] =	ssyncadd.s32 s4;
	_ =	sdelay $0x1  }
0xa1: {  	s23 =	simm.s32 $0x1B8B  }
0xa2: {  	_ =	swait.ge [sflag:s23], $0x1  }
0xa3: {  	[sflag:s23] =	ssyncset.done $0x0  }
0xa4: {  	s25 =	simm.s32 $0x1B8E;
	s24 =	sld [smem:$0x3FFE];
	[sflag:s23] =	ssyncadd.s32 $0xFFFFFFFF  }
0xa5: {  	s26 =	simm.s32 $execute0_lowered;
	[smem:$0x3FD2] =	sst s25  }
0xa6: {  	s5 =	sshll.u32 s26, $0x1;
	_ =	strace $0x80000049;
	[dreg:$0x1] =	wrdreg $0xFFFFFFFF  }
0xa7: {  	s28 =	simm.s32 $_size_execute0_lowered;
	s3 =	sadd.s32 s3, s5;
	[dreg:$0x0] =	wrdreg $0x0  }
0xa8: {  	s5 =	sshll.u32 s28, $0x1;
	[dreg:$0x2] =	wrdreg s3  }
0xa9: {  	[dreg:$0x3] =	wrdreg s5  }
0xaa: {  	[dreg:$0x4] =	wrdreg $0xC0  }
0xab: {  	_ =	task [dreg:s7], $0x5FFFF  }
0xac: {  	[dreg:$0x1] =	wrdreg $0xFFFFFFFF  }
0xad: {  	[dreg:$0x0] =	wrdreg $0x60  }
0xae: {  	[dreg:$0x2] =	wrdreg s24  }
0xaf: {  	[dreg:$0x3] =	wrdreg s2  }
0xb0: {  	[dreg:$0x4] =	wrdreg $0x64000  }
0xb1: {  	[dreg:$0x5] =	wrdreg $0x9  }
0xb2: {  	_ =	task.clear_ibuf [dreg:s7], $0x6FFFF;
	_ =	strace $0x90000049  }
0xb3: {  	s29 =	simm.s32 $0x9;
	_ =	strace $0x8000004B  }
0xb4: {  	_ =	swait.ge [sflag:s29], $0x1  }
0xb5: {  	[sflag:s29] =	ssyncadd.s32 $0xFFFFFFFF  }
0xb6: {  	_ =	strace $0x9000004B  }
0xb7: {  	_ =	sfence  }
0xb8: {  	s30 =	sld [smem:$0x0];
	_ =	sdelay $0x2  }
0xb9: {  	s31 =	sshll.u32 s1, $0xD;
	s1 =	sshrl.u32 s1, $0x2  }
0xba: {  	s3 =	sand.u32 $0x4000, s31;
	s1 =	sadd.s32 s1, s30  }
0xbb: {  	s0 =	sor.u32 s3, s0;
	s1 =	sshll.u32 s1, $0x11  }
0xbc: {  	s0 =	sor.u32 s1, s0  }
0xbd: {  	s0 =	sadd.s32 $0x8F2B, s0  }
0xbe: {  	[sflag:s0] =	ssyncadd.remote.s32 $0x1  }
0xbf: {  	_ =	sfence.sel $0xFFFF  }
0xc0: {  	[dreg:$0x0] =	wrdreg $0xFFFFFFFF;
	(pc) =	sbr.abs _section_cstart, $3  }
0xc1: {  	[dreg:$0x1] =	wrdreg $0xFFFFFFFF  }
0xc2: {  	_ =	task.clear_ibuf [dreg:s7], $0x2FFFF;
	_ =	strace $0x9FFFFFFF  }
0xc3: {  	(tm) =	ssettm $0x7FFFFFFF  }
tec
execute0_lowered:
.L_overlay_start_1:
0x0: {  	(tag) =	ssettag $0x1  }
0x1: {  	s0 =	rddreg [dreg:$0x0]  }
0x2: {  	s1 =	rddreg [dreg:$0x1]  }
0x3: {  	s2 =	rddreg [dreg:$0x2];
	s3 =	srdreg.scid;
	s12 =	simm.s32 $0x0  }
0x4: {  	s11 =	stileid.u32;
	s13 =	simm.s32 $0x19;
	s16 =	simm.s32 $0x4400  }
0x5: {  	s17 =	simm.s32 $0x7;
	s19 =	simm.s32 $0x1;
	s20 =	simm.s32 $0x80  }
0x6: {  	s28 =	simm.s32 $0x4;
	s29 =	simm.s32 $0x5400;
	s30 =	simm.s32 $0x2  }
0x7: {  	s3 =	sand.u32 $0x1, s3;
	[smem:$0x7FF] =	sst s12;
	s8 =	smul.u32 $0x18700, s11  }
0x8: {  	s5 =	sadd.s32 $0x65C00, s0;
	s6 =	sadd.s32 $0x1C00, s0;
	s7 =	sadd.s32 $0x33C00, s0  }
0x9: {  	s10 =	sshll.u32 s11, $0x1;
	p0 =	slt.u32 s11, $0x7;
	s23 =	sshll.u32 s11, $0xC  }
0xa: {  	s4 =	smul.u32 $0x187000, s3;
	_ =	strace $0x8000004A;
	s9 =	ssub.s32 $0x2, s3  }
0xb: {  	s3 =	sor.u32 s3, s10;
	s13 =	simm.s32 @!p0 $0x18;
	s10 =	sadd.s32 s23, s2  }
0xc: {  	s23 =	simm.s32 $0x2400;
	s22 =	smul.u32 $0x1900, s3;
	[dreg:$0x5] =	wrdreg s13  }
0xd: {  	s21 =	sshrl.u32 s9, $0x1;
	s3 =	smul.u32 $0x190, s3;
	[dreg:$0x6] =	wrdreg s10  }
0xe: {  	s26 =	sadd.s32 s8, s2;
	s10 =	simm.s32 $0x6;
	s4 =	sadd.s32 s8, s4  }
0xf: {  	s4 =	sshrl.u32 s4, $0x3;
	s24 =	sadd.s32 s6, s22;
	s25 =	sor.u32 $0xA, s3  }
0x10: {  	s13 =	sadd.s32 $0x14, s3;
	s0 =	sadd.s32 s4, s0;
	[dreg:$0x7] =	wrdreg s24  }
0x11: {  	s4 =	ssub.s32 s9, s21;
	s9 =	sadd.s32 s7, s22;
	[dreg:$0x9] =	wrdreg s25  }
0x12: {  	s3 =	simm.s32 $0x5;
	[dreg:$0x8] =	wrdreg s9;
	s0 =	sadd.s32 $0x96A00, s0  }
0x13: {  	s21 =	simm.s32 $0x1400;
	s31 =	smax.u32 s4, $0x1;
	[dreg:$0xa] =	wrdreg s0  }
0x14: {  	s22 =	simm.s32 $0x3400;
	[dreg:$0xb] =	wrdreg s31;
	s0 =	sshrl.u32 s26, $0x3  }
0x15: {  	v0 =	vimm.f32 $0.0e+00;
	s24 =	simm.s32 $0x3C00;
	s26 =	simm.s32 $0x3;
	[dreg:$0xc] =	wrdreg s0  }
.LBB2_1:
0x16: {  	s0 =	simm.s32 $0x80;
	s4 =	simm.s32 $0x0  }
.LBB2_2:
0x17: {  	p0 =	sne.s32 s0, $0x3F80;
	[tilespmem:s4+$0x4400] =	vst v0;
	s8 =	smov.u32 s0;
	s0 =	sadd.s32 $0x80, s0  }
.Ltmp0:
0x18: {  	[tilespmem:s4+$0x4410] =	vst v0;
	(pc) =	sbr.rel @p0 .LBB2_2-.Ltmp0, $2  }
0x19: {  	_ =	sdelay $0x2  }
0x1a: {  	s4 =	sshra.s32 s8, $0x2  }
0x1b: {  	s0 =	rddreg [dreg:$0x5]  }
0x1c: {  	p0 =	sne.s32 s0, $0x1  }
.Ltmp1:
0x1d: {  	[dreg:$0x4] =	wrdreg s12;
	[tilespmem:s4+$0x4400] =	vst v0;
	(pc) =	sbr.rel @!p0 .LBB2_5-.Ltmp1, $4  }
0x1e: {  	[tilespmem:s4+$0x4410] =	vst v0;
	s4 =	rddreg [dreg:$0x6]  }
0x1f: {  	[spmem:s4] =	stream.linear.scatter [tilespmem:s16], [sflag:$0x7], $0x1000, $0x38;
	[tilespmem:$0x1EB00] =	vst v63  }
0x20: {  	_ =	swait.ge [sflag:s17], $0x1000  }
0x21: {  	s0 =	sadd.s32 $0xFFFFFFFF, s0;
	[sflag:s17] =	ssyncset.done $0x0  }
.LBB2_4:
0x22: {  	p0 =	sne.s32 s0, $0x1;
	[sflag:s17] =	ssyncadd.s32 $0xFFFFF000;
	s4 =	sadd.s32 $0x10000, s4  }
.Ltmp2:
0x23: {  	s0 =	sadd.s32 $0xFFFFFFFF, s0;
	(pc) =	sbr.rel @p0 .LBB2_4-.Ltmp2, $4  }
0x24: {  	_ = 	snop  }
0x25: {  	[spmem:s4] =	stream.linear.scatter [tilespmem:s16], [sflag:$0x7], $0x1000, $0x38;
	[tilespmem:$0x1EB00] =	vst v63  }
0x26: {  	_ =	swait.ge [sflag:s17], $0x1000  }
0x27: {  	[sflag:s17] =	ssyncset.done $0x0  }
.LBB2_5:
0x28: {  	[sflag:s17] =	ssyncadd.s32 $0xFFFFF000;
	s8 =	simm.s32 $0x0;
	s0 =	rddreg [dreg:$0x7]  }
0x29: {  	[tilespmem:s8], [sflag:$0x1] =	stream.linear.gather [hbm4b:s0+s8], $0x500, $0x38;
	[tilespmem:$0x1EB00] =	vst v63  }
0x2a: {  	s31 =	rddreg [dreg:$0x8];
	s4 =	simm.s32 $0xA00  }
0x2b: {  	[tilespmem:s4], [sflag:$0x1] =	stream.linear.gather [hbm4b:s31+s8], $0x500, $0x38;
	[tilespmem:$0x1EB00] =	vst v63  }
0x2c: {  	s14 =	simm.s32 $0x0;
	[bflag:$0x0] =	sbarrier.arrive $0xFFFF  }
.LBB2_6:
0x2d: {  	_ =	swait.ge [sflag:s19], $0x500  }
0x2e: {  	[sflag:s19] =	ssyncset.done $0x0  }
0x2f: {  	[sflag:s19] =	ssyncadd.s32 $0xFFFFFB00  }
0x30: {  	_ =	swait.ge [sflag:s19], $0x500  }
0x31: {  	s0 =	simm.s32 $0x0;
	[sflag:s19] =	ssyncset.done $0x0  }
0x32: {  	s15 =	smul.u32 $0x14, s14;
	s31 =	rddreg [dreg:$0x9];
	[sflag:s19] =	ssyncadd.s32 $0xFFFFFB00  }
0x33: {  	[tilespmem:s21], [sflag:$0x3] =	stream.indirect.gather [hbm4b:s5+s20], $0x20, s0, s20, $0xb8;
	[tilespmem:$0x1EB00] =	vst v63  }
0x34: {  	s0 =	sadd.s32 s15, s31  }
0x35: {  	s25 =	simm.s32 $0xA00;
	s0 =	sshll.u32 s0, $0x4  }
0x36: {  	[tilespmem:s22], [sflag:$0x3] =	stream.indirect.gather [hbm4b:s1+s20], $0x10, s25, s20, $0xb8;
	[tilespmem:$0x1EB00] =	vst v63  }
0x37: {  	s0 =	sand.u32 $0x1FFFFFE0, s0  }
0x38: {  	s8 =	simm.s32 $0x0;
	s25 =	sadd.s32 s6, s0;
	s9 =	sadd.s32 s7, s0  }
.LBB2_7:
0x39: {  	s31 =	sshllo.u32 s8, $0x1  }
0x3a: {  	s0 =	sshll.u32 s31, $0x7  }
0x3b: {  	[tilespmem:s23], [sflag:$0x4] =	stream.indirect.gather [hbm4b:s5+s20], $0x20, s0, s20, $0xb8;
	[tilespmem:$0x1EB00] =	vst v63  }
0x3c: {  	p0 =	sne.s32 s8, $0x1;
	s4 =	sadd.s32 $0xA00, s0  }
0x3d: {  	[tilespmem:s24], [sflag:$0x4] =	stream.indirect.gather [hbm4b:s1+s20], $0x10, s4, s20, $0xb8;
	[tilespmem:$0x1EB00] =	vst v63  }
0x3e: {  	s11 =	simm.s32 @!p0 $0x500;
	s0 =	simm.s32 @!p0 $0x0  }
0x3f: {  	[tilespmem:s11], [sflag:$0x2] =	stream.linear.gather @!p0 [hbm4b:s25+s0], $0x500, $0x38;
	[tilespmem:$0x1EB00] =	vst v63  }
0x40: {  	s11 =	simm.s32 @!p0 $0xF00  }
0x41: {  	[tilespmem:s11], [sflag:$0x2] =	stream.linear.gather @!p0 [hbm4b:s9+s0], $0x500, $0x38;
	[tilespmem:$0x1EB00] =	vst v63  }
0x42: {  	_ =	swait.ge [sflag:s26], $0x1000  }
0x43: {  	[sflag:s26] =	ssyncset.done $0x0  }
0x44: {  	[sflag:s26] =	ssyncadd.s32 $0xFFFFF000  }
0x45: {  	s18 =	sor.u32 s15, s8;
	_ =	swait.ge [sflag:s26], $0x800  }
0x46: {  	p0 =	seq.s32 s18, $0x0;
	[sflag:s26] =	ssyncset.done $0x0  }
0x47: {  	s0 =	simm.s32 @!p0 $0x5;
	[sflag:s26] =	ssyncadd.s32 $0xFFFFF800  }
0x48: {  	_ =	swait.ge @!p0 [sflag:s0], $0x1000  }
0x49: {  	[sflag:s0] =	ssyncset.done @!p0 $0x0  }
0x4a: {  	s12 =	simm.s32 $0x1500;
	[sflag:s0] =	ssyncadd.s32 @!p0 $0xFFFFF000  }
0x4b: {  	s0 =	simm.s32 $0x3480;
	v1 =	vld [tilespmem:s12+$0xE0]  }
0x4c: {  	v2 =	vld [tilespmem:s0+$0x70]  }
0x4d: {  	v4 =	vld [tilespmem:s12+$0xFFFFFF20]  }
0x4e: {  	v5 =	vld [tilespmem:s0+$0xFFFFFF90];
	_ =	sdelay $0x1  }
0x4f: {  	v6 =	vld [tilespmem:s12+$0xFFFFFF40]  }
0x50: {  	v7 =	vld [tilespmem:s0+$0xFFFFFFA0];
	v1 =	vmul.f32 v2, v1  }
0x51: {  	v8 =	vld [tilespmem:s12+$0xFFFFFF60]  }
0x52: {  	v4 =	vmul.f32 v5, v4;
	v5 =	vld [tilespmem:s12+$0xFFFFFF80];
	(xrf2) =	vadd.scan.msk.f32 $0xffff, v1  }
0x53: {  	v1 =	vld [tilespmem:s0+$0xFFFFFFC0]  }
0x54: {  	v2 =	vld [tilespmem:s0+$0xFFFFFFB0];
	_ =	sdelay $0x1  }
0x55: {  	v3 =	vld [tilespmem:s0+$0xFFFFFF80]  }
0x56: {  	v9 =	vld [tilespmem:s12+$0xFFFFFFA0];
	(xrf2) =	vadd.scan.msk.f32 $0xffff, v4  }
0x57: {  	v10 =	vld [tilespmem:s0+$0xFFFFFFF0];
	v4 =	vmul.f32 v7, v6;
	v1 =	vmul.f32 v1, v5  }
0x58: {  	v11 =	vld [tilespmem:s12+$0x20];
	v2 =	vmul.f32 v2, v8  }
0x59: {  	v6 =	vld [tilespmem:s0+$0xFFFFFFD0];
	(xrf2) =	vadd.scan.msk.f32 $0xffff, v4  }
0x5a: {  	v12 =	vld [tilespmem:s12+$0x40];
	(xrf2) =	vadd.scan.msk.f32 $0xffff, v2  }
0x5b: {  	v14 =	vld [tilespmem:s0+$0x20];
	(xrf2) =	vadd.scan.msk.f32 $0xffff, v1;
	v1, _, _ =	vpop (xrf2)  }
0x5c: {  	v7 =	vld [tilespmem:s12+$0xFFFFFFC0];
	v1 =	vmul.f32 $1.442695020e+00, v1  }
0x5d: {  	v8 =	vld [tilespmem:s0+$0xFFFFFFE0]  }
0x5e: {  	v4 =	vld [tilespmem:s12+$0xFFFFFFE0];
	v6 =	vmul.f32 v6, v9;
	v1 =	vbroadcast v1, $0xF  }
0x5f: {  	v2 =	vld [tilespmem:s12+$0x0]  }
0x60: {  	v5 =	vld [tilespmem:s0+$0x0];
	(xrf2) =	vadd.scan.msk.f32 $0xffff, v6;
	v13, _, _ =	vpop (xrf2);
	(erf) = vpow2.f32 v1  }
0x61: {  	v16 =	vld [tilespmem:s0+$0x50];
	v13 =	vmul.f32 $1.442695020e+00, v13  }
0x62: {  	v17 =	vld [tilespmem:s12+$0xC0];
	v7 =	vmul.f32 v8, v7  }
0x63: {  	v9 =	vld [tilespmem:s0+$0x10];
	v8 =	vbroadcast v13, $0xF  }
0x64: {  	v18 =	vld [tilespmem:s0+$0x60];
	v4 =	vmul.f32 v10, v4;
	(xrf2) =	vadd.scan.msk.f32 $0xffff, v7;
	v15, _, _ =	vpop (xrf2)  }
0x65: {  	v2 =	vmul.f32 v5, v2;
	v5 =	vld [tilespmem:s12+$0xF0];
	v1 =	vmul.f32 $1.442695020e+00, v15  }
0x66: {  	v10 =	vld [tilespmem:s0+$0x40];
	(erf) = vpow2.f32 v8  }
0x67: {  	v6 =	vld [tilespmem:s12+$0x60];
	(xrf2) =	vadd.scan.msk.f32 $0xffff, v4;
	v1 =	vbroadcast v1, $0xF;
	v8, _, _ =	vpop (xrf2)  }
0x68: {  	v13 =	vld [tilespmem:s0+$0x30];
	(xrf2) =	vadd.scan.msk.f32 $0xffff, v2;
	v2 =	vmul.f32 v9, v11;
	v8 =	vmul.f32 $1.442695020e+00, v8;
	v4, _, _ =	vpop (xrf2)  }
0x69: {  	v15 =	vld [tilespmem:s12+$0x80];
	(erf) = vpow2.f32 v1;
	v4 =	vmul.f32 $1.442695020e+00, v4;
	v11 =	vpop (erf)  }
0x6a: {  	v9, _, _ =	vpop (xrf2);
	(xrf2) =	vadd.scan.msk.f32 $0xffff, v2;
	v1 =	vbroadcast v8, $0xF;
	v8 =	vld [tilespmem:s12+$0xFFFFFF00];
	v2 =	vmul.f32 v11, v5  }
0x6b: {  	v19 =	vld [tilespmem:s12+$0xFFFFFF30];
	v9 =	vmul.f32 $1.442695020e+00, v9;
	v4 =	vbroadcast v4, $0xF  }
0x6c: {  	v14 =	vmul.f32 v14, v12;
	v7 =	vld [tilespmem:s12+$0xA0];
	(erf) = vpow2.f32 v1  }
0x6d: {  	s18 =	simm.s32 $0x4500;
	v20 =	vld [tilespmem:s12+$0xFFFFFF70];
	v21 =	vmul.f32 v13, v6;
	(erf) = vpow2.f32 v4  }
0x6e: {  	v15 =	vmul.f32 v10, v15;
	v4 =	vld [tilespmem:s12+$0xFFFFFF50];
	v5 =	vbroadcast v9, $0xF;
	[tilespmem:s18+$0xE0] =	vst v2;
	v2, _, _ =	vpop (xrf2)  }
0x6f: {  	v12 =	vld [tilespmem:s12+$0xFFFFFFD0];
	v9 =	vpop (erf);
	v3 =	vmul.f32 v3, v8;
	v2 =	vmul.f32 $1.442695020e+00, v2  }
0x70: {  	v13 =	vld [tilespmem:s12+$0xFFFFFF90];
	v6 =	vmul.f32 v9, v19;
	(erf) = vpow2.f32 v5  }
0x71: {  	v10 =	vmul.f32 v16, v7;
	v7 =	vld [tilespmem:s12+$0xFFFFFFB0];
	[tilespmem:s18+$0xFFFFFF30] =	vst v9;
	(xrf2) =	vadd.scan.msk.f32 $0xffff, v3;
	v9, _, _ =	vpop (xrf2);
	v2 =	vbroadcast v2, $0xF  }
0x72: {  	v1 =	vld [tilespmem:s12+$0xFFFFFF10];
	[tilespmem:s18+$0xF0] =	vst v11;
	v5 =	vpop (erf);
	v59 =	vmul.f32 $1.442695020e+00, v9  }
0x73: {  	v11 =	vld [tilespmem:s12+$0xFFFFFFF0];
	[tilespmem:s18+$0xFFFFFF20] =	vst v6;
	v4 =	vmul.f32 v5, v4;
	(erf) = vpow2.f32 v2  }
0x74: {  	v8 =	vld [tilespmem:s12+$0x30];
	(xrf2) =	vadd.scan.msk.f32 $0xffff, v14;
	[tilespmem:s18+$0xFFFFFF50] =	vst v5;
	v6, _, _ =	vpop (xrf2);
	v2 =	vbroadcast v59, $0xF  }
0x75: {  	v9 =	vld [tilespmem:s12+$0x10];
	v5 =	vpop (erf);
	[tilespmem:s18+$0xFFFFFF40] =	vst v4;
	v60 =	vmul.f32 $1.442695020e+00, v6  }
0x76: {  	v6 =	vld [tilespmem:s12+$0x50];
	v4 =	vmul.f32 v5, v20;
	[tilespmem:s18+$0xFFFFFF70] =	vst v5;
	v61 =	vpop (erf);
	(erf) = vpow2.f32 v2  }
0x77: {  	(xrf2) =	vadd.scan.msk.f32 $0xffff, v21;
	v3, _, _ =	vpop (xrf2);
	v5 =	vld [tilespmem:s12+$0x70];
	v62 =	vmul.f32 v61, v13;
	v19 =	vbroadcast v60, $0xF;
	[tilespmem:s18+$0xFFFFFF90] =	vst v61  }
0x78: {  	v14 =	vmul.f32 $1.442695020e+00, v3;
	v3 =	vld [tilespmem:s12+$0xB0];
	[tilespmem:s18+$0xFFFFFF60] =	vst v4  }
0x79: {  	v13 =	vmul.f32 v18, v17;
	v4 =	vld [tilespmem:s12+$0x90];
	[tilespmem:s18+$0xFFFFFF80] =	vst v62;
	v63 =	vpop (erf);
	(erf) = vpow2.f32 v19  }
0x7a: {  	s11 =	simm.s32 $0x0;
	(xrf2) =	vadd.scan.msk.f32 $0xffff, v15;
	v14 =	vbroadcast v14, $0xF;
	v2 =	vld [tilespmem:s12+$0xD0];
	s12 =	simm.s32 $0x1700;
	v7 =	vmul.f32 v63, v7;
	[tilespmem:s18+$0xFFFFFFB0] =	vst v63  }
.LBB2_8:
0x7b: {  	v15 =	vld [tilespmem:s12+$0xE0];
	s0 =	sadd.s32 $0x100, s0;
	v16, _, _ =	vpop (xrf2)  }
0x7c: {  	s11 =	sadd.s32 $0x10, s11;
	v17 =	vld [tilespmem:s0+$0x70];
	v19 =	vmul.f32 $1.442695020e+00, v16;
	[tilespmem:s18+$0xFFFFFFA0] =	vst v7;
	v18 =	vpop (erf);
	(erf) = vpow2.f32 v14  }
0x7d: {  	p0 =	slt.u32 s11, $0x70;
	v7 =	vld [tilespmem:s0+$0xFFFFFF80];
	v12 =	vmul.f32 v18, v12;
	[tilespmem:s18+$0xFFFFFFD0] =	vst v18;
	(xrf2) =	vadd.scan.msk.f32 $0xffff, v10  }
0x7e: {  	v10 =	vld [tilespmem:s12+$0xFFFFFF20];
	v14 =	vbroadcast v19, $0xF;
	v16, _, _ =	vpop (xrf2)  }
0x7f: {  	v18 =	vld [tilespmem:s0+$0xFFFFFF90];
	[tilespmem:s18+$0xFFFFFFC0] =	vst v12;
	v12 =	vmul.f32 $1.442695020e+00, v16;
	v16 =	vpop (erf)  }
0x80: {  	v19 =	vld [tilespmem:s12+$0xFFFFFF40];
	v11 =	vmul.f32 v16, v11;
	[tilespmem:s18+$0xFFFFFFF0] =	vst v16;
	(erf) = vpow2.f32 v14;
	(xrf2) =	vadd.scan.msk.f32 $0xffff, v13  }
0x81: {  	v13 =	vld [tilespmem:s0+$0xFFFFFFA0];
	v20 =	vmul.f32 v17, v15;
	v12 =	vbroadcast v12, $0xF;
	v15, _, _ =	vpop (xrf2)  }
0x82: {  	v16 =	vld [tilespmem:s12+$0xFFFFFF60];
	[tilespmem:s18+$0xFFFFFFE0] =	vst v11;
	v11 =	vmul.f32 $1.442695020e+00, v15;
	v15 =	vpop (erf)  }
0x83: {  	v17 =	vld [tilespmem:s0+$0xFFFFFFB0];
	(xrf2) =	vadd.scan.msk.f32 $0xffff, v20;
	v9 =	vmul.f32 v15, v9;
	[tilespmem:s18+$0x10] =	vst v15;
	(erf) = vpow2.f32 v12  }
0x84: {  	v10 =	vmul.f32 v18, v10;
	v12 =	vld [tilespmem:s12+$0xFFFFFF80];
	v20 =	vbroadcast v11, $0xF;
	v14, _, _ =	vpop (xrf2)  }
0x85: {  	v15 =	vld [tilespmem:s0+$0xFFFFFFC0];
	[tilespmem:s18+$0x0] =	vst v9;
	v9 =	vmul.f32 $1.442695020e+00, v14;
	v14 =	vpop (erf)  }
0x86: {  	v13 =	vmul.f32 v13, v19;
	v18 =	vld [tilespmem:s12+$0xFFFFFFA0];
	(xrf2) =	vadd.scan.msk.f32 $0xffff, v10;
	[tilespmem:s18+$0x30] =	vst v14;
	(erf) = vpow2.f32 v20  }
0x87: {  	v19 =	vmul.f32 v14, v8;
	v10 =	vld [tilespmem:s0+$0xFFFFFFD0];
	v9 =	vbroadcast v9, $0xF;
	v11, _, _ =	vpop (xrf2)  }
0x88: {  	v14 =	vmul.f32 v17, v16;
	v16 =	vld [tilespmem:s12+$0xFFFFFFC0];
	v11 =	vmul.f32 $1.442695020e+00, v11  }
0x89: {  	v17 =	vld [tilespmem:s0+$0xFFFFFFE0];
	(xrf2) =	vadd.scan.msk.f32 $0xffff, v13;
	[tilespmem:s18+$0x20] =	vst v19;
	v8 =	vpop (erf);
	(erf) = vpow2.f32 v9  }
0x8a: {  	v9 =	vmul.f32 v15, v12;
	v12 =	vld [tilespmem:s12+$0xFFFFFFE0];
	[tilespmem:s18+$0xFFFFFF10] =	vst v8;
	v11 =	vbroadcast v11, $0xF;
	v13, _, _ =	vpop (xrf2)  }
0x8b: {  	v1 =	vmul.f32 v8, v1;
	v15 =	vld [tilespmem:s0+$0xFFFFFFF0];
	v8 =	vmul.f32 $1.442695020e+00, v13  }
0x8c: {  	v10 =	vmul.f32 v10, v18;
	v13 =	vld [tilespmem:s12+$0x0];
	(xrf2) =	vadd.scan.msk.f32 $0xffff, v14;
	v14 =	vpop (erf);
	(erf) = vpow2.f32 v11  }
0x8d: {  	v11 =	vld [tilespmem:s0+$0x0];
	v18, _, _ =	vpop (xrf2);
	[tilespmem:s18+$0xFFFFFF00] =	vst v1;
	v19 =	vmul.f32 v14, v6;
	v6 =	vbroadcast v8, $0xF  }
0x8e: {  	v8 =	vmul.f32 v17, v16;
	v16 =	vld [tilespmem:s12+$0x20];
	v17 =	vmul.f32 $1.442695020e+00, v18;
	[tilespmem:s18+$0x50] =	vst v14  }
0x8f: {  	v14 =	vld [tilespmem:s0+$0x10];
	(xrf2) =	vadd.scan.msk.f32 $0xffff, v9;
	[tilespmem:s18+$0x40] =	vst v19;
	v1 =	vpop (erf);
	(erf) = vpow2.f32 v6  }
0x90: {  	v6 =	vmul.f32 v15, v12;
	v9 =	vld [tilespmem:s12+$0x40];
	v12 =	vbroadcast v17, $0xF;
	v15, _, _ =	vpop (xrf2);
	[tilespmem:s18+$0x70] =	vst v1  }
0x91: {  	v1 =	vmul.f32 v1, v5;
	v18 =	vmul.f32 $1.442695020e+00, v15;
	v17 =	vld [tilespmem:s0+$0x20]  }
0x92: {  	v5 =	vmul.f32 v11, v13;
	v11 =	vld [tilespmem:s12+$0x60];
	(xrf2) =	vadd.scan.msk.f32 $0xffff, v10;
	(erf) = vpow2.f32 v12;
	v10 =	vpop (erf)  }
0x93: {  	v12 =	vbroadcast v18, $0xF;
	v13 =	vld [tilespmem:s0+$0x30];
	v15, _, _ =	vpop (xrf2);
	[tilespmem:s18+$0x60] =	vst v1;
	v18 =	vmul.f32 v10, v4  }
0x94: {  	v4 =	vmul.f32 $1.442695020e+00, v15;
	v14 =	vmul.f32 v14, v16;
	v15 =	vld [tilespmem:s12+$0x80];
	[tilespmem:s18+$0x90] =	vst v10  }
0x95: {  	v10 =	vld [tilespmem:s0+$0x40];
	(erf) = vpow2.f32 v12;
	(xrf2) =	vadd.scan.msk.f32 $0xffff, v8;
	[tilespmem:s18+$0x80] =	vst v18;
	v1 =	vpop (erf)  }
0x96: {  	v18 =	vbroadcast v4, $0xF;
	v16 =	vmul.f32 v17, v9;
	v8 =	vld [tilespmem:s12+$0xA0];
	v9, _, _ =	vpop (xrf2);
	[tilespmem:s18+$0xB0] =	vst v1  }
0x97: {  	v1 =	vmul.f32 v1, v3;
	v9 =	vmul.f32 $1.442695020e+00, v9;
	v12 =	vld [tilespmem:s12+$0xF0]  }
0x98: {  	v3 =	vmul.f32 v13, v11;
	v11 =	vld [tilespmem:s0+$0x50];
	(erf) = vpow2.f32 v18;
	(xrf2) =	vadd.scan.msk.f32 $0xffff, v6;
	v4 =	vpop (erf)  }
0x99: {  	v6 =	vbroadcast v9, $0xF;
	v9 =	vld [tilespmem:s12+$0xC0];
	v13, _, _ =	vpop (xrf2);
	[tilespmem:s18+$0xA0] =	vst v1;
	v1 =	vmul.f32 v4, v2  }
0x9a: {  	v2 =	vmul.f32 $1.442695020e+00, v13;
	v15 =	vmul.f32 v10, v15;
	v13 =	vld [tilespmem:s0+$0x60];
	[tilespmem:s18+$0xD0] =	vst v4  }
0x9b: {  	v4 =	vld [tilespmem:s12+$0xFFFFFF00];
	(erf) = vpow2.f32 v6;
	(xrf2) =	vadd.scan.msk.f32 $0xffff, v5;
	v5 =	vpop (erf);
	[tilespmem:s18+$0xC0] =	vst v1  }
0x9c: {  	v1 =	vld [tilespmem:s12+$0xFFFFFF10];
	v2 =	vbroadcast v2, $0xF;
	v18 =	vmul.f32 v5, v12;
	v10, _, _ =	vpop (xrf2)  }
0x9d: {  	s18 =	sadd.s32 $0x200, s18;
	v12 =	vld [tilespmem:s12+$0xFFFFFF30];
	v17 =	vmul.f32 $1.442695020e+00, v10;
	v10 =	vmul.f32 v11, v8  }
0x9e: {  	v8 =	vld [tilespmem:s12+$0xFFFFFF50];
	[tilespmem:s18+$0xE0] =	vst v18;
	v6 =	vpop (erf);
	(erf) = vpow2.f32 v2;
	(xrf2) =	vadd.scan.msk.f32 $0xffff, v14  }
0x9f: {  	[tilespmem:s18+$0xFFFFFF30] =	vst v6;
	v2 =	vld [tilespmem:s12+$0xFFFFFF70];
	v11 =	vbroadcast v17, $0xF;
	v13 =	vmul.f32 v13, v9;
	v9, _, _ =	vpop (xrf2)  }
0xa0: {  	v18 =	vmul.f32 v7, v4;
	v7 =	vld [tilespmem:s12+$0xFFFFFF90];
	v9 =	vmul.f32 $1.442695020e+00, v9;
	[tilespmem:s18+$0xF0] =	vst v5  }
0xa1: {  	v14 =	vld [tilespmem:s12+$0xFFFFFFB0];
	v5 =	vpop (erf);
	(erf) = vpow2.f32 v11  }
0xa2: {  	v19 =	vmul.f32 v6, v12;
	[tilespmem:s18+$0xFFFFFF50] =	vst v5;
	v12 =	vld [tilespmem:s12+$0xFFFFFFD0];
	v17 =	vbroadcast v9, $0xF;
	(xrf2) =	vadd.scan.msk.f32 $0xffff, v18;
	v4, _, _ =	vpop (xrf2)  }
0xa3: {  	v18 =	vmul.f32 v5, v8;
	v11 =	vld [tilespmem:s12+$0xFFFFFFF0];
	v4 =	vmul.f32 $1.442695020e+00, v4  }
0xa4: {  	[tilespmem:s18+$0xFFFFFF20] =	vst v19;
	v9 =	vld [tilespmem:s12+$0x10];
	v6 =	vpop (erf);
	(erf) = vpow2.f32 v17  }
0xa5: {  	[tilespmem:s18+$0xFFFFFF40] =	vst v18;
	v17 =	vmul.f32 v6, v2;
	v4 =	vbroadcast v4, $0xF;
	v8 =	vld [tilespmem:s12+$0x30];
	v5, _, _ =	vpop (xrf2);
	(xrf2) =	vadd.scan.msk.f32 $0xffff, v16  }
0xa6: {  	[tilespmem:s18+$0xFFFFFF70] =	vst v6;
	v16 =	vmul.f32 $1.442695020e+00, v5;
	v6 =	vld [tilespmem:s12+$0x50]  }
.Ltmp3:
0xa7: {  	[tilespmem:s18+$0xFFFFFF60] =	vst v17;
	v5 =	vld [tilespmem:s12+$0x70];
	v2 =	vpop (erf);
	(erf) = vpow2.f32 v4;
	(pc) =	sbr.rel @p0 .LBB2_8-.Ltmp3, $4  }
0xa8: {  	v7 =	vmul.f32 v2, v7;
	[tilespmem:s18+$0xFFFFFF90] =	vst v2;
	v16 =	vbroadcast v16, $0xF;
	v4 =	vld [tilespmem:s12+$0x90];
	v2, _, _ =	vpop (xrf2);
	(xrf2) =	vadd.scan.msk.f32 $0xffff, v3  }
0xa9: {  	v17 =	vmul.f32 $1.442695020e+00, v2;
	v3 =	vld [tilespmem:s12+$0xB0]  }
0xaa: {  	[tilespmem:s18+$0xFFFFFF80] =	vst v7;
	v2 =	vld [tilespmem:s12+$0xD0];
	v18 =	vpop (erf);
	(erf) = vpow2.f32 v16  }
0xab: {  	s12 =	sadd.s32 $0x200, s12;
	v7 =	vmul.f32 v18, v14;
	[tilespmem:s18+$0xFFFFFFB0] =	vst v18;
	v14 =	vbroadcast v17, $0xF;
	(xrf2) =	vadd.scan.msk.f32 $0xffff, v15  }
0xac: {  	_ = 	snop  }
0xad: {  	(xrf2) =	vadd.scan.msk.f32 $0xffff, v10;
	v10, _, _ =	vpop (xrf2)  }
0xae: {  	v10 =	vmul.f32 $1.442695020e+00, v10  }
0xaf: {  	(xrf2) =	vadd.scan.msk.f32 $0xffff, v13  }
0xb0: {  	v10 =	vbroadcast v10, $0xF  }
0xb1: {  	(erf) = vpow2.f32 v14;
	v14 =	vpop (erf)  }
0xb2: {  	v13, _, _ =	vpop (xrf2)  }
0xb3: {  	[tilespmem:s18+$0xFFFFFFA0] =	vst v7;
	v12 =	vmul.f32 v14, v12;
	v13 =	vmul.f32 $1.442695020e+00, v13;
	v7 =	vpop (erf)  }
0xb4: {  	(erf) = vpow2.f32 v10;
	v10, _, _ =	vpop (xrf2)  }
0xb5: {  	v13 =	vbroadcast v13, $0xF;
	v10 =	vmul.f32 $1.442695020e+00, v10;
	v15, _, _ =	vpop (xrf2)  }
0xb6: {  	[tilespmem:s18+$0xFFFFFFD0] =	vst v14;
	v11 =	vmul.f32 v7, v11;
	v15 =	vmul.f32 $1.442695020e+00, v15  }
0xb7: {  	[tilespmem:s18+$0xFFFFFFC0] =	vst v12;
	v12 =	vpop (erf);
	(erf) = vpow2.f32 v13;
	v10 =	vbroadcast v10, $0xF  }
0xb8: {  	[tilespmem:s18+$0xFFFFFFF0] =	vst v7;
	v7 =	vmul.f32 v12, v9;
	v14, _, _ =	vpop (xrf2);
	v13 =	vbroadcast v15, $0xF  }
0xb9: {  	v9, _, _ =	vpop (xrf2);
	(erf) = vpow2.f32 v10;
	v10 =	vmul.f32 $1.442695020e+00, v14  }
0xba: {  	v9 =	vmul.f32 $1.442695020e+00, v9  }
0xbb: {  	[tilespmem:s18+$0xFFFFFFE0] =	vst v11;
	(erf) = vpow2.f32 v13;
	v10 =	vbroadcast v10, $0xF  }
0xbc: {  	v11 =	vpop (erf);
	[tilespmem:s18+$0x0] =	vst v7;
	v7 =	vbroadcast v9, $0xF  }
0xbd: {  	[tilespmem:s18+$0x10] =	vst v12;
	v8 =	vmul.f32 v11, v8;
	(erf) = vpow2.f32 v10  }
0xbe: {  	[tilespmem:s18+$0x30] =	vst v11;
	v9 =	vpop (erf)  }
0xbf: {  	[tilespmem:s18+$0x20] =	vst v8;
	v1 =	vmul.f32 v9, v1;
	(erf) = vpow2.f32 v7  }
0xc0: {  	[tilespmem:s18+$0xFFFFFF10] =	vst v9;
	v7 =	vpop (erf)  }
0xc1: {  	[tilespmem:s18+$0xFFFFFF00] =	vst v1;
	v1 =	vmul.f32 v7, v6  }
0xc2: {  	[tilespmem:s18+$0x50] =	vst v7;
	v6 =	vpop (erf)  }
0xc3: {  	[tilespmem:s18+$0x40] =	vst v1;
	v1 =	vmul.f32 v6, v5  }
0xc4: {  	[tilespmem:s18+$0x70] =	vst v6;
	v5 =	vpop (erf)  }
0xc5: {  	[tilespmem:s18+$0x60] =	vst v1;
	v1 =	vmul.f32 v5, v4  }
0xc6: {  	[tilespmem:s18+$0x90] =	vst v5;
	v4 =	vpop (erf)  }
0xc7: {  	[tilespmem:s18+$0x80] =	vst v1;
	v1 =	vmul.f32 v4, v3  }
0xc8: {  	[tilespmem:s18+$0xB0] =	vst v4;
	v3 =	vpop (erf)  }
0xc9: {  	s0 =	sshll.u32 s8, $0x8;
	[tilespmem:s18+$0xA0] =	vst v1;
	v1 =	vmul.f32 v3, v2  }
0xca: {  	s0 =	sand.u32 $0x3FFFFF00, s0;
	[tilespmem:s18+$0xD0] =	vst v3  }
0xcb: {  	p0 =	seq.s32 s8, $0x4;
	s0 =	sadd.s32 $0xA00, s0;
	[tilespmem:s18+$0xC0] =	vst v1  }
0xcc: {  	[spmem:s2] =	stream.indirect.scatter.add.f32 [tilespmem:s16], [sflag:$0x5], $0x20, s0, s20, $0xb8;
	[tilespmem:$0x1EB00] =	vst v63  }
0xcd: {  	s0 =	sshll.u32 @!p0 s8, $0x8  }
0xce: {  	s12 =	simm.s32 @!p0 $0x80;
	s18 =	simm.s32 @!p0 $0x1400;
	s11 =	sadd.s32 @!p0 $0x100, s0  }
0xcf: {  	[tilespmem:s18], [sflag:$0x3] =	stream.indirect.gather @!p0 [hbm4b:s5+s12], $0x20, s11, s12, $0xb8;
	[tilespmem:$0x1EB00] =	vst v63  }
0xd0: {  	s0 =	sadd.s32 @!p0 $0xB00, s0;
	s11 =	simm.s32 @!p0 $0x3400  }
0xd1: {  	[tilespmem:s11], [sflag:$0x3] =	stream.indirect.gather @!p0 [hbm4b:s1+s12], $0x10, s0, s12, $0xb8;
	[tilespmem:$0x1EB00] =	vst v63  }
0xd2: {  	_ =	swait.ge [sflag:s28], $0x1000  }
0xd3: {  	[sflag:s28] =	ssyncset.done $0x0  }
0xd4: {  	[sflag:s28] =	ssyncadd.s32 $0xFFFFF000  }
0xd5: {  	s18 =	sadd.s32 s15, s31;
	_ =	swait.ge [sflag:s28], $0x800  }
0xd6: {  	p0 =	seq.s32 s18, $0x1;
	[sflag:s28] =	ssyncset.done $0x0  }
0xd7: {  	s0 =	simm.s32 @!p0 $0x6;
	[sflag:s28] =	ssyncadd.s32 $0xFFFFF800  }
0xd8: {  	_ =	swait.ge @!p0 [sflag:s0], $0x1000  }
0xd9: {  	[sflag:s0] =	ssyncset.done @!p0 $0x0  }
0xda: {  	s31 =	simm.s32 $0x25F0;
	[sflag:s0] =	ssyncadd.s32 @!p0 $0xFFFFF000  }
0xdb: {  	s0 =	simm.s32 $0x3CF0;
	v1 =	vld [tilespmem:s31+$0xFFFFFFF0]  }
0xdc: {  	v2 =	vld [tilespmem:s0+$0x0]  }
0xdd: {  	v4 =	vld [tilespmem:s31+$0xFFFFFE30]  }
0xde: {  	v5 =	vld [tilespmem:s0+$0xFFFFFF20];
	_ =	sdelay $0x1  }
0xdf: {  	v6 =	vld [tilespmem:s31+$0xFFFFFE50]  }
0xe0: {  	v7 =	vld [tilespmem:s0+$0xFFFFFF30];
	v1 =	vmul.f32 v2, v1  }
0xe1: {  	v8 =	vld [tilespmem:s31+$0xFFFFFE70]  }
0xe2: {  	v4 =	vmul.f32 v5, v4;
	v5 =	vld [tilespmem:s31+$0xFFFFFE90];
	(xrf2) =	vadd.scan.msk.f32 $0xffff, v1  }
0xe3: {  	v1 =	vld [tilespmem:s0+$0xFFFFFF50]  }
0xe4: {  	v2 =	vld [tilespmem:s0+$0xFFFFFF40];
	_ =	sdelay $0x1  }
0xe5: {  	v3 =	vld [tilespmem:s0+$0xFFFFFF10]  }
0xe6: {  	v9 =	vld [tilespmem:s31+$0xFFFFFEB0];
	(xrf2) =	vadd.scan.msk.f32 $0xffff, v4  }
0xe7: {  	v10 =	vld [tilespmem:s0+$0xFFFFFF80];
	v4 =	vmul.f32 v7, v6;
	v1 =	vmul.f32 v1, v5  }
0xe8: {  	v11 =	vld [tilespmem:s31+$0xFFFFFF30];
	v2 =	vmul.f32 v2, v8  }
0xe9: {  	v6 =	vld [tilespmem:s0+$0xFFFFFF60];
	(xrf2) =	vadd.scan.msk.f32 $0xffff, v4  }
0xea: {  	v12 =	vld [tilespmem:s31+$0xFFFFFF50];
	(xrf2) =	vadd.scan.msk.f32 $0xffff, v2  }
0xeb: {  	v14 =	vld [tilespmem:s0+$0xFFFFFFB0];
	(xrf2) =	vadd.scan.msk.f32 $0xffff, v1;
	v1, _, _ =	vpop (xrf2)  }
0xec: {  	v7 =	vld [tilespmem:s31+$0xFFFFFED0];
	v1 =	vmul.f32 $1.442695020e+00, v1  }
0xed: {  	v8 =	vld [tilespmem:s0+$0xFFFFFF70]  }
0xee: {  	v4 =	vld [tilespmem:s31+$0xFFFFFEF0];
	v6 =	vmul.f32 v6, v9;
	v1 =	vbroadcast v1, $0xF  }
0xef: {  	v2 =	vld [tilespmem:s31+$0xFFFFFF10]  }
0xf0: {  	v5 =	vld [tilespmem:s0+$0xFFFFFF90];
	(xrf2) =	vadd.scan.msk.f32 $0xffff, v6;
	v13, _, _ =	vpop (xrf2);
	(erf) = vpow2.f32 v1  }
0xf1: {  	v16 =	vld [tilespmem:s0+$0xFFFFFFE0];
	v13 =	vmul.f32 $1.442695020e+00, v13  }
0xf2: {  	v17 =	vld [tilespmem:s31+$0xFFFFFFD0];
	v7 =	vmul.f32 v8, v7  }
0xf3: {  	v9 =	vld [tilespmem:s0+$0xFFFFFFA0];
	v8 =	vbroadcast v13, $0xF  }
0xf4: {  	v18 =	vld [tilespmem:s0+$0xFFFFFFF0];
	v4 =	vmul.f32 v10, v4;
	(xrf2) =	vadd.scan.msk.f32 $0xffff, v7;
	v15, _, _ =	vpop (xrf2)  }
0xf5: {  	v2 =	vmul.f32 v5, v2;
	v5 =	vld [tilespmem:s31+$0x0];
	v1 =	vmul.f32 $1.442695020e+00, v15  }
0xf6: {  	v10 =	vld [tilespmem:s0+$0xFFFFFFD0];
	(erf) = vpow2.f32 v8  }
0xf7: {  	v6 =	vld [tilespmem:s31+$0xFFFFFF70];
	(xrf2) =	vadd.scan.msk.f32 $0xffff, v4;
	v1 =	vbroadcast v1, $0xF;
	v8, _, _ =	vpop (xrf2)  }
0xf8: {  	v13 =	vld [tilespmem:s0+$0xFFFFFFC0];
	(xrf2) =	vadd.scan.msk.f32 $0xffff, v2;
	v2 =	vmul.f32 v9, v11;
	v8 =	vmul.f32 $1.442695020e+00, v8;
	v4, _, _ =	vpop (xrf2)  }
0xf9: {  	v15 =	vld [tilespmem:s31+$0xFFFFFF90];
	(erf) = vpow2.f32 v1;
	v4 =	vmul.f32 $1.442695020e+00, v4;
	v11 =	vpop (erf)  }
0xfa: {  	v9, _, _ =	vpop (xrf2);
	(xrf2) =	vadd.scan.msk.f32 $0xffff, v2;
	v1 =	vbroadcast v8, $0xF;
	v8 =	vld [tilespmem:s31+$0xFFFFFE10];
	v2 =	vmul.f32 v11, v5  }
0xfb: {  	v19 =	vld [tilespmem:s31+$0xFFFFFE40];
	v9 =	vmul.f32 $1.442695020e+00, v9;
	v4 =	vbroadcast v4, $0xF  }
0xfc: {  	v14 =	vmul.f32 v14, v12;
	v7 =	vld [tilespmem:s31+$0xFFFFFFB0];
	(erf) = vpow2.f32 v1  }
0xfd: {  	s18 =	simm.s32 $0x55F0;
	v20 =	vld [tilespmem:s31+$0xFFFFFE80];
	v21 =	vmul.f32 v13, v6;
	(erf) = vpow2.f32 v4  }
0xfe: {  	v15 =	vmul.f32 v10, v15;
	v4 =	vld [tilespmem:s31+$0xFFFFFE60];
	v5 =	vbroadcast v9, $0xF;
	[tilespmem:s18+$0xFFFFFFF0] =	vst v2;
	v2, _, _ =	vpop (xrf2)  }
0xff: {  	v12 =	vld [tilespmem:s31+$0xFFFFFEE0];
	v9 =	vpop (erf);
	v3 =	vmul.f32 v3, v8;
	v2 =	vmul.f32 $1.442695020e+00, v2  }
0x100: {  	v13 =	vld [tilespmem:s31+$0xFFFFFEA0];
	v6 =	vmul.f32 v9, v19;
	(erf) = vpow2.f32 v5  }
0x101: {  	v10 =	vmul.f32 v16, v7;
	v7 =	vld [tilespmem:s31+$0xFFFFFEC0];
	[tilespmem:s18+$0xFFFFFE40] =	vst v9;
	(xrf2) =	vadd.scan.msk.f32 $0xffff, v3;
	v9, _, _ =	vpop (xrf2);
	v2 =	vbroadcast v2, $0xF  }
0x102: {  	v1 =	vld [tilespmem:s31+$0xFFFFFE20];
	[tilespmem:s18+$0x0] =	vst v11;
	v5 =	vpop (erf);
	v59 =	vmul.f32 $1.442695020e+00, v9  }
0x103: {  	v11 =	vld [tilespmem:s31+$0xFFFFFF00];
	[tilespmem:s18+$0xFFFFFE30] =	vst v6;
	v4 =	vmul.f32 v5, v4;
	(erf) = vpow2.f32 v2  }
0x104: {  	v8 =	vld [tilespmem:s31+$0xFFFFFF40];
	(xrf2) =	vadd.scan.msk.f32 $0xffff, v14;
	[tilespmem:s18+$0xFFFFFE60] =	vst v5;
	v6, _, _ =	vpop (xrf2);
	v2 =	vbroadcast v59, $0xF  }
0x105: {  	v9 =	vld [tilespmem:s31+$0xFFFFFF20];
	v5 =	vpop (erf);
	[tilespmem:s18+$0xFFFFFE50] =	vst v4;
	v60 =	vmul.f32 $1.442695020e+00, v6  }
0x106: {  	v6 =	vld [tilespmem:s31+$0xFFFFFF60];
	v4 =	vmul.f32 v5, v20;
	[tilespmem:s18+$0xFFFFFE80] =	vst v5;
	v61 =	vpop (erf);
	(erf) = vpow2.f32 v2  }
0x107: {  	(xrf2) =	vadd.scan.msk.f32 $0xffff, v21;
	v3, _, _ =	vpop (xrf2);
	v5 =	vld [tilespmem:s31+$0xFFFFFF80];
	v62 =	vmul.f32 v61, v13;
	v19 =	vbroadcast v60, $0xF;
	[tilespmem:s18+$0xFFFFFEA0] =	vst v61  }
0x108: {  	v14 =	vmul.f32 $1.442695020e+00, v3;
	v3 =	vld [tilespmem:s31+$0xFFFFFFC0];
	[tilespmem:s18+$0xFFFFFE70] =	vst v4  }
0x109: {  	v13 =	vmul.f32 v18, v17;
	v4 =	vld [tilespmem:s31+$0xFFFFFFA0];
	[tilespmem:s18+$0xFFFFFE90] =	vst v62;
	v63 =	vpop (erf);
	(erf) = vpow2.f32 v19  }
0x10a: {  	s11 =	simm.s32 $0x0;
	s12 =	simm.s32 $0x27F0;
	(xrf2) =	vadd.scan.msk.f32 $0xffff, v15;
	v14 =	vbroadcast v14, $0xF;
	v2 =	vld [tilespmem:s31+$0xFFFFFFE0];
	v7 =	vmul.f32 v63, v7;
	[tilespmem:s18+$0xFFFFFEC0] =	vst v63  }
.LBB2_10:
0x10b: {  	v15 =	vld [tilespmem:s12+$0xFFFFFFF0];
	s0 =	sadd.s32 $0x100, s0;
	v16, _, _ =	vpop (xrf2)  }
0x10c: {  	s11 =	sadd.s32 $0x10, s11;
	v17 =	vld [tilespmem:s0+$0x0];
	v19 =	vmul.f32 $1.442695020e+00, v16;
	[tilespmem:s18+$0xFFFFFEB0] =	vst v7;
	v18 =	vpop (erf);
	(erf) = vpow2.f32 v14  }
0x10d: {  	p0 =	slt.u32 s11, $0x70;
	v7 =	vld [tilespmem:s0+$0xFFFFFF10];
	v12 =	vmul.f32 v18, v12;
	[tilespmem:s18+$0xFFFFFEE0] =	vst v18;
	(xrf2) =	vadd.scan.msk.f32 $0xffff, v10  }
0x10e: {  	v10 =	vld [tilespmem:s12+$0xFFFFFE30];
	v14 =	vbroadcast v19, $0xF;
	v16, _, _ =	vpop (xrf2)  }
0x10f: {  	v18 =	vld [tilespmem:s0+$0xFFFFFF20];
	[tilespmem:s18+$0xFFFFFED0] =	vst v12;
	v12 =	vmul.f32 $1.442695020e+00, v16;
	v16 =	vpop (erf)  }
0x110: {  	v19 =	vld [tilespmem:s12+$0xFFFFFE50];
	v11 =	vmul.f32 v16, v11;
	[tilespmem:s18+$0xFFFFFF00] =	vst v16;
	(erf) = vpow2.f32 v14;
	(xrf2) =	vadd.scan.msk.f32 $0xffff, v13  }
0x111: {  	v13 =	vld [tilespmem:s0+$0xFFFFFF30];
	v20 =	vmul.f32 v17, v15;
	v12 =	vbroadcast v12, $0xF;
	v15, _, _ =	vpop (xrf2)  }
0x112: {  	v16 =	vld [tilespmem:s12+$0xFFFFFE70];
	[tilespmem:s18+$0xFFFFFEF0] =	vst v11;
	v11 =	vmul.f32 $1.442695020e+00, v15;
	v15 =	vpop (erf)  }
0x113: {  	v17 =	vld [tilespmem:s0+$0xFFFFFF40];
	(xrf2) =	vadd.scan.msk.f32 $0xffff, v20;
	v9 =	vmul.f32 v15, v9;
	[tilespmem:s18+$0xFFFFFF20] =	vst v15;
	(erf) = vpow2.f32 v12  }
0x114: {  	v10 =	vmul.f32 v18, v10;
	v12 =	vld [tilespmem:s12+$0xFFFFFE90];
	v20 =	vbroadcast v11, $0xF;
	v14, _, _ =	vpop (xrf2)  }
0x115: {  	v15 =	vld [tilespmem:s0+$0xFFFFFF50];
	[tilespmem:s18+$0xFFFFFF10] =	vst v9;
	v9 =	vmul.f32 $1.442695020e+00, v14;
	v14 =	vpop (erf)  }
0x116: {  	v13 =	vmul.f32 v13, v19;
	v18 =	vld [tilespmem:s12+$0xFFFFFEB0];
	(xrf2) =	vadd.scan.msk.f32 $0xffff, v10;
	[tilespmem:s18+$0xFFFFFF40] =	vst v14;
	(erf) = vpow2.f32 v20  }
0x117: {  	v19 =	vmul.f32 v14, v8;
	v10 =	vld [tilespmem:s0+$0xFFFFFF60];
	v9 =	vbroadcast v9, $0xF;
	v11, _, _ =	vpop (xrf2)  }
0x118: {  	v14 =	vmul.f32 v17, v16;
	v16 =	vld [tilespmem:s12+$0xFFFFFED0];
	v11 =	vmul.f32 $1.442695020e+00, v11  }
0x119: {  	v17 =	vld [tilespmem:s0+$0xFFFFFF70];
	(xrf2) =	vadd.scan.msk.f32 $0xffff, v13;
	[tilespmem:s18+$0xFFFFFF30] =	vst v19;
	v8 =	vpop (erf);
	(erf) = vpow2.f32 v9  }
0x11a: {  	v9 =	vmul.f32 v15, v12;
	v12 =	vld [tilespmem:s12+$0xFFFFFEF0];
	[tilespmem:s18+$0xFFFFFE20] =	vst v8;
	v11 =	vbroadcast v11, $0xF;
	v13, _, _ =	vpop (xrf2)  }
0x11b: {  	v1 =	vmul.f32 v8, v1;
	v15 =	vld [tilespmem:s0+$0xFFFFFF80];
	v8 =	vmul.f32 $1.442695020e+00, v13  }
0x11c: {  	v10 =	vmul.f32 v10, v18;
	v13 =	vld [tilespmem:s12+$0xFFFFFF10];
	(xrf2) =	vadd.scan.msk.f32 $0xffff, v14;
	v14 =	vpop (erf);
	(erf) = vpow2.f32 v11  }
0x11d: {  	v11 =	vld [tilespmem:s0+$0xFFFFFF90];
	v18, _, _ =	vpop (xrf2);
	[tilespmem:s18+$0xFFFFFE10] =	vst v1;
	v19 =	vmul.f32 v14, v6;
	v6 =	vbroadcast v8, $0xF  }
0x11e: {  	v8 =	vmul.f32 v17, v16;
	v16 =	vld [tilespmem:s12+$0xFFFFFF30];
	v17 =	vmul.f32 $1.442695020e+00, v18;
	[tilespmem:s18+$0xFFFFFF60] =	vst v14  }
0x11f: {  	v14 =	vld [tilespmem:s0+$0xFFFFFFA0];
	(xrf2) =	vadd.scan.msk.f32 $0xffff, v9;
	[tilespmem:s18+$0xFFFFFF50] =	vst v19;
	v1 =	vpop (erf);
	(erf) = vpow2.f32 v6  }
0x120: {  	v6 =	vmul.f32 v15, v12;
	v9 =	vld [tilespmem:s12+$0xFFFFFF50];
	v12 =	vbroadcast v17, $0xF;
	v15, _, _ =	vpop (xrf2);
	[tilespmem:s18+$0xFFFFFF80] =	vst v1  }
0x121: {  	v1 =	vmul.f32 v1, v5;
	v18 =	vmul.f32 $1.442695020e+00, v15;
	v17 =	vld [tilespmem:s0+$0xFFFFFFB0]  }
0x122: {  	v5 =	vmul.f32 v11, v13;
	v11 =	vld [tilespmem:s12+$0xFFFFFF70];
	(xrf2) =	vadd.scan.msk.f32 $0xffff, v10;
	(erf) = vpow2.f32 v12;
	v10 =	vpop (erf)  }
0x123: {  	v12 =	vbroadcast v18, $0xF;
	v13 =	vld [tilespmem:s0+$0xFFFFFFC0];
	v15, _, _ =	vpop (xrf2);
	[tilespmem:s18+$0xFFFFFF70] =	vst v1;
	v18 =	vmul.f32 v10, v4  }
0x124: {  	v4 =	vmul.f32 $1.442695020e+00, v15;
	v14 =	vmul.f32 v14, v16;
	v15 =	vld [tilespmem:s12+$0xFFFFFF90];
	[tilespmem:s18+$0xFFFFFFA0] =	vst v10  }
0x125: {  	v10 =	vld [tilespmem:s0+$0xFFFFFFD0];
	(erf) = vpow2.f32 v12;
	(xrf2) =	vadd.scan.msk.f32 $0xffff, v8;
	[tilespmem:s18+$0xFFFFFF90] =	vst v18;
	v1 =	vpop (erf)  }
0x126: {  	v18 =	vbroadcast v4, $0xF;
	v16 =	vmul.f32 v17, v9;
	v8 =	vld [tilespmem:s12+$0xFFFFFFB0];
	v9, _, _ =	vpop (xrf2);
	[tilespmem:s18+$0xFFFFFFC0] =	vst v1  }
0x127: {  	v1 =	vmul.f32 v1, v3;
	v9 =	vmul.f32 $1.442695020e+00, v9;
	v12 =	vld [tilespmem:s12+$0x0]  }
0x128: {  	v3 =	vmul.f32 v13, v11;
	v11 =	vld [tilespmem:s0+$0xFFFFFFE0];
	(erf) = vpow2.f32 v18;
	(xrf2) =	vadd.scan.msk.f32 $0xffff, v6;
	v4 =	vpop (erf)  }
0x129: {  	v6 =	vbroadcast v9, $0xF;
	v9 =	vld [tilespmem:s12+$0xFFFFFFD0];
	v13, _, _ =	vpop (xrf2);
	[tilespmem:s18+$0xFFFFFFB0] =	vst v1;
	v1 =	vmul.f32 v4, v2  }
0x12a: {  	v2 =	vmul.f32 $1.442695020e+00, v13;
	v15 =	vmul.f32 v10, v15;
	v13 =	vld [tilespmem:s0+$0xFFFFFFF0];
	[tilespmem:s18+$0xFFFFFFE0] =	vst v4  }
0x12b: {  	v4 =	vld [tilespmem:s12+$0xFFFFFE10];
	(erf) = vpow2.f32 v6;
	(xrf2) =	vadd.scan.msk.f32 $0xffff, v5;
	v5 =	vpop (erf);
	[tilespmem:s18+$0xFFFFFFD0] =	vst v1  }
0x12c: {  	v1 =	vld [tilespmem:s12+$0xFFFFFE20];
	v2 =	vbroadcast v2, $0xF;
	v18 =	vmul.f32 v5, v12;
	v10, _, _ =	vpop (xrf2)  }
0x12d: {  	s18 =	sadd.s32 $0x200, s18;
	v12 =	vld [tilespmem:s12+$0xFFFFFE40];
	v17 =	vmul.f32 $1.442695020e+00, v10;
	v10 =	vmul.f32 v11, v8  }
0x12e: {  	v8 =	vld [tilespmem:s12+$0xFFFFFE60];
	[tilespmem:s18+$0xFFFFFFF0] =	vst v18;
	v6 =	vpop (erf);
	(erf) = vpow2.f32 v2;
	(xrf2) =	vadd.scan.msk.f32 $0xffff, v14  }
0x12f: {  	[tilespmem:s18+$0xFFFFFE40] =	vst v6;
	v2 =	vld [tilespmem:s12+$0xFFFFFE80];
	v11 =	vbroadcast v17, $0xF;
	v13 =	vmul.f32 v13, v9;
	v9, _, _ =	vpop (xrf2)  }
0x130: {  	v18 =	vmul.f32 v7, v4;
	v7 =	vld [tilespmem:s12+$0xFFFFFEA0];
	v9 =	vmul.f32 $1.442695020e+00, v9;
	[tilespmem:s18+$0x0] =	vst v5  }
0x131: {  	v14 =	vld [tilespmem:s12+$0xFFFFFEC0];
	v5 =	vpop (erf);
	(erf) = vpow2.f32 v11  }
0x132: {  	v19 =	vmul.f32 v6, v12;
	[tilespmem:s18+$0xFFFFFE60] =	vst v5;
	v12 =	vld [tilespmem:s12+$0xFFFFFEE0];
	v17 =	vbroadcast v9, $0xF;
	(xrf2) =	vadd.scan.msk.f32 $0xffff, v18;
	v4, _, _ =	vpop (xrf2)  }
0x133: {  	v18 =	vmul.f32 v5, v8;
	v11 =	vld [tilespmem:s12+$0xFFFFFF00];
	v4 =	vmul.f32 $1.442695020e+00, v4  }
0x134: {  	[tilespmem:s18+$0xFFFFFE30] =	vst v19;
	v9 =	vld [tilespmem:s12+$0xFFFFFF20];
	v6 =	vpop (erf);
	(erf) = vpow2.f32 v17  }
0x135: {  	[tilespmem:s18+$0xFFFFFE50] =	vst v18;
	v17 =	vmul.f32 v6, v2;
	v4 =	vbroadcast v4, $0xF;
	v8 =	vld [tilespmem:s12+$0xFFFFFF40];
	v5, _, _ =	vpop (xrf2);
	(xrf2) =	vadd.scan.msk.f32 $0xffff, v16  }
0x136: {  	[tilespmem:s18+$0xFFFFFE80] =	vst v6;
	v16 =	vmul.f32 $1.442695020e+00, v5;
	v6 =	vld [tilespmem:s12+$0xFFFFFF60]  }
.Ltmp4:
0x137: {  	[tilespmem:s18+$0xFFFFFE70] =	vst v17;
	v5 =	vld [tilespmem:s12+$0xFFFFFF80];
	v2 =	vpop (erf);
	(erf) = vpow2.f32 v4;
	(pc) =	sbr.rel @p0 .LBB2_10-.Ltmp4, $4  }
0x138: {  	v7 =	vmul.f32 v2, v7;
	[tilespmem:s18+$0xFFFFFEA0] =	vst v2;
	v16 =	vbroadcast v16, $0xF;
	v4 =	vld [tilespmem:s12+$0xFFFFFFA0];
	v2, _, _ =	vpop (xrf2);
	(xrf2) =	vadd.scan.msk.f32 $0xffff, v3  }
0x139: {  	v17 =	vmul.f32 $1.442695020e+00, v2;
	v3 =	vld [tilespmem:s12+$0xFFFFFFC0]  }
0x13a: {  	[tilespmem:s18+$0xFFFFFE90] =	vst v7;
	v2 =	vld [tilespmem:s12+$0xFFFFFFE0];
	v18 =	vpop (erf);
	(erf) = vpow2.f32 v16  }
0x13b: {  	s12 =	sadd.s32 $0x200, s12;
	v7 =	vmul.f32 v18, v14;
	[tilespmem:s18+$0xFFFFFEC0] =	vst v18;
	v14 =	vbroadcast v17, $0xF;
	(xrf2) =	vadd.scan.msk.f32 $0xffff, v15  }
0x13c: {  	_ = 	snop  }
0x13d: {  	(xrf2) =	vadd.scan.msk.f32 $0xffff, v10  }
0x13e: {  	v46, _, _ =	vpop (xrf2);
	(xrf2) =	vadd.scan.msk.f32 $0xffff, v13  }
0x13f: {  	v10 =	vmul.f32 $1.442695020e+00, v46;
	_ =	sdelay $0x1  }
0x140: {  	(erf) = vpow2.f32 v14;
	v47, _, _ =	vpop (xrf2);
	v10 =	vbroadcast v10, $0xF  }
0x141: {  	v13 =	vmul.f32 $1.442695020e+00, v47;
	v49, _, _ =	vpop (xrf2)  }
0x142: {  	v48 =	vpop (erf);
	(erf) = vpow2.f32 v10;
	v10 =	vmul.f32 $1.442695020e+00, v49  }
0x143: {  	v50 =	vpop (erf);
	v13 =	vbroadcast v13, $0xF  }
0x144: {  	v12 =	vmul.f32 v48, v12;
	v15, _, _ =	vpop (xrf2);
	v10 =	vbroadcast v10, $0xF  }
0x145: {  	[tilespmem:s18+$0xFFFFFEB0] =	vst v7;
	v53 =	vpop (erf);
	(erf) = vpow2.f32 v13;
	v15 =	vmul.f32 $1.442695020e+00, v15  }
0x146: {  	[tilespmem:s18+$0xFFFFFEE0] =	vst v48;
	v11 =	vmul.f32 v50, v11;
	v52, _, _ =	vpop (xrf2);
	(erf) = vpow2.f32 v10  }
0x147: {  	[tilespmem:s18+$0xFFFFFED0] =	vst v12;
	v54 =	vmul.f32 $1.442695020e+00, v52;
	v56, _, _ =	vpop (xrf2);
	v51 =	vbroadcast v15, $0xF  }
0x148: {  	[tilespmem:s18+$0xFFFFFF00] =	vst v50;
	v55 =	vmul.f32 v53, v9;
	v9 =	vmul.f32 $1.442695020e+00, v56  }
0x149: {  	[tilespmem:s18+$0xFFFFFEF0] =	vst v11;
	v57 =	vpop (erf);
	v10 =	vbroadcast v54, $0xF;
	(erf) = vpow2.f32 v51  }
0x14a: {  	[tilespmem:s18+$0xFFFFFF20] =	vst v53;
	v8 =	vmul.f32 v57, v8  }
0x14b: {  	[tilespmem:s18+$0xFFFFFF10] =	vst v55;
	v58 =	vbroadcast v9, $0xF;
	(erf) = vpow2.f32 v10  }
0x14c: {  	[tilespmem:s18+$0xFFFFFF40] =	vst v57;
	v59 =	vpop (erf)  }
0x14d: {  	[tilespmem:s18+$0xFFFFFF30] =	vst v8;
	v1 =	vmul.f32 v59, v1;
	(erf) = vpow2.f32 v58  }
0x14e: {  	[tilespmem:s18+$0xFFFFFE20] =	vst v59;
	v60 =	vpop (erf)  }
0x14f: {  	[tilespmem:s18+$0xFFFFFE10] =	vst v1;
	v1 =	vmul.f32 v60, v6  }
0x150: {  	[tilespmem:s18+$0xFFFFFF60] =	vst v60;
	v61 =	vpop (erf)  }
0x151: {  	[tilespmem:s18+$0xFFFFFF50] =	vst v1;
	v1 =	vmul.f32 v61, v5  }
0x152: {  	[tilespmem:s18+$0xFFFFFF80] =	vst v61;
	v62 =	vpop (erf)  }
0x153: {  	[tilespmem:s18+$0xFFFFFF70] =	vst v1;
	v1 =	vmul.f32 v62, v4  }
0x154: {  	s8 =	sadd.s32 $0x1, s8;
	[tilespmem:s18+$0xFFFFFFA0] =	vst v62;
	v63 =	vpop (erf)  }
0x155: {  	p0 =	sne.s32 s8, $0x5;
	[tilespmem:s18+$0xFFFFFF90] =	vst v1;
	v1 =	vmul.f32 v63, v3  }
.Ltmp5:
0x156: {  	[tilespmem:s18+$0xFFFFFFC0] =	vst v63;
	v3 =	vpop (erf);
	(pc) =	sbr.rel @p0 .LBB2_7-.Ltmp5, $4  }
0x157: {  	[tilespmem:s18+$0xFFFFFFB0] =	vst v1;
	v1 =	vmul.f32 v3, v2  }
0x158: {  	[tilespmem:s18+$0xFFFFFFE0] =	vst v3  }
0x159: {  	[tilespmem:s18+$0xFFFFFFD0] =	vst v1  }
0x15a: {  	[spmem:s2] =	stream.indirect.scatter.add.f32 [tilespmem:s29], [sflag:$0x6], $0x20, s4, s20, $0xb8;
	[tilespmem:$0x1EB00] =	vst v63  }
0x15b: {  	_ =	swait.ge [sflag:s30], $0x500  }
0x15c: {  	[sflag:s30] =	ssyncset.done $0x0  }
0x15d: {  	[sflag:s30] =	ssyncadd.s32 $0xFFFFFB00  }
0x15e: {  	_ =	swait.ge [sflag:s30], $0x500  }
0x15f: {  	[sflag:s30] =	ssyncset.done $0x0  }
0x160: {  	s0 =	simm.s32 $0x500;
	s31 =	sadd.s32 s15, s13;
	[sflag:s30] =	ssyncadd.s32 $0xFFFFFB00  }
0x161: {  	[tilespmem:s21], [sflag:$0x3] =	stream.indirect.gather [hbm4b:s5+s20], $0x20, s0, s20, $0xb8;
	[tilespmem:$0x1EB00] =	vst v63  }
0x162: {  	s0 =	sshll.u32 s31, $0x4  }
0x163: {  	s25 =	simm.s32 $0xF00;
	s15 =	simm.s32 $0x0;
	s0 =	sand.u32 $0x1FFFFFC0, s0  }
0x164: {  	[tilespmem:s22], [sflag:$0x3] =	stream.indirect.gather [hbm4b:s1+s20], $0x10, s25, s20, $0xb8;
	[tilespmem:$0x1EB00] =	vst v63  }
0x165: {  	p0 =	sgt.u32 s14, $0x12;
	s8 =	sadd.s32 s6, s0;
	s9 =	sadd.s32 s7, s0  }
.LBB2_13:
0x166: {  	s25 =	sshll.u32 s15, $0x8  }
0x167: {  	p1 =	sne.s32 @!p0 s15, $0x1;
	s0 =	sadd.s32 $0x580, s25  }
0x168: {  	[tilespmem:s23], [sflag:$0x4] =	stream.indirect.gather [hbm4b:s5+s20], $0x20, s0, s20, $0xb8;
	[tilespmem:$0x1EB00] =	vst v63  }
0x169: {  	s4 =	sadd.s32 $0xF80, s25;
	p1 =	por p1, p0  }
0x16a: {  	[tilespmem:s24], [sflag:$0x4] =	stream.indirect.gather [hbm4b:s1+s20], $0x10, s4, s20, $0xb8;
	[tilespmem:$0x1EB00] =	vst v63  }
0x16b: {  	s0 =	simm.s32 @!p1 $0x0  }
0x16c: {  	[tilespmem:s0], [sflag:$0x1] =	stream.linear.gather @!p1 [hbm4b:s8+s0], $0x500, $0x38;
	[tilespmem:$0x1EB00] =	vst v63  }
0x16d: {  	s11 =	simm.s32 @!p1 $0xA00  }
0x16e: {  	[tilespmem:s11], [sflag:$0x1] =	stream.linear.gather @!p1 [hbm4b:s9+s0], $0x500, $0x38;
	[tilespmem:$0x1EB00] =	vst v63  }
0x16f: {  	_ =	swait.ge [sflag:s26], $0x1000  }
0x170: {  	[sflag:s26] =	ssyncset.done $0x0  }
0x171: {  	[sflag:s26] =	ssyncadd.s32 $0xFFFFF000  }
0x172: {  	_ =	swait.ge [sflag:s26], $0x800  }
0x173: {  	[sflag:s26] =	ssyncset.done $0x0  }
0x174: {  	[sflag:s26] =	ssyncadd.s32 $0xFFFFF800  }
0x175: {  	_ =	swait.ge [sflag:s3], $0x1000  }
0x176: {  	[sflag:s3] =	ssyncset.done $0x0  }
0x177: {  	s12 =	simm.s32 $0x1500;
	[sflag:s3] =	ssyncadd.s32 $0xFFFFF000  }
0x178: {  	s0 =	simm.s32 $0x3480;
	v1 =	vld [tilespmem:s12+$0xE0]  }
0x179: {  	v2 =	vld [tilespmem:s0+$0x70]  }
0x17a: {  	v4 =	vld [tilespmem:s12+$0xFFFFFF20]  }
0x17b: {  	v5 =	vld [tilespmem:s0+$0xFFFFFF90];
	_ =	sdelay $0x1  }
0x17c: {  	v6 =	vld [tilespmem:s12+$0xFFFFFF40]  }
0x17d: {  	v7 =	vld [tilespmem:s0+$0xFFFFFFA0];
	v1 =	vmul.f32 v2, v1  }
0x17e: {  	v8 =	vld [tilespmem:s12+$0xFFFFFF60]  }
0x17f: {  	v4 =	vmul.f32 v5, v4;
	v5 =	vld [tilespmem:s12+$0xFFFFFF80];
	(xrf2) =	vadd.scan.msk.f32 $0xffff, v1  }
0x180: {  	v1 =	vld [tilespmem:s0+$0xFFFFFFC0]  }
0x181: {  	v2 =	vld [tilespmem:s0+$0xFFFFFFB0];
	_ =	sdelay $0x1  }
0x182: {  	v3 =	vld [tilespmem:s0+$0xFFFFFF80]  }
0x183: {  	v9 =	vld [tilespmem:s12+$0xFFFFFFA0];
	(xrf2) =	vadd.scan.msk.f32 $0xffff, v4  }
0x184: {  	v10 =	vld [tilespmem:s0+$0xFFFFFFF0];
	v4 =	vmul.f32 v7, v6;
	v1 =	vmul.f32 v1, v5  }
0x185: {  	v11 =	vld [tilespmem:s12+$0x20];
	v2 =	vmul.f32 v2, v8  }
0x186: {  	v6 =	vld [tilespmem:s0+$0xFFFFFFD0];
	(xrf2) =	vadd.scan.msk.f32 $0xffff, v4  }
0x187: {  	v12 =	vld [tilespmem:s12+$0x40];
	(xrf2) =	vadd.scan.msk.f32 $0xffff, v2  }
0x188: {  	v14 =	vld [tilespmem:s0+$0x20];
	(xrf2) =	vadd.scan.msk.f32 $0xffff, v1;
	v1, _, _ =	vpop (xrf2)  }
0x189: {  	v7 =	vld [tilespmem:s12+$0xFFFFFFC0];
	v1 =	vmul.f32 $1.442695020e+00, v1  }
0x18a: {  	v8 =	vld [tilespmem:s0+$0xFFFFFFE0]  }
0x18b: {  	v4 =	vld [tilespmem:s12+$0xFFFFFFE0];
	v6 =	vmul.f32 v6, v9;
	v1 =	vbroadcast v1, $0xF  }
0x18c: {  	v2 =	vld [tilespmem:s12+$0x0]  }
0x18d: {  	v5 =	vld [tilespmem:s0+$0x0];
	(xrf2) =	vadd.scan.msk.f32 $0xffff, v6;
	v13, _, _ =	vpop (xrf2);
	(erf) = vpow2.f32 v1  }
0x18e: {  	v16 =	vld [tilespmem:s0+$0x50];
	v13 =	vmul.f32 $1.442695020e+00, v13  }
0x18f: {  	v17 =	vld [tilespmem:s12+$0xC0];
	v7 =	vmul.f32 v8, v7  }
0x190: {  	v9 =	vld [tilespmem:s0+$0x10];
	v8 =	vbroadcast v13, $0xF  }
0x191: {  	v18 =	vld [tilespmem:s0+$0x60];
	v4 =	vmul.f32 v10, v4;
	(xrf2) =	vadd.scan.msk.f32 $0xffff, v7;
	v15, _, _ =	vpop (xrf2)  }
0x192: {  	v2 =	vmul.f32 v5, v2;
	v5 =	vld [tilespmem:s12+$0xF0];
	v1 =	vmul.f32 $1.442695020e+00, v15  }
0x193: {  	v10 =	vld [tilespmem:s0+$0x40];
	(erf) = vpow2.f32 v8  }
0x194: {  	v6 =	vld [tilespmem:s12+$0x60];
	(xrf2) =	vadd.scan.msk.f32 $0xffff, v4;
	v1 =	vbroadcast v1, $0xF;
	v8, _, _ =	vpop (xrf2)  }
0x195: {  	v13 =	vld [tilespmem:s0+$0x30];
	(xrf2) =	vadd.scan.msk.f32 $0xffff, v2;
	v2 =	vmul.f32 v9, v11;
	v8 =	vmul.f32 $1.442695020e+00, v8;
	v4, _, _ =	vpop (xrf2)  }
0x196: {  	v15 =	vld [tilespmem:s12+$0x80];
	(erf) = vpow2.f32 v1;
	v4 =	vmul.f32 $1.442695020e+00, v4;
	v11 =	vpop (erf)  }
0x197: {  	v9, _, _ =	vpop (xrf2);
	(xrf2) =	vadd.scan.msk.f32 $0xffff, v2;
	v1 =	vbroadcast v8, $0xF;
	v8 =	vld [tilespmem:s12+$0xFFFFFF00];
	v2 =	vmul.f32 v11, v5  }
0x198: {  	v19 =	vld [tilespmem:s12+$0xFFFFFF30];
	v9 =	vmul.f32 $1.442695020e+00, v9;
	v4 =	vbroadcast v4, $0xF  }
0x199: {  	v14 =	vmul.f32 v14, v12;
	v7 =	vld [tilespmem:s12+$0xA0];
	(erf) = vpow2.f32 v1  }
0x19a: {  	s18 =	simm.s32 $0x4500;
	v20 =	vld [tilespmem:s12+$0xFFFFFF70];
	v21 =	vmul.f32 v13, v6;
	(erf) = vpow2.f32 v4  }
0x19b: {  	v15 =	vmul.f32 v10, v15;
	v4 =	vld [tilespmem:s12+$0xFFFFFF50];
	v5 =	vbroadcast v9, $0xF;
	[tilespmem:s18+$0xE0] =	vst v2;
	v2, _, _ =	vpop (xrf2)  }
0x19c: {  	v12 =	vld [tilespmem:s12+$0xFFFFFFD0];
	v9 =	vpop (erf);
	v3 =	vmul.f32 v3, v8;
	v2 =	vmul.f32 $1.442695020e+00, v2  }
0x19d: {  	v13 =	vld [tilespmem:s12+$0xFFFFFF90];
	v6 =	vmul.f32 v9, v19;
	(erf) = vpow2.f32 v5  }
0x19e: {  	v10 =	vmul.f32 v16, v7;
	v7 =	vld [tilespmem:s12+$0xFFFFFFB0];
	[tilespmem:s18+$0xFFFFFF30] =	vst v9;
	(xrf2) =	vadd.scan.msk.f32 $0xffff, v3;
	v9, _, _ =	vpop (xrf2);
	v2 =	vbroadcast v2, $0xF  }
0x19f: {  	v1 =	vld [tilespmem:s12+$0xFFFFFF10];
	[tilespmem:s18+$0xF0] =	vst v11;
	v5 =	vpop (erf);
	v59 =	vmul.f32 $1.442695020e+00, v9  }
0x1a0: {  	v11 =	vld [tilespmem:s12+$0xFFFFFFF0];
	[tilespmem:s18+$0xFFFFFF20] =	vst v6;
	v4 =	vmul.f32 v5, v4;
	(erf) = vpow2.f32 v2  }
0x1a1: {  	v8 =	vld [tilespmem:s12+$0x30];
	(xrf2) =	vadd.scan.msk.f32 $0xffff, v14;
	[tilespmem:s18+$0xFFFFFF50] =	vst v5;
	v6, _, _ =	vpop (xrf2);
	v2 =	vbroadcast v59, $0xF  }
0x1a2: {  	v9 =	vld [tilespmem:s12+$0x10];
	v5 =	vpop (erf);
	[tilespmem:s18+$0xFFFFFF40] =	vst v4;
	v60 =	vmul.f32 $1.442695020e+00, v6  }
0x1a3: {  	v6 =	vld [tilespmem:s12+$0x50];
	v4 =	vmul.f32 v5, v20;
	[tilespmem:s18+$0xFFFFFF70] =	vst v5;
	v61 =	vpop (erf);
	(erf) = vpow2.f32 v2  }
0x1a4: {  	(xrf2) =	vadd.scan.msk.f32 $0xffff, v21;
	v3, _, _ =	vpop (xrf2);
	v5 =	vld [tilespmem:s12+$0x70];
	v62 =	vmul.f32 v61, v13;
	v19 =	vbroadcast v60, $0xF;
	[tilespmem:s18+$0xFFFFFF90] =	vst v61  }
0x1a5: {  	v14 =	vmul.f32 $1.442695020e+00, v3;
	v3 =	vld [tilespmem:s12+$0xB0];
	[tilespmem:s18+$0xFFFFFF60] =	vst v4  }
0x1a6: {  	v13 =	vmul.f32 v18, v17;
	v4 =	vld [tilespmem:s12+$0x90];
	[tilespmem:s18+$0xFFFFFF80] =	vst v62;
	v63 =	vpop (erf);
	(erf) = vpow2.f32 v19  }
0x1a7: {  	s11 =	simm.s32 $0x0;
	(xrf2) =	vadd.scan.msk.f32 $0xffff, v15;
	v14 =	vbroadcast v14, $0xF;
	v2 =	vld [tilespmem:s12+$0xD0];
	s12 =	simm.s32 $0x1700;
	v7 =	vmul.f32 v63, v7;
	[tilespmem:s18+$0xFFFFFFB0] =	vst v63  }
.LBB2_14:
0x1a8: {  	v15 =	vld [tilespmem:s12+$0xE0];
	s0 =	sadd.s32 $0x100, s0;
	v16, _, _ =	vpop (xrf2)  }
0x1a9: {  	s11 =	sadd.s32 $0x10, s11;
	v17 =	vld [tilespmem:s0+$0x70];
	v19 =	vmul.f32 $1.442695020e+00, v16;
	[tilespmem:s18+$0xFFFFFFA0] =	vst v7;
	v18 =	vpop (erf);
	(erf) = vpow2.f32 v14  }
0x1aa: {  	p1 =	slt.u32 s11, $0x70;
	v7 =	vld [tilespmem:s0+$0xFFFFFF80];
	v12 =	vmul.f32 v18, v12;
	[tilespmem:s18+$0xFFFFFFD0] =	vst v18;
	(xrf2) =	vadd.scan.msk.f32 $0xffff, v10  }
0x1ab: {  	v10 =	vld [tilespmem:s12+$0xFFFFFF20];
	v14 =	vbroadcast v19, $0xF;
	v16, _, _ =	vpop (xrf2)  }
0x1ac: {  	v18 =	vld [tilespmem:s0+$0xFFFFFF90];
	[tilespmem:s18+$0xFFFFFFC0] =	vst v12;
	v12 =	vmul.f32 $1.442695020e+00, v16;
	v16 =	vpop (erf)  }
0x1ad: {  	v19 =	vld [tilespmem:s12+$0xFFFFFF40];
	v11 =	vmul.f32 v16, v11;
	[tilespmem:s18+$0xFFFFFFF0] =	vst v16;
	(erf) = vpow2.f32 v14;
	(xrf2) =	vadd.scan.msk.f32 $0xffff, v13  }
0x1ae: {  	v13 =	vld [tilespmem:s0+$0xFFFFFFA0];
	v20 =	vmul.f32 v17, v15;
	v12 =	vbroadcast v12, $0xF;
	v15, _, _ =	vpop (xrf2)  }
0x1af: {  	v16 =	vld [tilespmem:s12+$0xFFFFFF60];
	[tilespmem:s18+$0xFFFFFFE0] =	vst v11;
	v11 =	vmul.f32 $1.442695020e+00, v15;
	v15 =	vpop (erf)  }
0x1b0: {  	v17 =	vld [tilespmem:s0+$0xFFFFFFB0];
	(xrf2) =	vadd.scan.msk.f32 $0xffff, v20;
	v9 =	vmul.f32 v15, v9;
	[tilespmem:s18+$0x10] =	vst v15;
	(erf) = vpow2.f32 v12  }
0x1b1: {  	v10 =	vmul.f32 v18, v10;
	v12 =	vld [tilespmem:s12+$0xFFFFFF80];
	v20 =	vbroadcast v11, $0xF;
	v14, _, _ =	vpop (xrf2)  }
0x1b2: {  	v15 =	vld [tilespmem:s0+$0xFFFFFFC0];
	[tilespmem:s18+$0x0] =	vst v9;
	v9 =	vmul.f32 $1.442695020e+00, v14;
	v14 =	vpop (erf)  }
0x1b3: {  	v13 =	vmul.f32 v13, v19;
	v18 =	vld [tilespmem:s12+$0xFFFFFFA0];
	(xrf2) =	vadd.scan.msk.f32 $0xffff, v10;
	[tilespmem:s18+$0x30] =	vst v14;
	(erf) = vpow2.f32 v20  }
0x1b4: {  	v19 =	vmul.f32 v14, v8;
	v10 =	vld [tilespmem:s0+$0xFFFFFFD0];
	v9 =	vbroadcast v9, $0xF;
	v11, _, _ =	vpop (xrf2)  }
0x1b5: {  	v14 =	vmul.f32 v17, v16;
	v16 =	vld [tilespmem:s12+$0xFFFFFFC0];
	v11 =	vmul.f32 $1.442695020e+00, v11  }
0x1b6: {  	v17 =	vld [tilespmem:s0+$0xFFFFFFE0];
	(xrf2) =	vadd.scan.msk.f32 $0xffff, v13;
	[tilespmem:s18+$0x20] =	vst v19;
	v8 =	vpop (erf);
	(erf) = vpow2.f32 v9  }
0x1b7: {  	v9 =	vmul.f32 v15, v12;
	v12 =	vld [tilespmem:s12+$0xFFFFFFE0];
	[tilespmem:s18+$0xFFFFFF10] =	vst v8;
	v11 =	vbroadcast v11, $0xF;
	v13, _, _ =	vpop (xrf2)  }
0x1b8: {  	v1 =	vmul.f32 v8, v1;
	v15 =	vld [tilespmem:s0+$0xFFFFFFF0];
	v8 =	vmul.f32 $1.442695020e+00, v13  }
0x1b9: {  	v10 =	vmul.f32 v10, v18;
	v13 =	vld [tilespmem:s12+$0x0];
	(xrf2) =	vadd.scan.msk.f32 $0xffff, v14;
	v14 =	vpop (erf);
	(erf) = vpow2.f32 v11  }
0x1ba: {  	v11 =	vld [tilespmem:s0+$0x0];
	v18, _, _ =	vpop (xrf2);
	[tilespmem:s18+$0xFFFFFF00] =	vst v1;
	v19 =	vmul.f32 v14, v6;
	v6 =	vbroadcast v8, $0xF  }
0x1bb: {  	v8 =	vmul.f32 v17, v16;
	v16 =	vld [tilespmem:s12+$0x20];
	v17 =	vmul.f32 $1.442695020e+00, v18;
	[tilespmem:s18+$0x50] =	vst v14  }
0x1bc: {  	v14 =	vld [tilespmem:s0+$0x10];
	(xrf2) =	vadd.scan.msk.f32 $0xffff, v9;
	[tilespmem:s18+$0x40] =	vst v19;
	v1 =	vpop (erf);
	(erf) = vpow2.f32 v6  }
0x1bd: {  	v6 =	vmul.f32 v15, v12;
	v9 =	vld [tilespmem:s12+$0x40];
	v12 =	vbroadcast v17, $0xF;
	v15, _, _ =	vpop (xrf2);
	[tilespmem:s18+$0x70] =	vst v1  }
0x1be: {  	v1 =	vmul.f32 v1, v5;
	v18 =	vmul.f32 $1.442695020e+00, v15;
	v17 =	vld [tilespmem:s0+$0x20]  }
0x1bf: {  	v5 =	vmul.f32 v11, v13;
	v11 =	vld [tilespmem:s12+$0x60];
	(xrf2) =	vadd.scan.msk.f32 $0xffff, v10;
	(erf) = vpow2.f32 v12;
	v10 =	vpop (erf)  }
0x1c0: {  	v12 =	vbroadcast v18, $0xF;
	v13 =	vld [tilespmem:s0+$0x30];
	v15, _, _ =	vpop (xrf2);
	[tilespmem:s18+$0x60] =	vst v1;
	v18 =	vmul.f32 v10, v4  }
0x1c1: {  	v4 =	vmul.f32 $1.442695020e+00, v15;
	v14 =	vmul.f32 v14, v16;
	v15 =	vld [tilespmem:s12+$0x80];
	[tilespmem:s18+$0x90] =	vst v10  }
0x1c2: {  	v10 =	vld [tilespmem:s0+$0x40];
	(erf) = vpow2.f32 v12;
	(xrf2) =	vadd.scan.msk.f32 $0xffff, v8;
	[tilespmem:s18+$0x80] =	vst v18;
	v1 =	vpop (erf)  }
0x1c3: {  	v18 =	vbroadcast v4, $0xF;
	v16 =	vmul.f32 v17, v9;
	v8 =	vld [tilespmem:s12+$0xA0];
	v9, _, _ =	vpop (xrf2);
	[tilespmem:s18+$0xB0] =	vst v1  }
0x1c4: {  	v1 =	vmul.f32 v1, v3;
	v9 =	vmul.f32 $1.442695020e+00, v9;
	v12 =	vld [tilespmem:s12+$0xF0]  }
0x1c5: {  	v3 =	vmul.f32 v13, v11;
	v11 =	vld [tilespmem:s0+$0x50];
	(erf) = vpow2.f32 v18;
	(xrf2) =	vadd.scan.msk.f32 $0xffff, v6;
	v4 =	vpop (erf)  }
0x1c6: {  	v6 =	vbroadcast v9, $0xF;
	v9 =	vld [tilespmem:s12+$0xC0];
	v13, _, _ =	vpop (xrf2);
	[tilespmem:s18+$0xA0] =	vst v1;
	v1 =	vmul.f32 v4, v2  }
0x1c7: {  	v2 =	vmul.f32 $1.442695020e+00, v13;
	v15 =	vmul.f32 v10, v15;
	v13 =	vld [tilespmem:s0+$0x60];
	[tilespmem:s18+$0xD0] =	vst v4  }
0x1c8: {  	v4 =	vld [tilespmem:s12+$0xFFFFFF00];
	(erf) = vpow2.f32 v6;
	(xrf2) =	vadd.scan.msk.f32 $0xffff, v5;
	v5 =	vpop (erf);
	[tilespmem:s18+$0xC0] =	vst v1  }
0x1c9: {  	v1 =	vld [tilespmem:s12+$0xFFFFFF10];
	v2 =	vbroadcast v2, $0xF;
	v18 =	vmul.f32 v5, v12;
	v10, _, _ =	vpop (xrf2)  }
0x1ca: {  	s18 =	sadd.s32 $0x200, s18;
	v12 =	vld [tilespmem:s12+$0xFFFFFF30];
	v17 =	vmul.f32 $1.442695020e+00, v10;
	v10 =	vmul.f32 v11, v8  }
0x1cb: {  	v8 =	vld [tilespmem:s12+$0xFFFFFF50];
	[tilespmem:s18+$0xE0] =	vst v18;
	v6 =	vpop (erf);
	(erf) = vpow2.f32 v2;
	(xrf2) =	vadd.scan.msk.f32 $0xffff, v14  }
0x1cc: {  	[tilespmem:s18+$0xFFFFFF30] =	vst v6;
	v2 =	vld [tilespmem:s12+$0xFFFFFF70];
	v11 =	vbroadcast v17, $0xF;
	v13 =	vmul.f32 v13, v9;
	v9, _, _ =	vpop (xrf2)  }
0x1cd: {  	v18 =	vmul.f32 v7, v4;
	v7 =	vld [tilespmem:s12+$0xFFFFFF90];
	v9 =	vmul.f32 $1.442695020e+00, v9;
	[tilespmem:s18+$0xF0] =	vst v5  }
0x1ce: {  	v14 =	vld [tilespmem:s12+$0xFFFFFFB0];
	v5 =	vpop (erf);
	(erf) = vpow2.f32 v11  }
0x1cf: {  	v19 =	vmul.f32 v6, v12;
	[tilespmem:s18+$0xFFFFFF50] =	vst v5;
	v12 =	vld [tilespmem:s12+$0xFFFFFFD0];
	v17 =	vbroadcast v9, $0xF;
	(xrf2) =	vadd.scan.msk.f32 $0xffff, v18;
	v4, _, _ =	vpop (xrf2)  }
0x1d0: {  	v18 =	vmul.f32 v5, v8;
	v11 =	vld [tilespmem:s12+$0xFFFFFFF0];
	v4 =	vmul.f32 $1.442695020e+00, v4  }
0x1d1: {  	[tilespmem:s18+$0xFFFFFF20] =	vst v19;
	v9 =	vld [tilespmem:s12+$0x10];
	v6 =	vpop (erf);
	(erf) = vpow2.f32 v17  }
0x1d2: {  	[tilespmem:s18+$0xFFFFFF40] =	vst v18;
	v17 =	vmul.f32 v6, v2;
	v4 =	vbroadcast v4, $0xF;
	v8 =	vld [tilespmem:s12+$0x30];
	v5, _, _ =	vpop (xrf2);
	(xrf2) =	vadd.scan.msk.f32 $0xffff, v16  }
0x1d3: {  	[tilespmem:s18+$0xFFFFFF70] =	vst v6;
	v16 =	vmul.f32 $1.442695020e+00, v5;
	v6 =	vld [tilespmem:s12+$0x50]  }
.Ltmp6:
0x1d4: {  	[tilespmem:s18+$0xFFFFFF60] =	vst v17;
	v5 =	vld [tilespmem:s12+$0x70];
	v2 =	vpop (erf);
	(erf) = vpow2.f32 v4;
	(pc) =	sbr.rel @p1 .LBB2_14-.Ltmp6, $4  }
0x1d5: {  	v7 =	vmul.f32 v2, v7;
	[tilespmem:s18+$0xFFFFFF90] =	vst v2;
	v16 =	vbroadcast v16, $0xF;
	v4 =	vld [tilespmem:s12+$0x90];
	v2, _, _ =	vpop (xrf2);
	(xrf2) =	vadd.scan.msk.f32 $0xffff, v3  }
0x1d6: {  	v17 =	vmul.f32 $1.442695020e+00, v2;
	v3 =	vld [tilespmem:s12+$0xB0]  }
0x1d7: {  	[tilespmem:s18+$0xFFFFFF80] =	vst v7;
	v2 =	vld [tilespmem:s12+$0xD0];
	v18 =	vpop (erf);
	(erf) = vpow2.f32 v16  }
0x1d8: {  	s12 =	sadd.s32 $0x200, s12;
	v7 =	vmul.f32 v18, v14;
	[tilespmem:s18+$0xFFFFFFB0] =	vst v18;
	v14 =	vbroadcast v17, $0xF;
	(xrf2) =	vadd.scan.msk.f32 $0xffff, v15  }
0x1d9: {  	_ = 	snop  }
0x1da: {  	(xrf2) =	vadd.scan.msk.f32 $0xffff, v10;
	v10, _, _ =	vpop (xrf2)  }
0x1db: {  	v10 =	vmul.f32 $1.442695020e+00, v10  }
0x1dc: {  	(xrf2) =	vadd.scan.msk.f32 $0xffff, v13  }
0x1dd: {  	v10 =	vbroadcast v10, $0xF  }
0x1de: {  	(erf) = vpow2.f32 v14;
	v14 =	vpop (erf)  }
0x1df: {  	v13, _, _ =	vpop (xrf2)  }
0x1e0: {  	[tilespmem:s18+$0xFFFFFFA0] =	vst v7;
	v12 =	vmul.f32 v14, v12;
	v13 =	vmul.f32 $1.442695020e+00, v13;
	v7 =	vpop (erf)  }
0x1e1: {  	(erf) = vpow2.f32 v10;
	v10, _, _ =	vpop (xrf2)  }
0x1e2: {  	v13 =	vbroadcast v13, $0xF;
	v10 =	vmul.f32 $1.442695020e+00, v10;
	v15, _, _ =	vpop (xrf2)  }
0x1e3: {  	[tilespmem:s18+$0xFFFFFFD0] =	vst v14;
	v11 =	vmul.f32 v7, v11;
	v15 =	vmul.f32 $1.442695020e+00, v15  }
0x1e4: {  	[tilespmem:s18+$0xFFFFFFC0] =	vst v12;
	v12 =	vpop (erf);
	(erf) = vpow2.f32 v13;
	v10 =	vbroadcast v10, $0xF  }
0x1e5: {  	[tilespmem:s18+$0xFFFFFFF0] =	vst v7;
	v7 =	vmul.f32 v12, v9;
	v14, _, _ =	vpop (xrf2);
	v13 =	vbroadcast v15, $0xF  }
0x1e6: {  	v9, _, _ =	vpop (xrf2);
	(erf) = vpow2.f32 v10;
	v10 =	vmul.f32 $1.442695020e+00, v14  }
0x1e7: {  	v9 =	vmul.f32 $1.442695020e+00, v9  }
0x1e8: {  	[tilespmem:s18+$0xFFFFFFE0] =	vst v11;
	(erf) = vpow2.f32 v13;
	v10 =	vbroadcast v10, $0xF  }
0x1e9: {  	v11 =	vpop (erf);
	[tilespmem:s18+$0x0] =	vst v7;
	v7 =	vbroadcast v9, $0xF  }
0x1ea: {  	[tilespmem:s18+$0x10] =	vst v12;
	v8 =	vmul.f32 v11, v8;
	(erf) = vpow2.f32 v10  }
0x1eb: {  	[tilespmem:s18+$0x30] =	vst v11;
	v9 =	vpop (erf)  }
0x1ec: {  	[tilespmem:s18+$0x20] =	vst v8;
	v1 =	vmul.f32 v9, v1;
	(erf) = vpow2.f32 v7  }
0x1ed: {  	[tilespmem:s18+$0xFFFFFF10] =	vst v9;
	v7 =	vpop (erf)  }
0x1ee: {  	[tilespmem:s18+$0xFFFFFF00] =	vst v1;
	v1 =	vmul.f32 v7, v6  }
0x1ef: {  	[tilespmem:s18+$0x50] =	vst v7;
	v6 =	vpop (erf)  }
0x1f0: {  	[tilespmem:s18+$0x40] =	vst v1;
	v1 =	vmul.f32 v6, v5  }
0x1f1: {  	[tilespmem:s18+$0x70] =	vst v6;
	v5 =	vpop (erf)  }
0x1f2: {  	[tilespmem:s18+$0x60] =	vst v1;
	v1 =	vmul.f32 v5, v4  }
0x1f3: {  	[tilespmem:s18+$0x90] =	vst v5;
	v4 =	vpop (erf)  }
0x1f4: {  	[tilespmem:s18+$0x80] =	vst v1;
	v1 =	vmul.f32 v4, v3  }
0x1f5: {  	[tilespmem:s18+$0xB0] =	vst v4;
	v3 =	vpop (erf)  }
0x1f6: {  	[tilespmem:s18+$0xA0] =	vst v1;
	v1 =	vmul.f32 v3, v2  }
0x1f7: {  	s0 =	sand.u32 $0x3FFFFF00, s25;
	[tilespmem:s18+$0xD0] =	vst v3  }
0x1f8: {  	p1 =	seq.s32 s15, $0x4;
	s0 =	sadd.s32 $0xF00, s0;
	[tilespmem:s18+$0xC0] =	vst v1  }
0x1f9: {  	[spmem:s2] =	stream.indirect.scatter.add.f32 [tilespmem:s16], [sflag:$0x5], $0x20, s0, s20, $0xb8;
	[tilespmem:$0x1EB00] =	vst v63  }
0x1fa: {  	s11 =	simm.s32 @!p1 $0x80;
	s12 =	simm.s32 @!p1 $0x1400;
	s0 =	sadd.s32 @!p1 $0x600, s25  }
0x1fb: {  	[tilespmem:s12], [sflag:$0x3] =	stream.indirect.gather @!p1 [hbm4b:s5+s11], $0x20, s0, s11, $0xb8;
	[tilespmem:$0x1EB00] =	vst v63  }
0x1fc: {  	s0 =	sadd.s32 @!p1 $0x1000, s25;
	s12 =	simm.s32 @!p1 $0x3400  }
0x1fd: {  	[tilespmem:s12], [sflag:$0x3] =	stream.indirect.gather @!p1 [hbm4b:s1+s11], $0x10, s0, s11, $0xb8;
	[tilespmem:$0x1EB00] =	vst v63  }
0x1fe: {  	_ =	swait.ge [sflag:s28], $0x1000  }
0x1ff: {  	[sflag:s28] =	ssyncset.done $0x0  }
0x200: {  	[sflag:s28] =	ssyncadd.s32 $0xFFFFF000  }
0x201: {  	_ =	swait.ge [sflag:s28], $0x800  }
0x202: {  	[sflag:s28] =	ssyncset.done $0x0  }
0x203: {  	[sflag:s28] =	ssyncadd.s32 $0xFFFFF800  }
0x204: {  	_ =	swait.ge [sflag:s10], $0x1000  }
0x205: {  	[sflag:s10] =	ssyncset.done $0x0  }
0x206: {  	s31 =	simm.s32 $0x25F0;
	[sflag:s10] =	ssyncadd.s32 $0xFFFFF000  }
0x207: {  	s0 =	simm.s32 $0x3CF0;
	v1 =	vld [tilespmem:s31+$0xFFFFFFF0]  }
0x208: {  	v2 =	vld [tilespmem:s0+$0x0]  }
0x209: {  	v4 =	vld [tilespmem:s31+$0xFFFFFE30]  }
0x20a: {  	v5 =	vld [tilespmem:s0+$0xFFFFFF20];
	_ =	sdelay $0x1  }
0x20b: {  	v6 =	vld [tilespmem:s31+$0xFFFFFE50]  }
0x20c: {  	v7 =	vld [tilespmem:s0+$0xFFFFFF30];
	v1 =	vmul.f32 v2, v1  }
0x20d: {  	v8 =	vld [tilespmem:s31+$0xFFFFFE70]  }
0x20e: {  	v4 =	vmul.f32 v5, v4;
	v5 =	vld [tilespmem:s31+$0xFFFFFE90];
	(xrf2) =	vadd.scan.msk.f32 $0xffff, v1  }
0x20f: {  	v1 =	vld [tilespmem:s0+$0xFFFFFF50]  }
0x210: {  	v2 =	vld [tilespmem:s0+$0xFFFFFF40];
	_ =	sdelay $0x1  }
0x211: {  	v3 =	vld [tilespmem:s0+$0xFFFFFF10]  }
0x212: {  	v9 =	vld [tilespmem:s31+$0xFFFFFEB0];
	(xrf2) =	vadd.scan.msk.f32 $0xffff, v4  }
0x213: {  	v10 =	vld [tilespmem:s0+$0xFFFFFF80];
	v4 =	vmul.f32 v7, v6;
	v1 =	vmul.f32 v1, v5  }
0x214: {  	v11 =	vld [tilespmem:s31+$0xFFFFFF30];
	v2 =	vmul.f32 v2, v8  }
0x215: {  	v6 =	vld [tilespmem:s0+$0xFFFFFF60];
	(xrf2) =	vadd.scan.msk.f32 $0xffff, v4  }
0x216: {  	v12 =	vld [tilespmem:s31+$0xFFFFFF50];
	(xrf2) =	vadd.scan.msk.f32 $0xffff, v2  }
0x217: {  	v14 =	vld [tilespmem:s0+$0xFFFFFFB0];
	(xrf2) =	vadd.scan.msk.f32 $0xffff, v1;
	v1, _, _ =	vpop (xrf2)  }
0x218: {  	v7 =	vld [tilespmem:s31+$0xFFFFFED0];
	v1 =	vmul.f32 $1.442695020e+00, v1  }
0x219: {  	v8 =	vld [tilespmem:s0+$0xFFFFFF70]  }
0x21a: {  	v4 =	vld [tilespmem:s31+$0xFFFFFEF0];
	v6 =	vmul.f32 v6, v9;
	v1 =	vbroadcast v1, $0xF  }
0x21b: {  	v2 =	vld [tilespmem:s31+$0xFFFFFF10]  }
0x21c: {  	v5 =	vld [tilespmem:s0+$0xFFFFFF90];
	(xrf2) =	vadd.scan.msk.f32 $0xffff, v6;
	v13, _, _ =	vpop (xrf2);
	(erf) = vpow2.f32 v1  }
0x21d: {  	v16 =	vld [tilespmem:s0+$0xFFFFFFE0];
	v13 =	vmul.f32 $1.442695020e+00, v13  }
0x21e: {  	v17 =	vld [tilespmem:s31+$0xFFFFFFD0];
	v7 =	vmul.f32 v8, v7  }
0x21f: {  	v9 =	vld [tilespmem:s0+$0xFFFFFFA0];
	v8 =	vbroadcast v13, $0xF  }
0x220: {  	v18 =	vld [tilespmem:s0+$0xFFFFFFF0];
	v4 =	vmul.f32 v10, v4;
	(xrf2) =	vadd.scan.msk.f32 $0xffff, v7;
	v15, _, _ =	vpop (xrf2)  }
0x221: {  	v2 =	vmul.f32 v5, v2;
	v5 =	vld [tilespmem:s31+$0x0];
	v1 =	vmul.f32 $1.442695020e+00, v15  }
0x222: {  	v10 =	vld [tilespmem:s0+$0xFFFFFFD0];
	(erf) = vpow2.f32 v8  }
0x223: {  	v6 =	vld [tilespmem:s31+$0xFFFFFF70];
	(xrf2) =	vadd.scan.msk.f32 $0xffff, v4;
	v1 =	vbroadcast v1, $0xF;
	v8, _, _ =	vpop (xrf2)  }
0x224: {  	v13 =	vld [tilespmem:s0+$0xFFFFFFC0];
	(xrf2) =	vadd.scan.msk.f32 $0xffff, v2;
	v2 =	vmul.f32 v9, v11;
	v8 =	vmul.f32 $1.442695020e+00, v8;
	v4, _, _ =	vpop (xrf2)  }
0x225: {  	v15 =	vld [tilespmem:s31+$0xFFFFFF90];
	(erf) = vpow2.f32 v1;
	v4 =	vmul.f32 $1.442695020e+00, v4;
	v11 =	vpop (erf)  }
0x226: {  	v9, _, _ =	vpop (xrf2);
	(xrf2) =	vadd.scan.msk.f32 $0xffff, v2;
	v1 =	vbroadcast v8, $0xF;
	v8 =	vld [tilespmem:s31+$0xFFFFFE10];
	v2 =	vmul.f32 v11, v5  }
0x227: {  	v19 =	vld [tilespmem:s31+$0xFFFFFE40];
	v9 =	vmul.f32 $1.442695020e+00, v9;
	v4 =	vbroadcast v4, $0xF  }
0x228: {  	v14 =	vmul.f32 v14, v12;
	v7 =	vld [tilespmem:s31+$0xFFFFFFB0];
	(erf) = vpow2.f32 v1  }
0x229: {  	s18 =	simm.s32 $0x55F0;
	v20 =	vld [tilespmem:s31+$0xFFFFFE80];
	v21 =	vmul.f32 v13, v6;
	(erf) = vpow2.f32 v4  }
0x22a: {  	v15 =	vmul.f32 v10, v15;
	v4 =	vld [tilespmem:s31+$0xFFFFFE60];
	v5 =	vbroadcast v9, $0xF;
	[tilespmem:s18+$0xFFFFFFF0] =	vst v2;
	v2, _, _ =	vpop (xrf2)  }
0x22b: {  	v12 =	vld [tilespmem:s31+$0xFFFFFEE0];
	v9 =	vpop (erf);
	v3 =	vmul.f32 v3, v8;
	v2 =	vmul.f32 $1.442695020e+00, v2  }
0x22c: {  	v13 =	vld [tilespmem:s31+$0xFFFFFEA0];
	v6 =	vmul.f32 v9, v19;
	(erf) = vpow2.f32 v5  }
0x22d: {  	v10 =	vmul.f32 v16, v7;
	v7 =	vld [tilespmem:s31+$0xFFFFFEC0];
	[tilespmem:s18+$0xFFFFFE40] =	vst v9;
	(xrf2) =	vadd.scan.msk.f32 $0xffff, v3;
	v9, _, _ =	vpop (xrf2);
	v2 =	vbroadcast v2, $0xF  }
0x22e: {  	v1 =	vld [tilespmem:s31+$0xFFFFFE20];
	[tilespmem:s18+$0x0] =	vst v11;
	v5 =	vpop (erf);
	v59 =	vmul.f32 $1.442695020e+00, v9  }
0x22f: {  	v11 =	vld [tilespmem:s31+$0xFFFFFF00];
	[tilespmem:s18+$0xFFFFFE30] =	vst v6;
	v4 =	vmul.f32 v5, v4;
	(erf) = vpow2.f32 v2  }
0x230: {  	v8 =	vld [tilespmem:s31+$0xFFFFFF40];
	(xrf2) =	vadd.scan.msk.f32 $0xffff, v14;
	[tilespmem:s18+$0xFFFFFE60] =	vst v5;
	v6, _, _ =	vpop (xrf2);
	v2 =	vbroadcast v59, $0xF  }
0x231: {  	v9 =	vld [tilespmem:s31+$0xFFFFFF20];
	v5 =	vpop (erf);
	[tilespmem:s18+$0xFFFFFE50] =	vst v4;
	v60 =	vmul.f32 $1.442695020e+00, v6  }
0x232: {  	v6 =	vld [tilespmem:s31+$0xFFFFFF60];
	v4 =	vmul.f32 v5, v20;
	[tilespmem:s18+$0xFFFFFE80] =	vst v5;
	v61 =	vpop (erf);
	(erf) = vpow2.f32 v2  }
0x233: {  	(xrf2) =	vadd.scan.msk.f32 $0xffff, v21;
	v3, _, _ =	vpop (xrf2);
	v5 =	vld [tilespmem:s31+$0xFFFFFF80];
	v62 =	vmul.f32 v61, v13;
	v19 =	vbroadcast v60, $0xF;
	[tilespmem:s18+$0xFFFFFEA0] =	vst v61  }
0x234: {  	v14 =	vmul.f32 $1.442695020e+00, v3;
	v3 =	vld [tilespmem:s31+$0xFFFFFFC0];
	[tilespmem:s18+$0xFFFFFE70] =	vst v4  }
0x235: {  	v13 =	vmul.f32 v18, v17;
	v4 =	vld [tilespmem:s31+$0xFFFFFFA0];
	[tilespmem:s18+$0xFFFFFE90] =	vst v62;
	v63 =	vpop (erf);
	(erf) = vpow2.f32 v19  }
0x236: {  	s11 =	simm.s32 $0x0;
	s12 =	simm.s32 $0x27F0;
	(xrf2) =	vadd.scan.msk.f32 $0xffff, v15;
	v14 =	vbroadcast v14, $0xF;
	v2 =	vld [tilespmem:s31+$0xFFFFFFE0];
	v7 =	vmul.f32 v63, v7;
	[tilespmem:s18+$0xFFFFFEC0] =	vst v63  }
.LBB2_16:
0x237: {  	v15 =	vld [tilespmem:s12+$0xFFFFFFF0];
	s0 =	sadd.s32 $0x100, s0;
	v16, _, _ =	vpop (xrf2)  }
0x238: {  	s11 =	sadd.s32 $0x10, s11;
	v17 =	vld [tilespmem:s0+$0x0];
	v19 =	vmul.f32 $1.442695020e+00, v16;
	[tilespmem:s18+$0xFFFFFEB0] =	vst v7;
	v18 =	vpop (erf);
	(erf) = vpow2.f32 v14  }
0x239: {  	p1 =	slt.u32 s11, $0x70;
	v7 =	vld [tilespmem:s0+$0xFFFFFF10];
	v12 =	vmul.f32 v18, v12;
	[tilespmem:s18+$0xFFFFFEE0] =	vst v18;
	(xrf2) =	vadd.scan.msk.f32 $0xffff, v10  }
0x23a: {  	v10 =	vld [tilespmem:s12+$0xFFFFFE30];
	v14 =	vbroadcast v19, $0xF;
	v16, _, _ =	vpop (xrf2)  }
0x23b: {  	v18 =	vld [tilespmem:s0+$0xFFFFFF20];
	[tilespmem:s18+$0xFFFFFED0] =	vst v12;
	v12 =	vmul.f32 $1.442695020e+00, v16;
	v16 =	vpop (erf)  }
0x23c: {  	v19 =	vld [tilespmem:s12+$0xFFFFFE50];
	v11 =	vmul.f32 v16, v11;
	[tilespmem:s18+$0xFFFFFF00] =	vst v16;
	(erf) = vpow2.f32 v14;
	(xrf2) =	vadd.scan.msk.f32 $0xffff, v13  }
0x23d: {  	v13 =	vld [tilespmem:s0+$0xFFFFFF30];
	v20 =	vmul.f32 v17, v15;
	v12 =	vbroadcast v12, $0xF;
	v15, _, _ =	vpop (xrf2)  }
0x23e: {  	v16 =	vld [tilespmem:s12+$0xFFFFFE70];
	[tilespmem:s18+$0xFFFFFEF0] =	vst v11;
	v11 =	vmul.f32 $1.442695020e+00, v15;
	v15 =	vpop (erf)  }
0x23f: {  	v17 =	vld [tilespmem:s0+$0xFFFFFF40];
	(xrf2) =	vadd.scan.msk.f32 $0xffff, v20;
	v9 =	vmul.f32 v15, v9;
	[tilespmem:s18+$0xFFFFFF20] =	vst v15;
	(erf) = vpow2.f32 v12  }
0x240: {  	v10 =	vmul.f32 v18, v10;
	v12 =	vld [tilespmem:s12+$0xFFFFFE90];
	v20 =	vbroadcast v11, $0xF;
	v14, _, _ =	vpop (xrf2)  }
0x241: {  	v15 =	vld [tilespmem:s0+$0xFFFFFF50];
	[tilespmem:s18+$0xFFFFFF10] =	vst v9;
	v9 =	vmul.f32 $1.442695020e+00, v14;
	v14 =	vpop (erf)  }
0x242: {  	v13 =	vmul.f32 v13, v19;
	v18 =	vld [tilespmem:s12+$0xFFFFFEB0];
	(xrf2) =	vadd.scan.msk.f32 $0xffff, v10;
	[tilespmem:s18+$0xFFFFFF40] =	vst v14;
	(erf) = vpow2.f32 v20  }
0x243: {  	v19 =	vmul.f32 v14, v8;
	v10 =	vld [tilespmem:s0+$0xFFFFFF60];
	v9 =	vbroadcast v9, $0xF;
	v11, _, _ =	vpop (xrf2)  }
0x244: {  	v14 =	vmul.f32 v17, v16;
	v16 =	vld [tilespmem:s12+$0xFFFFFED0];
	v11 =	vmul.f32 $1.442695020e+00, v11  }
0x245: {  	v17 =	vld [tilespmem:s0+$0xFFFFFF70];
	(xrf2) =	vadd.scan.msk.f32 $0xffff, v13;
	[tilespmem:s18+$0xFFFFFF30] =	vst v19;
	v8 =	vpop (erf);
	(erf) = vpow2.f32 v9  }
0x246: {  	v9 =	vmul.f32 v15, v12;
	v12 =	vld [tilespmem:s12+$0xFFFFFEF0];
	[tilespmem:s18+$0xFFFFFE20] =	vst v8;
	v11 =	vbroadcast v11, $0xF;
	v13, _, _ =	vpop (xrf2)  }
0x247: {  	v1 =	vmul.f32 v8, v1;
	v15 =	vld [tilespmem:s0+$0xFFFFFF80];
	v8 =	vmul.f32 $1.442695020e+00, v13  }
0x248: {  	v10 =	vmul.f32 v10, v18;
	v13 =	vld [tilespmem:s12+$0xFFFFFF10];
	(xrf2) =	vadd.scan.msk.f32 $0xffff, v14;
	v14 =	vpop (erf);
	(erf) = vpow2.f32 v11  }
0x249: {  	v11 =	vld [tilespmem:s0+$0xFFFFFF90];
	v18, _, _ =	vpop (xrf2);
	[tilespmem:s18+$0xFFFFFE10] =	vst v1;
	v19 =	vmul.f32 v14, v6;
	v6 =	vbroadcast v8, $0xF  }
0x24a: {  	v8 =	vmul.f32 v17, v16;
	v16 =	vld [tilespmem:s12+$0xFFFFFF30];
	v17 =	vmul.f32 $1.442695020e+00, v18;
	[tilespmem:s18+$0xFFFFFF60] =	vst v14  }
0x24b: {  	v14 =	vld [tilespmem:s0+$0xFFFFFFA0];
	(xrf2) =	vadd.scan.msk.f32 $0xffff, v9;
	[tilespmem:s18+$0xFFFFFF50] =	vst v19;
	v1 =	vpop (erf);
	(erf) = vpow2.f32 v6  }
0x24c: {  	v6 =	vmul.f32 v15, v12;
	v9 =	vld [tilespmem:s12+$0xFFFFFF50];
	v12 =	vbroadcast v17, $0xF;
	v15, _, _ =	vpop (xrf2);
	[tilespmem:s18+$0xFFFFFF80] =	vst v1  }
0x24d: {  	v1 =	vmul.f32 v1, v5;
	v18 =	vmul.f32 $1.442695020e+00, v15;
	v17 =	vld [tilespmem:s0+$0xFFFFFFB0]  }
0x24e: {  	v5 =	vmul.f32 v11, v13;
	v11 =	vld [tilespmem:s12+$0xFFFFFF70];
	(xrf2) =	vadd.scan.msk.f32 $0xffff, v10;
	(erf) = vpow2.f32 v12;
	v10 =	vpop (erf)  }
0x24f: {  	v12 =	vbroadcast v18, $0xF;
	v13 =	vld [tilespmem:s0+$0xFFFFFFC0];
	v15, _, _ =	vpop (xrf2);
	[tilespmem:s18+$0xFFFFFF70] =	vst v1;
	v18 =	vmul.f32 v10, v4  }
0x250: {  	v4 =	vmul.f32 $1.442695020e+00, v15;
	v14 =	vmul.f32 v14, v16;
	v15 =	vld [tilespmem:s12+$0xFFFFFF90];
	[tilespmem:s18+$0xFFFFFFA0] =	vst v10  }
0x251: {  	v10 =	vld [tilespmem:s0+$0xFFFFFFD0];
	(erf) = vpow2.f32 v12;
	(xrf2) =	vadd.scan.msk.f32 $0xffff, v8;
	[tilespmem:s18+$0xFFFFFF90] =	vst v18;
	v1 =	vpop (erf)  }
0x252: {  	v18 =	vbroadcast v4, $0xF;
	v16 =	vmul.f32 v17, v9;
	v8 =	vld [tilespmem:s12+$0xFFFFFFB0];
	v9, _, _ =	vpop (xrf2);
	[tilespmem:s18+$0xFFFFFFC0] =	vst v1  }
0x253: {  	v1 =	vmul.f32 v1, v3;
	v9 =	vmul.f32 $1.442695020e+00, v9;
	v12 =	vld [tilespmem:s12+$0x0]  }
0x254: {  	v3 =	vmul.f32 v13, v11;
	v11 =	vld [tilespmem:s0+$0xFFFFFFE0];
	(erf) = vpow2.f32 v18;
	(xrf2) =	vadd.scan.msk.f32 $0xffff, v6;
	v4 =	vpop (erf)  }
0x255: {  	v6 =	vbroadcast v9, $0xF;
	v9 =	vld [tilespmem:s12+$0xFFFFFFD0];
	v13, _, _ =	vpop (xrf2);
	[tilespmem:s18+$0xFFFFFFB0] =	vst v1;
	v1 =	vmul.f32 v4, v2  }
0x256: {  	v2 =	vmul.f32 $1.442695020e+00, v13;
	v15 =	vmul.f32 v10, v15;
	v13 =	vld [tilespmem:s0+$0xFFFFFFF0];
	[tilespmem:s18+$0xFFFFFFE0] =	vst v4  }
0x257: {  	v4 =	vld [tilespmem:s12+$0xFFFFFE10];
	(erf) = vpow2.f32 v6;
	(xrf2) =	vadd.scan.msk.f32 $0xffff, v5;
	v5 =	vpop (erf);
	[tilespmem:s18+$0xFFFFFFD0] =	vst v1  }
0x258: {  	v1 =	vld [tilespmem:s12+$0xFFFFFE20];
	v2 =	vbroadcast v2, $0xF;
	v18 =	vmul.f32 v5, v12;
	v10, _, _ =	vpop (xrf2)  }
0x259: {  	s18 =	sadd.s32 $0x200, s18;
	v12 =	vld [tilespmem:s12+$0xFFFFFE40];
	v17 =	vmul.f32 $1.442695020e+00, v10;
	v10 =	vmul.f32 v11, v8  }
0x25a: {  	v8 =	vld [tilespmem:s12+$0xFFFFFE60];
	[tilespmem:s18+$0xFFFFFFF0] =	vst v18;
	v6 =	vpop (erf);
	(erf) = vpow2.f32 v2;
	(xrf2) =	vadd.scan.msk.f32 $0xffff, v14  }
0x25b: {  	[tilespmem:s18+$0xFFFFFE40] =	vst v6;
	v2 =	vld [tilespmem:s12+$0xFFFFFE80];
	v11 =	vbroadcast v17, $0xF;
	v13 =	vmul.f32 v13, v9;
	v9, _, _ =	vpop (xrf2)  }
0x25c: {  	v18 =	vmul.f32 v7, v4;
	v7 =	vld [tilespmem:s12+$0xFFFFFEA0];
	v9 =	vmul.f32 $1.442695020e+00, v9;
	[tilespmem:s18+$0x0] =	vst v5  }
0x25d: {  	v14 =	vld [tilespmem:s12+$0xFFFFFEC0];
	v5 =	vpop (erf);
	(erf) = vpow2.f32 v11  }
0x25e: {  	v19 =	vmul.f32 v6, v12;
	[tilespmem:s18+$0xFFFFFE60] =	vst v5;
	v12 =	vld [tilespmem:s12+$0xFFFFFEE0];
	v17 =	vbroadcast v9, $0xF;
	(xrf2) =	vadd.scan.msk.f32 $0xffff, v18;
	v4, _, _ =	vpop (xrf2)  }
0x25f: {  	v18 =	vmul.f32 v5, v8;
	v11 =	vld [tilespmem:s12+$0xFFFFFF00];
	v4 =	vmul.f32 $1.442695020e+00, v4  }
0x260: {  	[tilespmem:s18+$0xFFFFFE30] =	vst v19;
	v9 =	vld [tilespmem:s12+$0xFFFFFF20];
	v6 =	vpop (erf);
	(erf) = vpow2.f32 v17  }
0x261: {  	[tilespmem:s18+$0xFFFFFE50] =	vst v18;
	v17 =	vmul.f32 v6, v2;
	v4 =	vbroadcast v4, $0xF;
	v8 =	vld [tilespmem:s12+$0xFFFFFF40];
	v5, _, _ =	vpop (xrf2);
	(xrf2) =	vadd.scan.msk.f32 $0xffff, v16  }
0x262: {  	[tilespmem:s18+$0xFFFFFE80] =	vst v6;
	v16 =	vmul.f32 $1.442695020e+00, v5;
	v6 =	vld [tilespmem:s12+$0xFFFFFF60]  }
.Ltmp7:
0x263: {  	[tilespmem:s18+$0xFFFFFE70] =	vst v17;
	v5 =	vld [tilespmem:s12+$0xFFFFFF80];
	v2 =	vpop (erf);
	(erf) = vpow2.f32 v4;
	(pc) =	sbr.rel @p1 .LBB2_16-.Ltmp7, $4  }
0x264: {  	v7 =	vmul.f32 v2, v7;
	[tilespmem:s18+$0xFFFFFEA0] =	vst v2;
	v16 =	vbroadcast v16, $0xF;
	v4 =	vld [tilespmem:s12+$0xFFFFFFA0];
	v2, _, _ =	vpop (xrf2);
	(xrf2) =	vadd.scan.msk.f32 $0xffff, v3  }
0x265: {  	v17 =	vmul.f32 $1.442695020e+00, v2;
	v3 =	vld [tilespmem:s12+$0xFFFFFFC0]  }
0x266: {  	[tilespmem:s18+$0xFFFFFE90] =	vst v7;
	v2 =	vld [tilespmem:s12+$0xFFFFFFE0];
	v18 =	vpop (erf);
	(erf) = vpow2.f32 v16  }
0x267: {  	s12 =	sadd.s32 $0x200, s12;
	v7 =	vmul.f32 v18, v14;
	[tilespmem:s18+$0xFFFFFEC0] =	vst v18;
	v14 =	vbroadcast v17, $0xF;
	(xrf2) =	vadd.scan.msk.f32 $0xffff, v15  }
0x268: {  	_ = 	snop  }
0x269: {  	(xrf2) =	vadd.scan.msk.f32 $0xffff, v10  }
0x26a: {  	v46, _, _ =	vpop (xrf2);
	(xrf2) =	vadd.scan.msk.f32 $0xffff, v13  }
0x26b: {  	v10 =	vmul.f32 $1.442695020e+00, v46;
	_ =	sdelay $0x1  }
0x26c: {  	(erf) = vpow2.f32 v14;
	v47, _, _ =	vpop (xrf2);
	v10 =	vbroadcast v10, $0xF  }
0x26d: {  	v13 =	vmul.f32 $1.442695020e+00, v47;
	v49, _, _ =	vpop (xrf2)  }
0x26e: {  	v48 =	vpop (erf);
	(erf) = vpow2.f32 v10;
	v10 =	vmul.f32 $1.442695020e+00, v49  }
0x26f: {  	v50 =	vpop (erf);
	v13 =	vbroadcast v13, $0xF  }
0x270: {  	v12 =	vmul.f32 v48, v12;
	v15, _, _ =	vpop (xrf2);
	v10 =	vbroadcast v10, $0xF  }
0x271: {  	[tilespmem:s18+$0xFFFFFEB0] =	vst v7;
	v53 =	vpop (erf);
	(erf) = vpow2.f32 v13;
	v15 =	vmul.f32 $1.442695020e+00, v15  }
0x272: {  	[tilespmem:s18+$0xFFFFFEE0] =	vst v48;
	v11 =	vmul.f32 v50, v11;
	v52, _, _ =	vpop (xrf2);
	(erf) = vpow2.f32 v10  }
0x273: {  	[tilespmem:s18+$0xFFFFFED0] =	vst v12;
	v54 =	vmul.f32 $1.442695020e+00, v52;
	v56, _, _ =	vpop (xrf2);
	v51 =	vbroadcast v15, $0xF  }
0x274: {  	[tilespmem:s18+$0xFFFFFF00] =	vst v50;
	v55 =	vmul.f32 v53, v9;
	v9 =	vmul.f32 $1.442695020e+00, v56  }
0x275: {  	[tilespmem:s18+$0xFFFFFEF0] =	vst v11;
	v57 =	vpop (erf);
	v10 =	vbroadcast v54, $0xF;
	(erf) = vpow2.f32 v51  }
0x276: {  	[tilespmem:s18+$0xFFFFFF20] =	vst v53;
	v8 =	vmul.f32 v57, v8  }
0x277: {  	[tilespmem:s18+$0xFFFFFF10] =	vst v55;
	v58 =	vbroadcast v9, $0xF;
	(erf) = vpow2.f32 v10  }
0x278: {  	[tilespmem:s18+$0xFFFFFF40] =	vst v57;
	v59 =	vpop (erf)  }
0x279: {  	[tilespmem:s18+$0xFFFFFF30] =	vst v8;
	v1 =	vmul.f32 v59, v1;
	(erf) = vpow2.f32 v58  }
0x27a: {  	[tilespmem:s18+$0xFFFFFE20] =	vst v59;
	v60 =	vpop (erf)  }
0x27b: {  	[tilespmem:s18+$0xFFFFFE10] =	vst v1;
	v1 =	vmul.f32 v60, v6  }
0x27c: {  	[tilespmem:s18+$0xFFFFFF60] =	vst v60;
	v61 =	vpop (erf)  }
0x27d: {  	[tilespmem:s18+$0xFFFFFF50] =	vst v1;
	v1 =	vmul.f32 v61, v5  }
0x27e: {  	[tilespmem:s18+$0xFFFFFF80] =	vst v61;
	v62 =	vpop (erf)  }
0x27f: {  	[tilespmem:s18+$0xFFFFFF70] =	vst v1;
	v1 =	vmul.f32 v62, v4  }
0x280: {  	s15 =	sadd.s32 $0x1, s15;
	[tilespmem:s18+$0xFFFFFFA0] =	vst v62;
	v63 =	vpop (erf)  }
0x281: {  	p1 =	sne.s32 s15, $0x5;
	[tilespmem:s18+$0xFFFFFF90] =	vst v1;
	v1 =	vmul.f32 v63, v3  }
.Ltmp8:
0x282: {  	[tilespmem:s18+$0xFFFFFFC0] =	vst v63;
	v3 =	vpop (erf);
	(pc) =	sbr.rel @p1 .LBB2_13-.Ltmp8, $4  }
0x283: {  	[tilespmem:s18+$0xFFFFFFB0] =	vst v1;
	v1 =	vmul.f32 v3, v2  }
0x284: {  	[tilespmem:s18+$0xFFFFFFE0] =	vst v3  }
0x285: {  	[tilespmem:s18+$0xFFFFFFD0] =	vst v1  }
0x286: {  	[spmem:s2] =	stream.indirect.scatter.add.f32 [tilespmem:s29], [sflag:$0x6], $0x20, s4, s20, $0xb8;
	[tilespmem:$0x1EB00] =	vst v63  }
0x287: {  	s14 =	sadd.s32 $0x1, s14  }
0x288: {  	p0 =	sne.s32 s14, $0x14  }
.Ltmp9:
0x289: {  	_ = 	snop;
	(pc) =	sbr.rel @p0 .LBB2_6-.Ltmp9, $1  }
0x28a: {  	_ =	sdelay $0x3  }
0x28b: {  	_ =	swait.ge [sflag:s3], $0x1000  }
0x28c: {  	[sflag:s3] =	ssyncset.done $0x0  }
0x28d: {  	[sflag:s3] =	ssyncadd.s32 $0xFFFFF000  }
0x28e: {  	_ =	swait.ge [sflag:s10], $0x1000  }
0x28f: {  	[sflag:s10] =	ssyncset.done $0x0  }
0x290: {  	[sflag:s10] =	ssyncadd.s32 $0xFFFFF000  }
0x291: {  	s0 =	stileid.u32;
	[bflag:$0x0] =	sbarrier.arrive $0xFFFF  }
0x292: {  	s0 =	sshll.u32 s0, $0x6;
	s4 =	rddreg [dreg:$0xa]  }
0x293: {  	s0 =	sor.u32 $0x1C07, s0;
	s8 =	rddreg [dreg:$0xc]  }
0x294: {  	[hbm:s4], [sflag:s0] =	dma.local [spmem:s8], $0x30E0  }
0x295: {  	_ =	swait.ge [sflag:s17], $0x30E0  }
0x296: {  	s12 =	rddreg [dreg:$0x4]  }
0x297: {  	s31 =	rddreg [dreg:$0xb];
	s12 =	sadd.s32 $0x1, s12  }
0x298: {  	p0 =	sne.s32 s12, s31  }
.Ltmp10:
0x299: {  	_ = 	snop;
	(pc) =	sbr.rel @p0 .LBB2_1-.Ltmp10, $3  }
0x29a: {  	_ =	sdelay $0x1  }
0x29b: {  	[sflag:s17] =	ssyncset.done $0x0  }
0x29c: {  	[sflag:s17] =	ssyncadd.s32 $0xFFFFCF20  }
0x29d: {  	_ =	sfence.sel $0x180000  }
0x29e: {  	[bflag:$0x0] =	sbarrier.arrive $0xFFFF  }
0x29f: {  	_ =	strace $0x9000004A  }
0x2a0: {  	s0 =	stileid.u32;
	[bflag:$0x2] =	sbarrier.arrive $0xFFFF  }
0x2a1: {  	p0 =	sne.s32 s0, $0x0;
	s0 =	rddreg [dreg:$0x3]  }
0x2a2: {  	s0 =	sadd.s32 @!p0 $0x100000, s0  }
0x2a3: {  	[sflag:s0] =	ssyncadd.tile.s32 @!p0 $0x1;
	_ =	shalt  }
.Lfunc_end2:
_tile_overlayer_lowered:
.L_overlay_start_2:
0x2a4: {  	(tag) =	ssettag $0x2  }
0x2a5: {  	s0 =	rddreg [dreg:$0x0];
	s2 =	stileid.u32  }
0x2a6: {  	s1 =	rddreg [dreg:$0x1];
	p0 =	sne.s32 s2, $0x0  }
0x2a7: {  	s3 =	rddreg [dreg:$0x2];
	[bflag:$0x3] =	sbarrier.arrive $0xFFFF;
	s2 =	simm.s32 @!p0 $0x1C07  }
0x2a8: {  	[timem:s3], [sflag:s2] =	dma.local @!p0 [hbm:s0], s1  }
0x2a9: {  	s0 =	simm.s32 @!p0 $0x7  }
0x2aa: {  	_ =	swait.ge @!p0 [sflag:s0], s1  }
0x2ab: {  	s1 =	ssub.s32 @!p0 $0x0, s1;
	[sflag:s0] =	ssyncset.done @!p0 $0x0  }
0x2ac: {  	[sflag:s0] =	ssyncadd.s32 @!p0 s1  }
0x2ad: {  	[bflag:$0x3] =	sbarrier.arrive $0xFFFF  }
0x2ae: {  	_ =	shalt  }

// kernel: _run.8.cloned.1.call-start
scs
__scs_entry_jumppad:
0x0: {  	(pc) =	sbr.rel $0x88, $3  }
0x1: {  	(tag) =	ssettag $0x0;
	lr =	simm.s32 $0x1  }
0x2: {  	[smem:$0x3F9A] =	sst lr;
	_ =	strace $0xD0000000  }
0x3: {  	_ = 	snop  }
0x4: {  	_ = 	snop  }
0x5: {  	_ = 	snop  }
0x6: {  	_ = 	snop  }
0x7: {  	_ = 	snop  }
__scs_overlays_trampoline_lowered:
0x8: {  	[smem:$0x3FA9] =	sst s0  }
0x9: {  	[smem:$0x3FAA] =	sst s1  }
0xa: {  	[smem:$0x3FAB] =	sst s2  }
0xb: {  	[smem:$0x3FAC] =	sst s3  }
0xc: {  	[smem:$0x3FAD] =	sst s4  }
0xd: {  	[smem:$0x3FAE] =	sst s5  }
0xe: {  	[smem:$0x3FAF] =	sst s6  }
0xf: {  	[smem:$0x3FB0] =	sst s7  }
0x10: {  	[smem:$0x3FB1] =	sst s8  }
0x11: {  	[smem:$0x3FB2] =	sst s9;
	s0 =	simm.s32 @!p0 $0x0  }
0x12: {  	s1 =	sld [smem:$0x3F98];
	s0 =	simm.s32 @p0 $0x1  }
0x13: {  	[smem:$0x3FB3] =	sst s0;
	s0 =	simm.s32 @!p1 $0x0  }
0x14: {  	s2 =	sld [smem:$0x3F97];
	s0 =	simm.s32 @p1 $0x1  }
0x15: {  	[smem:$0x3FB4] =	sst s0;
	s0 =	simm.s32 @!p2 $0x0  }
0x16: {  	s3 =	sld [smem:$0x3FDB];
	s0 =	simm.s32 @p2 $0x1  }
0x17: {  	s4 =	simm.s32 $0x1BF5;
	[smem:$0x3FB6] =	sst s0  }
0x18: {  	s0 =	sld [smem:$0x3F99];
	_ =	swait.ge [sflag:s4], $0x0  }
0x19: {  	s7 =	sld [smem:$0x3F9A]  }
0x1a: {  	s8 =	sadd.s32 $0xFFFFE003, lr  }
0x1b: {  	s9 =	sadd.s32 $0xFFFFFEF7, lr;
	s5 =	simm.s32 $0xFFFFFFFF;
	p2 =	slt.u32 s8, $0xFFFFF086  }
0x1c: {  	p1 =	slt.u32 s9, $0xF7A;
	s5 =	simm.s32 @!p2 $0x0  }
0x1d: {  	s5 =	simm.s32 @p1 $0x1;
	p0 =	seq.s32 s7, s2  }
0x1e: {  	s7 =	smul.u32 @!p0 $0xF7A, s2;
	p2 =	seq.s32 @!p0 s5, $0x0  }
0x1f: {  	s9 =	smul.u32 $0xF7A, s1;
	s8 =	simm.s32 @!p0 $0x1BF5;
	p2 =	por !p2, p0  }
0x20: {  	[sflag:s8] =	ssyncset.s32 @!p0 $0xFFFFF086;
	s6 =	sadd.s32 @!p0 s3, s7;
	s7 =	simm.s32 @!p0 $0x108  }
0x21: {  	s3 =	sadd.s32 s3, s9;
	s6 =	sadd.s32 @!p0 $0x88, s6;
	s7 =	simm.s32 @p2 $0x1082  }
0x22: {  	[simem:s7], [sflag:s8] =	dma.local @!p0 [hbm:s6], $0xF7A  }
0x23: {  	s9 =	sor.u32 $0xD0000000, s2;
	s6 =	simm.s32 $0x108;
	_ =	swait.ge @!p0 [sflag:s8], $0x0  }
0x24: {  	s3 =	sadd.s32 $0x88, s3;
	s6 =	simm.s32 @!p1 $0x1082;
	[sflag:s4] =	ssyncset.s32 $0xFFFFF086  }
0x25: {  	[simem:s6], [sflag:s4] =	dma.local [hbm:s3], $0xF7A  }
0x26: {  	[smem:$0x3F9A] =	sst s1;
	(tag) =	ssettag s2;
	_ =	strace s9  }
0x27: {  	s1 =	sld [smem:$0x3FAA]  }
0x28: {  	s2 =	sld [smem:$0x3FAB]  }
0x29: {  	s4 =	sld [smem:$0x3FAD]  }
0x2a: {  	p0 =	seq.s32 s5, $0x0;
	s5 =	sld [smem:$0x3FAE]  }
0x2b: {  	s6 =	sld [smem:$0x3FAF]  }
0x2c: {  	s7 =	sld [smem:$0x3FB0]  }
0x2d: {  	s3 =	simm.s32 $0x108;
	s8 =	sld [smem:$0x3FB1]  }
0x2e: {  	s3 =	simm.s32 @!p0 $0x1082;
	s9 =	sld [smem:$0x3FB2]  }
0x2f: {  	lr =	sadd.s32 s0, s3;
	s0 =	sld [smem:$0x3FA9]  }
0x30: {  	s3 =	sld [smem:$0x3FAC]  }
0x31: {  	[smem:$0x3FB5] =	sst s10  }
0x32: {  	s10 =	sld [smem:$0x3FB3];
	_ =	sdelay $0x3  }
0x33: {  	p0 =	seq.s32 s10, $0x1;
	s10 =	sld [smem:$0x3FB5];
	_ =	sdelay $0x3  }
0x34: {  	[smem:$0x3FB5] =	sst s10  }
0x35: {  	s10 =	sld [smem:$0x3FB4];
	_ =	sdelay $0x3  }
0x36: {  	p1 =	seq.s32 s10, $0x1;
	s10 =	sld [smem:$0x3FB5];
	_ =	sdelay $0x3  }
0x37: {  	[smem:$0x3FB5] =	sst s10  }
0x38: {  	s10 =	sld [smem:$0x3FB6]  }
0x39: {  	_ = 	snop;
	(pc) =	sbr.ind lr, $3  }
0x3a: {  	_ = 	snop  }
0x3b: {  	_ = 	snop  }
0x3c: {  	p2 =	seq.s32 s10, $0x1;
	s10 =	sld [smem:$0x3FB5]  }
0x3d: {  	_ =	shalt  }
0x3e: {  	_ =	shalt  }
0x3f: {  	_ =	shalt  }
0x40: {  	_ =	shalt  }
0x41: {  	_ =	shalt  }
0x42: {  	_ =	shalt  }
0x43: {  	_ =	shalt  }
0x44: {  	_ =	shalt  }
0x45: {  	_ =	shalt  }
0x46: {  	_ =	shalt  }
0x47: {  	_ =	shalt  }
0x48: {  	_ =	shalt  }
0x49: {  	_ =	shalt  }
0x4a: {  	_ =	shalt  }
0x4b: {  	_ =	shalt  }
0x4c: {  	_ =	shalt  }
0x4d: {  	_ =	shalt  }
0x4e: {  	_ =	shalt  }
0x4f: {  	_ =	shalt  }
0x50: {  	_ =	shalt  }
0x51: {  	_ =	shalt  }
0x52: {  	_ =	shalt  }
0x53: {  	_ =	shalt  }
0x54: {  	_ =	shalt  }
0x55: {  	_ =	shalt  }
0x56: {  	_ =	shalt  }
0x57: {  	_ =	shalt  }
0x58: {  	_ =	shalt  }
0x59: {  	_ =	shalt  }
0x5a: {  	_ =	shalt  }
0x5b: {  	_ =	shalt  }
0x5c: {  	_ =	shalt  }
0x5d: {  	_ =	shalt  }
0x5e: {  	_ =	shalt  }
0x5f: {  	_ =	shalt  }
0x60: {  	_ =	shalt  }
0x61: {  	_ =	shalt  }
0x62: {  	_ =	shalt  }
0x63: {  	_ =	shalt  }
0x64: {  	_ =	shalt  }
0x65: {  	_ =	shalt  }
0x66: {  	_ =	shalt  }
0x67: {  	_ =	shalt  }
0x68: {  	_ =	shalt  }
0x69: {  	_ =	shalt  }
0x6a: {  	_ =	shalt  }
0x6b: {  	_ =	shalt  }
0x6c: {  	_ =	shalt  }
0x6d: {  	_ =	shalt  }
0x6e: {  	_ =	shalt  }
0x6f: {  	_ =	shalt  }
0x70: {  	_ =	shalt  }
0x71: {  	_ =	shalt  }
0x72: {  	_ =	shalt  }
0x73: {  	_ =	shalt  }
0x74: {  	_ =	shalt  }
0x75: {  	_ =	shalt  }
0x76: {  	_ =	shalt  }
0x77: {  	_ =	shalt  }
0x78: {  	_ =	shalt  }
0x79: {  	_ =	shalt  }
0x7a: {  	_ =	shalt  }
0x7b: {  	_ =	shalt  }
0x7c: {  	_ =	shalt  }
0x7d: {  	_ =	shalt  }
0x7e: {  	_ =	shalt  }
0x7f: {  	_ =	shalt  }
0x80: {  	_ =	shalt  }
0x81: {  	_ =	shalt  }
0x82: {  	_ =	shalt  }
0x83: {  	_ =	shalt  }
0x84: {  	_ =	shalt  }
0x85: {  	_ =	shalt  }
0x86: {  	_ =	shalt  }
0x87: {  	_ =	shalt  }
.Lfunc_end0:
.L_simem_size_0:
called_computation_lowered:
.L_overlay_start_0:
0x88: {  	s2 =	sld [smem:$0x3FD9]  }
0x89: {  	s3 =	sld [smem:$0x3FFE];
	_ =	sdelay $0x1  }
0x8a: {  	s1 =	srdreg.scid  }
0x8b: {  	s0 =	sand.u32 $0x1, s1  }
0x8c: {  	s17 =	sshll.u32 s0, $0xA;
	s2 =	sadd.s32 s3, s2  }
0x8d: {  	s2 =	sadd.s32 s2, s17  }
0x8e: {  	[smem:$0x3FC1] =	sst s2  }
0x8f: {  	_ = 	snop  }
0x90: {  	s2 =	sld [smem:$0x3FD0];
	(tm) =	ssettm $0x1  }
0x91: {  	s18 =	sld [smem:$0x3FFB];
	_ =	sdelay $0x3  }
0x92: {  	_ =	strace s18  }
0x93: {  	s3 =	sld [smem:$0x3FFC];
	_ =	sdelay $0x3  }
0x94: {  	_ =	strace s3  }
0x95: {  	s3 =	sld [smem:$0x3FFD];
	_ =	sdelay $0x3  }
0x96: {  	_ =	strace s3  }
0x97: {  	_ =	strace $0x8FFFFFFF  }
0x98: {  	s19 =	sld [smem:$0x3FDB];
	_ =	sdelay $0x1  }
0x99: {  	s4 =	simm.s32 $_scs_section_size  }
0x9a: {  	s5 =	simm.s32 $_size__tile_overlayer_lowered;
	s6 =	simm.s32 $_tile_overlayer_lowered  }
0x9b: {  	s22 =	simm.s32 $0x1BFF;
	s21 =	sshll.u32 s6, $0x1;
	s3 =	sadd.s32 s4, s19  }
0x9c: {  	s7 =	simm.s32 $0x0;
	s20 =	sshll.u32 s5, $0x1;
	s5 =	sadd.s32 s21, s3  }
0x9d: {  	[timem:s7], [sflag:s22] =	dma.local [hbm:s5], s20  }
0x9e: {  	_ =	swait.ge [sflag:s22], s20  }
0x9f: {  	s4 =	ssub.s32 $0x0, s20;
	[sflag:s22] =	ssyncset.done $0x0  }
0xa0: {  	[sflag:s22] =	ssyncadd.s32 s4;
	_ =	sdelay $0x1  }
0xa1: {  	s23 =	simm.s32 $0x1B8B  }
0xa2: {  	_ =	swait.ge [sflag:s23], $0x1  }
0xa3: {  	[sflag:s23] =	ssyncset.done $0x0  }
0xa4: {  	s25 =	simm.s32 $0x1B8E;
	s24 =	sld [smem:$0x3FFE];
	[sflag:s23] =	ssyncadd.s32 $0xFFFFFFFF  }
0xa5: {  	s26 =	simm.s32 $execute0_lowered;
	[smem:$0x3FD2] =	sst s25  }
0xa6: {  	s5 =	sshll.u32 s26, $0x1;
	_ =	strace $0x80000046;
	[dreg:$0x1] =	wrdreg $0xFFFFFFFF  }
0xa7: {  	s28 =	simm.s32 $_size_execute0_lowered;
	s3 =	sadd.s32 s3, s5;
	[dreg:$0x0] =	wrdreg $0x0  }
0xa8: {  	s5 =	sshll.u32 s28, $0x1;
	[dreg:$0x2] =	wrdreg s3  }
0xa9: {  	[dreg:$0x3] =	wrdreg s5  }
0xaa: {  	[dreg:$0x4] =	wrdreg $0xC0  }
0xab: {  	_ =	task [dreg:s7], $0x5FFFF  }
0xac: {  	[dreg:$0x1] =	wrdreg $0xFFFFFFFF  }
0xad: {  	[dreg:$0x0] =	wrdreg $0x60  }
0xae: {  	[dreg:$0x2] =	wrdreg s24  }
0xaf: {  	[dreg:$0x3] =	wrdreg s2  }
0xb0: {  	[dreg:$0x4] =	wrdreg $0x64000  }
0xb1: {  	[dreg:$0x5] =	wrdreg $0x9  }
0xb2: {  	_ =	task.clear_ibuf [dreg:s7], $0x6FFFF;
	_ =	strace $0x90000046  }
0xb3: {  	s29 =	simm.s32 $0x9;
	_ =	strace $0x80000048  }
0xb4: {  	_ =	swait.ge [sflag:s29], $0x1  }
0xb5: {  	[sflag:s29] =	ssyncadd.s32 $0xFFFFFFFF  }
0xb6: {  	_ =	strace $0x90000048  }
0xb7: {  	_ =	sfence  }
0xb8: {  	s30 =	sld [smem:$0x0];
	_ =	sdelay $0x2  }
0xb9: {  	s31 =	sshll.u32 s1, $0xD;
	s1 =	sshrl.u32 s1, $0x2  }
0xba: {  	s3 =	sand.u32 $0x4000, s31;
	s1 =	sadd.s32 s1, s30  }
0xbb: {  	s0 =	sor.u32 s3, s0;
	s1 =	sshll.u32 s1, $0x11  }
0xbc: {  	s0 =	sor.u32 s1, s0  }
0xbd: {  	s0 =	sadd.s32 $0x8F2B, s0  }
0xbe: {  	[sflag:s0] =	ssyncadd.remote.s32 $0x1  }
0xbf: {  	_ =	sfence.sel $0xFFFF  }
0xc0: {  	[dreg:$0x0] =	wrdreg $0xFFFFFFFF;
	(pc) =	sbr.abs _section_cstart, $3  }
0xc1: {  	[dreg:$0x1] =	wrdreg $0xFFFFFFFF  }
0xc2: {  	_ =	task.clear_ibuf [dreg:s7], $0x2FFFF;
	_ =	strace $0x9FFFFFFF  }
0xc3: {  	(tm) =	ssettm $0x7FFFFFFF  }
tec
execute0_lowered:
.L_overlay_start_1:
0x0: {  	(tag) =	ssettag $0x1  }
0x1: {  	s0 =	rddreg [dreg:$0x0]  }
0x2: {  	s1 =	rddreg [dreg:$0x1]  }
0x3: {  	s2 =	rddreg [dreg:$0x2];
	s3 =	srdreg.scid;
	s12 =	simm.s32 $0x0  }
0x4: {  	s11 =	stileid.u32;
	s13 =	simm.s32 $0x19;
	s16 =	simm.s32 $0x4400  }
0x5: {  	s17 =	simm.s32 $0x7;
	s19 =	simm.s32 $0x1;
	s20 =	simm.s32 $0x80  }
0x6: {  	s28 =	simm.s32 $0x4;
	s29 =	simm.s32 $0x5400;
	s30 =	simm.s32 $0x2  }
0x7: {  	s3 =	sand.u32 $0x1, s3;
	[smem:$0x7FF] =	sst s12;
	s8 =	smul.u32 $0x18700, s11  }
0x8: {  	s5 =	sadd.s32 $0x65C00, s0;
	s6 =	sadd.s32 $0x1C00, s0;
	s7 =	sadd.s32 $0x33C00, s0  }
0x9: {  	s10 =	sshll.u32 s11, $0x1;
	p0 =	slt.u32 s11, $0x7;
	s23 =	sshll.u32 s11, $0xC  }
0xa: {  	s4 =	smul.u32 $0x187000, s3;
	_ =	strace $0x80000047;
	s9 =	ssub.s32 $0x2, s3  }
0xb: {  	s3 =	sor.u32 s3, s10;
	s13 =	simm.s32 @!p0 $0x18;
	s10 =	sadd.s32 s23, s2  }
0xc: {  	s23 =	simm.s32 $0x2400;
	s22 =	smul.u32 $0x1900, s3;
	[dreg:$0x5] =	wrdreg s13  }
0xd: {  	s21 =	sshrl.u32 s9, $0x1;
	s3 =	smul.u32 $0x190, s3;
	[dreg:$0x6] =	wrdreg s10  }
0xe: {  	s26 =	sadd.s32 s8, s2;
	s10 =	simm.s32 $0x6;
	s4 =	sadd.s32 s8, s4  }
0xf: {  	s4 =	sshrl.u32 s4, $0x3;
	s24 =	sadd.s32 s6, s22;
	s25 =	sor.u32 $0xA, s3  }
0x10: {  	s13 =	sadd.s32 $0x14, s3;
	s0 =	sadd.s32 s4, s0;
	[dreg:$0x7] =	wrdreg s24  }
0x11: {  	s4 =	ssub.s32 s9, s21;
	s9 =	sadd.s32 s7, s22;
	[dreg:$0x9] =	wrdreg s25  }
0x12: {  	s3 =	simm.s32 $0x5;
	[dreg:$0x8] =	wrdreg s9;
	s0 =	sadd.s32 $0x96A00, s0  }
0x13: {  	s21 =	simm.s32 $0x1400;
	s31 =	smax.u32 s4, $0x1;
	[dreg:$0xa] =	wrdreg s0  }
0x14: {  	s22 =	simm.s32 $0x3400;
	[dreg:$0xb] =	wrdreg s31;
	s0 =	sshrl.u32 s26, $0x3  }
0x15: {  	v0 =	vimm.f32 $0.0e+00;
	s24 =	simm.s32 $0x3C00;
	s26 =	simm.s32 $0x3;
	[dreg:$0xc] =	wrdreg s0  }
.LBB2_1:
0x16: {  	s0 =	simm.s32 $0x80;
	s4 =	simm.s32 $0x0  }
.LBB2_2:
0x17: {  	p0 =	sne.s32 s0, $0x3F80;
	[tilespmem:s4+$0x4400] =	vst v0;
	s8 =	smov.u32 s0;
	s0 =	sadd.s32 $0x80, s0  }
.Ltmp0:
0x18: {  	[tilespmem:s4+$0x4410] =	vst v0;
	(pc) =	sbr.rel @p0 .LBB2_2-.Ltmp0, $2  }
0x19: {  	_ =	sdelay $0x2  }
0x1a: {  	s4 =	sshra.s32 s8, $0x2  }
0x1b: {  	s0 =	rddreg [dreg:$0x5]  }
0x1c: {  	p0 =	sne.s32 s0, $0x1  }
.Ltmp1:
0x1d: {  	[dreg:$0x4] =	wrdreg s12;
	[tilespmem:s4+$0x4400] =	vst v0;
	(pc) =	sbr.rel @!p0 .LBB2_5-.Ltmp1, $4  }
0x1e: {  	[tilespmem:s4+$0x4410] =	vst v0;
	s4 =	rddreg [dreg:$0x6]  }
0x1f: {  	[spmem:s4] =	stream.linear.scatter [tilespmem:s16], [sflag:$0x7], $0x1000, $0x38;
	[tilespmem:$0x1EB00] =	vst v63  }
0x20: {  	_ =	swait.ge [sflag:s17], $0x1000  }
0x21: {  	s0 =	sadd.s32 $0xFFFFFFFF, s0;
	[sflag:s17] =	ssyncset.done $0x0  }
.LBB2_4:
0x22: {  	p0 =	sne.s32 s0, $0x1;
	[sflag:s17] =	ssyncadd.s32 $0xFFFFF000;
	s4 =	sadd.s32 $0x10000, s4  }
.Ltmp2:
0x23: {  	s0 =	sadd.s32 $0xFFFFFFFF, s0;
	(pc) =	sbr.rel @p0 .LBB2_4-.Ltmp2, $4  }
0x24: {  	_ = 	snop  }
0x25: {  	[spmem:s4] =	stream.linear.scatter [tilespmem:s16], [sflag:$0x7], $0x1000, $0x38;
	[tilespmem:$0x1EB00] =	vst v63  }
0x26: {  	_ =	swait.ge [sflag:s17], $0x1000  }
0x27: {  	[sflag:s17] =	ssyncset.done $0x0  }
.LBB2_5:
0x28: {  	[sflag:s17] =	ssyncadd.s32 $0xFFFFF000;
	s8 =	simm.s32 $0x0;
	s0 =	rddreg [dreg:$0x7]  }
0x29: {  	[tilespmem:s8], [sflag:$0x1] =	stream.linear.gather [hbm4b:s0+s8], $0x500, $0x38;
	[tilespmem:$0x1EB00] =	vst v63  }
0x2a: {  	s31 =	rddreg [dreg:$0x8];
	s4 =	simm.s32 $0xA00  }
0x2b: {  	[tilespmem:s4], [sflag:$0x1] =	stream.linear.gather [hbm4b:s31+s8], $0x500, $0x38;
	[tilespmem:$0x1EB00] =	vst v63  }
0x2c: {  	s14 =	simm.s32 $0x0;
	[bflag:$0x0] =	sbarrier.arrive $0xFFFF  }
.LBB2_6:
0x2d: {  	_ =	swait.ge [sflag:s19], $0x500  }
0x2e: {  	[sflag:s19] =	ssyncset.done $0x0  }
0x2f: {  	[sflag:s19] =	ssyncadd.s32 $0xFFFFFB00  }
0x30: {  	_ =	swait.ge [sflag:s19], $0x500  }
0x31: {  	s0 =	simm.s32 $0x0;
	[sflag:s19] =	ssyncset.done $0x0  }
0x32: {  	s15 =	smul.u32 $0x14, s14;
	s31 =	rddreg [dreg:$0x9];
	[sflag:s19] =	ssyncadd.s32 $0xFFFFFB00  }
0x33: {  	[tilespmem:s21], [sflag:$0x3] =	stream.indirect.gather [hbm4b:s5+s20], $0x20, s0, s20, $0xb8;
	[tilespmem:$0x1EB00] =	vst v63  }
0x34: {  	s0 =	sadd.s32 s15, s31  }
0x35: {  	s25 =	simm.s32 $0xA00;
	s0 =	sshll.u32 s0, $0x4  }
0x36: {  	[tilespmem:s22], [sflag:$0x3] =	stream.indirect.gather [hbm4b:s1+s20], $0x10, s25, s20, $0xb8;
	[tilespmem:$0x1EB00] =	vst v63  }
0x37: {  	s0 =	sand.u32 $0x1FFFFFE0, s0  }
0x38: {  	s8 =	simm.s32 $0x0;
	s25 =	sadd.s32 s6, s0;
	s9 =	sadd.s32 s7, s0  }
.LBB2_7:
0x39: {  	s31 =	sshllo.u32 s8, $0x1  }
0x3a: {  	s0 =	sshll.u32 s31, $0x7  }
0x3b: {  	[tilespmem:s23], [sflag:$0x4] =	stream.indirect.gather [hbm4b:s5+s20], $0x20, s0, s20, $0xb8;
	[tilespmem:$0x1EB00] =	vst v63  }
0x3c: {  	p0 =	sne.s32 s8, $0x1;
	s4 =	sadd.s32 $0xA00, s0  }
0x3d: {  	[tilespmem:s24], [sflag:$0x4] =	stream.indirect.gather [hbm4b:s1+s20], $0x10, s4, s20, $0xb8;
	[tilespmem:$0x1EB00] =	vst v63  }
0x3e: {  	s11 =	simm.s32 @!p0 $0x500;
	s0 =	simm.s32 @!p0 $0x0  }
0x3f: {  	[tilespmem:s11], [sflag:$0x2] =	stream.linear.gather @!p0 [hbm4b:s25+s0], $0x500, $0x38;
	[tilespmem:$0x1EB00] =	vst v63  }
0x40: {  	s11 =	simm.s32 @!p0 $0xF00  }
0x41: {  	[tilespmem:s11], [sflag:$0x2] =	stream.linear.gather @!p0 [hbm4b:s9+s0], $0x500, $0x38;
	[tilespmem:$0x1EB00] =	vst v63  }
0x42: {  	_ =	swait.ge [sflag:s26], $0x1000  }
0x43: {  	[sflag:s26] =	ssyncset.done $0x0  }
0x44: {  	[sflag:s26] =	ssyncadd.s32 $0xFFFFF000  }
0x45: {  	s18 =	sor.u32 s15, s8;
	_ =	swait.ge [sflag:s26], $0x800  }
0x46: {  	p0 =	seq.s32 s18, $0x0;
	[sflag:s26] =	ssyncset.done $0x0  }
0x47: {  	s0 =	simm.s32 @!p0 $0x5;
	[sflag:s26] =	ssyncadd.s32 $0xFFFFF800  }
0x48: {  	_ =	swait.ge @!p0 [sflag:s0], $0x1000  }
0x49: {  	[sflag:s0] =	ssyncset.done @!p0 $0x0  }
0x4a: {  	s12 =	simm.s32 $0x1500;
	[sflag:s0] =	ssyncadd.s32 @!p0 $0xFFFFF000  }
0x4b: {  	s0 =	simm.s32 $0x3480;
	v1 =	vld [tilespmem:s12+$0xE0]  }
0x4c: {  	v2 =	vld [tilespmem:s0+$0x70]  }
0x4d: {  	v4 =	vld [tilespmem:s12+$0xFFFFFF20]  }
0x4e: {  	v5 =	vld [tilespmem:s0+$0xFFFFFF90];
	_ =	sdelay $0x1  }
0x4f: {  	v6 =	vld [tilespmem:s12+$0xFFFFFF40]  }
0x50: {  	v7 =	vld [tilespmem:s0+$0xFFFFFFA0];
	v1 =	vmul.f32 v2, v1  }
0x51: {  	v8 =	vld [tilespmem:s12+$0xFFFFFF60]  }
0x52: {  	v4 =	vmul.f32 v5, v4;
	v5 =	vld [tilespmem:s12+$0xFFFFFF80];
	(xrf2) =	vadd.scan.msk.f32 $0xffff, v1  }
0x53: {  	v1 =	vld [tilespmem:s0+$0xFFFFFFC0]  }
0x54: {  	v2 =	vld [tilespmem:s0+$0xFFFFFFB0];
	_ =	sdelay $0x1  }
0x55: {  	v3 =	vld [tilespmem:s0+$0xFFFFFF80]  }
0x56: {  	v9 =	vld [tilespmem:s12+$0xFFFFFFA0];
	(xrf2) =	vadd.scan.msk.f32 $0xffff, v4  }
0x57: {  	v10 =	vld [tilespmem:s0+$0xFFFFFFF0];
	v4 =	vmul.f32 v7, v6;
	v1 =	vmul.f32 v1, v5  }
0x58: {  	v11 =	vld [tilespmem:s12+$0x20];
	v2 =	vmul.f32 v2, v8  }
0x59: {  	v6 =	vld [tilespmem:s0+$0xFFFFFFD0];
	(xrf2) =	vadd.scan.msk.f32 $0xffff, v4  }
0x5a: {  	v12 =	vld [tilespmem:s12+$0x40];
	(xrf2) =	vadd.scan.msk.f32 $0xffff, v2  }
0x5b: {  	v14 =	vld [tilespmem:s0+$0x20];
	(xrf2) =	vadd.scan.msk.f32 $0xffff, v1;
	v1, _, _ =	vpop (xrf2)  }
0x5c: {  	v7 =	vld [tilespmem:s12+$0xFFFFFFC0];
	v1 =	vmul.f32 $1.442695020e+00, v1  }
0x5d: {  	v8 =	vld [tilespmem:s0+$0xFFFFFFE0]  }
0x5e: {  	v4 =	vld [tilespmem:s12+$0xFFFFFFE0];
	v6 =	vmul.f32 v6, v9;
	v1 =	vbroadcast v1, $0xF  }
0x5f: {  	v2 =	vld [tilespmem:s12+$0x0]  }
0x60: {  	v5 =	vld [tilespmem:s0+$0x0];
	(xrf2) =	vadd.scan.msk.f32 $0xffff, v6;
	v13, _, _ =	vpop (xrf2);
	(erf) = vpow2.f32 v1  }
0x61: {  	v16 =	vld [tilespmem:s0+$0x50];
	v13 =	vmul.f32 $1.442695020e+00, v13  }
0x62: {  	v17 =	vld [tilespmem:s12+$0xC0];
	v7 =	vmul.f32 v8, v7  }
0x63: {  	v9 =	vld [tilespmem:s0+$0x10];
	v8 =	vbroadcast v13, $0xF  }
0x64: {  	v18 =	vld [tilespmem:s0+$0x60];
	v4 =	vmul.f32 v10, v4;
	(xrf2) =	vadd.scan.msk.f32 $0xffff, v7;
	v15, _, _ =	vpop (xrf2)  }
0x65: {  	v2 =	vmul.f32 v5, v2;
	v5 =	vld [tilespmem:s12+$0xF0];
	v1 =	vmul.f32 $1.442695020e+00, v15  }
0x66: {  	v10 =	vld [tilespmem:s0+$0x40];
	(erf) = vpow2.f32 v8  }
0x67: {  	v6 =	vld [tilespmem:s12+$0x60];
	(xrf2) =	vadd.scan.msk.f32 $0xffff, v4;
	v1 =	vbroadcast v1, $0xF;
	v8, _, _ =	vpop (xrf2)  }
0x68: {  	v13 =	vld [tilespmem:s0+$0x30];
	(xrf2) =	vadd.scan.msk.f32 $0xffff, v2;
	v2 =	vmul.f32 v9, v11;
	v8 =	vmul.f32 $1.442695020e+00, v8;
	v4, _, _ =	vpop (xrf2)  }
0x69: {  	v15 =	vld [tilespmem:s12+$0x80];
	(erf) = vpow2.f32 v1;
	v4 =	vmul.f32 $1.442695020e+00, v4;
	v11 =	vpop (erf)  }
0x6a: {  	v9, _, _ =	vpop (xrf2);
	(xrf2) =	vadd.scan.msk.f32 $0xffff, v2;
	v1 =	vbroadcast v8, $0xF;
	v8 =	vld [tilespmem:s12+$0xFFFFFF00];
	v2 =	vmul.f32 v11, v5  }
0x6b: {  	v19 =	vld [tilespmem:s12+$0xFFFFFF30];
	v9 =	vmul.f32 $1.442695020e+00, v9;
	v4 =	vbroadcast v4, $0xF  }
0x6c: {  	v14 =	vmul.f32 v14, v12;
	v7 =	vld [tilespmem:s12+$0xA0];
	(erf) = vpow2.f32 v1  }
0x6d: {  	s18 =	simm.s32 $0x4500;
	v20 =	vld [tilespmem:s12+$0xFFFFFF70];
	v21 =	vmul.f32 v13, v6;
	(erf) = vpow2.f32 v4  }
0x6e: {  	v15 =	vmul.f32 v10, v15;
	v4 =	vld [tilespmem:s12+$0xFFFFFF50];
	v5 =	vbroadcast v9, $0xF;
	[tilespmem:s18+$0xE0] =	vst v2;
	v2, _, _ =	vpop (xrf2)  }
0x6f: {  	v12 =	vld [tilespmem:s12+$0xFFFFFFD0];
	v9 =	vpop (erf);
	v3 =	vmul.f32 v3, v8;
	v2 =	vmul.f32 $1.442695020e+00, v2  }
0x70: {  	v13 =	vld [tilespmem:s12+$0xFFFFFF90];
	v6 =	vmul.f32 v9, v19;
	(erf) = vpow2.f32 v5  }
0x71: {  	v10 =	vmul.f32 v16, v7;
	v7 =	vld [tilespmem:s12+$0xFFFFFFB0];
	[tilespmem:s18+$0xFFFFFF30] =	vst v9;
	(xrf2) =	vadd.scan.msk.f32 $0xffff, v3;
	v9, _, _ =	vpop (xrf2);
	v2 =	vbroadcast v2, $0xF  }
0x72: {  	v1 =	vld [tilespmem:s12+$0xFFFFFF10];
	[tilespmem:s18+$0xF0] =	vst v11;
	v5 =	vpop (erf);
	v59 =	vmul.f32 $1.442695020e+00, v9  }
0x73: {  	v11 =	vld [tilespmem:s12+$0xFFFFFFF0];
	[tilespmem:s18+$0xFFFFFF20] =	vst v6;
	v4 =	vmul.f32 v5, v4;
	(erf) = vpow2.f32 v2  }
0x74: {  	v8 =	vld [tilespmem:s12+$0x30];
	(xrf2) =	vadd.scan.msk.f32 $0xffff, v14;
	[tilespmem:s18+$0xFFFFFF50] =	vst v5;
	v6, _, _ =	vpop (xrf2);
	v2 =	vbroadcast v59, $0xF  }
0x75: {  	v9 =	vld [tilespmem:s12+$0x10];
	v5 =	vpop (erf);
	[tilespmem:s18+$0xFFFFFF40] =	vst v4;
	v60 =	vmul.f32 $1.442695020e+00, v6  }
0x76: {  	v6 =	vld [tilespmem:s12+$0x50];
	v4 =	vmul.f32 v5, v20;
	[tilespmem:s18+$0xFFFFFF70] =	vst v5;
	v61 =	vpop (erf);
	(erf) = vpow2.f32 v2  }
0x77: {  	(xrf2) =	vadd.scan.msk.f32 $0xffff, v21;
	v3, _, _ =	vpop (xrf2);
	v5 =	vld [tilespmem:s12+$0x70];
	v62 =	vmul.f32 v61, v13;
	v19 =	vbroadcast v60, $0xF;
	[tilespmem:s18+$0xFFFFFF90] =	vst v61  }
0x78: {  	v14 =	vmul.f32 $1.442695020e+00, v3;
	v3 =	vld [tilespmem:s12+$0xB0];
	[tilespmem:s18+$0xFFFFFF60] =	vst v4  }
0x79: {  	v13 =	vmul.f32 v18, v17;
	v4 =	vld [tilespmem:s12+$0x90];
	[tilespmem:s18+$0xFFFFFF80] =	vst v62;
	v63 =	vpop (erf);
	(erf) = vpow2.f32 v19  }
0x7a: {  	s11 =	simm.s32 $0x0;
	(xrf2) =	vadd.scan.msk.f32 $0xffff, v15;
	v14 =	vbroadcast v14, $0xF;
	v2 =	vld [tilespmem:s12+$0xD0];
	s12 =	simm.s32 $0x1700;
	v7 =	vmul.f32 v63, v7;
	[tilespmem:s18+$0xFFFFFFB0] =	vst v63  }
.LBB2_8:
0x7b: {  	v15 =	vld [tilespmem:s12+$0xE0];
	s0 =	sadd.s32 $0x100, s0;
	v16, _, _ =	vpop (xrf2)  }
0x7c: {  	s11 =	sadd.s32 $0x10, s11;
	v17 =	vld [tilespmem:s0+$0x70];
	v19 =	vmul.f32 $1.442695020e+00, v16;
	[tilespmem:s18+$0xFFFFFFA0] =	vst v7;
	v18 =	vpop (erf);
	(erf) = vpow2.f32 v14  }
0x7d: {  	p0 =	slt.u32 s11, $0x70;
	v7 =	vld [tilespmem:s0+$0xFFFFFF80];
	v12 =	vmul.f32 v18, v12;
	[tilespmem:s18+$0xFFFFFFD0] =	vst v18;
	(xrf2) =	vadd.scan.msk.f32 $0xffff, v10  }
0x7e: {  	v10 =	vld [tilespmem:s12+$0xFFFFFF20];
	v14 =	vbroadcast v19, $0xF;
	v16, _, _ =	vpop (xrf2)  }
0x7f: {  	v18 =	vld [tilespmem:s0+$0xFFFFFF90];
	[tilespmem:s18+$0xFFFFFFC0] =	vst v12;
	v12 =	vmul.f32 $1.442695020e+00, v16;
	v16 =	vpop (erf)  }
0x80: {  	v19 =	vld [tilespmem:s12+$0xFFFFFF40];
	v11 =	vmul.f32 v16, v11;
	[tilespmem:s18+$0xFFFFFFF0] =	vst v16;
	(erf) = vpow2.f32 v14;
	(xrf2) =	vadd.scan.msk.f32 $0xffff, v13  }
0x81: {  	v13 =	vld [tilespmem:s0+$0xFFFFFFA0];
	v20 =	vmul.f32 v17, v15;
	v12 =	vbroadcast v12, $0xF;
	v15, _, _ =	vpop (xrf2)  }
0x82: {  	v16 =	vld [tilespmem:s12+$0xFFFFFF60];
	[tilespmem:s18+$0xFFFFFFE0] =	vst v11;
	v11 =	vmul.f32 $1.442695020e+00, v15;
	v15 =	vpop (erf)  }
0x83: {  	v17 =	vld [tilespmem:s0+$0xFFFFFFB0];
	(xrf2) =	vadd.scan.msk.f32 $0xffff, v20;
	v9 =	vmul.f32 v15, v9;
	[tilespmem:s18+$0x10] =	vst v15;
	(erf) = vpow2.f32 v12  }
0x84: {  	v10 =	vmul.f32 v18, v10;
	v12 =	vld [tilespmem:s12+$0xFFFFFF80];
	v20 =	vbroadcast v11, $0xF;
	v14, _, _ =	vpop (xrf2)  }
0x85: {  	v15 =	vld [tilespmem:s0+$0xFFFFFFC0];
	[tilespmem:s18+$0x0] =	vst v9;
	v9 =	vmul.f32 $1.442695020e+00, v14;
	v14 =	vpop (erf)  }
0x86: {  	v13 =	vmul.f32 v13, v19;
	v18 =	vld [tilespmem:s12+$0xFFFFFFA0];
	(xrf2) =	vadd.scan.msk.f32 $0xffff, v10;
	[tilespmem:s18+$0x30] =	vst v14;
	(erf) = vpow2.f32 v20  }
0x87: {  	v19 =	vmul.f32 v14, v8;
	v10 =	vld [tilespmem:s0+$0xFFFFFFD0];
	v9 =	vbroadcast v9, $0xF;
	v11, _, _ =	vpop (xrf2)  }
0x88: {  	v14 =	vmul.f32 v17, v16;
	v16 =	vld [tilespmem:s12+$0xFFFFFFC0];
	v11 =	vmul.f32 $1.442695020e+00, v11  }
0x89: {  	v17 =	vld [tilespmem:s0+$0xFFFFFFE0];
	(xrf2) =	vadd.scan.msk.f32 $0xffff, v13;
	[tilespmem:s18+$0x20] =	vst v19;
	v8 =	vpop (erf);
	(erf) = vpow2.f32 v9  }
0x8a: {  	v9 =	vmul.f32 v15, v12;
	v12 =	vld [tilespmem:s12+$0xFFFFFFE0];
	[tilespmem:s18+$0xFFFFFF10] =	vst v8;
	v11 =	vbroadcast v11, $0xF;
	v13, _, _ =	vpop (xrf2)  }
0x8b: {  	v1 =	vmul.f32 v8, v1;
	v15 =	vld [tilespmem:s0+$0xFFFFFFF0];
	v8 =	vmul.f32 $1.442695020e+00, v13  }
0x8c: {  	v10 =	vmul.f32 v10, v18;
	v13 =	vld [tilespmem:s12+$0x0];
	(xrf2) =	vadd.scan.msk.f32 $0xffff, v14;
	v14 =	vpop (erf);
	(erf) = vpow2.f32 v11  }
0x8d: {  	v11 =	vld [tilespmem:s0+$0x0];
	v18, _, _ =	vpop (xrf2);
	[tilespmem:s18+$0xFFFFFF00] =	vst v1;
	v19 =	vmul.f32 v14, v6;
	v6 =	vbroadcast v8, $0xF  }
0x8e: {  	v8 =	vmul.f32 v17, v16;
	v16 =	vld [tilespmem:s12+$0x20];
	v17 =	vmul.f32 $1.442695020e+00, v18;
	[tilespmem:s18+$0x50] =	vst v14  }
0x8f: {  	v14 =	vld [tilespmem:s0+$0x10];
	(xrf2) =	vadd.scan.msk.f32 $0xffff, v9;
	[tilespmem:s18+$0x40] =	vst v19;
	v1 =	vpop (erf);
	(erf) = vpow2.f32 v6  }
0x90: {  	v6 =	vmul.f32 v15, v12;
	v9 =	vld [tilespmem:s12+$0x40];
	v12 =	vbroadcast v17, $0xF;
	v15, _, _ =	vpop (xrf2);
	[tilespmem:s18+$0x70] =	vst v1  }
0x91: {  	v1 =	vmul.f32 v1, v5;
	v18 =	vmul.f32 $1.442695020e+00, v15;
	v17 =	vld [tilespmem:s0+$0x20]  }
0x92: {  	v5 =	vmul.f32 v11, v13;
	v11 =	vld [tilespmem:s12+$0x60];
	(xrf2) =	vadd.scan.msk.f32 $0xffff, v10;
	(erf) = vpow2.f32 v12;
	v10 =	vpop (erf)  }
0x93: {  	v12 =	vbroadcast v18, $0xF;
	v13 =	vld [tilespmem:s0+$0x30];
	v15, _, _ =	vpop (xrf2);
	[tilespmem:s18+$0x60] =	vst v1;
	v18 =	vmul.f32 v10, v4  }
0x94: {  	v4 =	vmul.f32 $1.442695020e+00, v15;
	v14 =	vmul.f32 v14, v16;
	v15 =	vld [tilespmem:s12+$0x80];
	[tilespmem:s18+$0x90] =	vst v10  }
0x95: {  	v10 =	vld [tilespmem:s0+$0x40];
	(erf) = vpow2.f32 v12;
	(xrf2) =	vadd.scan.msk.f32 $0xffff, v8;
	[tilespmem:s18+$0x80] =	vst v18;
	v1 =	vpop (erf)  }
0x96: {  	v18 =	vbroadcast v4, $0xF;
	v16 =	vmul.f32 v17, v9;
	v8 =	vld [tilespmem:s12+$0xA0];
	v9, _, _ =	vpop (xrf2);
	[tilespmem:s18+$0xB0] =	vst v1  }
0x97: {  	v1 =	vmul.f32 v1, v3;
	v9 =	vmul.f32 $1.442695020e+00, v9;
	v12 =	vld [tilespmem:s12+$0xF0]  }
0x98: {  	v3 =	vmul.f32 v13, v11;
	v11 =	vld [tilespmem:s0+$0x50];
	(erf) = vpow2.f32 v18;
	(xrf2) =	vadd.scan.msk.f32 $0xffff, v6;
	v4 =	vpop (erf)  }
0x99: {  	v6 =	vbroadcast v9, $0xF;
	v9 =	vld [tilespmem:s12+$0xC0];
	v13, _, _ =	vpop (xrf2);
	[tilespmem:s18+$0xA0] =	vst v1;
	v1 =	vmul.f32 v4, v2  }
0x9a: {  	v2 =	vmul.f32 $1.442695020e+00, v13;
	v15 =	vmul.f32 v10, v15;
	v13 =	vld [tilespmem:s0+$0x60];
	[tilespmem:s18+$0xD0] =	vst v4  }
0x9b: {  	v4 =	vld [tilespmem:s12+$0xFFFFFF00];
	(erf) = vpow2.f32 v6;
	(xrf2) =	vadd.scan.msk.f32 $0xffff, v5;
	v5 =	vpop (erf);
	[tilespmem:s18+$0xC0] =	vst v1  }
0x9c: {  	v1 =	vld [tilespmem:s12+$0xFFFFFF10];
	v2 =	vbroadcast v2, $0xF;
	v18 =	vmul.f32 v5, v12;
	v10, _, _ =	vpop (xrf2)  }
0x9d: {  	s18 =	sadd.s32 $0x200, s18;
	v12 =	vld [tilespmem:s12+$0xFFFFFF30];
	v17 =	vmul.f32 $1.442695020e+00, v10;
	v10 =	vmul.f32 v11, v8  }
0x9e: {  	v8 =	vld [tilespmem:s12+$0xFFFFFF50];
	[tilespmem:s18+$0xE0] =	vst v18;
	v6 =	vpop (erf);
	(erf) = vpow2.f32 v2;
	(xrf2) =	vadd.scan.msk.f32 $0xffff, v14  }
0x9f: {  	[tilespmem:s18+$0xFFFFFF30] =	vst v6;
	v2 =	vld [tilespmem:s12+$0xFFFFFF70];
	v11 =	vbroadcast v17, $0xF;
	v13 =	vmul.f32 v13, v9;
	v9, _, _ =	vpop (xrf2)  }
0xa0: {  	v18 =	vmul.f32 v7, v4;
	v7 =	vld [tilespmem:s12+$0xFFFFFF90];
	v9 =	vmul.f32 $1.442695020e+00, v9;
	[tilespmem:s18+$0xF0] =	vst v5  }
0xa1: {  	v14 =	vld [tilespmem:s12+$0xFFFFFFB0];
	v5 =	vpop (erf);
	(erf) = vpow2.f32 v11  }
0xa2: {  	v19 =	vmul.f32 v6, v12;
	[tilespmem:s18+$0xFFFFFF50] =	vst v5;
	v12 =	vld [tilespmem:s12+$0xFFFFFFD0];
	v17 =	vbroadcast v9, $0xF;
	(xrf2) =	vadd.scan.msk.f32 $0xffff, v18;
	v4, _, _ =	vpop (xrf2)  }
0xa3: {  	v18 =	vmul.f32 v5, v8;
	v11 =	vld [tilespmem:s12+$0xFFFFFFF0];
	v4 =	vmul.f32 $1.442695020e+00, v4  }
0xa4: {  	[tilespmem:s18+$0xFFFFFF20] =	vst v19;
	v9 =	vld [tilespmem:s12+$0x10];
	v6 =	vpop (erf);
	(erf) = vpow2.f32 v17  }
0xa5: {  	[tilespmem:s18+$0xFFFFFF40] =	vst v18;
	v17 =	vmul.f32 v6, v2;
	v4 =	vbroadcast v4, $0xF;
	v8 =	vld [tilespmem:s12+$0x30];
	v5, _, _ =	vpop (xrf2);
	(xrf2) =	vadd.scan.msk.f32 $0xffff, v16  }
0xa6: {  	[tilespmem:s18+$0xFFFFFF70] =	vst v6;
	v16 =	vmul.f32 $1.442695020e+00, v5;
	v6 =	vld [tilespmem:s12+$0x50]  }
.Ltmp3:
0xa7: {  	[tilespmem:s18+$0xFFFFFF60] =	vst v17;
	v5 =	vld [tilespmem:s12+$0x70];
	v2 =	vpop (erf);
	(erf) = vpow2.f32 v4;
	(pc) =	sbr.rel @p0 .LBB2_8-.Ltmp3, $4  }
0xa8: {  	v7 =	vmul.f32 v2, v7;
	[tilespmem:s18+$0xFFFFFF90] =	vst v2;
	v16 =	vbroadcast v16, $0xF;
	v4 =	vld [tilespmem:s12+$0x90];
	v2, _, _ =	vpop (xrf2);
	(xrf2) =	vadd.scan.msk.f32 $0xffff, v3  }
0xa9: {  	v17 =	vmul.f32 $1.442695020e+00, v2;
	v3 =	vld [tilespmem:s12+$0xB0]  }
0xaa: {  	[tilespmem:s18+$0xFFFFFF80] =	vst v7;
	v2 =	vld [tilespmem:s12+$0xD0];
	v18 =	vpop (erf);
	(erf) = vpow2.f32 v16  }
0xab: {  	s12 =	sadd.s32 $0x200, s12;
	v7 =	vmul.f32 v18, v14;
	[tilespmem:s18+$0xFFFFFFB0] =	vst v18;
	v14 =	vbroadcast v17, $0xF;
	(xrf2) =	vadd.scan.msk.f32 $0xffff, v15  }
0xac: {  	_ = 	snop  }
0xad: {  	(xrf2) =	vadd.scan.msk.f32 $0xffff, v10;
	v10, _, _ =	vpop (xrf2)  }
0xae: {  	v10 =	vmul.f32 $1.442695020e+00, v10  }
0xaf: {  	(xrf2) =	vadd.scan.msk.f32 $0xffff, v13  }
0xb0: {  	v10 =	vbroadcast v10, $0xF  }
0xb1: {  	(erf) = vpow2.f32 v14;
	v14 =	vpop (erf)  }
0xb2: {  	v13, _, _ =	vpop (xrf2)  }
0xb3: {  	[tilespmem:s18+$0xFFFFFFA0] =	vst v7;
	v12 =	vmul.f32 v14, v12;
	v13 =	vmul.f32 $1.442695020e+00, v13;
	v7 =	vpop (erf)  }
0xb4: {  	(erf) = vpow2.f32 v10;
	v10, _, _ =	vpop (xrf2)  }
0xb5: {  	v13 =	vbroadcast v13, $0xF;
	v10 =	vmul.f32 $1.442695020e+00, v10;
	v15, _, _ =	vpop (xrf2)  }
0xb6: {  	[tilespmem:s18+$0xFFFFFFD0] =	vst v14;
	v11 =	vmul.f32 v7, v11;
	v15 =	vmul.f32 $1.442695020e+00, v15  }
0xb7: {  	[tilespmem:s18+$0xFFFFFFC0] =	vst v12;
	v12 =	vpop (erf);
	(erf) = vpow2.f32 v13;
	v10 =	vbroadcast v10, $0xF  }
0xb8: {  	[tilespmem:s18+$0xFFFFFFF0] =	vst v7;
	v7 =	vmul.f32 v12, v9;
	v14, _, _ =	vpop (xrf2);
	v13 =	vbroadcast v15, $0xF  }
0xb9: {  	v9, _, _ =	vpop (xrf2);
	(erf) = vpow2.f32 v10;
	v10 =	vmul.f32 $1.442695020e+00, v14  }
0xba: {  	v9 =	vmul.f32 $1.442695020e+00, v9  }
0xbb: {  	[tilespmem:s18+$0xFFFFFFE0] =	vst v11;
	(erf) = vpow2.f32 v13;
	v10 =	vbroadcast v10, $0xF  }
0xbc: {  	v11 =	vpop (erf);
	[tilespmem:s18+$0x0] =	vst v7;
	v7 =	vbroadcast v9, $0xF  }
0xbd: {  	[tilespmem:s18+$0x10] =	vst v12;
	v8 =	vmul.f32 v11, v8;
	(erf) = vpow2.f32 v10  }
0xbe: {  	[tilespmem:s18+$0x30] =	vst v11;
	v9 =	vpop (erf)  }
0xbf: {  	[tilespmem:s18+$0x20] =	vst v8;
	v1 =	vmul.f32 v9, v1;
	(erf) = vpow2.f32 v7  }
0xc0: {  	[tilespmem:s18+$0xFFFFFF10] =	vst v9;
	v7 =	vpop (erf)  }
0xc1: {  	[tilespmem:s18+$0xFFFFFF00] =	vst v1;
	v1 =	vmul.f32 v7, v6  }
0xc2: {  	[tilespmem:s18+$0x50] =	vst v7;
	v6 =	vpop (erf)  }
0xc3: {  	[tilespmem:s18+$0x40] =	vst v1;
	v1 =	vmul.f32 v6, v5  }
0xc4: {  	[tilespmem:s18+$0x70] =	vst v6;
	v5 =	vpop (erf)  }
0xc5: {  	[tilespmem:s18+$0x60] =	vst v1;
	v1 =	vmul.f32 v5, v4  }
0xc6: {  	[tilespmem:s18+$0x90] =	vst v5;
	v4 =	vpop (erf)  }
0xc7: {  	[tilespmem:s18+$0x80] =	vst v1;
	v1 =	vmul.f32 v4, v3  }
0xc8: {  	[tilespmem:s18+$0xB0] =	vst v4;
	v3 =	vpop (erf)  }
0xc9: {  	s0 =	sshll.u32 s8, $0x8;
	[tilespmem:s18+$0xA0] =	vst v1;
	v1 =	vmul.f32 v3, v2  }
0xca: {  	s0 =	sand.u32 $0x3FFFFF00, s0;
	[tilespmem:s18+$0xD0] =	vst v3  }
0xcb: {  	p0 =	seq.s32 s8, $0x4;
	s0 =	sadd.s32 $0xA00, s0;
	[tilespmem:s18+$0xC0] =	vst v1  }
0xcc: {  	[spmem:s2] =	stream.indirect.scatter.add.f32 [tilespmem:s16], [sflag:$0x5], $0x20, s0, s20, $0xb8;
	[tilespmem:$0x1EB00] =	vst v63  }
0xcd: {  	s0 =	sshll.u32 @!p0 s8, $0x8  }
0xce: {  	s12 =	simm.s32 @!p0 $0x80;
	s18 =	simm.s32 @!p0 $0x1400;
	s11 =	sadd.s32 @!p0 $0x100, s0  }
0xcf: {  	[tilespmem:s18], [sflag:$0x3] =	stream.indirect.gather @!p0 [hbm4b:s5+s12], $0x20, s11, s12, $0xb8;
	[tilespmem:$0x1EB00] =	vst v63  }
0xd0: {  	s0 =	sadd.s32 @!p0 $0xB00, s0;
	s11 =	simm.s32 @!p0 $0x3400  }
0xd1: {  	[tilespmem:s11], [sflag:$0x3] =	stream.indirect.gather @!p0 [hbm4b:s1+s12], $0x10, s0, s12, $0xb8;
	[tilespmem:$0x1EB00] =	vst v63  }
0xd2: {  	_ =	swait.ge [sflag:s28], $0x1000  }
0xd3: {  	[sflag:s28] =	ssyncset.done $0x0  }
0xd4: {  	[sflag:s28] =	ssyncadd.s32 $0xFFFFF000  }
0xd5: {  	s18 =	sadd.s32 s15, s31;
	_ =	swait.ge [sflag:s28], $0x800  }
0xd6: {  	p0 =	seq.s32 s18, $0x1;
	[sflag:s28] =	ssyncset.done $0x0  }
0xd7: {  	s0 =	simm.s32 @!p0 $0x6;
	[sflag:s28] =	ssyncadd.s32 $0xFFFFF800  }
0xd8: {  	_ =	swait.ge @!p0 [sflag:s0], $0x1000  }
0xd9: {  	[sflag:s0] =	ssyncset.done @!p0 $0x0  }
0xda: {  	s31 =	simm.s32 $0x25F0;
	[sflag:s0] =	ssyncadd.s32 @!p0 $0xFFFFF000  }
0xdb: {  	s0 =	simm.s32 $0x3CF0;
	v1 =	vld [tilespmem:s31+$0xFFFFFFF0]  }
0xdc: {  	v2 =	vld [tilespmem:s0+$0x0]  }
0xdd: {  	v4 =	vld [tilespmem:s31+$0xFFFFFE30]  }
0xde: {  	v5 =	vld [tilespmem:s0+$0xFFFFFF20];
	_ =	sdelay $0x1  }
0xdf: {  	v6 =	vld [tilespmem:s31+$0xFFFFFE50]  }
0xe0: {  	v7 =	vld [tilespmem:s0+$0xFFFFFF30];
	v1 =	vmul.f32 v2, v1  }
0xe1: {  	v8 =	vld [tilespmem:s31+$0xFFFFFE70]  }
0xe2: {  	v4 =	vmul.f32 v5, v4;
	v5 =	vld [tilespmem:s31+$0xFFFFFE90];
	(xrf2) =	vadd.scan.msk.f32 $0xffff, v1  }
0xe3: {  	v1 =	vld [tilespmem:s0+$0xFFFFFF50]  }
0xe4: {  	v2 =	vld [tilespmem:s0+$0xFFFFFF40];
	_ =	sdelay $0x1  }
0xe5: {  	v3 =	vld [tilespmem:s0+$0xFFFFFF10]  }
0xe6: {  	v9 =	vld [tilespmem:s31+$0xFFFFFEB0];
	(xrf2) =	vadd.scan.msk.f32 $0xffff, v4  }
0xe7: {  	v10 =	vld [tilespmem:s0+$0xFFFFFF80];
	v4 =	vmul.f32 v7, v6;
	v1 =	vmul.f32 v1, v5  }
0xe8: {  	v11 =	vld [tilespmem:s31+$0xFFFFFF30];
	v2 =	vmul.f32 v2, v8  }
0xe9: {  	v6 =	vld [tilespmem:s0+$0xFFFFFF60];
	(xrf2) =	vadd.scan.msk.f32 $0xffff, v4  }
0xea: {  	v12 =	vld [tilespmem:s31+$0xFFFFFF50];
	(xrf2) =	vadd.scan.msk.f32 $0xffff, v2  }
0xeb: {  	v14 =	vld [tilespmem:s0+$0xFFFFFFB0];
	(xrf2) =	vadd.scan.msk.f32 $0xffff, v1;
	v1, _, _ =	vpop (xrf2)  }
0xec: {  	v7 =	vld [tilespmem:s31+$0xFFFFFED0];
	v1 =	vmul.f32 $1.442695020e+00, v1  }
0xed: {  	v8 =	vld [tilespmem:s0+$0xFFFFFF70]  }
0xee: {  	v4 =	vld [tilespmem:s31+$0xFFFFFEF0];
	v6 =	vmul.f32 v6, v9;
	v1 =	vbroadcast v1, $0xF  }
0xef: {  	v2 =	vld [tilespmem:s31+$0xFFFFFF10]  }
0xf0: {  	v5 =	vld [tilespmem:s0+$0xFFFFFF90];
	(xrf2) =	vadd.scan.msk.f32 $0xffff, v6;
	v13, _, _ =	vpop (xrf2);
	(erf) = vpow2.f32 v1  }
0xf1: {  	v16 =	vld [tilespmem:s0+$0xFFFFFFE0];
	v13 =	vmul.f32 $1.442695020e+00, v13  }
0xf2: {  	v17 =	vld [tilespmem:s31+$0xFFFFFFD0];
	v7 =	vmul.f32 v8, v7  }
0xf3: {  	v9 =	vld [tilespmem:s0+$0xFFFFFFA0];
	v8 =	vbroadcast v13, $0xF  }
0xf4: {  	v18 =	vld [tilespmem:s0+$0xFFFFFFF0];
	v4 =	vmul.f32 v10, v4;
	(xrf2) =	vadd.scan.msk.f32 $0xffff, v7;
	v15, _, _ =	vpop (xrf2)  }
0xf5: {  	v2 =	vmul.f32 v5, v2;
	v5 =	vld [tilespmem:s31+$0x0];
	v1 =	vmul.f32 $1.442695020e+00, v15  }
0xf6: {  	v10 =	vld [tilespmem:s0+$0xFFFFFFD0];
	(erf) = vpow2.f32 v8  }
0xf7: {  	v6 =	vld [tilespmem:s31+$0xFFFFFF70];
	(xrf2) =	vadd.scan.msk.f32 $0xffff, v4;
	v1 =	vbroadcast v1, $0xF;
	v8, _, _ =	vpop (xrf2)  }
0xf8: {  	v13 =	vld [tilespmem:s0+$0xFFFFFFC0];
	(xrf2) =	vadd.scan.msk.f32 $0xffff, v2;
	v2 =	vmul.f32 v9, v11;
	v8 =	vmul.f32 $1.442695020e+00, v8;
	v4, _, _ =	vpop (xrf2)  }
0xf9: {  	v15 =	vld [tilespmem:s31+$0xFFFFFF90];
	(erf) = vpow2.f32 v1;
	v4 =	vmul.f32 $1.442695020e+00, v4;
	v11 =	vpop (erf)  }
0xfa: {  	v9, _, _ =	vpop (xrf2);
	(xrf2) =	vadd.scan.msk.f32 $0xffff, v2;
	v1 =	vbroadcast v8, $0xF;
	v8 =	vld [tilespmem:s31+$0xFFFFFE10];
	v2 =	vmul.f32 v11, v5  }
0xfb: {  	v19 =	vld [tilespmem:s31+$0xFFFFFE40];
	v9 =	vmul.f32 $1.442695020e+00, v9;
	v4 =	vbroadcast v4, $0xF  }
0xfc: {  	v14 =	vmul.f32 v14, v12;
	v7 =	vld [tilespmem:s31+$0xFFFFFFB0];
	(erf) = vpow2.f32 v1  }
0xfd: {  	s18 =	simm.s32 $0x55F0;
	v20 =	vld [tilespmem:s31+$0xFFFFFE80];
	v21 =	vmul.f32 v13, v6;
	(erf) = vpow2.f32 v4  }
0xfe: {  	v15 =	vmul.f32 v10, v15;
	v4 =	vld [tilespmem:s31+$0xFFFFFE60];
	v5 =	vbroadcast v9, $0xF;
	[tilespmem:s18+$0xFFFFFFF0] =	vst v2;
	v2, _, _ =	vpop (xrf2)  }
0xff: {  	v12 =	vld [tilespmem:s31+$0xFFFFFEE0];
	v9 =	vpop (erf);
	v3 =	vmul.f32 v3, v8;
	v2 =	vmul.f32 $1.442695020e+00, v2  }
0x100: {  	v13 =	vld [tilespmem:s31+$0xFFFFFEA0];
	v6 =	vmul.f32 v9, v19;
	(erf) = vpow2.f32 v5  }
0x101: {  	v10 =	vmul.f32 v16, v7;
	v7 =	vld [tilespmem:s31+$0xFFFFFEC0];
	[tilespmem:s18+$0xFFFFFE40] =	vst v9;
	(xrf2) =	vadd.scan.msk.f32 $0xffff, v3;
	v9, _, _ =	vpop (xrf2);
	v2 =	vbroadcast v2, $0xF  }
0x102: {  	v1 =	vld [tilespmem:s31+$0xFFFFFE20];
	[tilespmem:s18+$0x0] =	vst v11;
	v5 =	vpop (erf);
	v59 =	vmul.f32 $1.442695020e+00, v9  }
0x103: {  	v11 =	vld [tilespmem:s31+$0xFFFFFF00];
	[tilespmem:s18+$0xFFFFFE30] =	vst v6;
	v4 =	vmul.f32 v5, v4;
	(erf) = vpow2.f32 v2  }
0x104: {  	v8 =	vld [tilespmem:s31+$0xFFFFFF40];
	(xrf2) =	vadd.scan.msk.f32 $0xffff, v14;
	[tilespmem:s18+$0xFFFFFE60] =	vst v5;
	v6, _, _ =	vpop (xrf2);
	v2 =	vbroadcast v59, $0xF  }
0x105: {  	v9 =	vld [tilespmem:s31+$0xFFFFFF20];
	v5 =	vpop (erf);
	[tilespmem:s18+$0xFFFFFE50] =	vst v4;
	v60 =	vmul.f32 $1.442695020e+00, v6  }
0x106: {  	v6 =	vld [tilespmem:s31+$0xFFFFFF60];
	v4 =	vmul.f32 v5, v20;
	[tilespmem:s18+$0xFFFFFE80] =	vst v5;
	v61 =	vpop (erf);
	(erf) = vpow2.f32 v2  }
0x107: {  	(xrf2) =	vadd.scan.msk.f32 $0xffff, v21;
	v3, _, _ =	vpop (xrf2);
	v5 =	vld [tilespmem:s31+$0xFFFFFF80];
	v62 =	vmul.f32 v61, v13;
	v19 =	vbroadcast v60, $0xF;
	[tilespmem:s18+$0xFFFFFEA0] =	vst v61  }
0x108: {  	v14 =	vmul.f32 $1.442695020e+00, v3;
	v3 =	vld [tilespmem:s31+$0xFFFFFFC0];
	[tilespmem:s18+$0xFFFFFE70] =	vst v4  }
0x109: {  	v13 =	vmul.f32 v18, v17;
	v4 =	vld [tilespmem:s31+$0xFFFFFFA0];
	[tilespmem:s18+$0xFFFFFE90] =	vst v62;
	v63 =	vpop (erf);
	(erf) = vpow2.f32 v19  }
0x10a: {  	s11 =	simm.s32 $0x0;
	s12 =	simm.s32 $0x27F0;
	(xrf2) =	vadd.scan.msk.f32 $0xffff, v15;
	v14 =	vbroadcast v14, $0xF;
	v2 =	vld [tilespmem:s31+$0xFFFFFFE0];
	v7 =	vmul.f32 v63, v7;
	[tilespmem:s18+$0xFFFFFEC0] =	vst v63  }
.LBB2_10:
0x10b: {  	v15 =	vld [tilespmem:s12+$0xFFFFFFF0];
	s0 =	sadd.s32 $0x100, s0;
	v16, _, _ =	vpop (xrf2)  }
0x10c: {  	s11 =	sadd.s32 $0x10, s11;
	v17 =	vld [tilespmem:s0+$0x0];
	v19 =	vmul.f32 $1.442695020e+00, v16;
	[tilespmem:s18+$0xFFFFFEB0] =	vst v7;
	v18 =	vpop (erf);
	(erf) = vpow2.f32 v14  }
0x10d: {  	p0 =	slt.u32 s11, $0x70;
	v7 =	vld [tilespmem:s0+$0xFFFFFF10];
	v12 =	vmul.f32 v18, v12;
	[tilespmem:s18+$0xFFFFFEE0] =	vst v18;
	(xrf2) =	vadd.scan.msk.f32 $0xffff, v10  }
0x10e: {  	v10 =	vld [tilespmem:s12+$0xFFFFFE30];
	v14 =	vbroadcast v19, $0xF;
	v16, _, _ =	vpop (xrf2)  }
0x10f: {  	v18 =	vld [tilespmem:s0+$0xFFFFFF20];
	[tilespmem:s18+$0xFFFFFED0] =	vst v12;
	v12 =	vmul.f32 $1.442695020e+00, v16;
	v16 =	vpop (erf)  }
0x110: {  	v19 =	vld [tilespmem:s12+$0xFFFFFE50];
	v11 =	vmul.f32 v16, v11;
	[tilespmem:s18+$0xFFFFFF00] =	vst v16;
	(erf) = vpow2.f32 v14;
	(xrf2) =	vadd.scan.msk.f32 $0xffff, v13  }
0x111: {  	v13 =	vld [tilespmem:s0+$0xFFFFFF30];
	v20 =	vmul.f32 v17, v15;
	v12 =	vbroadcast v12, $0xF;
	v15, _, _ =	vpop (xrf2)  }
0x112: {  	v16 =	vld [tilespmem:s12+$0xFFFFFE70];
	[tilespmem:s18+$0xFFFFFEF0] =	vst v11;
	v11 =	vmul.f32 $1.442695020e+00, v15;
	v15 =	vpop (erf)  }
0x113: {  	v17 =	vld [tilespmem:s0+$0xFFFFFF40];
	(xrf2) =	vadd.scan.msk.f32 $0xffff, v20;
	v9 =	vmul.f32 v15, v9;
	[tilespmem:s18+$0xFFFFFF20] =	vst v15;
	(erf) = vpow2.f32 v12  }
0x114: {  	v10 =	vmul.f32 v18, v10;
	v12 =	vld [tilespmem:s12+$0xFFFFFE90];
	v20 =	vbroadcast v11, $0xF;
	v14, _, _ =	vpop (xrf2)  }
0x115: {  	v15 =	vld [tilespmem:s0+$0xFFFFFF50];
	[tilespmem:s18+$0xFFFFFF10] =	vst v9;
	v9 =	vmul.f32 $1.442695020e+00, v14;
	v14 =	vpop (erf)  }
0x116: {  	v13 =	vmul.f32 v13, v19;
	v18 =	vld [tilespmem:s12+$0xFFFFFEB0];
	(xrf2) =	vadd.scan.msk.f32 $0xffff, v10;
	[tilespmem:s18+$0xFFFFFF40] =	vst v14;
	(erf) = vpow2.f32 v20  }
0x117: {  	v19 =	vmul.f32 v14, v8;
	v10 =	vld [tilespmem:s0+$0xFFFFFF60];
	v9 =	vbroadcast v9, $0xF;
	v11, _, _ =	vpop (xrf2)  }
0x118: {  	v14 =	vmul.f32 v17, v16;
	v16 =	vld [tilespmem:s12+$0xFFFFFED0];
	v11 =	vmul.f32 $1.442695020e+00, v11  }
0x119: {  	v17 =	vld [tilespmem:s0+$0xFFFFFF70];
	(xrf2) =	vadd.scan.msk.f32 $0xffff, v13;
	[tilespmem:s18+$0xFFFFFF30] =	vst v19;
	v8 =	vpop (erf);
	(erf) = vpow2.f32 v9  }
0x11a: {  	v9 =	vmul.f32 v15, v12;
	v12 =	vld [tilespmem:s12+$0xFFFFFEF0];
	[tilespmem:s18+$0xFFFFFE20] =	vst v8;
	v11 =	vbroadcast v11, $0xF;
	v13, _, _ =	vpop (xrf2)  }
0x11b: {  	v1 =	vmul.f32 v8, v1;
	v15 =	vld [tilespmem:s0+$0xFFFFFF80];
	v8 =	vmul.f32 $1.442695020e+00, v13  }
0x11c: {  	v10 =	vmul.f32 v10, v18;
	v13 =	vld [tilespmem:s12+$0xFFFFFF10];
	(xrf2) =	vadd.scan.msk.f32 $0xffff, v14;
	v14 =	vpop (erf);
	(erf) = vpow2.f32 v11  }
0x11d: {  	v11 =	vld [tilespmem:s0+$0xFFFFFF90];
	v18, _, _ =	vpop (xrf2);
	[tilespmem:s18+$0xFFFFFE10] =	vst v1;
	v19 =	vmul.f32 v14, v6;
	v6 =	vbroadcast v8, $0xF  }
0x11e: {  	v8 =	vmul.f32 v17, v16;
	v16 =	vld [tilespmem:s12+$0xFFFFFF30];
	v17 =	vmul.f32 $1.442695020e+00, v18;
	[tilespmem:s18+$0xFFFFFF60] =	vst v14  }
0x11f: {  	v14 =	vld [tilespmem:s0+$0xFFFFFFA0];
	(xrf2) =	vadd.scan.msk.f32 $0xffff, v9;
	[tilespmem:s18+$0xFFFFFF50] =	vst v19;
	v1 =	vpop (erf);
	(erf) = vpow2.f32 v6  }
0x120: {  	v6 =	vmul.f32 v15, v12;
	v9 =	vld [tilespmem:s12+$0xFFFFFF50];
	v12 =	vbroadcast v17, $0xF;
	v15, _, _ =	vpop (xrf2);
	[tilespmem:s18+$0xFFFFFF80] =	vst v1  }
0x121: {  	v1 =	vmul.f32 v1, v5;
	v18 =	vmul.f32 $1.442695020e+00, v15;
	v17 =	vld [tilespmem:s0+$0xFFFFFFB0]  }
0x122: {  	v5 =	vmul.f32 v11, v13;
	v11 =	vld [tilespmem:s12+$0xFFFFFF70];
	(xrf2) =	vadd.scan.msk.f32 $0xffff, v10;
	(erf) = vpow2.f32 v12;
	v10 =	vpop (erf)  }
0x123: {  	v12 =	vbroadcast v18, $0xF;
	v13 =	vld [tilespmem:s0+$0xFFFFFFC0];
	v15, _, _ =	vpop (xrf2);
	[tilespmem:s18+$0xFFFFFF70] =	vst v1;
	v18 =	vmul.f32 v10, v4  }
0x124: {  	v4 =	vmul.f32 $1.442695020e+00, v15;
	v14 =	vmul.f32 v14, v16;
	v15 =	vld [tilespmem:s12+$0xFFFFFF90];
	[tilespmem:s18+$0xFFFFFFA0] =	vst v10  }
0x125: {  	v10 =	vld [tilespmem:s0+$0xFFFFFFD0];
	(erf) = vpow2.f32 v12;
	(xrf2) =	vadd.scan.msk.f32 $0xffff, v8;
	[tilespmem:s18+$0xFFFFFF90] =	vst v18;
	v1 =	vpop (erf)  }
0x126: {  	v18 =	vbroadcast v4, $0xF;
	v16 =	vmul.f32 v17, v9;
	v8 =	vld [tilespmem:s12+$0xFFFFFFB0];
	v9, _, _ =	vpop (xrf2);
	[tilespmem:s18+$0xFFFFFFC0] =	vst v1  }
0x127: {  	v1 =	vmul.f32 v1, v3;
	v9 =	vmul.f32 $1.442695020e+00, v9;
	v12 =	vld [tilespmem:s12+$0x0]  }
0x128: {  	v3 =	vmul.f32 v13, v11;
	v11 =	vld [tilespmem:s0+$0xFFFFFFE0];
	(erf) = vpow2.f32 v18;
	(xrf2) =	vadd.scan.msk.f32 $0xffff, v6;
	v4 =	vpop (erf)  }
0x129: {  	v6 =	vbroadcast v9, $0xF;
	v9 =	vld [tilespmem:s12+$0xFFFFFFD0];
	v13, _, _ =	vpop (xrf2);
	[tilespmem:s18+$0xFFFFFFB0] =	vst v1;
	v1 =	vmul.f32 v4, v2  }
0x12a: {  	v2 =	vmul.f32 $1.442695020e+00, v13;
	v15 =	vmul.f32 v10, v15;
	v13 =	vld [tilespmem:s0+$0xFFFFFFF0];
	[tilespmem:s18+$0xFFFFFFE0] =	vst v4  }
0x12b: {  	v4 =	vld [tilespmem:s12+$0xFFFFFE10];
	(erf) = vpow2.f32 v6;
	(xrf2) =	vadd.scan.msk.f32 $0xffff, v5;
	v5 =	vpop (erf);
	[tilespmem:s18+$0xFFFFFFD0] =	vst v1  }
0x12c: {  	v1 =	vld [tilespmem:s12+$0xFFFFFE20];
	v2 =	vbroadcast v2, $0xF;
	v18 =	vmul.f32 v5, v12;
	v10, _, _ =	vpop (xrf2)  }
0x12d: {  	s18 =	sadd.s32 $0x200, s18;
	v12 =	vld [tilespmem:s12+$0xFFFFFE40];
	v17 =	vmul.f32 $1.442695020e+00, v10;
	v10 =	vmul.f32 v11, v8  }
0x12e: {  	v8 =	vld [tilespmem:s12+$0xFFFFFE60];
	[tilespmem:s18+$0xFFFFFFF0] =	vst v18;
	v6 =	vpop (erf);
	(erf) = vpow2.f32 v2;
	(xrf2) =	vadd.scan.msk.f32 $0xffff, v14  }
0x12f: {  	[tilespmem:s18+$0xFFFFFE40] =	vst v6;
	v2 =	vld [tilespmem:s12+$0xFFFFFE80];
	v11 =	vbroadcast v17, $0xF;
	v13 =	vmul.f32 v13, v9;
	v9, _, _ =	vpop (xrf2)  }
0x130: {  	v18 =	vmul.f32 v7, v4;
	v7 =	vld [tilespmem:s12+$0xFFFFFEA0];
	v9 =	vmul.f32 $1.442695020e+00, v9;
	[tilespmem:s18+$0x0] =	vst v5  }
0x131: {  	v14 =	vld [tilespmem:s12+$0xFFFFFEC0];
	v5 =	vpop (erf);
	(erf) = vpow2.f32 v11  }
0x132: {  	v19 =	vmul.f32 v6, v12;
	[tilespmem:s18+$0xFFFFFE60] =	vst v5;
	v12 =	vld [tilespmem:s12+$0xFFFFFEE0];
	v17 =	vbroadcast v9, $0xF;
	(xrf2) =	vadd.scan.msk.f32 $0xffff, v18;
	v4, _, _ =	vpop (xrf2)  }
0x133: {  	v18 =	vmul.f32 v5, v8;
	v11 =	vld [tilespmem:s12+$0xFFFFFF00];
	v4 =	vmul.f32 $1.442695020e+00, v4  }
0x134: {  	[tilespmem:s18+$0xFFFFFE30] =	vst v19;
	v9 =	vld [tilespmem:s12+$0xFFFFFF20];
	v6 =	vpop (erf);
	(erf) = vpow2.f32 v17  }
0x135: {  	[tilespmem:s18+$0xFFFFFE50] =	vst v18;
	v17 =	vmul.f32 v6, v2;
	v4 =	vbroadcast v4, $0xF;
	v8 =	vld [tilespmem:s12+$0xFFFFFF40];
	v5, _, _ =	vpop (xrf2);
	(xrf2) =	vadd.scan.msk.f32 $0xffff, v16  }
0x136: {  	[tilespmem:s18+$0xFFFFFE80] =	vst v6;
	v16 =	vmul.f32 $1.442695020e+00, v5;
	v6 =	vld [tilespmem:s12+$0xFFFFFF60]  }
.Ltmp4:
0x137: {  	[tilespmem:s18+$0xFFFFFE70] =	vst v17;
	v5 =	vld [tilespmem:s12+$0xFFFFFF80];
	v2 =	vpop (erf);
	(erf) = vpow2.f32 v4;
	(pc) =	sbr.rel @p0 .LBB2_10-.Ltmp4, $4  }
0x138: {  	v7 =	vmul.f32 v2, v7;
	[tilespmem:s18+$0xFFFFFEA0] =	vst v2;
	v16 =	vbroadcast v16, $0xF;
	v4 =	vld [tilespmem:s12+$0xFFFFFFA0];
	v2, _, _ =	vpop (xrf2);
	(xrf2) =	vadd.scan.msk.f32 $0xffff, v3  }
0x139: {  	v17 =	vmul.f32 $1.442695020e+00, v2;
	v3 =	vld [tilespmem:s12+$0xFFFFFFC0]  }
0x13a: {  	[tilespmem:s18+$0xFFFFFE90] =	vst v7;
	v2 =	vld [tilespmem:s12+$0xFFFFFFE0];
	v18 =	vpop (erf);
	(erf) = vpow2.f32 v16  }
0x13b: {  	s12 =	sadd.s32 $0x200, s12;
	v7 =	vmul.f32 v18, v14;
	[tilespmem:s18+$0xFFFFFEC0] =	vst v18;
	v14 =	vbroadcast v17, $0xF;
	(xrf2) =	vadd.scan.msk.f32 $0xffff, v15  }
0x13c: {  	_ = 	snop  }
0x13d: {  	(xrf2) =	vadd.scan.msk.f32 $0xffff, v10  }
0x13e: {  	v46, _, _ =	vpop (xrf2);
	(xrf2) =	vadd.scan.msk.f32 $0xffff, v13  }
0x13f: {  	v10 =	vmul.f32 $1.442695020e+00, v46;
	_ =	sdelay $0x1  }
0x140: {  	(erf) = vpow2.f32 v14;
	v47, _, _ =	vpop (xrf2);
	v10 =	vbroadcast v10, $0xF  }
0x141: {  	v13 =	vmul.f32 $1.442695020e+00, v47;
	v49, _, _ =	vpop (xrf2)  }
0x142: {  	v48 =	vpop (erf);
	(erf) = vpow2.f32 v10;
	v10 =	vmul.f32 $1.442695020e+00, v49  }
0x143: {  	v50 =	vpop (erf);
	v13 =	vbroadcast v13, $0xF  }
0x144: {  	v12 =	vmul.f32 v48, v12;
	v15, _, _ =	vpop (xrf2);
	v10 =	vbroadcast v10, $0xF  }
0x145: {  	[tilespmem:s18+$0xFFFFFEB0] =	vst v7;
	v53 =	vpop (erf);
	(erf) = vpow2.f32 v13;
	v15 =	vmul.f32 $1.442695020e+00, v15  }
0x146: {  	[tilespmem:s18+$0xFFFFFEE0] =	vst v48;
	v11 =	vmul.f32 v50, v11;
	v52, _, _ =	vpop (xrf2);
	(erf) = vpow2.f32 v10  }
0x147: {  	[tilespmem:s18+$0xFFFFFED0] =	vst v12;
	v54 =	vmul.f32 $1.442695020e+00, v52;
	v56, _, _ =	vpop (xrf2);
	v51 =	vbroadcast v15, $0xF  }
0x148: {  	[tilespmem:s18+$0xFFFFFF00] =	vst v50;
	v55 =	vmul.f32 v53, v9;
	v9 =	vmul.f32 $1.442695020e+00, v56  }
0x149: {  	[tilespmem:s18+$0xFFFFFEF0] =	vst v11;
	v57 =	vpop (erf);
	v10 =	vbroadcast v54, $0xF;
	(erf) = vpow2.f32 v51  }
0x14a: {  	[tilespmem:s18+$0xFFFFFF20] =	vst v53;
	v8 =	vmul.f32 v57, v8  }
0x14b: {  	[tilespmem:s18+$0xFFFFFF10] =	vst v55;
	v58 =	vbroadcast v9, $0xF;
	(erf) = vpow2.f32 v10  }
0x14c: {  	[tilespmem:s18+$0xFFFFFF40] =	vst v57;
	v59 =	vpop (erf)  }
0x14d: {  	[tilespmem:s18+$0xFFFFFF30] =	vst v8;
	v1 =	vmul.f32 v59, v1;
	(erf) = vpow2.f32 v58  }
0x14e: {  	[tilespmem:s18+$0xFFFFFE20] =	vst v59;
	v60 =	vpop (erf)  }
0x14f: {  	[tilespmem:s18+$0xFFFFFE10] =	vst v1;
	v1 =	vmul.f32 v60, v6  }
0x150: {  	[tilespmem:s18+$0xFFFFFF60] =	vst v60;
	v61 =	vpop (erf)  }
0x151: {  	[tilespmem:s18+$0xFFFFFF50] =	vst v1;
	v1 =	vmul.f32 v61, v5  }
0x152: {  	[tilespmem:s18+$0xFFFFFF80] =	vst v61;
	v62 =	vpop (erf)  }
0x153: {  	[tilespmem:s18+$0xFFFFFF70] =	vst v1;
	v1 =	vmul.f32 v62, v4  }
0x154: {  	s8 =	sadd.s32 $0x1, s8;
	[tilespmem:s18+$0xFFFFFFA0] =	vst v62;
	v63 =	vpop (erf)  }
0x155: {  	p0 =	sne.s32 s8, $0x5;
	[tilespmem:s18+$0xFFFFFF90] =	vst v1;
	v1 =	vmul.f32 v63, v3  }
.Ltmp5:
0x156: {  	[tilespmem:s18+$0xFFFFFFC0] =	vst v63;
	v3 =	vpop (erf);
	(pc) =	sbr.rel @p0 .LBB2_7-.Ltmp5, $4  }
0x157: {  	[tilespmem:s18+$0xFFFFFFB0] =	vst v1;
	v1 =	vmul.f32 v3, v2  }
0x158: {  	[tilespmem:s18+$0xFFFFFFE0] =	vst v3  }
0x159: {  	[tilespmem:s18+$0xFFFFFFD0] =	vst v1  }
0x15a: {  	[spmem:s2] =	stream.indirect.scatter.add.f32 [tilespmem:s29], [sflag:$0x6], $0x20, s4, s20, $0xb8;
	[tilespmem:$0x1EB00] =	vst v63  }
0x15b: {  	_ =	swait.ge [sflag:s30], $0x500  }
0x15c: {  	[sflag:s30] =	ssyncset.done $0x0  }
0x15d: {  	[sflag:s30] =	ssyncadd.s32 $0xFFFFFB00  }
0x15e: {  	_ =	swait.ge [sflag:s30], $0x500  }
0x15f: {  	[sflag:s30] =	ssyncset.done $0x0  }
0x160: {  	s0 =	simm.s32 $0x500;
	s31 =	sadd.s32 s15, s13;
	[sflag:s30] =	ssyncadd.s32 $0xFFFFFB00  }
0x161: {  	[tilespmem:s21], [sflag:$0x3] =	stream.indirect.gather [hbm4b:s5+s20], $0x20, s0, s20, $0xb8;
	[tilespmem:$0x1EB00] =	vst v63  }
0x162: {  	s0 =	sshll.u32 s31, $0x4  }
0x163: {  	s25 =	simm.s32 $0xF00;
	s15 =	simm.s32 $0x0;
	s0 =	sand.u32 $0x1FFFFFC0, s0  }
0x164: {  	[tilespmem:s22], [sflag:$0x3] =	stream.indirect.gather [hbm4b:s1+s20], $0x10, s25, s20, $0xb8;
	[tilespmem:$0x1EB00] =	vst v63  }
0x165: {  	p0 =	sgt.u32 s14, $0x12;
	s8 =	sadd.s32 s6, s0;
	s9 =	sadd.s32 s7, s0  }
.LBB2_13:
0x166: {  	s25 =	sshll.u32 s15, $0x8  }
0x167: {  	p1 =	sne.s32 @!p0 s15, $0x1;
	s0 =	sadd.s32 $0x580, s25  }
0x168: {  	[tilespmem:s23], [sflag:$0x4] =	stream.indirect.gather [hbm4b:s5+s20], $0x20, s0, s20, $0xb8;
	[tilespmem:$0x1EB00] =	vst v63  }
0x169: {  	s4 =	sadd.s32 $0xF80, s25;
	p1 =	por p1, p0  }
0x16a: {  	[tilespmem:s24], [sflag:$0x4] =	stream.indirect.gather [hbm4b:s1+s20], $0x10, s4, s20, $0xb8;
	[tilespmem:$0x1EB00] =	vst v63  }
0x16b: {  	s0 =	simm.s32 @!p1 $0x0  }
0x16c: {  	[tilespmem:s0], [sflag:$0x1] =	stream.linear.gather @!p1 [hbm4b:s8+s0], $0x500, $0x38;
	[tilespmem:$0x1EB00] =	vst v63  }
0x16d: {  	s11 =	simm.s32 @!p1 $0xA00  }
0x16e: {  	[tilespmem:s11], [sflag:$0x1] =	stream.linear.gather @!p1 [hbm4b:s9+s0], $0x500, $0x38;
	[tilespmem:$0x1EB00] =	vst v63  }
0x16f: {  	_ =	swait.ge [sflag:s26], $0x1000  }
0x170: {  	[sflag:s26] =	ssyncset.done $0x0  }
0x171: {  	[sflag:s26] =	ssyncadd.s32 $0xFFFFF000  }
0x172: {  	_ =	swait.ge [sflag:s26], $0x800  }
0x173: {  	[sflag:s26] =	ssyncset.done $0x0  }
0x174: {  	[sflag:s26] =	ssyncadd.s32 $0xFFFFF800  }
0x175: {  	_ =	swait.ge [sflag:s3], $0x1000  }
0x176: {  	[sflag:s3] =	ssyncset.done $0x0  }
0x177: {  	s12 =	simm.s32 $0x1500;
	[sflag:s3] =	ssyncadd.s32 $0xFFFFF000  }
0x178: {  	s0 =	simm.s32 $0x3480;
	v1 =	vld [tilespmem:s12+$0xE0]  }
0x179: {  	v2 =	vld [tilespmem:s0+$0x70]  }
0x17a: {  	v4 =	vld [tilespmem:s12+$0xFFFFFF20]  }
0x17b: {  	v5 =	vld [tilespmem:s0+$0xFFFFFF90];
	_ =	sdelay $0x1  }
0x17c: {  	v6 =	vld [tilespmem:s12+$0xFFFFFF40]  }
0x17d: {  	v7 =	vld [tilespmem:s0+$0xFFFFFFA0];
	v1 =	vmul.f32 v2, v1  }
0x17e: {  	v8 =	vld [tilespmem:s12+$0xFFFFFF60]  }
0x17f: {  	v4 =	vmul.f32 v5, v4;
	v5 =	vld [tilespmem:s12+$0xFFFFFF80];
	(xrf2) =	vadd.scan.msk.f32 $0xffff, v1  }
0x180: {  	v1 =	vld [tilespmem:s0+$0xFFFFFFC0]  }
0x181: {  	v2 =	vld [tilespmem:s0+$0xFFFFFFB0];
	_ =	sdelay $0x1  }
0x182: {  	v3 =	vld [tilespmem:s0+$0xFFFFFF80]  }
0x183: {  	v9 =	vld [tilespmem:s12+$0xFFFFFFA0];
	(xrf2) =	vadd.scan.msk.f32 $0xffff, v4  }
0x184: {  	v10 =	vld [tilespmem:s0+$0xFFFFFFF0];
	v4 =	vmul.f32 v7, v6;
	v1 =	vmul.f32 v1, v5  }
0x185: {  	v11 =	vld [tilespmem:s12+$0x20];
	v2 =	vmul.f32 v2, v8  }
0x186: {  	v6 =	vld [tilespmem:s0+$0xFFFFFFD0];
	(xrf2) =	vadd.scan.msk.f32 $0xffff, v4  }
0x187: {  	v12 =	vld [tilespmem:s12+$0x40];
	(xrf2) =	vadd.scan.msk.f32 $0xffff, v2  }
0x188: {  	v14 =	vld [tilespmem:s0+$0x20];
	(xrf2) =	vadd.scan.msk.f32 $0xffff, v1;
	v1, _, _ =	vpop (xrf2)  }
0x189: {  	v7 =	vld [tilespmem:s12+$0xFFFFFFC0];
	v1 =	vmul.f32 $1.442695020e+00, v1  }
0x18a: {  	v8 =	vld [tilespmem:s0+$0xFFFFFFE0]  }
0x18b: {  	v4 =	vld [tilespmem:s12+$0xFFFFFFE0];
	v6 =	vmul.f32 v6, v9;
	v1 =	vbroadcast v1, $0xF  }
0x18c: {  	v2 =	vld [tilespmem:s12+$0x0]  }
0x18d: {  	v5 =	vld [tilespmem:s0+$0x0];
	(xrf2) =	vadd.scan.msk.f32 $0xffff, v6;
	v13, _, _ =	vpop (xrf2);
	(erf) = vpow2.f32 v1  }
0x18e: {  	v16 =	vld [tilespmem:s0+$0x50];
	v13 =	vmul.f32 $1.442695020e+00, v13  }
0x18f: {  	v17 =	vld [tilespmem:s12+$0xC0];
	v7 =	vmul.f32 v8, v7  }
0x190: {  	v9 =	vld [tilespmem:s0+$0x10];
	v8 =	vbroadcast v13, $0xF  }
0x191: {  	v18 =	vld [tilespmem:s0+$0x60];
	v4 =	vmul.f32 v10, v4;
	(xrf2) =	vadd.scan.msk.f32 $0xffff, v7;
	v15, _, _ =	vpop (xrf2)  }
0x192: {  	v2 =	vmul.f32 v5, v2;
	v5 =	vld [tilespmem:s12+$0xF0];
	v1 =	vmul.f32 $1.442695020e+00, v15  }
0x193: {  	v10 =	vld [tilespmem:s0+$0x40];
	(erf) = vpow2.f32 v8  }
0x194: {  	v6 =	vld [tilespmem:s12+$0x60];
	(xrf2) =	vadd.scan.msk.f32 $0xffff, v4;
	v1 =	vbroadcast v1, $0xF;
	v8, _, _ =	vpop (xrf2)  }
0x195: {  	v13 =	vld [tilespmem:s0+$0x30];
	(xrf2) =	vadd.scan.msk.f32 $0xffff, v2;
	v2 =	vmul.f32 v9, v11;
	v8 =	vmul.f32 $1.442695020e+00, v8;
	v4, _, _ =	vpop (xrf2)  }
0x196: {  	v15 =	vld [tilespmem:s12+$0x80];
	(erf) = vpow2.f32 v1;
	v4 =	vmul.f32 $1.442695020e+00, v4;
	v11 =	vpop (erf)  }
0x197: {  	v9, _, _ =	vpop (xrf2);
	(xrf2) =	vadd.scan.msk.f32 $0xffff, v2;
	v1 =	vbroadcast v8, $0xF;
	v8 =	vld [tilespmem:s12+$0xFFFFFF00];
	v2 =	vmul.f32 v11, v5  }
0x198: {  	v19 =	vld [tilespmem:s12+$0xFFFFFF30];
	v9 =	vmul.f32 $1.442695020e+00, v9;
	v4 =	vbroadcast v4, $0xF  }
0x199: {  	v14 =	vmul.f32 v14, v12;
	v7 =	vld [tilespmem:s12+$0xA0];
	(erf) = vpow2.f32 v1  }
0x19a: {  	s18 =	simm.s32 $0x4500;
	v20 =	vld [tilespmem:s12+$0xFFFFFF70];
	v21 =	vmul.f32 v13, v6;
	(erf) = vpow2.f32 v4  }
0x19b: {  	v15 =	vmul.f32 v10, v15;
	v4 =	vld [tilespmem:s12+$0xFFFFFF50];
	v5 =	vbroadcast v9, $0xF;
	[tilespmem:s18+$0xE0] =	vst v2;
	v2, _, _ =	vpop (xrf2)  }
0x19c: {  	v12 =	vld [tilespmem:s12+$0xFFFFFFD0];
	v9 =	vpop (erf);
	v3 =	vmul.f32 v3, v8;
	v2 =	vmul.f32 $1.442695020e+00, v2  }
0x19d: {  	v13 =	vld [tilespmem:s12+$0xFFFFFF90];
	v6 =	vmul.f32 v9, v19;
	(erf) = vpow2.f32 v5  }
0x19e: {  	v10 =	vmul.f32 v16, v7;
	v7 =	vld [tilespmem:s12+$0xFFFFFFB0];
	[tilespmem:s18+$0xFFFFFF30] =	vst v9;
	(xrf2) =	vadd.scan.msk.f32 $0xffff, v3;
	v9, _, _ =	vpop (xrf2);
	v2 =	vbroadcast v2, $0xF  }
0x19f: {  	v1 =	vld [tilespmem:s12+$0xFFFFFF10];
	[tilespmem:s18+$0xF0] =	vst v11;
	v5 =	vpop (erf);
	v59 =	vmul.f32 $1.442695020e+00, v9  }
0x1a0: {  	v11 =	vld [tilespmem:s12+$0xFFFFFFF0];
	[tilespmem:s18+$0xFFFFFF20] =	vst v6;
	v4 =	vmul.f32 v5, v4;
	(erf) = vpow2.f32 v2  }
0x1a1: {  	v8 =	vld [tilespmem:s12+$0x30];
	(xrf2) =	vadd.scan.msk.f32 $0xffff, v14;
	[tilespmem:s18+$0xFFFFFF50] =	vst v5;
	v6, _, _ =	vpop (xrf2);
	v2 =	vbroadcast v59, $0xF  }
0x1a2: {  	v9 =	vld [tilespmem:s12+$0x10];
	v5 =	vpop (erf);
	[tilespmem:s18+$0xFFFFFF40] =	vst v4;
	v60 =	vmul.f32 $1.442695020e+00, v6  }
0x1a3: {  	v6 =	vld [tilespmem:s12+$0x50];
	v4 =	vmul.f32 v5, v20;
	[tilespmem:s18+$0xFFFFFF70] =	vst v5;
	v61 =	vpop (erf);
	(erf) = vpow2.f32 v2  }
0x1a4: {  	(xrf2) =	vadd.scan.msk.f32 $0xffff, v21;
	v3, _, _ =	vpop (xrf2);
	v5 =	vld [tilespmem:s12+$0x70];
	v62 =	vmul.f32 v61, v13;
	v19 =	vbroadcast v60, $0xF;
	[tilespmem:s18+$0xFFFFFF90] =	vst v61  }
0x1a5: {  	v14 =	vmul.f32 $1.442695020e+00, v3;
	v3 =	vld [tilespmem:s12+$0xB0];
	[tilespmem:s18+$0xFFFFFF60] =	vst v4  }
0x1a6: {  	v13 =	vmul.f32 v18, v17;
	v4 =	vld [tilespmem:s12+$0x90];
	[tilespmem:s18+$0xFFFFFF80] =	vst v62;
	v63 =	vpop (erf);
	(erf) = vpow2.f32 v19  }
0x1a7: {  	s11 =	simm.s32 $0x0;
	(xrf2) =	vadd.scan.msk.f32 $0xffff, v15;
	v14 =	vbroadcast v14, $0xF;
	v2 =	vld [tilespmem:s12+$0xD0];
	s12 =	simm.s32 $0x1700;
	v7 =	vmul.f32 v63, v7;
	[tilespmem:s18+$0xFFFFFFB0] =	vst v63  }
.LBB2_14:
0x1a8: {  	v15 =	vld [tilespmem:s12+$0xE0];
	s0 =	sadd.s32 $0x100, s0;
	v16, _, _ =	vpop (xrf2)  }
0x1a9: {  	s11 =	sadd.s32 $0x10, s11;
	v17 =	vld [tilespmem:s0+$0x70];
	v19 =	vmul.f32 $1.442695020e+00, v16;
	[tilespmem:s18+$0xFFFFFFA0] =	vst v7;
	v18 =	vpop (erf);
	(erf) = vpow2.f32 v14  }
0x1aa: {  	p1 =	slt.u32 s11, $0x70;
	v7 =	vld [tilespmem:s0+$0xFFFFFF80];
	v12 =	vmul.f32 v18, v12;
	[tilespmem:s18+$0xFFFFFFD0] =	vst v18;
	(xrf2) =	vadd.scan.msk.f32 $0xffff, v10  }
0x1ab: {  	v10 =	vld [tilespmem:s12+$0xFFFFFF20];
	v14 =	vbroadcast v19, $0xF;
	v16, _, _ =	vpop (xrf2)  }
0x1ac: {  	v18 =	vld [tilespmem:s0+$0xFFFFFF90];
	[tilespmem:s18+$0xFFFFFFC0] =	vst v12;
	v12 =	vmul.f32 $1.442695020e+00, v16;
	v16 =	vpop (erf)  }
0x1ad: {  	v19 =	vld [tilespmem:s12+$0xFFFFFF40];
	v11 =	vmul.f32 v16, v11;
	[tilespmem:s18+$0xFFFFFFF0] =	vst v16;
	(erf) = vpow2.f32 v14;
	(xrf2) =	vadd.scan.msk.f32 $0xffff, v13  }
0x1ae: {  	v13 =	vld [tilespmem:s0+$0xFFFFFFA0];
	v20 =	vmul.f32 v17, v15;
	v12 =	vbroadcast v12, $0xF;
	v15, _, _ =	vpop (xrf2)  }
0x1af: {  	v16 =	vld [tilespmem:s12+$0xFFFFFF60];
	[tilespmem:s18+$0xFFFFFFE0] =	vst v11;
	v11 =	vmul.f32 $1.442695020e+00, v15;
	v15 =	vpop (erf)  }
0x1b0: {  	v17 =	vld [tilespmem:s0+$0xFFFFFFB0];
	(xrf2) =	vadd.scan.msk.f32 $0xffff, v20;
	v9 =	vmul.f32 v15, v9;
	[tilespmem:s18+$0x10] =	vst v15;
	(erf) = vpow2.f32 v12  }
0x1b1: {  	v10 =	vmul.f32 v18, v10;
	v12 =	vld [tilespmem:s12+$0xFFFFFF80];
	v20 =	vbroadcast v11, $0xF;
	v14, _, _ =	vpop (xrf2)  }
0x1b2: {  	v15 =	vld [tilespmem:s0+$0xFFFFFFC0];
	[tilespmem:s18+$0x0] =	vst v9;
	v9 =	vmul.f32 $1.442695020e+00, v14;
	v14 =	vpop (erf)  }
0x1b3: {  	v13 =	vmul.f32 v13, v19;
	v18 =	vld [tilespmem:s12+$0xFFFFFFA0];
	(xrf2) =	vadd.scan.msk.f32 $0xffff, v10;
	[tilespmem:s18+$0x30] =	vst v14;
	(erf) = vpow2.f32 v20  }
0x1b4: {  	v19 =	vmul.f32 v14, v8;
	v10 =	vld [tilespmem:s0+$0xFFFFFFD0];
	v9 =	vbroadcast v9, $0xF;
	v11, _, _ =	vpop (xrf2)  }
0x1b5: {  	v14 =	vmul.f32 v17, v16;
	v16 =	vld [tilespmem:s12+$0xFFFFFFC0];
	v11 =	vmul.f32 $1.442695020e+00, v11  }
0x1b6: {  	v17 =	vld [tilespmem:s0+$0xFFFFFFE0];
	(xrf2) =	vadd.scan.msk.f32 $0xffff, v13;
	[tilespmem:s18+$0x20] =	vst v19;
	v8 =	vpop (erf);
	(erf) = vpow2.f32 v9  }
0x1b7: {  	v9 =	vmul.f32 v15, v12;
	v12 =	vld [tilespmem:s12+$0xFFFFFFE0];
	[tilespmem:s18+$0xFFFFFF10] =	vst v8;
	v11 =	vbroadcast v11, $0xF;
	v13, _, _ =	vpop (xrf2)  }
0x1b8: {  	v1 =	vmul.f32 v8, v1;
	v15 =	vld [tilespmem:s0+$0xFFFFFFF0];
	v8 =	vmul.f32 $1.442695020e+00, v13  }
0x1b9: {  	v10 =	vmul.f32 v10, v18;
	v13 =	vld [tilespmem:s12+$0x0];
	(xrf2) =	vadd.scan.msk.f32 $0xffff, v14;
	v14 =	vpop (erf);
	(erf) = vpow2.f32 v11  }
0x1ba: {  	v11 =	vld [tilespmem:s0+$0x0];
	v18, _, _ =	vpop (xrf2);
	[tilespmem:s18+$0xFFFFFF00] =	vst v1;
	v19 =	vmul.f32 v14, v6;
	v6 =	vbroadcast v8, $0xF  }
0x1bb: {  	v8 =	vmul.f32 v17, v16;
	v16 =	vld [tilespmem:s12+$0x20];
	v17 =	vmul.f32 $1.442695020e+00, v18;
	[tilespmem:s18+$0x50] =	vst v14  }
0x1bc: {  	v14 =	vld [tilespmem:s0+$0x10];
	(xrf2) =	vadd.scan.msk.f32 $0xffff, v9;
	[tilespmem:s18+$0x40] =	vst v19;
	v1 =	vpop (erf);
	(erf) = vpow2.f32 v6  }
0x1bd: {  	v6 =	vmul.f32 v15, v12;
	v9 =	vld [tilespmem:s12+$0x40];
	v12 =	vbroadcast v17, $0xF;
	v15, _, _ =	vpop (xrf2);
	[tilespmem:s18+$0x70] =	vst v1  }
0x1be: {  	v1 =	vmul.f32 v1, v5;
	v18 =	vmul.f32 $1.442695020e+00, v15;
	v17 =	vld [tilespmem:s0+$0x20]  }
0x1bf: {  	v5 =	vmul.f32 v11, v13;
	v11 =	vld [tilespmem:s12+$0x60];
	(xrf2) =	vadd.scan.msk.f32 $0xffff, v10;
	(erf) = vpow2.f32 v12;
	v10 =	vpop (erf)  }
0x1c0: {  	v12 =	vbroadcast v18, $0xF;
	v13 =	vld [tilespmem:s0+$0x30];
	v15, _, _ =	vpop (xrf2);
	[tilespmem:s18+$0x60] =	vst v1;
	v18 =	vmul.f32 v10, v4  }
0x1c1: {  	v4 =	vmul.f32 $1.442695020e+00, v15;
	v14 =	vmul.f32 v14, v16;
	v15 =	vld [tilespmem:s12+$0x80];
	[tilespmem:s18+$0x90] =	vst v10  }
0x1c2: {  	v10 =	vld [tilespmem:s0+$0x40];
	(erf) = vpow2.f32 v12;
	(xrf2) =	vadd.scan.msk.f32 $0xffff, v8;
	[tilespmem:s18+$0x80] =	vst v18;
	v1 =	vpop (erf)  }
0x1c3: {  	v18 =	vbroadcast v4, $0xF;
	v16 =	vmul.f32 v17, v9;
	v8 =	vld [tilespmem:s12+$0xA0];
	v9, _, _ =	vpop (xrf2);
	[tilespmem:s18+$0xB0] =	vst v1  }
0x1c4: {  	v1 =	vmul.f32 v1, v3;
	v9 =	vmul.f32 $1.442695020e+00, v9;
	v12 =	vld [tilespmem:s12+$0xF0]  }
0x1c5: {  	v3 =	vmul.f32 v13, v11;
	v11 =	vld [tilespmem:s0+$0x50];
	(erf) = vpow2.f32 v18;
	(xrf2) =	vadd.scan.msk.f32 $0xffff, v6;
	v4 =	vpop (erf)  }
0x1c6: {  	v6 =	vbroadcast v9, $0xF;
	v9 =	vld [tilespmem:s12+$0xC0];
	v13, _, _ =	vpop (xrf2);
	[tilespmem:s18+$0xA0] =	vst v1;
	v1 =	vmul.f32 v4, v2  }
0x1c7: {  	v2 =	vmul.f32 $1.442695020e+00, v13;
	v15 =	vmul.f32 v10, v15;
	v13 =	vld [tilespmem:s0+$0x60];
	[tilespmem:s18+$0xD0] =	vst v4  }
0x1c8: {  	v4 =	vld [tilespmem:s12+$0xFFFFFF00];
	(erf) = vpow2.f32 v6;
	(xrf2) =	vadd.scan.msk.f32 $0xffff, v5;
	v5 =	vpop (erf);
	[tilespmem:s18+$0xC0] =	vst v1  }
0x1c9: {  	v1 =	vld [tilespmem:s12+$0xFFFFFF10];
	v2 =	vbroadcast v2, $0xF;
	v18 =	vmul.f32 v5, v12;
	v10, _, _ =	vpop (xrf2)  }
0x1ca: {  	s18 =	sadd.s32 $0x200, s18;
	v12 =	vld [tilespmem:s12+$0xFFFFFF30];
	v17 =	vmul.f32 $1.442695020e+00, v10;
	v10 =	vmul.f32 v11, v8  }
0x1cb: {  	v8 =	vld [tilespmem:s12+$0xFFFFFF50];
	[tilespmem:s18+$0xE0] =	vst v18;
	v6 =	vpop (erf);
	(erf) = vpow2.f32 v2;
	(xrf2) =	vadd.scan.msk.f32 $0xffff, v14  }
0x1cc: {  	[tilespmem:s18+$0xFFFFFF30] =	vst v6;
	v2 =	vld [tilespmem:s12+$0xFFFFFF70];
	v11 =	vbroadcast v17, $0xF;
	v13 =	vmul.f32 v13, v9;
	v9, _, _ =	vpop (xrf2)  }
0x1cd: {  	v18 =	vmul.f32 v7, v4;
	v7 =	vld [tilespmem:s12+$0xFFFFFF90];
	v9 =	vmul.f32 $1.442695020e+00, v9;
	[tilespmem:s18+$0xF0] =	vst v5  }
0x1ce: {  	v14 =	vld [tilespmem:s12+$0xFFFFFFB0];
	v5 =	vpop (erf);
	(erf) = vpow2.f32 v11  }
0x1cf: {  	v19 =	vmul.f32 v6, v12;
	[tilespmem:s18+$0xFFFFFF50] =	vst v5;
	v12 =	vld [tilespmem:s12+$0xFFFFFFD0];
	v17 =	vbroadcast v9, $0xF;
	(xrf2) =	vadd.scan.msk.f32 $0xffff, v18;
	v4, _, _ =	vpop (xrf2)  }
0x1d0: {  	v18 =	vmul.f32 v5, v8;
	v11 =	vld [tilespmem:s12+$0xFFFFFFF0];
	v4 =	vmul.f32 $1.442695020e+00, v4  }
0x1d1: {  	[tilespmem:s18+$0xFFFFFF20] =	vst v19;
	v9 =	vld [tilespmem:s12+$0x10];
	v6 =	vpop (erf);
	(erf) = vpow2.f32 v17  }
0x1d2: {  	[tilespmem:s18+$0xFFFFFF40] =	vst v18;
	v17 =	vmul.f32 v6, v2;
	v4 =	vbroadcast v4, $0xF;
	v8 =	vld [tilespmem:s12+$0x30];
	v5, _, _ =	vpop (xrf2);
	(xrf2) =	vadd.scan.msk.f32 $0xffff, v16  }
0x1d3: {  	[tilespmem:s18+$0xFFFFFF70] =	vst v6;
	v16 =	vmul.f32 $1.442695020e+00, v5;
	v6 =	vld [tilespmem:s12+$0x50]  }
.Ltmp6:
0x1d4: {  	[tilespmem:s18+$0xFFFFFF60] =	vst v17;
	v5 =	vld [tilespmem:s12+$0x70];
	v2 =	vpop (erf);
	(erf) = vpow2.f32 v4;
	(pc) =	sbr.rel @p1 .LBB2_14-.Ltmp6, $4  }
0x1d5: {  	v7 =	vmul.f32 v2, v7;
	[tilespmem:s18+$0xFFFFFF90] =	vst v2;
	v16 =	vbroadcast v16, $0xF;
	v4 =	vld [tilespmem:s12+$0x90];
	v2, _, _ =	vpop (xrf2);
	(xrf2) =	vadd.scan.msk.f32 $0xffff, v3  }
0x1d6: {  	v17 =	vmul.f32 $1.442695020e+00, v2;
	v3 =	vld [tilespmem:s12+$0xB0]  }
0x1d7: {  	[tilespmem:s18+$0xFFFFFF80] =	vst v7;
	v2 =	vld [tilespmem:s12+$0xD0];
	v18 =	vpop (erf);
	(erf) = vpow2.f32 v16  }
0x1d8: {  	s12 =	sadd.s32 $0x200, s12;
	v7 =	vmul.f32 v18, v14;
	[tilespmem:s18+$0xFFFFFFB0] =	vst v18;
	v14 =	vbroadcast v17, $0xF;
	(xrf2) =	vadd.scan.msk.f32 $0xffff, v15  }
0x1d9: {  	_ = 	snop  }
0x1da: {  	(xrf2) =	vadd.scan.msk.f32 $0xffff, v10;
	v10, _, _ =	vpop (xrf2)  }
0x1db: {  	v10 =	vmul.f32 $1.442695020e+00, v10  }
0x1dc: {  	(xrf2) =	vadd.scan.msk.f32 $0xffff, v13  }
0x1dd: {  	v10 =	vbroadcast v10, $0xF  }
0x1de: {  	(erf) = vpow2.f32 v14;
	v14 =	vpop (erf)  }
0x1df: {  	v13, _, _ =	vpop (xrf2)  }
0x1e0: {  	[tilespmem:s18+$0xFFFFFFA0] =	vst v7;
	v12 =	vmul.f32 v14, v12;
	v13 =	vmul.f32 $1.442695020e+00, v13;
	v7 =	vpop (erf)  }
0x1e1: {  	(erf) = vpow2.f32 v10;
	v10, _, _ =	vpop (xrf2)  }
0x1e2: {  	v13 =	vbroadcast v13, $0xF;
	v10 =	vmul.f32 $1.442695020e+00, v10;
	v15, _, _ =	vpop (xrf2)  }
0x1e3: {  	[tilespmem:s18+$0xFFFFFFD0] =	vst v14;
	v11 =	vmul.f32 v7, v11;
	v15 =	vmul.f32 $1.442695020e+00, v15  }
0x1e4: {  	[tilespmem:s18+$0xFFFFFFC0] =	vst v12;
	v12 =	vpop (erf);
	(erf) = vpow2.f32 v13;
	v10 =	vbroadcast v10, $0xF  }
0x1e5: {  	[tilespmem:s18+$0xFFFFFFF0] =	vst v7;
	v7 =	vmul.f32 v12, v9;
	v14, _, _ =	vpop (xrf2);
	v13 =	vbroadcast v15, $0xF  }
0x1e6: {  	v9, _, _ =	vpop (xrf2);
	(erf) = vpow2.f32 v10;
	v10 =	vmul.f32 $1.442695020e+00, v14  }
0x1e7: {  	v9 =	vmul.f32 $1.442695020e+00, v9  }
0x1e8: {  	[tilespmem:s18+$0xFFFFFFE0] =	vst v11;
	(erf) = vpow2.f32 v13;
	v10 =	vbroadcast v10, $0xF  }
0x1e9: {  	v11 =	vpop (erf);
	[tilespmem:s18+$0x0] =	vst v7;
	v7 =	vbroadcast v9, $0xF  }
0x1ea: {  	[tilespmem:s18+$0x10] =	vst v12;
	v8 =	vmul.f32 v11, v8;
	(erf) = vpow2.f32 v10  }
0x1eb: {  	[tilespmem:s18+$0x30] =	vst v11;
	v9 =	vpop (erf)  }
0x1ec: {  	[tilespmem:s18+$0x20] =	vst v8;
	v1 =	vmul.f32 v9, v1;
	(erf) = vpow2.f32 v7  }
0x1ed: {  	[tilespmem:s18+$0xFFFFFF10] =	vst v9;
	v7 =	vpop (erf)  }
0x1ee: {  	[tilespmem:s18+$0xFFFFFF00] =	vst v1;
	v1 =	vmul.f32 v7, v6  }
0x1ef: {  	[tilespmem:s18+$0x50] =	vst v7;
	v6 =	vpop (erf)  }
0x1f0: {  	[tilespmem:s18+$0x40] =	vst v1;
	v1 =	vmul.f32 v6, v5  }
0x1f1: {  	[tilespmem:s18+$0x70] =	vst v6;
	v5 =	vpop (erf)  }
0x1f2: {  	[tilespmem:s18+$0x60] =	vst v1;
	v1 =	vmul.f32 v5, v4  }
0x1f3: {  	[tilespmem:s18+$0x90] =	vst v5;
	v4 =	vpop (erf)  }
0x1f4: {  	[tilespmem:s18+$0x80] =	vst v1;
	v1 =	vmul.f32 v4, v3  }
0x1f5: {  	[tilespmem:s18+$0xB0] =	vst v4;
	v3 =	vpop (erf)  }
0x1f6: {  	[tilespmem:s18+$0xA0] =	vst v1;
	v1 =	vmul.f32 v3, v2  }
0x1f7: {  	s0 =	sand.u32 $0x3FFFFF00, s25;
	[tilespmem:s18+$0xD0] =	vst v3  }
0x1f8: {  	p1 =	seq.s32 s15, $0x4;
	s0 =	sadd.s32 $0xF00, s0;
	[tilespmem:s18+$0xC0] =	vst v1  }
0x1f9: {  	[spmem:s2] =	stream.indirect.scatter.add.f32 [tilespmem:s16], [sflag:$0x5], $0x20, s0, s20, $0xb8;
	[tilespmem:$0x1EB00] =	vst v63  }
0x1fa: {  	s11 =	simm.s32 @!p1 $0x80;
	s12 =	simm.s32 @!p1 $0x1400;
	s0 =	sadd.s32 @!p1 $0x600, s25  }
0x1fb: {  	[tilespmem:s12], [sflag:$0x3] =	stream.indirect.gather @!p1 [hbm4b:s5+s11], $0x20, s0, s11, $0xb8;
	[tilespmem:$0x1EB00] =	vst v63  }
0x1fc: {  	s0 =	sadd.s32 @!p1 $0x1000, s25;
	s12 =	simm.s32 @!p1 $0x3400  }
0x1fd: {  	[tilespmem:s12], [sflag:$0x3] =	stream.indirect.gather @!p1 [hbm4b:s1+s11], $0x10, s0, s11, $0xb8;
	[tilespmem:$0x1EB00] =	vst v63  }
0x1fe: {  	_ =	swait.ge [sflag:s28], $0x1000  }
0x1ff: {  	[sflag:s28] =	ssyncset.done $0x0  }
0x200: {  	[sflag:s28] =	ssyncadd.s32 $0xFFFFF000  }
0x201: {  	_ =	swait.ge [sflag:s28], $0x800  }
0x202: {  	[sflag:s28] =	ssyncset.done $0x0  }
0x203: {  	[sflag:s28] =	ssyncadd.s32 $0xFFFFF800  }
0x204: {  	_ =	swait.ge [sflag:s10], $0x1000  }
0x205: {  	[sflag:s10] =	ssyncset.done $0x0  }
0x206: {  	s31 =	simm.s32 $0x25F0;
	[sflag:s10] =	ssyncadd.s32 $0xFFFFF000  }
0x207: {  	s0 =	simm.s32 $0x3CF0;
	v1 =	vld [tilespmem:s31+$0xFFFFFFF0]  }
0x208: {  	v2 =	vld [tilespmem:s0+$0x0]  }
0x209: {  	v4 =	vld [tilespmem:s31+$0xFFFFFE30]  }
0x20a: {  	v5 =	vld [tilespmem:s0+$0xFFFFFF20];
	_ =	sdelay $0x1  }
0x20b: {  	v6 =	vld [tilespmem:s31+$0xFFFFFE50]  }
0x20c: {  	v7 =	vld [tilespmem:s0+$0xFFFFFF30];
	v1 =	vmul.f32 v2, v1  }
0x20d: {  	v8 =	vld [tilespmem:s31+$0xFFFFFE70]  }
0x20e: {  	v4 =	vmul.f32 v5, v4;
	v5 =	vld [tilespmem:s31+$0xFFFFFE90];
	(xrf2) =	vadd.scan.msk.f32 $0xffff, v1  }
0x20f: {  	v1 =	vld [tilespmem:s0+$0xFFFFFF50]  }
0x210: {  	v2 =	vld [tilespmem:s0+$0xFFFFFF40];
	_ =	sdelay $0x1  }
0x211: {  	v3 =	vld [tilespmem:s0+$0xFFFFFF10]  }
0x212: {  	v9 =	vld [tilespmem:s31+$0xFFFFFEB0];
	(xrf2) =	vadd.scan.msk.f32 $0xffff, v4  }
0x213: {  	v10 =	vld [tilespmem:s0+$0xFFFFFF80];
	v4 =	vmul.f32 v7, v6;
	v1 =	vmul.f32 v1, v5  }
0x214: {  	v11 =	vld [tilespmem:s31+$0xFFFFFF30];
	v2 =	vmul.f32 v2, v8  }
0x215: {  	v6 =	vld [tilespmem:s0+$0xFFFFFF60];
	(xrf2) =	vadd.scan.msk.f32 $0xffff, v4  }
0x216: {  	v12 =	vld [tilespmem:s31+$0xFFFFFF50];
	(xrf2) =	vadd.scan.msk.f32 $0xffff, v2  }
0x217: {  	v14 =	vld [tilespmem:s0+$0xFFFFFFB0];
	(xrf2) =	vadd.scan.msk.f32 $0xffff, v1;
	v1, _, _ =	vpop (xrf2)  }
0x218: {  	v7 =	vld [tilespmem:s31+$0xFFFFFED0];
	v1 =	vmul.f32 $1.442695020e+00, v1  }
0x219: {  	v8 =	vld [tilespmem:s0+$0xFFFFFF70]  }
0x21a: {  	v4 =	vld [tilespmem:s31+$0xFFFFFEF0];
	v6 =	vmul.f32 v6, v9;
	v1 =	vbroadcast v1, $0xF  }
0x21b: {  	v2 =	vld [tilespmem:s31+$0xFFFFFF10]  }
0x21c: {  	v5 =	vld [tilespmem:s0+$0xFFFFFF90];
	(xrf2) =	vadd.scan.msk.f32 $0xffff, v6;
	v13, _, _ =	vpop (xrf2);
	(erf) = vpow2.f32 v1  }
0x21d: {  	v16 =	vld [tilespmem:s0+$0xFFFFFFE0];
	v13 =	vmul.f32 $1.442695020e+00, v13  }
0x21e: {  	v17 =	vld [tilespmem:s31+$0xFFFFFFD0];
	v7 =	vmul.f32 v8, v7  }
0x21f: {  	v9 =	vld [tilespmem:s0+$0xFFFFFFA0];
	v8 =	vbroadcast v13, $0xF  }
0x220: {  	v18 =	vld [tilespmem:s0+$0xFFFFFFF0];
	v4 =	vmul.f32 v10, v4;
	(xrf2) =	vadd.scan.msk.f32 $0xffff, v7;
	v15, _, _ =	vpop (xrf2)  }
0x221: {  	v2 =	vmul.f32 v5, v2;
	v5 =	vld [tilespmem:s31+$0x0];
	v1 =	vmul.f32 $1.442695020e+00, v15  }
0x222: {  	v10 =	vld [tilespmem:s0+$0xFFFFFFD0];
	(erf) = vpow2.f32 v8  }
0x223: {  	v6 =	vld [tilespmem:s31+$0xFFFFFF70];
	(xrf2) =	vadd.scan.msk.f32 $0xffff, v4;
	v1 =	vbroadcast v1, $0xF;
	v8, _, _ =	vpop (xrf2)  }
0x224: {  	v13 =	vld [tilespmem:s0+$0xFFFFFFC0];
	(xrf2) =	vadd.scan.msk.f32 $0xffff, v2;
	v2 =	vmul.f32 v9, v11;
	v8 =	vmul.f32 $1.442695020e+00, v8;
	v4, _, _ =	vpop (xrf2)  }
0x225: {  	v15 =	vld [tilespmem:s31+$0xFFFFFF90];
	(erf) = vpow2.f32 v1;
	v4 =	vmul.f32 $1.442695020e+00, v4;
	v11 =	vpop (erf)  }
0x226: {  	v9, _, _ =	vpop (xrf2);
	(xrf2) =	vadd.scan.msk.f32 $0xffff, v2;
	v1 =	vbroadcast v8, $0xF;
	v8 =	vld [tilespmem:s31+$0xFFFFFE10];
	v2 =	vmul.f32 v11, v5  }
0x227: {  	v19 =	vld [tilespmem:s31+$0xFFFFFE40];
	v9 =	vmul.f32 $1.442695020e+00, v9;
	v4 =	vbroadcast v4, $0xF  }
0x228: {  	v14 =	vmul.f32 v14, v12;
	v7 =	vld [tilespmem:s31+$0xFFFFFFB0];
	(erf) = vpow2.f32 v1  }
0x229: {  	s18 =	simm.s32 $0x55F0;
	v20 =	vld [tilespmem:s31+$0xFFFFFE80];
	v21 =	vmul.f32 v13, v6;
	(erf) = vpow2.f32 v4  }
0x22a: {  	v15 =	vmul.f32 v10, v15;
	v4 =	vld [tilespmem:s31+$0xFFFFFE60];
	v5 =	vbroadcast v9, $0xF;
	[tilespmem:s18+$0xFFFFFFF0] =	vst v2;
	v2, _, _ =	vpop (xrf2)  }
0x22b: {  	v12 =	vld [tilespmem:s31+$0xFFFFFEE0];
	v9 =	vpop (erf);
	v3 =	vmul.f32 v3, v8;
	v2 =	vmul.f32 $1.442695020e+00, v2  }
0x22c: {  	v13 =	vld [tilespmem:s31+$0xFFFFFEA0];
	v6 =	vmul.f32 v9, v19;
	(erf) = vpow2.f32 v5  }
0x22d: {  	v10 =	vmul.f32 v16, v7;
	v7 =	vld [tilespmem:s31+$0xFFFFFEC0];
	[tilespmem:s18+$0xFFFFFE40] =	vst v9;
	(xrf2) =	vadd.scan.msk.f32 $0xffff, v3;
	v9, _, _ =	vpop (xrf2);
	v2 =	vbroadcast v2, $0xF  }
0x22e: {  	v1 =	vld [tilespmem:s31+$0xFFFFFE20];
	[tilespmem:s18+$0x0] =	vst v11;
	v5 =	vpop (erf);
	v59 =	vmul.f32 $1.442695020e+00, v9  }
0x22f: {  	v11 =	vld [tilespmem:s31+$0xFFFFFF00];
	[tilespmem:s18+$0xFFFFFE30] =	vst v6;
	v4 =	vmul.f32 v5, v4;
	(erf) = vpow2.f32 v2  }
0x230: {  	v8 =	vld [tilespmem:s31+$0xFFFFFF40];
	(xrf2) =	vadd.scan.msk.f32 $0xffff, v14;
	[tilespmem:s18+$0xFFFFFE60] =	vst v5;
	v6, _, _ =	vpop (xrf2);
	v2 =	vbroadcast v59, $0xF  }
0x231: {  	v9 =	vld [tilespmem:s31+$0xFFFFFF20];
	v5 =	vpop (erf);
	[tilespmem:s18+$0xFFFFFE50] =	vst v4;
	v60 =	vmul.f32 $1.442695020e+00, v6  }
0x232: {  	v6 =	vld [tilespmem:s31+$0xFFFFFF60];
	v4 =	vmul.f32 v5, v20;
	[tilespmem:s18+$0xFFFFFE80] =	vst v5;
	v61 =	vpop (erf);
	(erf) = vpow2.f32 v2  }
0x233: {  	(xrf2) =	vadd.scan.msk.f32 $0xffff, v21;
	v3, _, _ =	vpop (xrf2);
	v5 =	vld [tilespmem:s31+$0xFFFFFF80];
	v62 =	vmul.f32 v61, v13;
	v19 =	vbroadcast v60, $0xF;
	[tilespmem:s18+$0xFFFFFEA0] =	vst v61  }
0x234: {  	v14 =	vmul.f32 $1.442695020e+00, v3;
	v3 =	vld [tilespmem:s31+$0xFFFFFFC0];
	[tilespmem:s18+$0xFFFFFE70] =	vst v4  }
0x235: {  	v13 =	vmul.f32 v18, v17;
	v4 =	vld [tilespmem:s31+$0xFFFFFFA0];
	[tilespmem:s18+$0xFFFFFE90] =	vst v62;
	v63 =	vpop (erf);
	(erf) = vpow2.f32 v19  }
0x236: {  	s11 =	simm.s32 $0x0;
	s12 =	simm.s32 $0x27F0;
	(xrf2) =	vadd.scan.msk.f32 $0xffff, v15;
	v14 =	vbroadcast v14, $0xF;
	v2 =	vld [tilespmem:s31+$0xFFFFFFE0];
	v7 =	vmul.f32 v63, v7;
	[tilespmem:s18+$0xFFFFFEC0] =	vst v63  }
.LBB2_16:
0x237: {  	v15 =	vld [tilespmem:s12+$0xFFFFFFF0];
	s0 =	sadd.s32 $0x100, s0;
	v16, _, _ =	vpop (xrf2)  }
0x238: {  	s11 =	sadd.s32 $0x10, s11;
	v17 =	vld [tilespmem:s0+$0x0];
	v19 =	vmul.f32 $1.442695020e+00, v16;
	[tilespmem:s18+$0xFFFFFEB0] =	vst v7;
	v18 =	vpop (erf);
	(erf) = vpow2.f32 v14  }
0x239: {  	p1 =	slt.u32 s11, $0x70;
	v7 =	vld [tilespmem:s0+$0xFFFFFF10];
	v12 =	vmul.f32 v18, v12;
	[tilespmem:s18+$0xFFFFFEE0] =	vst v18;
	(xrf2) =	vadd.scan.msk.f32 $0xffff, v10  }
0x23a: {  	v10 =	vld [tilespmem:s12+$0xFFFFFE30];
	v14 =	vbroadcast v19, $0xF;
	v16, _, _ =	vpop (xrf2)  }
0x23b: {  	v18 =	vld [tilespmem:s0+$0xFFFFFF20];
	[tilespmem:s18+$0xFFFFFED0] =	vst v12;
	v12 =	vmul.f32 $1.442695020e+00, v16;
	v16 =	vpop (erf)  }
0x23c: {  	v19 =	vld [tilespmem:s12+$0xFFFFFE50];
	v11 =	vmul.f32 v16, v11;
	[tilespmem:s18+$0xFFFFFF00] =	vst v16;
	(erf) = vpow2.f32 v14;
	(xrf2) =	vadd.scan.msk.f32 $0xffff, v13  }
0x23d: {  	v13 =	vld [tilespmem:s0+$0xFFFFFF30];
	v20 =	vmul.f32 v17, v15;
	v12 =	vbroadcast v12, $0xF;
	v15, _, _ =	vpop (xrf2)  }
0x23e: {  	v16 =	vld [tilespmem:s12+$0xFFFFFE70];
	[tilespmem:s18+$0xFFFFFEF0] =	vst v11;
	v11 =	vmul.f32 $1.442695020e+00, v15;
	v15 =	vpop (erf)  }
0x23f: {  	v17 =	vld [tilespmem:s0+$0xFFFFFF40];
	(xrf2) =	vadd.scan.msk.f32 $0xffff, v20;
	v9 =	vmul.f32 v15, v9;
	[tilespmem:s18+$0xFFFFFF20] =	vst v15;
	(erf) = vpow2.f32 v12  }
0x240: {  	v10 =	vmul.f32 v18, v10;
	v12 =	vld [tilespmem:s12+$0xFFFFFE90];
	v20 =	vbroadcast v11, $0xF;
	v14, _, _ =	vpop (xrf2)  }
0x241: {  	v15 =	vld [tilespmem:s0+$0xFFFFFF50];
	[tilespmem:s18+$0xFFFFFF10] =	vst v9;
	v9 =	vmul.f32 $1.442695020e+00, v14;
	v14 =	vpop (erf)  }
0x242: {  	v13 =	vmul.f32 v13, v19;
	v18 =	vld [tilespmem:s12+$0xFFFFFEB0];
	(xrf2) =	vadd.scan.msk.f32 $0xffff, v10;
	[tilespmem:s18+$0xFFFFFF40] =	vst v14;
	(erf) = vpow2.f32 v20  }
0x243: {  	v19 =	vmul.f32 v14, v8;
	v10 =	vld [tilespmem:s0+$0xFFFFFF60];
	v9 =	vbroadcast v9, $0xF;
	v11, _, _ =	vpop (xrf2)  }
0x244: {  	v14 =	vmul.f32 v17, v16;
	v16 =	vld [tilespmem:s12+$0xFFFFFED0];
	v11 =	vmul.f32 $1.442695020e+00, v11  }
0x245: {  	v17 =	vld [tilespmem:s0+$0xFFFFFF70];
	(xrf2) =	vadd.scan.msk.f32 $0xffff, v13;
	[tilespmem:s18+$0xFFFFFF30] =	vst v19;
	v8 =	vpop (erf);
	(erf) = vpow2.f32 v9  }
0x246: {  	v9 =	vmul.f32 v15, v12;
	v12 =	vld [tilespmem:s12+$0xFFFFFEF0];
	[tilespmem:s18+$0xFFFFFE20] =	vst v8;
	v11 =	vbroadcast v11, $0xF;
	v13, _, _ =	vpop (xrf2)  }
0x247: {  	v1 =	vmul.f32 v8, v1;
	v15 =	vld [tilespmem:s0+$0xFFFFFF80];
	v8 =	vmul.f32 $1.442695020e+00, v13  }
0x248: {  	v10 =	vmul.f32 v10, v18;
	v13 =	vld [tilespmem:s12+$0xFFFFFF10];
	(xrf2) =	vadd.scan.msk.f32 $0xffff, v14;
	v14 =	vpop (erf);
	(erf) = vpow2.f32 v11  }
0x249: {  	v11 =	vld [tilespmem:s0+$0xFFFFFF90];
	v18, _, _ =	vpop (xrf2);
	[tilespmem:s18+$0xFFFFFE10] =	vst v1;
	v19 =	vmul.f32 v14, v6;
	v6 =	vbroadcast v8, $0xF  }
0x24a: {  	v8 =	vmul.f32 v17, v16;
	v16 =	vld [tilespmem:s12+$0xFFFFFF30];
	v17 =	vmul.f32 $1.442695020e+00, v18;
	[tilespmem:s18+$0xFFFFFF60] =	vst v14  }
0x24b: {  	v14 =	vld [tilespmem:s0+$0xFFFFFFA0];
	(xrf2) =	vadd.scan.msk.f32 $0xffff, v9;
	[tilespmem:s18+$0xFFFFFF50] =	vst v19;
	v1 =	vpop (erf);
	(erf) = vpow2.f32 v6  }
0x24c: {  	v6 =	vmul.f32 v15, v12;
	v9 =	vld [tilespmem:s12+$0xFFFFFF50];
	v12 =	vbroadcast v17, $0xF;
	v15, _, _ =	vpop (xrf2);
	[tilespmem:s18+$0xFFFFFF80] =	vst v1  }
0x24d: {  	v1 =	vmul.f32 v1, v5;
	v18 =	vmul.f32 $1.442695020e+00, v15;
	v17 =	vld [tilespmem:s0+$0xFFFFFFB0]  }
0x24e: {  	v5 =	vmul.f32 v11, v13;
	v11 =	vld [tilespmem:s12+$0xFFFFFF70];
	(xrf2) =	vadd.scan.msk.f32 $0xffff, v10;
	(erf) = vpow2.f32 v12;
	v10 =	vpop (erf)  }
0x24f: {  	v12 =	vbroadcast v18, $0xF;
	v13 =	vld [tilespmem:s0+$0xFFFFFFC0];
	v15, _, _ =	vpop (xrf2);
	[tilespmem:s18+$0xFFFFFF70] =	vst v1;
	v18 =	vmul.f32 v10, v4  }
0x250: {  	v4 =	vmul.f32 $1.442695020e+00, v15;
	v14 =	vmul.f32 v14, v16;
	v15 =	vld [tilespmem:s12+$0xFFFFFF90];
	[tilespmem:s18+$0xFFFFFFA0] =	vst v10  }
0x251: {  	v10 =	vld [tilespmem:s0+$0xFFFFFFD0];
	(erf) = vpow2.f32 v12;
	(xrf2) =	vadd.scan.msk.f32 $0xffff, v8;
	[tilespmem:s18+$0xFFFFFF90] =	vst v18;
	v1 =	vpop (erf)  }
0x252: {  	v18 =	vbroadcast v4, $0xF;
	v16 =	vmul.f32 v17, v9;
	v8 =	vld [tilespmem:s12+$0xFFFFFFB0];
	v9, _, _ =	vpop (xrf2);
	[tilespmem:s18+$0xFFFFFFC0] =	vst v1  }
0x253: {  	v1 =	vmul.f32 v1, v3;
	v9 =	vmul.f32 $1.442695020e+00, v9;
	v12 =	vld [tilespmem:s12+$0x0]  }
0x254: {  	v3 =	vmul.f32 v13, v11;
	v11 =	vld [tilespmem:s0+$0xFFFFFFE0];
	(erf) = vpow2.f32 v18;
	(xrf2) =	vadd.scan.msk.f32 $0xffff, v6;
	v4 =	vpop (erf)  }
0x255: {  	v6 =	vbroadcast v9, $0xF;
	v9 =	vld [tilespmem:s12+$0xFFFFFFD0];
	v13, _, _ =	vpop (xrf2);
	[tilespmem:s18+$0xFFFFFFB0] =	vst v1;
	v1 =	vmul.f32 v4, v2  }
0x256: {  	v2 =	vmul.f32 $1.442695020e+00, v13;
	v15 =	vmul.f32 v10, v15;
	v13 =	vld [tilespmem:s0+$0xFFFFFFF0];
	[tilespmem:s18+$0xFFFFFFE0] =	vst v4  }
0x257: {  	v4 =	vld [tilespmem:s12+$0xFFFFFE10];
	(erf) = vpow2.f32 v6;
	(xrf2) =	vadd.scan.msk.f32 $0xffff, v5;
	v5 =	vpop (erf);
	[tilespmem:s18+$0xFFFFFFD0] =	vst v1  }
0x258: {  	v1 =	vld [tilespmem:s12+$0xFFFFFE20];
	v2 =	vbroadcast v2, $0xF;
	v18 =	vmul.f32 v5, v12;
	v10, _, _ =	vpop (xrf2)  }
0x259: {  	s18 =	sadd.s32 $0x200, s18;
	v12 =	vld [tilespmem:s12+$0xFFFFFE40];
	v17 =	vmul.f32 $1.442695020e+00, v10;
	v10 =	vmul.f32 v11, v8  }
0x25a: {  	v8 =	vld [tilespmem:s12+$0xFFFFFE60];
	[tilespmem:s18+$0xFFFFFFF0] =	vst v18;
	v6 =	vpop (erf);
	(erf) = vpow2.f32 v2;
	(xrf2) =	vadd.scan.msk.f32 $0xffff, v14  }
0x25b: {  	[tilespmem:s18+$0xFFFFFE40] =	vst v6;
	v2 =	vld [tilespmem:s12+$0xFFFFFE80];
	v11 =	vbroadcast v17, $0xF;
	v13 =	vmul.f32 v13, v9;
	v9, _, _ =	vpop (xrf2)  }
0x25c: {  	v18 =	vmul.f32 v7, v4;
	v7 =	vld [tilespmem:s12+$0xFFFFFEA0];
	v9 =	vmul.f32 $1.442695020e+00, v9;
	[tilespmem:s18+$0x0] =	vst v5  }
0x25d: {  	v14 =	vld [tilespmem:s12+$0xFFFFFEC0];
	v5 =	vpop (erf);
	(erf) = vpow2.f32 v11  }
0x25e: {  	v19 =	vmul.f32 v6, v12;
	[tilespmem:s18+$0xFFFFFE60] =	vst v5;
	v12 =	vld [tilespmem:s12+$0xFFFFFEE0];
	v17 =	vbroadcast v9, $0xF;
	(xrf2) =	vadd.scan.msk.f32 $0xffff, v18;
	v4, _, _ =	vpop (xrf2)  }
0x25f: {  	v18 =	vmul.f32 v5, v8;
	v11 =	vld [tilespmem:s12+$0xFFFFFF00];
	v4 =	vmul.f32 $1.442695020e+00, v4  }
0x260: {  	[tilespmem:s18+$0xFFFFFE30] =	vst v19;
	v9 =	vld [tilespmem:s12+$0xFFFFFF20];
	v6 =	vpop (erf);
	(erf) = vpow2.f32 v17  }
0x261: {  	[tilespmem:s18+$0xFFFFFE50] =	vst v18;
	v17 =	vmul.f32 v6, v2;
	v4 =	vbroadcast v4, $0xF;
	v8 =	vld [tilespmem:s12+$0xFFFFFF40];
	v5, _, _ =	vpop (xrf2);
	(xrf2) =	vadd.scan.msk.f32 $0xffff, v16  }
0x262: {  	[tilespmem:s18+$0xFFFFFE80] =	vst v6;
	v16 =	vmul.f32 $1.442695020e+00, v5;
	v6 =	vld [tilespmem:s12+$0xFFFFFF60]  }
.Ltmp7:
0x263: {  	[tilespmem:s18+$0xFFFFFE70] =	vst v17;
	v5 =	vld [tilespmem:s12+$0xFFFFFF80];
	v2 =	vpop (erf);
	(erf) = vpow2.f32 v4;
	(pc) =	sbr.rel @p1 .LBB2_16-.Ltmp7, $4  }
0x264: {  	v7 =	vmul.f32 v2, v7;
	[tilespmem:s18+$0xFFFFFEA0] =	vst v2;
	v16 =	vbroadcast v16, $0xF;
	v4 =	vld [tilespmem:s12+$0xFFFFFFA0];
	v2, _, _ =	vpop (xrf2);
	(xrf2) =	vadd.scan.msk.f32 $0xffff, v3  }
0x265: {  	v17 =	vmul.f32 $1.442695020e+00, v2;
	v3 =	vld [tilespmem:s12+$0xFFFFFFC0]  }
0x266: {  	[tilespmem:s18+$0xFFFFFE90] =	vst v7;
	v2 =	vld [tilespmem:s12+$0xFFFFFFE0];
	v18 =	vpop (erf);
	(erf) = vpow2.f32 v16  }
0x267: {  	s12 =	sadd.s32 $0x200, s12;
	v7 =	vmul.f32 v18, v14;
	[tilespmem:s18+$0xFFFFFEC0] =	vst v18;
	v14 =	vbroadcast v17, $0xF;
	(xrf2) =	vadd.scan.msk.f32 $0xffff, v15  }
0x268: {  	_ = 	snop  }
0x269: {  	(xrf2) =	vadd.scan.msk.f32 $0xffff, v10  }
0x26a: {  	v46, _, _ =	vpop (xrf2);
	(xrf2) =	vadd.scan.msk.f32 $0xffff, v13  }
0x26b: {  	v10 =	vmul.f32 $1.442695020e+00, v46;
	_ =	sdelay $0x1  }
0x26c: {  	(erf) = vpow2.f32 v14;
	v47, _, _ =	vpop (xrf2);
	v10 =	vbroadcast v10, $0xF  }
0x26d: {  	v13 =	vmul.f32 $1.442695020e+00, v47;
	v49, _, _ =	vpop (xrf2)  }
0x26e: {  	v48 =	vpop (erf);
	(erf) = vpow2.f32 v10;
	v10 =	vmul.f32 $1.442695020e+00, v49  }
0x26f: {  	v50 =	vpop (erf);
	v13 =	vbroadcast v13, $0xF  }
0x270: {  	v12 =	vmul.f32 v48, v12;
	v15, _, _ =	vpop (xrf2);
	v10 =	vbroadcast v10, $0xF  }
0x271: {  	[tilespmem:s18+$0xFFFFFEB0] =	vst v7;
	v53 =	vpop (erf);
	(erf) = vpow2.f32 v13;
	v15 =	vmul.f32 $1.442695020e+00, v15  }
0x272: {  	[tilespmem:s18+$0xFFFFFEE0] =	vst v48;
	v11 =	vmul.f32 v50, v11;
	v52, _, _ =	vpop (xrf2);
	(erf) = vpow2.f32 v10  }
0x273: {  	[tilespmem:s18+$0xFFFFFED0] =	vst v12;
	v54 =	vmul.f32 $1.442695020e+00, v52;
	v56, _, _ =	vpop (xrf2);
	v51 =	vbroadcast v15, $0xF  }
0x274: {  	[tilespmem:s18+$0xFFFFFF00] =	vst v50;
	v55 =	vmul.f32 v53, v9;
	v9 =	vmul.f32 $1.442695020e+00, v56  }
0x275: {  	[tilespmem:s18+$0xFFFFFEF0] =	vst v11;
	v57 =	vpop (erf);
	v10 =	vbroadcast v54, $0xF;
	(erf) = vpow2.f32 v51  }
0x276: {  	[tilespmem:s18+$0xFFFFFF20] =	vst v53;
	v8 =	vmul.f32 v57, v8  }
0x277: {  	[tilespmem:s18+$0xFFFFFF10] =	vst v55;
	v58 =	vbroadcast v9, $0xF;
	(erf) = vpow2.f32 v10  }
0x278: {  	[tilespmem:s18+$0xFFFFFF40] =	vst v57;
	v59 =	vpop (erf)  }
0x279: {  	[tilespmem:s18+$0xFFFFFF30] =	vst v8;
	v1 =	vmul.f32 v59, v1;
	(erf) = vpow2.f32 v58  }
0x27a: {  	[tilespmem:s18+$0xFFFFFE20] =	vst v59;
	v60 =	vpop (erf)  }
0x27b: {  	[tilespmem:s18+$0xFFFFFE10] =	vst v1;
	v1 =	vmul.f32 v60, v6  }
0x27c: {  	[tilespmem:s18+$0xFFFFFF60] =	vst v60;
	v61 =	vpop (erf)  }
0x27d: {  	[tilespmem:s18+$0xFFFFFF50] =	vst v1;
	v1 =	vmul.f32 v61, v5  }
0x27e: {  	[tilespmem:s18+$0xFFFFFF80] =	vst v61;
	v62 =	vpop (erf)  }
0x27f: {  	[tilespmem:s18+$0xFFFFFF70] =	vst v1;
	v1 =	vmul.f32 v62, v4  }
0x280: {  	s15 =	sadd.s32 $0x1, s15;
	[tilespmem:s18+$0xFFFFFFA0] =	vst v62;
	v63 =	vpop (erf)  }
0x281: {  	p1 =	sne.s32 s15, $0x5;
	[tilespmem:s18+$0xFFFFFF90] =	vst v1;
	v1 =	vmul.f32 v63, v3  }
.Ltmp8:
0x282: {  	[tilespmem:s18+$0xFFFFFFC0] =	vst v63;
	v3 =	vpop (erf);
	(pc) =	sbr.rel @p1 .LBB2_13-.Ltmp8, $4  }
0x283: {  	[tilespmem:s18+$0xFFFFFFB0] =	vst v1;
	v1 =	vmul.f32 v3, v2  }
0x284: {  	[tilespmem:s18+$0xFFFFFFE0] =	vst v3  }
0x285: {  	[tilespmem:s18+$0xFFFFFFD0] =	vst v1  }
0x286: {  	[spmem:s2] =	stream.indirect.scatter.add.f32 [tilespmem:s29], [sflag:$0x6], $0x20, s4, s20, $0xb8;
	[tilespmem:$0x1EB00] =	vst v63  }
0x287: {  	s14 =	sadd.s32 $0x1, s14  }
0x288: {  	p0 =	sne.s32 s14, $0x14  }
.Ltmp9:
0x289: {  	_ = 	snop;
	(pc) =	sbr.rel @p0 .LBB2_6-.Ltmp9, $1  }
0x28a: {  	_ =	sdelay $0x3  }
0x28b: {  	_ =	swait.ge [sflag:s3], $0x1000  }
0x28c: {  	[sflag:s3] =	ssyncset.done $0x0  }
0x28d: {  	[sflag:s3] =	ssyncadd.s32 $0xFFFFF000  }
0x28e: {  	_ =	swait.ge [sflag:s10], $0x1000  }
0x28f: {  	[sflag:s10] =	ssyncset.done $0x0  }
0x290: {  	[sflag:s10] =	ssyncadd.s32 $0xFFFFF000  }
0x291: {  	s0 =	stileid.u32;
	[bflag:$0x0] =	sbarrier.arrive $0xFFFF  }
0x292: {  	s0 =	sshll.u32 s0, $0x6;
	s4 =	rddreg [dreg:$0xa]  }
0x293: {  	s0 =	sor.u32 $0x1C07, s0;
	s8 =	rddreg [dreg:$0xc]  }
0x294: {  	[hbm:s4], [sflag:s0] =	dma.local [spmem:s8], $0x30E0  }
0x295: {  	_ =	swait.ge [sflag:s17], $0x30E0  }
0x296: {  	s12 =	rddreg [dreg:$0x4]  }
0x297: {  	s31 =	rddreg [dreg:$0xb];
	s12 =	sadd.s32 $0x1, s12  }
0x298: {  	p0 =	sne.s32 s12, s31  }
.Ltmp10:
0x299: {  	_ = 	snop;
	(pc) =	sbr.rel @p0 .LBB2_1-.Ltmp10, $3  }
0x29a: {  	_ =	sdelay $0x1  }
0x29b: {  	[sflag:s17] =	ssyncset.done $0x0  }
0x29c: {  	[sflag:s17] =	ssyncadd.s32 $0xFFFFCF20  }
0x29d: {  	_ =	sfence.sel $0x180000  }
0x29e: {  	[bflag:$0x0] =	sbarrier.arrive $0xFFFF  }
0x29f: {  	_ =	strace $0x90000047  }
0x2a0: {  	s0 =	stileid.u32;
	[bflag:$0x2] =	sbarrier.arrive $0xFFFF  }
0x2a1: {  	p0 =	sne.s32 s0, $0x0;
	s0 =	rddreg [dreg:$0x3]  }
0x2a2: {  	s0 =	sadd.s32 @!p0 $0x100000, s0  }
0x2a3: {  	[sflag:s0] =	ssyncadd.tile.s32 @!p0 $0x1;
	_ =	shalt  }
.Lfunc_end2:
_tile_overlayer_lowered:
.L_overlay_start_2:
0x2a4: {  	(tag) =	ssettag $0x2  }
0x2a5: {  	s0 =	rddreg [dreg:$0x0];
	s2 =	stileid.u32  }
0x2a6: {  	s1 =	rddreg [dreg:$0x1];
	p0 =	sne.s32 s2, $0x0  }
0x2a7: {  	s3 =	rddreg [dreg:$0x2];
	[bflag:$0x3] =	sbarrier.arrive $0xFFFF;
	s2 =	simm.s32 @!p0 $0x1C07  }
0x2a8: {  	[timem:s3], [sflag:s2] =	dma.local @!p0 [hbm:s0], s1  }
0x2a9: {  	s0 =	simm.s32 @!p0 $0x7  }
0x2aa: {  	_ =	swait.ge @!p0 [sflag:s0], s1  }
0x2ab: {  	s1 =	ssub.s32 @!p0 $0x0, s1;
	[sflag:s0] =	ssyncset.done @!p0 $0x0  }
0x2ac: {  	[sflag:s0] =	ssyncadd.s32 @!p0 s1  }
0x2ad: {  	[bflag:$0x3] =	sbarrier.arrive $0xFFFF  }
0x2ae: {  	_ =	shalt  }

</sc_bundles>
